<compile_context>
chip_gen: v7x
topology: tpu7x:2x2x1
jax: 0.10.2.dev20260603
libtpu: 0.0.44.dev20260713+nightly
codegen_flags: <defaults>
</compile_context>

<pallas_src>
import functools

import jax
import jax.numpy as jnp
from jax import lax
from jax.experimental import pallas as pl
from jax.experimental.pallas import tpu as pltpu
from jax.experimental.pallas import tpu_sc as plsc

N = 10000
D = 128
NC = 2
NS = 16
NW = NC * NS
CH = 64
NP = 10240


def _pad_edges(src, dst, e_pad):
    ar = jnp.arange(e_pad, dtype=jnp.int32)
    src_p = jnp.concatenate([src, ar % N])
    dst_p = jnp.concatenate([dst, N + (ar % (NP - N))])
    return src_p, dst_p



NB = 4
NQ = 4
STRIPE = NP // NS


def _sc_scatter_body(nch, table, src_hbm, dst_hbm, zeros_hbm, junk_hbm, pout,
                     *refs):
    src_v, dst_v, junk_v = refs[0], refs[1], refs[2]
    rows = list(refs[3:3 + NB])
    acc_sh = refs[3 + NB]
    gsem = list(refs[4 + NB:4 + 2 * NB])
    ssem = list(refs[4 + 2 * NB:4 + 3 * NB])
    c = lax.axis_index("c")
    s = lax.axis_index("s")
    w = c * NS + s
    per_q = nch // NQ

    base_r = s * STRIPE
    pltpu.sync_copy(junk_hbm, junk_v)
    pltpu.sync_copy(zeros_hbm, acc_sh.at[pl.ds(base_r, STRIPE)])
    plsc.subcore_barrier()

    for b in range(NB):
        pltpu.async_copy(rows[b], acc_sh.at[junk_v.at[b]], ssem[b], add=True)

    def _quarter(qi, _):
        roff = w * nch + qi * per_q
        hs = pltpu.async_copy(src_hbm.at[pl.ds(roff, per_q)], src_v, gsem[0])
        hd = pltpu.async_copy(dst_hbm.at[pl.ds(roff, per_q)], dst_v, gsem[1])
        hs.wait()
        hd.wait()

        def _group(gi, _):
            hg = []
            for b in range(NB):
                j = gi * NB + b
                pltpu.make_async_copy(rows[b], acc_sh.at[dst_v.at[j]],
                                      ssem[b]).wait()
                hg.append(pltpu.async_copy(table.at[src_v.at[j]], rows[b],
                                           gsem[b]))
            for b in range(NB):
                j = gi * NB + b
                hg[b].wait()
                pltpu.async_copy(rows[b], acc_sh.at[dst_v.at[j]],
                                 ssem[b], add=True)
            return 0
        return lax.fori_loop(0, per_q // NB, _group, 0)
    lax.fori_loop(0, NQ, _quarter, 0)

    for b in range(NB):
        pltpu.make_async_copy(rows[b], acc_sh.at[junk_v.at[b]],
                              ssem[b]).wait()
    plsc.subcore_barrier()

    pltpu.sync_copy(acc_sh.at[pl.ds(base_r, STRIPE)],
                    pout.at[c, pl.ds(base_r, STRIPE)])


def _make_sc_scatter(nch):
    mesh = plsc.VectorSubcoreMesh(core_axis_name="c", subcore_axis_name="s")
    return pl.kernel(
        functools.partial(_sc_scatter_body, nch),
        out_type=[jax.ShapeDtypeStruct((NC, NP, D), jnp.float32)],
        mesh=mesh,
        scratch_types=[pltpu.VMEM((nch // NQ, CH), jnp.int32),
                       pltpu.VMEM((nch // NQ, CH), jnp.int32),
                       pltpu.VMEM((NB, CH), jnp.int32)]
                      + [pltpu.VMEM((CH, D), jnp.float32)] * NB
                      + [pltpu.VMEM_SHARED((NP, D), jnp.float32)]
                      + [pltpu.SemaphoreType.DMA] * (2 * NB))


DEGC = 128


def _sc_deg_body(nch, dst_hbm, zeros_hbm, ones_hbm, dout, *refs):
    dst_v, ones_v, acc_sh = refs[0], refs[1], refs[2]
    ssem = list(refs[3:3 + NB])
    c = lax.axis_index("c")
    s = lax.axis_index("s")
    w = c * NS + s
    per_q = nch // NQ

    base_r = s * STRIPE
    pltpu.sync_copy(zeros_hbm, acc_sh.at[pl.ds(base_r, STRIPE)])
    pltpu.sync_copy(ones_hbm, ones_v)
    plsc.subcore_barrier()

    def _quarter(qi, _):
        roff = w * nch + qi * per_q
        pltpu.sync_copy(dst_hbm.at[pl.ds(roff, per_q)], dst_v)

        def _group(gi, _):
            hsc = []
            for b in range(NB):
                j = gi * NB + b
                hsc.append(pltpu.async_copy(ones_v, acc_sh.at[dst_v.at[j]],
                                            ssem[b], add=True))
            for b in range(NB):
                hsc[b].wait()
            return 0
        return lax.fori_loop(0, per_q // NB, _group, 0)
    lax.fori_loop(0, NQ, _quarter, 0)
    plsc.subcore_barrier()

    pltpu.sync_copy(acc_sh.at[pl.ds(base_r, STRIPE)],
                    dout.at[c, pl.ds(base_r, STRIPE)])


def _make_sc_deg(nch):
    mesh = plsc.VectorSubcoreMesh(core_axis_name="c", subcore_axis_name="s")
    return pl.kernel(
        functools.partial(_sc_deg_body, nch),
        out_type=[jax.ShapeDtypeStruct((NC, NP, DEGC), jnp.float32)],
        mesh=mesh,
        scratch_types=[pltpu.VMEM((nch // NQ, CH), jnp.int32),
                       pltpu.VMEM((CH, DEGC), jnp.float32),
                       pltpu.VMEM_SHARED((NP, DEGC), jnp.float32)]
                      + [pltpu.SemaphoreType.DMA] * NB)



BR = 400


def _tc1_body(x, xorg, wres, win, bin_, wg0, xr, u1):
    xr[...] = jnp.dot(xorg[...], wres[...], preferred_element_type=jnp.float32)
    h0 = jnp.maximum(
        jnp.dot(x[...], win[...], preferred_element_type=jnp.float32)
        + bin_[...], 0.0)
    u1[...] = jnp.dot(h0, wg0[...], preferred_element_type=jnp.float32)


def _tc2_body(rp0, rp1, dg0, dg1, u1, res, t1, dinv):
    res[...] = rp0[0] + rp1[0]
    deg = dg0[0][:, 0:1] + dg1[0][:, 0:1] + 1.0
    dv = lax.rsqrt(deg)
    dinv[...] = jnp.broadcast_to(dv, (BR, D))
    t1[...] = dv * u1[...]


def _layer_math(sp0, sp1, t, dinv, b, g, be):
    a = dinv[...] * (sp0[0] + sp1[0] + t[...]) + b[...]
    mu = jnp.mean(a, axis=-1, keepdims=True)
    var = jnp.mean((a - mu) ** 2, axis=-1, keepdims=True)
    xhat = (a - mu) * lax.rsqrt(var + 1e-5) * g[...] + be[...]
    return jnp.maximum(xhat, 0.0)


def _tc_mid_body(sp0, sp1, t, dinv, b, g, be, wn, tn):
    h = _layer_math(sp0, sp1, t, dinv, b, g, be)
    tn[...] = dinv[...] * jnp.dot(h, wn[...],
                                  preferred_element_type=jnp.float32)


def _tc_fin_body(sp0, sp1, t, dinv, b, g, be, wlin, blin, out):
    h = _layer_math(sp0, sp1, t, dinv, b, g, be)
    out[...] = (jnp.dot(h, wlin[...], preferred_element_type=jnp.float32)
                + blin[...])


def _row_spec():
    return pl.BlockSpec((BR, D), lambda i: (i, 0))


def _part_spec(core, width=D):
    return pl.BlockSpec((1, BR, width), lambda i, c=core: (c, i, 0))


def _full_spec(shape):
    return pl.BlockSpec(shape, lambda i: tuple(0 for _ in shape))


def _vec_spec():
    return pl.BlockSpec((1, D), lambda i: (0, 0))



def kernel(x, x_org, edge_index, W_in, b_in, W_g0, b_g0, ln_g0, ln_b0,
           W_g1, b_g1, ln_g1, ln_b1, W_g2, b_g2, ln_g2, ln_b2,
           W_lin, b_lin, W_res):
    n = x.shape[0]
    e = edge_index.shape[1]
    src, dst = edge_index[0], edge_index[1]
    nch0 = -(-e // (NW * CH))
    nch = -(-nch0 // NB) * NB
    ep = nch * CH * NW
    src_p, dst_p = _pad_edges(src, dst, ep - e)
    src_p = src_p.reshape(NW * nch, CH)
    dst_p = dst_p.reshape(NW * nch, CH)

    grid = n // BR
    b_in2 = b_in.reshape(1, D)
    b_g02 = b_g0.reshape(1, D)
    b_g12 = b_g1.reshape(1, D)
    b_g22 = b_g2.reshape(1, D)
    g0 = ln_g0.reshape(1, D)
    be0 = ln_b0.reshape(1, D)
    g1 = ln_g1.reshape(1, D)
    be1 = ln_b1.reshape(1, D)
    g2 = ln_g2.reshape(1, D)
    be2 = ln_b2.reshape(1, D)
    b_lin2 = b_lin.reshape(1, D)

    zeros_blk = jnp.zeros((STRIPE, D), jnp.float32)

    zerosd_blk = jnp.zeros((STRIPE, DEGC), jnp.float32)
    onesd_blk = jnp.ones((CH, DEGC), jnp.float32)
    dg, = _make_sc_deg(nch)(dst_p, zerosd_blk, onesd_blk)

    xr, u1 = pl.pallas_call(
        _tc1_body,
        grid=(grid,),
        in_specs=[_row_spec(), _row_spec(), _full_spec((D, D)),
                  _full_spec((D, D)), _vec_spec(), _full_spec((D, D))],
        out_specs=[_row_spec(), _row_spec()],
        out_shape=[jax.ShapeDtypeStruct((n, D), jnp.float32),
                   jax.ShapeDtypeStruct((n, D), jnp.float32)],
    )(x, x_org, W_res, W_in, b_in2, W_g0)

    junk_blk = (N + (jnp.arange(NB * CH, dtype=jnp.int32)
                     % (NP - N))).reshape(NB, CH)
    sc_gs = _make_sc_scatter(nch)

    rp, = sc_gs(xr, src_p, dst_p, zeros_blk, junk_blk)

    res, t1, dinv = pl.pallas_call(
        _tc2_body,
        grid=(grid,),
        in_specs=[_part_spec(0), _part_spec(1),
                  _part_spec(0, DEGC), _part_spec(1, DEGC), _row_spec()],
        out_specs=[_row_spec(), _row_spec(), _row_spec()],
        out_shape=[jax.ShapeDtypeStruct((n, D), jnp.float32),
                   jax.ShapeDtypeStruct((n, D), jnp.float32),
                   jax.ShapeDtypeStruct((n, D), jnp.float32)],
    )(rp, rp, dg, dg, u1)

    def mid_layer(t, b2, g, be, wn):
        sp, = sc_gs(t, src_p, dst_p, zeros_blk, junk_blk)
        return pl.pallas_call(
            _tc_mid_body,
            grid=(grid,),
            in_specs=[_part_spec(0), _part_spec(1), _row_spec(), _row_spec(),
                      _vec_spec(), _vec_spec(), _vec_spec(),
                      _full_spec((D, D))],
            out_specs=[_row_spec()],
            out_shape=[jax.ShapeDtypeStruct((n, D), jnp.float32)],
        )(sp, sp, t, dinv, b2, g, be, wn)[0]

    t2 = mid_layer(t1, b_g02, g0, be0, W_g1)
    t3 = mid_layer(t2, b_g12, g1, be1, W_g2)

    sp, = sc_gs(t3, src_p, dst_p, zeros_blk, junk_blk)
    out = pl.pallas_call(
        _tc_fin_body,
        grid=(grid,),
        in_specs=[_part_spec(0), _part_spec(1), _row_spec(), _row_spec(),
                  _vec_spec(), _vec_spec(), _vec_spec(),
                  _full_spec((D, D)), _vec_spec()],
        out_specs=[_row_spec()],
        out_shape=[jax.ShapeDtypeStruct((n, D), jnp.float32)],
    )(sp, sp, t3, dinv, b_g22, g2, be2, W_lin, b_lin2)[0]

    return (out, res)

# --- scband reference (transcript-rebuilt; emitter-appended) ---
"""Pipeline reference for scband-gnnstruct-encoder-52716428591752 (READ-ONLY COPY).

The authoritative reference and input builder live on the scoring server;
editing this copy changes nothing except your own understanding.
"""

import jax, jax.numpy as jnp
import numpy as np

N = 10000
E = 320000
D = 128
H = 128


def _ln(h, g, b):
    mu = h.mean(axis=-1, keepdims=True)
    var = ((h - mu) ** 2).mean(axis=-1, keepdims=True)
    return (h - mu) / jnp.sqrt(var + 1e-5) * g + b


def _gcn(h, src_sl, dst_sl, norm, W, b):
    xw = h @ W
    out = jnp.zeros((h.shape[0], W.shape[1]), dtype=h.dtype).at[dst_sl].add(norm[:, None] * xw[src_sl])
    return out + b


def setup_inputs(seed: int = 0):
    key = jax.random.key(seed)
    ks = jax.random.split(key, 32)
    s = float(1.0 / np.sqrt(H))
    inp = {}
    inp["x"] = jax.random.normal(ks[0], (N, D), dtype=jnp.float32)
    inp["x_org"] = jax.random.normal(ks[1], (N, D), dtype=jnp.float32)
    inp["edge_index"] = jax.random.randint(ks[2], (2, E), 0, N, dtype=jnp.int32)
    inp["W_in"] = jax.random.uniform(ks[3], (D, H), minval=-s, maxval=s, dtype=jnp.float32)
    inp["b_in"] = jax.random.uniform(ks[4], (H,), minval=-s, maxval=s, dtype=jnp.float32)
    for i in range(3):
        inp["W_g%d" % i] = jax.random.uniform(ks[5 + i], (H, H), minval=-s, maxval=s, dtype=jnp.float32)
        inp["b_g%d" % i] = jax.random.uniform(ks[8 + i], (H,), minval=-s, maxval=s, dtype=jnp.float32)
        inp["ln_g%d" % i] = jnp.ones((H,), dtype=jnp.float32)
        inp["ln_b%d" % i] = jnp.zeros((H,), dtype=jnp.float32)
    inp["W_lin"] = jax.random.uniform(ks[11], (H, H), minval=-s, maxval=s, dtype=jnp.float32)
    inp["b_lin"] = jax.random.uniform(ks[12], (H,), minval=-s, maxval=s, dtype=jnp.float32)
    inp["W_res"] = jax.random.uniform(ks[13], (D, H), minval=-s, maxval=s, dtype=jnp.float32)
    return inp


def reference(x, x_org, edge_index, W_in, b_in, W_g0, b_g0, ln_g0, ln_b0, W_g1, b_g1, ln_g1, ln_b1, W_g2, b_g2, ln_g2, ln_b2, W_lin, b_lin, W_res):
    n = x.shape[0]
    src, dst = edge_index[0], edge_index[1]
    # residual = sparse adj @ (x_org @ W_res), adj built from edge_index (binary)
    xr = x_org @ W_res
    residual = jnp.zeros((n, xr.shape[1]), dtype=x.dtype).at[dst].add(xr[src])
    # GCN normalization with self-loops (PyG gcn_norm)
    loop_idx = jnp.arange(n, dtype=edge_index.dtype)
    src_sl = jnp.concatenate([src, loop_idx])
    dst_sl = jnp.concatenate([dst, loop_idx])
    deg = jnp.zeros((n,), dtype=x.dtype).at[dst_sl].add(1.0)
    dinv = jnp.where(deg > 0, 1.0 / jnp.sqrt(deg), 0.0)
    norm = dinv[src_sl] * dinv[dst_sl]
    h = jax.nn.relu(x @ W_in + b_in)
    for W, b, g, be in ((W_g0, b_g0, ln_g0, ln_b0), (W_g1, b_g1, ln_g1, ln_b1), (W_g2, b_g2, ln_g2, ln_b2)):
        h = jax.nn.relu(_ln(_gcn(h, src_sl, dst_sl, norm, W, b), g, be))
    out = h @ W_lin + b_lin
    return (out, residual)

if __name__ == "__main__":
    import jax
    _d = setup_inputs()
    print(jax.jit(kernel)(*tuple(_d.values())))

</pallas_src>

<mosaic_0001>
#map = affine_map<(d0, d1) -> (0, 0)>
#map1 = affine_map<(d0, d1) -> (0, 0, 0)>
module attributes {stable_mosaic.version = 14 : i64} {
  func.func @_sc_deg_body(%arg0: i32, %arg1: i32, %arg2: memref<5120x64xi32, #tpu.memory_space<hbm>>, %arg3: memref<640x128xf32, #tpu.memory_space<hbm>>, %arg4: memref<64x128xf32, #tpu.memory_space<hbm>>, %arg5: memref<2x10240x128xf32, #tpu.memory_space<hbm>>, %arg6: memref<40x64xi32, #tpu.memory_space<vmem>>, %arg7: memref<64x128xf32, #tpu.memory_space<vmem>>, %arg8: memref<10240x128xf32, #tpu.memory_space<vmem_shared>>, %arg9: memref<!tpu.dma_semaphore, #tpu.memory_space<semaphore_mem>>, %arg10: memref<!tpu.dma_semaphore, #tpu.memory_space<semaphore_mem>>, %arg11: memref<!tpu.dma_semaphore, #tpu.memory_space<semaphore_mem>>, %arg12: memref<!tpu.dma_semaphore, #tpu.memory_space<semaphore_mem>>) attributes {dimension_semantics = [#tpu.dimension_semantics<core_parallel>, #tpu.dimension_semantics<subcore_parallel>], iteration_bounds = array<i64: 2, 16>, scalar_prefetch = 0 : i64, scratch_operands = 7 : i64, tpu.core_type = #tpu.core_type<sc_vector_subcore>, window_params = [{transform_indices = #map}, {transform_indices = #map}, {transform_indices = #map}, {transform_indices = #map1}]} {
    %mul3A = arith.constant 16 : i32
    %mul3A_0 = arith.muli %arg0, %mul3A : i32
    %add3A = arith.addi %mul3A_0, %arg1 : i32
    %mul3A_1 = arith.constant 640 : i32
    %mul3A_2 = arith.muli %arg1, %mul3A_1 : i32
    "tpu.region"() ({
      %run_scoped3A = tpu.sem_alloc : memref<!tpu.dma_semaphore, #tpu.memory_space<semaphore_mem>>
      %dma_start3A = arith.constant 0 : i32
      %dma_start3A_10 = tpu.memref_slice %arg8[%mul3A_2, %dma_start3A] : memref<10240x128xf32, #tpu.memory_space<vmem_shared>> -> memref<640x128xf32, #tpu.memory_space<vmem_shared>>
      tpu.enqueue_dma source(%arg3 : memref<640x128xf32, #tpu.memory_space<hbm>>) target(%dma_start3A_10 : memref<640x128xf32, #tpu.memory_space<vmem_shared>>) target_semaphore(%run_scoped3A : memref<!tpu.dma_semaphore, #tpu.memory_space<semaphore_mem>>)
      %dma_wait3A = arith.constant 0 : i32
      %dma_wait3A_11 = tpu.memref_slice %arg8[%mul3A_2, %dma_wait3A] : memref<10240x128xf32, #tpu.memory_space<vmem_shared>> -> memref<640x128xf32, #tpu.memory_space<vmem_shared>>
      tpu.wait_dma2 semaphore(%run_scoped3A : memref<!tpu.dma_semaphore, #tpu.memory_space<semaphore_mem>>) src(%arg3 : memref<640x128xf32, #tpu.memory_space<hbm>>) dst(%dma_wait3A_11 : memref<640x128xf32, #tpu.memory_space<vmem_shared>>)
      tpu.yield
    }) : () -> ()
    "tpu.region"() ({
      %run_scoped3A = tpu.sem_alloc : memref<!tpu.dma_semaphore, #tpu.memory_space<semaphore_mem>>
      tpu.enqueue_dma source(%arg4 : memref<64x128xf32, #tpu.memory_space<hbm>>) target(%arg7 : memref<64x128xf32, #tpu.memory_space<vmem>>) target_semaphore(%run_scoped3A : memref<!tpu.dma_semaphore, #tpu.memory_space<semaphore_mem>>)
      tpu.wait_dma2 semaphore(%run_scoped3A : memref<!tpu.dma_semaphore, #tpu.memory_space<semaphore_mem>>) src(%arg4 : memref<64x128xf32, #tpu.memory_space<hbm>>) dst(%arg7 : memref<64x128xf32, #tpu.memory_space<vmem>>)
      tpu.yield
    }) : () -> ()
    %barrier3A = arith.constant 0 : index
    tpu.barrier barrier_id(%barrier3A)
    %scan3A = arith.constant 0 : i32
    %scan3A_3 = arith.constant 0 : i32
    %scan3A_4 = arith.constant 4 : i32
    %scan3A_5 = arith.addi %scan3A_3, %scan3A_4 : i32
    %scan3A_6 = arith.constant 1 : i32
    %scan3A_7 = scf.for %scan3A_10 = %scan3A_3 to %scan3A_5 step %scan3A_6 iter_args(%scan3A_11 = %scan3A) -> (i32)  : i32 {
      %mul3A_12 = arith.constant 160 : i32
      %mul3A_13 = arith.muli %add3A, %mul3A_12 : i32
      %mul3A_14 = arith.constant 40 : i32
      %mul3A_15 = arith.muli %scan3A_10, %mul3A_14 : i32
      %add3A_16 = arith.addi %mul3A_13, %mul3A_15 : i32
      "tpu.region"() ({
        %run_scoped3A = tpu.sem_alloc : memref<!tpu.dma_semaphore, #tpu.memory_space<semaphore_mem>>
        %dma_start3A = arith.constant 0 : i32
        %dma_start3A_24 = tpu.memref_slice %arg2[%add3A_16, %dma_start3A] : memref<5120x64xi32, #tpu.memory_space<hbm>> -> memref<40x64xi32, #tpu.memory_space<hbm>>
        %dma_start3A_25 = arith.constant 0 : i32
        %dma_start3A_26 = tpu.memref_slice %arg2[%add3A_16, %dma_start3A_25] : memref<5120x64xi32, #tpu.memory_space<hbm>> -> memref<40x64xi32, #tpu.memory_space<hbm>>
        tpu.enqueue_dma source(%dma_start3A_26 : memref<40x64xi32, #tpu.memory_space<hbm>>) target(%arg6 : memref<40x64xi32, #tpu.memory_space<vmem>>) target_semaphore(%run_scoped3A : memref<!tpu.dma_semaphore, #tpu.memory_space<semaphore_mem>>)
        %dma_wait3A = arith.constant 0 : i32
        %dma_wait3A_27 = tpu.memref_slice %arg2[%add3A_16, %dma_wait3A] : memref<5120x64xi32, #tpu.memory_space<hbm>> -> memref<40x64xi32, #tpu.memory_space<hbm>>
        %dma_wait3A_28 = arith.constant 0 : i32
        %dma_wait3A_29 = tpu.memref_slice %arg2[%add3A_16, %dma_wait3A_28] : memref<5120x64xi32, #tpu.memory_space<hbm>> -> memref<40x64xi32, #tpu.memory_space<hbm>>
        tpu.wait_dma2 semaphore(%run_scoped3A : memref<!tpu.dma_semaphore, #tpu.memory_space<semaphore_mem>>) src(%dma_wait3A_29 : memref<40x64xi32, #tpu.memory_space<hbm>>) dst(%arg6 : memref<40x64xi32, #tpu.memory_space<vmem>>)
        tpu.yield
      }) : () -> ()
      %scan3A_17 = arith.constant 0 : i32
      %scan3A_18 = arith.constant 0 : i32
      %scan3A_19 = arith.constant 10 : i32
      %scan3A_20 = arith.addi %scan3A_18, %scan3A_19 : i32
      %scan3A_21 = arith.constant 1 : i32
      %scan3A_22 = scf.for %scan3A_24 = %scan3A_18 to %scan3A_20 step %scan3A_21 iter_args(%scan3A_25 = %scan3A_17) -> (i32)  : i32 {
        %mul3A_26 = arith.constant 4 : i32
        %mul3A_27 = arith.muli %scan3A_24, %mul3A_26 : i32
        %add3A_28 = arith.constant 0 : i32
        %add3A_29 = arith.addi %mul3A_27, %add3A_28 : i32
        %dma_start3A = arith.constant 0 : i32
        %dma_start3A_30 = tpu.memref_slice %arg6[%add3A_29, %dma_start3A] : memref<40x64xi32, #tpu.memory_space<vmem>> -> memref<1x64xi32, #tpu.memory_space<vmem>>
        %dma_start3A_31 = tpu.memref_squeeze %dma_start3A_30 : memref<1x64xi32, #tpu.memory_space<vmem>> -> memref<64xi32, #tpu.memory_space<vmem>>
        %dma_start3A_32 = arith.constant 0 : i32
        %dma_start3A_33 = arith.constant 0 : i32
        %dma_start3A_34 = tpu.memref_slice %arg8[%dma_start3A_32, %dma_start3A_33] : memref<10240x128xf32, #tpu.memory_space<vmem_shared>> -> memref<10240x128xf32, #tpu.memory_space<vmem_shared>>
        tpu.enqueue_indirect_dma source(%arg7 : memref<64x128xf32, #tpu.memory_space<vmem>>) target(%dma_start3A_34 : memref<10240x128xf32, #tpu.memory_space<vmem_shared>>) offsets(%dma_start3A_31 : memref<64xi32, #tpu.memory_space<vmem>>) semaphore(%arg9 : memref<!tpu.dma_semaphore, #tpu.memory_space<semaphore_mem>>) {add = true}
        %mul3A_35 = arith.constant 4 : i32
        %mul3A_36 = arith.muli %scan3A_24, %mul3A_35 : i32
        %add3A_37 = arith.constant 1 : i32
        %add3A_38 = arith.addi %mul3A_36, %add3A_37 : i32
        %dma_start3A_39 = arith.constant 0 : i32
        %dma_start3A_40 = tpu.memref_slice %arg6[%add3A_38, %dma_start3A_39] : memref<40x64xi32, #tpu.memory_space<vmem>> -> memref<1x64xi32, #tpu.memory_space<vmem>>
        %dma_start3A_41 = tpu.memref_squeeze %dma_start3A_40 : memref<1x64xi32, #tpu.memory_space<vmem>> -> memref<64xi32, #tpu.memory_space<vmem>>
        %dma_start3A_42 = arith.constant 0 : i32
        %dma_start3A_43 = arith.constant 0 : i32
        %dma_start3A_44 = tpu.memref_slice %arg8[%dma_start3A_42, %dma_start3A_43] : memref<10240x128xf32, #tpu.memory_space<vmem_shared>> -> memref<10240x128xf32, #tpu.memory_space<vmem_shared>>
        tpu.enqueue_indirect_dma source(%arg7 : memref<64x128xf32, #tpu.memory_space<vmem>>) target(%dma_start3A_44 : memref<10240x128xf32, #tpu.memory_space<vmem_shared>>) offsets(%dma_start3A_41 : memref<64xi32, #tpu.memory_space<vmem>>) semaphore(%arg10 : memref<!tpu.dma_semaphore, #tpu.memory_space<semaphore_mem>>) {add = true}
        %mul3A_45 = arith.constant 4 : i32
        %mul3A_46 = arith.muli %scan3A_24, %mul3A_45 : i32
        %add3A_47 = arith.constant 2 : i32
        %add3A_48 = arith.addi %mul3A_46, %add3A_47 : i32
        %dma_start3A_49 = arith.constant 0 : i32
        %dma_start3A_50 = tpu.memref_slice %arg6[%add3A_48, %dma_start3A_49] : memref<40x64xi32, #tpu.memory_space<vmem>> -> memref<1x64xi32, #tpu.memory_space<vmem>>
        %dma_start3A_51 = tpu.memref_squeeze %dma_start3A_50 : memref<1x64xi32, #tpu.memory_space<vmem>> -> memref<64xi32, #tpu.memory_space<vmem>>
        %dma_start3A_52 = arith.constant 0 : i32
        %dma_start3A_53 = arith.constant 0 : i32
        %dma_start3A_54 = tpu.memref_slice %arg8[%dma_start3A_52, %dma_start3A_53] : memref<10240x128xf32, #tpu.memory_space<vmem_shared>> -> memref<10240x128xf32, #tpu.memory_space<vmem_shared>>
        tpu.enqueue_indirect_dma source(%arg7 : memref<64x128xf32, #tpu.memory_space<vmem>>) target(%dma_start3A_54 : memref<10240x128xf32, #tpu.memory_space<vmem_shared>>) offsets(%dma_start3A_51 : memref<64xi32, #tpu.memory_space<vmem>>) semaphore(%arg11 : memref<!tpu.dma_semaphore, #tpu.memory_space<semaphore_mem>>) {add = true}
        %mul3A_55 = arith.constant 4 : i32
        %mul3A_56 = arith.muli %scan3A_24, %mul3A_55 : i32
        %add3A_57 = arith.constant 3 : i32
        %add3A_58 = arith.addi %mul3A_56, %add3A_57 : i32
        %dma_start3A_59 = arith.constant 0 : i32
        %dma_start3A_60 = tpu.memref_slice %arg6[%add3A_58, %dma_start3A_59] : memref<40x64xi32, #tpu.memory_space<vmem>> -> memref<1x64xi32, #tpu.memory_space<vmem>>
        %dma_start3A_61 = tpu.memref_squeeze %dma_start3A_60 : memref<1x64xi32, #tpu.memory_space<vmem>> -> memref<64xi32, #tpu.memory_space<vmem>>
        %dma_start3A_62 = arith.constant 0 : i32
        %dma_start3A_63 = arith.constant 0 : i32
        %dma_start3A_64 = tpu.memref_slice %arg8[%dma_start3A_62, %dma_start3A_63] : memref<10240x128xf32, #tpu.memory_space<vmem_shared>> -> memref<10240x128xf32, #tpu.memory_space<vmem_shared>>
        tpu.enqueue_indirect_dma source(%arg7 : memref<64x128xf32, #tpu.memory_space<vmem>>) target(%dma_start3A_64 : memref<10240x128xf32, #tpu.memory_space<vmem_shared>>) offsets(%dma_start3A_61 : memref<64xi32, #tpu.memory_space<vmem>>) semaphore(%arg12 : memref<!tpu.dma_semaphore, #tpu.memory_space<semaphore_mem>>) {add = true}
        %dma_wait3A = arith.constant 0 : i32
        %dma_wait3A_65 = tpu.memref_slice %arg6[%add3A_29, %dma_wait3A] : memref<40x64xi32, #tpu.memory_space<vmem>> -> memref<1x64xi32, #tpu.memory_space<vmem>>
        %dma_wait3A_66 = tpu.memref_squeeze %dma_wait3A_65 : memref<1x64xi32, #tpu.memory_space<vmem>> -> memref<64xi32, #tpu.memory_space<vmem>>
        %dma_wait3A_67 = arith.constant 0 : i32
        %dma_wait3A_68 = arith.constant 0 : i32
        %dma_wait3A_69 = tpu.memref_slice %arg8[%dma_wait3A_67, %dma_wait3A_68] : memref<10240x128xf32, #tpu.memory_space<vmem_shared>> -> memref<10240x128xf32, #tpu.memory_space<vmem_shared>>
        tpu.wait_indirect_dma semaphore(%arg9 : memref<!tpu.dma_semaphore, #tpu.memory_space<semaphore_mem>>) src(%arg7 : memref<64x128xf32, #tpu.memory_space<vmem>>) dst(%dma_wait3A_69 : memref<10240x128xf32, #tpu.memory_space<vmem_shared>>)
        %dma_wait3A_70 = arith.constant 0 : i32
        %dma_wait3A_71 = tpu.memref_slice %arg6[%add3A_38, %dma_wait3A_70] : memref<40x64xi32, #tpu.memory_space<vmem>> -> memref<1x64xi32, #tpu.memory_space<vmem>>
        %dma_wait3A_72 = tpu.memref_squeeze %dma_wait3A_71 : memref<1x64xi32, #tpu.memory_space<vmem>> -> memref<64xi32, #tpu.memory_space<vmem>>
        %dma_wait3A_73 = arith.constant 0 : i32
        %dma_wait3A_74 = arith.constant 0 : i32
        %dma_wait3A_75 = tpu.memref_slice %arg8[%dma_wait3A_73, %dma_wait3A_74] : memref<10240x128xf32, #tpu.memory_space<vmem_shared>> -> memref<10240x128xf32, #tpu.memory_space<vmem_shared>>
        tpu.wait_indirect_dma semaphore(%arg10 : memref<!tpu.dma_semaphore, #tpu.memory_space<semaphore_mem>>) src(%arg7 : memref<64x128xf32, #tpu.memory_space<vmem>>) dst(%dma_wait3A_75 : memref<10240x128xf32, #tpu.memory_space<vmem_shared>>)
        %dma_wait3A_76 = arith.constant 0 : i32
        %dma_wait3A_77 = tpu.memref_slice %arg6[%add3A_48, %dma_wait3A_76] : memref<40x64xi32, #tpu.memory_space<vmem>> -> memref<1x64xi32, #tpu.memory_space<vmem>>
        %dma_wait3A_78 = tpu.memref_squeeze %dma_wait3A_77 : memref<1x64xi32, #tpu.memory_space<vmem>> -> memref<64xi32, #tpu.memory_space<vmem>>
        %dma_wait3A_79 = arith.constant 0 : i32
        %dma_wait3A_80 = arith.constant 0 : i32
        %dma_wait3A_81 = tpu.memref_slice %arg8[%dma_wait3A_79, %dma_wait3A_80] : memref<10240x128xf32, #tpu.memory_space<vmem_shared>> -> memref<10240x128xf32, #tpu.memory_space<vmem_shared>>
        tpu.wait_indirect_dma semaphore(%arg11 : memref<!tpu.dma_semaphore, #tpu.memory_space<semaphore_mem>>) src(%arg7 : memref<64x128xf32, #tpu.memory_space<vmem>>) dst(%dma_wait3A_81 : memref<10240x128xf32, #tpu.memory_space<vmem_shared>>)
        %dma_wait3A_82 = arith.constant 0 : i32
        %dma_wait3A_83 = tpu.memref_slice %arg6[%add3A_58, %dma_wait3A_82] : memref<40x64xi32, #tpu.memory_space<vmem>> -> memref<1x64xi32, #tpu.memory_space<vmem>>
        %dma_wait3A_84 = tpu.memref_squeeze %dma_wait3A_83 : memref<1x64xi32, #tpu.memory_space<vmem>> -> memref<64xi32, #tpu.memory_space<vmem>>
        %dma_wait3A_85 = arith.constant 0 : i32
        %dma_wait3A_86 = arith.constant 0 : i32
        %dma_wait3A_87 = tpu.memref_slice %arg8[%dma_wait3A_85, %dma_wait3A_86] : memref<10240x128xf32, #tpu.memory_space<vmem_shared>> -> memref<10240x128xf32, #tpu.memory_space<vmem_shared>>
        tpu.wait_indirect_dma semaphore(%arg12 : memref<!tpu.dma_semaphore, #tpu.memory_space<semaphore_mem>>) src(%arg7 : memref<64x128xf32, #tpu.memory_space<vmem>>) dst(%dma_wait3A_87 : memref<10240x128xf32, #tpu.memory_space<vmem_shared>>)
        %scan3A_88 = arith.constant 0 : i32
        scf.yield %scan3A_88 : i32
      }
      %scan3A_23 = arith.constant 10 : i32
      scf.yield %scan3A_22 : i32
    }
    %scan3A_8 = arith.constant 4 : i32
    %barrier3A_9 = arith.constant 0 : index
    tpu.barrier barrier_id(%barrier3A_9)
    "tpu.region"() ({
      %run_scoped3A = tpu.sem_alloc : memref<!tpu.dma_semaphore, #tpu.memory_space<semaphore_mem>>
      %dma_start3A = arith.constant 0 : i32
      %dma_start3A_10 = tpu.memref_slice %arg5[%arg0, %mul3A_2, %dma_start3A] : memref<2x10240x128xf32, #tpu.memory_space<hbm>> -> memref<1x640x128xf32, #tpu.memory_space<hbm>>
      %dma_start3A_11 = tpu.memref_squeeze %dma_start3A_10 : memref<1x640x128xf32, #tpu.memory_space<hbm>> -> memref<640x128xf32, #tpu.memory_space<hbm>>
      %dma_start3A_12 = arith.constant 0 : i32
      %dma_start3A_13 = tpu.memref_slice %arg8[%mul3A_2, %dma_start3A_12] : memref<10240x128xf32, #tpu.memory_space<vmem_shared>> -> memref<640x128xf32, #tpu.memory_space<vmem_shared>>
      tpu.enqueue_dma source(%dma_start3A_13 : memref<640x128xf32, #tpu.memory_space<vmem_shared>>) target(%dma_start3A_11 : memref<640x128xf32, #tpu.memory_space<hbm>>) target_semaphore(%run_scoped3A : memref<!tpu.dma_semaphore, #tpu.memory_space<semaphore_mem>>)
      %dma_wait3A = arith.constant 0 : i32
      %dma_wait3A_14 = tpu.memref_slice %arg5[%arg0, %mul3A_2, %dma_wait3A] : memref<2x10240x128xf32, #tpu.memory_space<hbm>> -> memref<1x640x128xf32, #tpu.memory_space<hbm>>
      %dma_wait3A_15 = tpu.memref_squeeze %dma_wait3A_14 : memref<1x640x128xf32, #tpu.memory_space<hbm>> -> memref<640x128xf32, #tpu.memory_space<hbm>>
      %dma_wait3A_16 = arith.constant 0 : i32
      %dma_wait3A_17 = tpu.memref_slice %arg8[%mul3A_2, %dma_wait3A_16] : memref<10240x128xf32, #tpu.memory_space<vmem_shared>> -> memref<640x128xf32, #tpu.memory_space<vmem_shared>>
      tpu.wait_dma2 semaphore(%run_scoped3A : memref<!tpu.dma_semaphore, #tpu.memory_space<semaphore_mem>>) src(%dma_wait3A_17 : memref<640x128xf32, #tpu.memory_space<vmem_shared>>) dst(%dma_wait3A_15 : memref<640x128xf32, #tpu.memory_space<hbm>>)
      tpu.yield
    }) : () -> ()
    return
  }
}

#map = affine_map<(d0, d1) -> (0, 0)>
#map1 = affine_map<(d0, d1) -> (0, 0, 0)>
module attributes {stable_mosaic.version = 14 : i64} {
  func.func @_sc_scatter_body(%arg0: i32, %arg1: i32, %arg2: memref<10000x128xf32, #tpu.memory_space<hbm>>, %arg3: memref<5120x64xi32, #tpu.memory_space<hbm>>, %arg4: memref<5120x64xi32, #tpu.memory_space<hbm>>, %arg5: memref<640x128xf32, #tpu.memory_space<hbm>>, %arg6: memref<4x64xi32, #tpu.memory_space<hbm>>, %arg7: memref<2x10240x128xf32, #tpu.memory_space<hbm>>, %arg8: memref<40x64xi32, #tpu.memory_space<vmem>>, %arg9: memref<40x64xi32, #tpu.memory_space<vmem>>, %arg10: memref<4x64xi32, #tpu.memory_space<vmem>>, %arg11: memref<64x128xf32, #tpu.memory_space<vmem>>, %arg12: memref<64x128xf32, #tpu.memory_space<vmem>>, %arg13: memref<64x128xf32, #tpu.memory_space<vmem>>, %arg14: memref<64x128xf32, #tpu.memory_space<vmem>>, %arg15: memref<10240x128xf32, #tpu.memory_space<vmem_shared>>, %arg16: memref<!tpu.dma_semaphore, #tpu.memory_space<semaphore_mem>>, %arg17: memref<!tpu.dma_semaphore, #tpu.memory_space<semaphore_mem>>, %arg18: memref<!tpu.dma_semaphore, #tpu.memory_space<semaphore_mem>>, %arg19: memref<!tpu.dma_semaphore, #tpu.memory_space<semaphore_mem>>, %arg20: memref<!tpu.dma_semaphore, #tpu.memory_space<semaphore_mem>>, %arg21: memref<!tpu.dma_semaphore, #tpu.memory_space<semaphore_mem>>, %arg22: memref<!tpu.dma_semaphore, #tpu.memory_space<semaphore_mem>>, %arg23: memref<!tpu.dma_semaphore, #tpu.memory_space<semaphore_mem>>) attributes {dimension_semantics = [#tpu.dimension_semantics<core_parallel>, #tpu.dimension_semantics<subcore_parallel>], iteration_bounds = array<i64: 2, 16>, scalar_prefetch = 0 : i64, scratch_operands = 16 : i64, tpu.core_type = #tpu.core_type<sc_vector_subcore>, window_params = [{transform_indices = #map}, {transform_indices = #map}, {transform_indices = #map}, {transform_indices = #map}, {transform_indices = #map}, {transform_indices = #map1}]} {
    %mul3A = arith.constant 16 : i32
    %mul3A_0 = arith.muli %arg0, %mul3A : i32
    %add3A = arith.addi %mul3A_0, %arg1 : i32
    %mul3A_1 = arith.constant 640 : i32
    %mul3A_2 = arith.muli %arg1, %mul3A_1 : i32
    "tpu.region"() ({
      %run_scoped3A = tpu.sem_alloc : memref<!tpu.dma_semaphore, #tpu.memory_space<semaphore_mem>>
      tpu.enqueue_dma source(%arg6 : memref<4x64xi32, #tpu.memory_space<hbm>>) target(%arg10 : memref<4x64xi32, #tpu.memory_space<vmem>>) target_semaphore(%run_scoped3A : memref<!tpu.dma_semaphore, #tpu.memory_space<semaphore_mem>>)
      tpu.wait_dma2 semaphore(%run_scoped3A : memref<!tpu.dma_semaphore, #tpu.memory_space<semaphore_mem>>) src(%arg6 : memref<4x64xi32, #tpu.memory_space<hbm>>) dst(%arg10 : memref<4x64xi32, #tpu.memory_space<vmem>>)
      tpu.yield
    }) : () -> ()
    "tpu.region"() ({
      %run_scoped3A = tpu.sem_alloc : memref<!tpu.dma_semaphore, #tpu.memory_space<semaphore_mem>>
      %dma_start3A_64 = arith.constant 0 : i32
      %dma_start3A_65 = tpu.memref_slice %arg15[%mul3A_2, %dma_start3A_64] : memref<10240x128xf32, #tpu.memory_space<vmem_shared>> -> memref<640x128xf32, #tpu.memory_space<vmem_shared>>
      tpu.enqueue_dma source(%arg5 : memref<640x128xf32, #tpu.memory_space<hbm>>) target(%dma_start3A_65 : memref<640x128xf32, #tpu.memory_space<vmem_shared>>) target_semaphore(%run_scoped3A : memref<!tpu.dma_semaphore, #tpu.memory_space<semaphore_mem>>)
      %dma_wait3A_66 = arith.constant 0 : i32
      %dma_wait3A_67 = tpu.memref_slice %arg15[%mul3A_2, %dma_wait3A_66] : memref<10240x128xf32, #tpu.memory_space<vmem_shared>> -> memref<640x128xf32, #tpu.memory_space<vmem_shared>>
      tpu.wait_dma2 semaphore(%run_scoped3A : memref<!tpu.dma_semaphore, #tpu.memory_space<semaphore_mem>>) src(%arg5 : memref<640x128xf32, #tpu.memory_space<hbm>>) dst(%dma_wait3A_67 : memref<640x128xf32, #tpu.memory_space<vmem_shared>>)
      tpu.yield
    }) : () -> ()
    %barrier3A = arith.constant 0 : index
    tpu.barrier barrier_id(%barrier3A)
    %dma_start3A = arith.constant 0 : i32
    %dma_start3A_3 = arith.constant 0 : i32
    %dma_start3A_4 = tpu.memref_slice %arg10[%dma_start3A, %dma_start3A_3] : memref<4x64xi32, #tpu.memory_space<vmem>> -> memref<1x64xi32, #tpu.memory_space<vmem>>
    %dma_start3A_5 = tpu.memref_squeeze %dma_start3A_4 : memref<1x64xi32, #tpu.memory_space<vmem>> -> memref<64xi32, #tpu.memory_space<vmem>>
    %dma_start3A_6 = arith.constant 0 : i32
    %dma_start3A_7 = arith.constant 0 : i32
    %dma_start3A_8 = tpu.memref_slice %arg15[%dma_start3A_6, %dma_start3A_7] : memref<10240x128xf32, #tpu.memory_space<vmem_shared>> -> memref<10240x128xf32, #tpu.memory_space<vmem_shared>>
    tpu.enqueue_indirect_dma source(%arg11 : memref<64x128xf32, #tpu.memory_space<vmem>>) target(%dma_start3A_8 : memref<10240x128xf32, #tpu.memory_space<vmem_shared>>) offsets(%dma_start3A_5 : memref<64xi32, #tpu.memory_space<vmem>>) semaphore(%arg20 : memref<!tpu.dma_semaphore, #tpu.memory_space<semaphore_mem>>) {add = true}
    %dma_start3A_9 = arith.constant 1 : i32
    %dma_start3A_10 = arith.constant 0 : i32
    %dma_start3A_11 = tpu.memref_slice %arg10[%dma_start3A_9, %dma_start3A_10] : memref<4x64xi32, #tpu.memory_space<vmem>> -> memref<1x64xi32, #tpu.memory_space<vmem>>
    %dma_start3A_12 = tpu.memref_squeeze %dma_start3A_11 : memref<1x64xi32, #tpu.memory_space<vmem>> -> memref<64xi32, #tpu.memory_space<vmem>>
    %dma_start3A_13 = arith.constant 0 : i32
    %dma_start3A_14 = arith.constant 0 : i32
    %dma_start3A_15 = tpu.memref_slice %arg15[%dma_start3A_13, %dma_start3A_14] : memref<10240x128xf32, #tpu.memory_space<vmem_shared>> -> memref<10240x128xf32, #tpu.memory_space<vmem_shared>>
    tpu.enqueue_indirect_dma source(%arg12 : memref<64x128xf32, #tpu.memory_space<vmem>>) target(%dma_start3A_15 : memref<10240x128xf32, #tpu.memory_space<vmem_shared>>) offsets(%dma_start3A_12 : memref<64xi32, #tpu.memory_space<vmem>>) semaphore(%arg21 : memref<!tpu.dma_semaphore, #tpu.memory_space<semaphore_mem>>) {add = true}
    %dma_start3A_16 = arith.constant 2 : i32
    %dma_start3A_17 = arith.constant 0 : i32
    %dma_start3A_18 = tpu.memref_slice %arg10[%dma_start3A_16, %dma_start3A_17] : memref<4x64xi32, #tpu.memory_space<vmem>> -> memref<1x64xi32, #tpu.memory_space<vmem>>
    %dma_start3A_19 = tpu.memref_squeeze %dma_start3A_18 : memref<1x64xi32, #tpu.memory_space<vmem>> -> memref<64xi32, #tpu.memory_space<vmem>>
    %dma_start3A_20 = arith.constant 0 : i32
    %dma_start3A_21 = arith.constant 0 : i32
    %dma_start3A_22 = tpu.memref_slice %arg15[%dma_start3A_20, %dma_start3A_21] : memref<10240x128xf32, #tpu.memory_space<vmem_shared>> -> memref<10240x128xf32, #tpu.memory_space<vmem_shared>>
    tpu.enqueue_indirect_dma source(%arg13 : memref<64x128xf32, #tpu.memory_space<vmem>>) target(%dma_start3A_22 : memref<10240x128xf32, #tpu.memory_space<vmem_shared>>) offsets(%dma_start3A_19 : memref<64xi32, #tpu.memory_space<vmem>>) semaphore(%arg22 : memref<!tpu.dma_semaphore, #tpu.memory_space<semaphore_mem>>) {add = true}
    %dma_start3A_23 = arith.constant 3 : i32
    %dma_start3A_24 = arith.constant 0 : i32
    %dma_start3A_25 = tpu.memref_slice %arg10[%dma_start3A_23, %dma_start3A_24] : memref<4x64xi32, #tpu.memory_space<vmem>> -> memref<1x64xi32, #tpu.memory_space<vmem>>
    %dma_start3A_26 = tpu.memref_squeeze %dma_start3A_25 : memref<1x64xi32, #tpu.memory_space<vmem>> -> memref<64xi32, #tpu.memory_space<vmem>>
    %dma_start3A_27 = arith.constant 0 : i32
    %dma_start3A_28 = arith.constant 0 : i32
    %dma_start3A_29 = tpu.memref_slice %arg15[%dma_start3A_27, %dma_start3A_28] : memref<10240x128xf32, #tpu.memory_space<vmem_shared>> -> memref<10240x128xf32, #tpu.memory_space<vmem_shared>>
    tpu.enqueue_indirect_dma source(%arg14 : memref<64x128xf32, #tpu.memory_space<vmem>>) target(%dma_start3A_29 : memref<10240x128xf32, #tpu.memory_space<vmem_shared>>) offsets(%dma_start3A_26 : memref<64xi32, #tpu.memory_space<vmem>>) semaphore(%arg23 : memref<!tpu.dma_semaphore, #tpu.memory_space<semaphore_mem>>) {add = true}
    %scan3A = arith.constant 0 : i32
    %scan3A_30 = arith.constant 0 : i32
    %scan3A_31 = arith.constant 4 : i32
    %scan3A_32 = arith.addi %scan3A_30, %scan3A_31 : i32
    %scan3A_33 = arith.constant 1 : i32
    %scan3A_34 = scf.for %scan3A_64 = %scan3A_30 to %scan3A_32 step %scan3A_33 iter_args(%scan3A_65 = %scan3A) -> (i32)  : i32 {
      %mul3A_66 = arith.constant 160 : i32
      %mul3A_67 = arith.muli %add3A, %mul3A_66 : i32
      %mul3A_68 = arith.constant 40 : i32
      %mul3A_69 = arith.muli %scan3A_64, %mul3A_68 : i32
      %add3A_70 = arith.addi %mul3A_67, %mul3A_69 : i32
      %dma_start3A_71 = arith.constant 0 : i32
      %dma_start3A_72 = tpu.memref_slice %arg3[%add3A_70, %dma_start3A_71] : memref<5120x64xi32, #tpu.memory_space<hbm>> -> memref<40x64xi32, #tpu.memory_space<hbm>>
      %dma_start3A_73 = arith.constant 0 : i32
      %dma_start3A_74 = tpu.memref_slice %arg3[%add3A_70, %dma_start3A_73] : memref<5120x64xi32, #tpu.memory_space<hbm>> -> memref<40x64xi32, #tpu.memory_space<hbm>>
      tpu.enqueue_dma source(%dma_start3A_74 : memref<40x64xi32, #tpu.memory_space<hbm>>) target(%arg8 : memref<40x64xi32, #tpu.memory_space<vmem>>) target_semaphore(%arg16 : memref<!tpu.dma_semaphore, #tpu.memory_space<semaphore_mem>>)
      %dma_start3A_75 = arith.constant 0 : i32
      %dma_start3A_76 = tpu.memref_slice %arg4[%add3A_70, %dma_start3A_75] : memref<5120x64xi32, #tpu.memory_space<hbm>> -> memref<40x64xi32, #tpu.memory_space<hbm>>
      %dma_start3A_77 = arith.constant 0 : i32
      %dma_start3A_78 = tpu.memref_slice %arg4[%add3A_70, %dma_start3A_77] : memref<5120x64xi32, #tpu.memory_space<hbm>> -> memref<40x64xi32, #tpu.memory_space<hbm>>
      tpu.enqueue_dma source(%dma_start3A_78 : memref<40x64xi32, #tpu.memory_space<hbm>>) target(%arg9 : memref<40x64xi32, #tpu.memory_space<vmem>>) target_semaphore(%arg17 : memref<!tpu.dma_semaphore, #tpu.memory_space<semaphore_mem>>)
      %dma_wait3A_79 = arith.constant 0 : i32
      %dma_wait3A_80 = tpu.memref_slice %arg3[%add3A_70, %dma_wait3A_79] : memref<5120x64xi32, #tpu.memory_space<hbm>> -> memref<40x64xi32, #tpu.memory_space<hbm>>
      %dma_wait3A_81 = arith.constant 0 : i32
      %dma_wait3A_82 = tpu.memref_slice %arg3[%add3A_70, %dma_wait3A_81] : memref<5120x64xi32, #tpu.memory_space<hbm>> -> memref<40x64xi32, #tpu.memory_space<hbm>>
      tpu.wait_dma2 semaphore(%arg16 : memref<!tpu.dma_semaphore, #tpu.memory_space<semaphore_mem>>) src(%dma_wait3A_82 : memref<40x64xi32, #tpu.memory_space<hbm>>) dst(%arg8 : memref<40x64xi32, #tpu.memory_space<vmem>>)
      %dma_wait3A_83 = arith.constant 0 : i32
      %dma_wait3A_84 = tpu.memref_slice %arg4[%add3A_70, %dma_wait3A_83] : memref<5120x64xi32, #tpu.memory_space<hbm>> -> memref<40x64xi32, #tpu.memory_space<hbm>>
      %dma_wait3A_85 = arith.constant 0 : i32
      %dma_wait3A_86 = tpu.memref_slice %arg4[%add3A_70, %dma_wait3A_85] : memref<5120x64xi32, #tpu.memory_space<hbm>> -> memref<40x64xi32, #tpu.memory_space<hbm>>
      tpu.wait_dma2 semaphore(%arg17 : memref<!tpu.dma_semaphore, #tpu.memory_space<semaphore_mem>>) src(%dma_wait3A_86 : memref<40x64xi32, #tpu.memory_space<hbm>>) dst(%arg9 : memref<40x64xi32, #tpu.memory_space<vmem>>)
      %scan3A_87 = arith.constant 0 : i32
      %scan3A_88 = arith.constant 0 : i32
      %scan3A_89 = arith.constant 10 : i32
      %scan3A_90 = arith.addi %scan3A_88, %scan3A_89 : i32
      %scan3A_91 = arith.constant 1 : i32
      %scan3A_92 = scf.for %scan3A_94 = %scan3A_88 to %scan3A_90 step %scan3A_91 iter_args(%scan3A_95 = %scan3A_87) -> (i32)  : i32 {
        %mul3A_96 = arith.constant 4 : i32
        %mul3A_97 = arith.muli %scan3A_94, %mul3A_96 : i32
        %add3A_98 = arith.constant 0 : i32
        %add3A_99 = arith.addi %mul3A_97, %add3A_98 : i32
        %dma_wait3A_100 = arith.constant 0 : i32
        %dma_wait3A_101 = tpu.memref_slice %arg9[%add3A_99, %dma_wait3A_100] : memref<40x64xi32, #tpu.memory_space<vmem>> -> memref<1x64xi32, #tpu.memory_space<vmem>>
        %dma_wait3A_102 = tpu.memref_squeeze %dma_wait3A_101 : memref<1x64xi32, #tpu.memory_space<vmem>> -> memref<64xi32, #tpu.memory_space<vmem>>
        %dma_wait3A_103 = arith.constant 0 : i32
        %dma_wait3A_104 = arith.constant 0 : i32
        %dma_wait3A_105 = tpu.memref_slice %arg15[%dma_wait3A_103, %dma_wait3A_104] : memref<10240x128xf32, #tpu.memory_space<vmem_shared>> -> memref<10240x128xf32, #tpu.memory_space<vmem_shared>>
        tpu.wait_indirect_dma semaphore(%arg20 : memref<!tpu.dma_semaphore, #tpu.memory_space<semaphore_mem>>) src(%arg11 : memref<64x128xf32, #tpu.memory_space<vmem>>) dst(%dma_wait3A_105 : memref<10240x128xf32, #tpu.memory_space<vmem_shared>>)
        %dma_start3A_106 = arith.constant 0 : i32
        %dma_start3A_107 = tpu.memref_slice %arg8[%add3A_99, %dma_start3A_106] : memref<40x64xi32, #tpu.memory_space<vmem>> -> memref<1x64xi32, #tpu.memory_space<vmem>>
        %dma_start3A_108 = tpu.memref_squeeze %dma_start3A_107 : memref<1x64xi32, #tpu.memory_space<vmem>> -> memref<64xi32, #tpu.memory_space<vmem>>
        %dma_start3A_109 = arith.constant 0 : i32
        %dma_start3A_110 = arith.constant 0 : i32
        %dma_start3A_111 = tpu.memref_slice %arg2[%dma_start3A_109, %dma_start3A_110] : memref<10000x128xf32, #tpu.memory_space<hbm>> -> memref<10000x128xf32, #tpu.memory_space<hbm>>
        tpu.enqueue_indirect_dma source(%dma_start3A_111 : memref<10000x128xf32, #tpu.memory_space<hbm>>) target(%arg11 : memref<64x128xf32, #tpu.memory_space<vmem>>) offsets(%dma_start3A_108 : memref<64xi32, #tpu.memory_space<vmem>>) semaphore(%arg16 : memref<!tpu.dma_semaphore, #tpu.memory_space<semaphore_mem>>)
        %mul3A_112 = arith.constant 4 : i32
        %mul3A_113 = arith.muli %scan3A_94, %mul3A_112 : i32
        %add3A_114 = arith.constant 1 : i32
        %add3A_115 = arith.addi %mul3A_113, %add3A_114 : i32
        %dma_wait3A_116 = arith.constant 0 : i32
        %dma_wait3A_117 = tpu.memref_slice %arg9[%add3A_115, %dma_wait3A_116] : memref<40x64xi32, #tpu.memory_space<vmem>> -> memref<1x64xi32, #tpu.memory_space<vmem>>
        %dma_wait3A_118 = tpu.memref_squeeze %dma_wait3A_117 : memref<1x64xi32, #tpu.memory_space<vmem>> -> memref<64xi32, #tpu.memory_space<vmem>>
        %dma_wait3A_119 = arith.constant 0 : i32
        %dma_wait3A_120 = arith.constant 0 : i32
        %dma_wait3A_121 = tpu.memref_slice %arg15[%dma_wait3A_119, %dma_wait3A_120] : memref<10240x128xf32, #tpu.memory_space<vmem_shared>> -> memref<10240x128xf32, #tpu.memory_space<vmem_shared>>
        tpu.wait_indirect_dma semaphore(%arg21 : memref<!tpu.dma_semaphore, #tpu.memory_space<semaphore_mem>>) src(%arg12 : memref<64x128xf32, #tpu.memory_space<vmem>>) dst(%dma_wait3A_121 : memref<10240x128xf32, #tpu.memory_space<vmem_shared>>)
        %dma_start3A_122 = arith.constant 0 : i32
        %dma_start3A_123 = tpu.memref_slice %arg8[%add3A_115, %dma_start3A_122] : memref<40x64xi32, #tpu.memory_space<vmem>> -> memref<1x64xi32, #tpu.memory_space<vmem>>
        %dma_start3A_124 = tpu.memref_squeeze %dma_start3A_123 : memref<1x64xi32, #tpu.memory_space<vmem>> -> memref<64xi32, #tpu.memory_space<vmem>>
        %dma_start3A_125 = arith.constant 0 : i32
        %dma_start3A_126 = arith.constant 0 : i32
        %dma_start3A_127 = tpu.memref_slice %arg2[%dma_start3A_125, %dma_start3A_126] : memref<10000x128xf32, #tpu.memory_space<hbm>> -> memref<10000x128xf32, #tpu.memory_space<hbm>>
        tpu.enqueue_indirect_dma source(%dma_start3A_127 : memref<10000x128xf32, #tpu.memory_space<hbm>>) target(%arg12 : memref<64x128xf32, #tpu.memory_space<vmem>>) offsets(%dma_start3A_124 : memref<64xi32, #tpu.memory_space<vmem>>) semaphore(%arg17 : memref<!tpu.dma_semaphore, #tpu.memory_space<semaphore_mem>>)
        %mul3A_128 = arith.constant 4 : i32
        %mul3A_129 = arith.muli %scan3A_94, %mul3A_128 : i32
        %add3A_130 = arith.constant 2 : i32
        %add3A_131 = arith.addi %mul3A_129, %add3A_130 : i32
        %dma_wait3A_132 = arith.constant 0 : i32
        %dma_wait3A_133 = tpu.memref_slice %arg9[%add3A_131, %dma_wait3A_132] : memref<40x64xi32, #tpu.memory_space<vmem>> -> memref<1x64xi32, #tpu.memory_space<vmem>>
        %dma_wait3A_134 = tpu.memref_squeeze %dma_wait3A_133 : memref<1x64xi32, #tpu.memory_space<vmem>> -> memref<64xi32, #tpu.memory_space<vmem>>
        %dma_wait3A_135 = arith.constant 0 : i32
        %dma_wait3A_136 = arith.constant 0 : i32
        %dma_wait3A_137 = tpu.memref_slice %arg15[%dma_wait3A_135, %dma_wait3A_136] : memref<10240x128xf32, #tpu.memory_space<vmem_shared>> -> memref<10240x128xf32, #tpu.memory_space<vmem_shared>>
        tpu.wait_indirect_dma semaphore(%arg22 : memref<!tpu.dma_semaphore, #tpu.memory_space<semaphore_mem>>) src(%arg13 : memref<64x128xf32, #tpu.memory_space<vmem>>) dst(%dma_wait3A_137 : memref<10240x128xf32, #tpu.memory_space<vmem_shared>>)
        %dma_start3A_138 = arith.constant 0 : i32
        %dma_start3A_139 = tpu.memref_slice %arg8[%add3A_131, %dma_start3A_138] : memref<40x64xi32, #tpu.memory_space<vmem>> -> memref<1x64xi32, #tpu.memory_space<vmem>>
        %dma_start3A_140 = tpu.memref_squeeze %dma_start3A_139 : memref<1x64xi32, #tpu.memory_space<vmem>> -> memref<64xi32, #tpu.memory_space<vmem>>
        %dma_start3A_141 = arith.constant 0 : i32
        %dma_start3A_142 = arith.constant 0 : i32
        %dma_start3A_143 = tpu.memref_slice %arg2[%dma_start3A_141, %dma_start3A_142] : memref<10000x128xf32, #tpu.memory_space<hbm>> -> memref<10000x128xf32, #tpu.memory_space<hbm>>
        tpu.enqueue_indirect_dma source(%dma_start3A_143 : memref<10000x128xf32, #tpu.memory_space<hbm>>) target(%arg13 : memref<64x128xf32, #tpu.memory_space<vmem>>) offsets(%dma_start3A_140 : memref<64xi32, #tpu.memory_space<vmem>>) semaphore(%arg18 : memref<!tpu.dma_semaphore, #tpu.memory_space<semaphore_mem>>)
        %mul3A_144 = arith.constant 4 : i32
        %mul3A_145 = arith.muli %scan3A_94, %mul3A_144 : i32
        %add3A_146 = arith.constant 3 : i32
        %add3A_147 = arith.addi %mul3A_145, %add3A_146 : i32
        %dma_wait3A_148 = arith.constant 0 : i32
        %dma_wait3A_149 = tpu.memref_slice %arg9[%add3A_147, %dma_wait3A_148] : memref<40x64xi32, #tpu.memory_space<vmem>> -> memref<1x64xi32, #tpu.memory_space<vmem>>
        %dma_wait3A_150 = tpu.memref_squeeze %dma_wait3A_149 : memref<1x64xi32, #tpu.memory_space<vmem>> -> memref<64xi32, #tpu.memory_space<vmem>>
        %dma_wait3A_151 = arith.constant 0 : i32
        %dma_wait3A_152 = arith.constant 0 : i32
        %dma_wait3A_153 = tpu.memref_slice %arg15[%dma_wait3A_151, %dma_wait3A_152] : memref<10240x128xf32, #tpu.memory_space<vmem_shared>> -> memref<10240x128xf32, #tpu.memory_space<vmem_shared>>
        tpu.wait_indirect_dma semaphore(%arg23 : memref<!tpu.dma_semaphore, #tpu.memory_space<semaphore_mem>>) src(%arg14 : memref<64x128xf32, #tpu.memory_space<vmem>>) dst(%dma_wait3A_153 : memref<10240x128xf32, #tpu.memory_space<vmem_shared>>)
        %dma_start3A_154 = arith.constant 0 : i32
        %dma_start3A_155 = tpu.memref_slice %arg8[%add3A_147, %dma_start3A_154] : memref<40x64xi32, #tpu.memory_space<vmem>> -> memref<1x64xi32, #tpu.memory_space<vmem>>
        %dma_start3A_156 = tpu.memref_squeeze %dma_start3A_155 : memref<1x64xi32, #tpu.memory_space<vmem>> -> memref<64xi32, #tpu.memory_space<vmem>>
        %dma_start3A_157 = arith.constant 0 : i32
        %dma_start3A_158 = arith.constant 0 : i32
        %dma_start3A_159 = tpu.memref_slice %arg2[%dma_start3A_157, %dma_start3A_158] : memref<10000x128xf32, #tpu.memory_space<hbm>> -> memref<10000x128xf32, #tpu.memory_space<hbm>>
        tpu.enqueue_indirect_dma source(%dma_start3A_159 : memref<10000x128xf32, #tpu.memory_space<hbm>>) target(%arg14 : memref<64x128xf32, #tpu.memory_space<vmem>>) offsets(%dma_start3A_156 : memref<64xi32, #tpu.memory_space<vmem>>) semaphore(%arg19 : memref<!tpu.dma_semaphore, #tpu.memory_space<semaphore_mem>>)
        %mul3A_160 = arith.constant 4 : i32
        %mul3A_161 = arith.muli %scan3A_94, %mul3A_160 : i32
        %add3A_162 = arith.constant 0 : i32
        %add3A_163 = arith.addi %mul3A_161, %add3A_162 : i32
        %dma_wait3A_164 = arith.constant 0 : i32
        %dma_wait3A_165 = tpu.memref_slice %arg8[%add3A_99, %dma_wait3A_164] : memref<40x64xi32, #tpu.memory_space<vmem>> -> memref<1x64xi32, #tpu.memory_space<vmem>>
        %dma_wait3A_166 = tpu.memref_squeeze %dma_wait3A_165 : memref<1x64xi32, #tpu.memory_space<vmem>> -> memref<64xi32, #tpu.memory_space<vmem>>
        %dma_wait3A_167 = arith.constant 0 : i32
        %dma_wait3A_168 = arith.constant 0 : i32
        %dma_wait3A_169 = tpu.memref_slice %arg2[%dma_wait3A_167, %dma_wait3A_168] : memref<10000x128xf32, #tpu.memory_space<hbm>> -> memref<10000x128xf32, #tpu.memory_space<hbm>>
        tpu.wait_indirect_dma semaphore(%arg16 : memref<!tpu.dma_semaphore, #tpu.memory_space<semaphore_mem>>) src(%dma_wait3A_169 : memref<10000x128xf32, #tpu.memory_space<hbm>>) dst(%arg11 : memref<64x128xf32, #tpu.memory_space<vmem>>)
        %dma_start3A_170 = arith.constant 0 : i32
        %dma_start3A_171 = tpu.memref_slice %arg9[%add3A_163, %dma_start3A_170] : memref<40x64xi32, #tpu.memory_space<vmem>> -> memref<1x64xi32, #tpu.memory_space<vmem>>
        %dma_start3A_172 = tpu.memref_squeeze %dma_start3A_171 : memref<1x64xi32, #tpu.memory_space<vmem>> -> memref<64xi32, #tpu.memory_space<vmem>>
        %dma_start3A_173 = arith.constant 0 : i32
        %dma_start3A_174 = arith.constant 0 : i32
        %dma_start3A_175 = tpu.memref_slice %arg15[%dma_start3A_173, %dma_start3A_174] : memref<10240x128xf32, #tpu.memory_space<vmem_shared>> -> memref<10240x128xf32, #tpu.memory_space<vmem_shared>>
        tpu.enqueue_indirect_dma source(%arg11 : memref<64x128xf32, #tpu.memory_space<vmem>>) target(%dma_start3A_175 : memref<10240x128xf32, #tpu.memory_space<vmem_shared>>) offsets(%dma_start3A_172 : memref<64xi32, #tpu.memory_space<vmem>>) semaphore(%arg20 : memref<!tpu.dma_semaphore, #tpu.memory_space<semaphore_mem>>) {add = true}
        %mul3A_176 = arith.constant 4 : i32
        %mul3A_177 = arith.muli %scan3A_94, %mul3A_176 : i32
        %add3A_178 = arith.constant 1 : i32
        %add3A_179 = arith.addi %mul3A_177, %add3A_178 : i32
        %dma_wait3A_180 = arith.constant 0 : i32
        %dma_wait3A_181 = tpu.memref_slice %arg8[%add3A_115, %dma_wait3A_180] : memref<40x64xi32, #tpu.memory_space<vmem>> -> memref<1x64xi32, #tpu.memory_space<vmem>>
        %dma_wait3A_182 = tpu.memref_squeeze %dma_wait3A_181 : memref<1x64xi32, #tpu.memory_space<vmem>> -> memref<64xi32, #tpu.memory_space<vmem>>
        %dma_wait3A_183 = arith.constant 0 : i32
        %dma_wait3A_184 = arith.constant 0 : i32
        %dma_wait3A_185 = tpu.memref_slice %arg2[%dma_wait3A_183, %dma_wait3A_184] : memref<10000x128xf32, #tpu.memory_space<hbm>> -> memref<10000x128xf32, #tpu.memory_space<hbm>>
        tpu.wait_indirect_dma semaphore(%arg17 : memref<!tpu.dma_semaphore, #tpu.memory_space<semaphore_mem>>) src(%dma_wait3A_185 : memref<10000x128xf32, #tpu.memory_space<hbm>>) dst(%arg12 : memref<64x128xf32, #tpu.memory_space<vmem>>)
        %dma_start3A_186 = arith.constant 0 : i32
        %dma_start3A_187 = tpu.memref_slice %arg9[%add3A_179, %dma_start3A_186] : memref<40x64xi32, #tpu.memory_space<vmem>> -> memref<1x64xi32, #tpu.memory_space<vmem>>
        %dma_start3A_188 = tpu.memref_squeeze %dma_start3A_187 : memref<1x64xi32, #tpu.memory_space<vmem>> -> memref<64xi32, #tpu.memory_space<vmem>>
        %dma_start3A_189 = arith.constant 0 : i32
        %dma_start3A_190 = arith.constant 0 : i32
        %dma_start3A_191 = tpu.memref_slice %arg15[%dma_start3A_189, %dma_start3A_190] : memref<10240x128xf32, #tpu.memory_space<vmem_shared>> -> memref<10240x128xf32, #tpu.memory_space<vmem_shared>>
        tpu.enqueue_indirect_dma source(%arg12 : memref<64x128xf32, #tpu.memory_space<vmem>>) target(%dma_start3A_191 : memref<10240x128xf32, #tpu.memory_space<vmem_shared>>) offsets(%dma_start3A_188 : memref<64xi32, #tpu.memory_space<vmem>>) semaphore(%arg21 : memref<!tpu.dma_semaphore, #tpu.memory_space<semaphore_mem>>) {add = true}
        %mul3A_192 = arith.constant 4 : i32
        %mul3A_193 = arith.muli %scan3A_94, %mul3A_192 : i32
        %add3A_194 = arith.constant 2 : i32
        %add3A_195 = arith.addi %mul3A_193, %add3A_194 : i32
        %dma_wait3A_196 = arith.constant 0 : i32
        %dma_wait3A_197 = tpu.memref_slice %arg8[%add3A_131, %dma_wait3A_196] : memref<40x64xi32, #tpu.memory_space<vmem>> -> memref<1x64xi32, #tpu.memory_space<vmem>>
        %dma_wait3A_198 = tpu.memref_squeeze %dma_wait3A_197 : memref<1x64xi32, #tpu.memory_space<vmem>> -> memref<64xi32, #tpu.memory_space<vmem>>
        %dma_wait3A_199 = arith.constant 0 : i32
        %dma_wait3A_200 = arith.constant 0 : i32
        %dma_wait3A_201 = tpu.memref_slice %arg2[%dma_wait3A_199, %dma_wait3A_200] : memref<10000x128xf32, #tpu.memory_space<hbm>> -> memref<10000x128xf32, #tpu.memory_space<hbm>>
        tpu.wait_indirect_dma semaphore(%arg18 : memref<!tpu.dma_semaphore, #tpu.memory_space<semaphore_mem>>) src(%dma_wait3A_201 : memref<10000x128xf32, #tpu.memory_space<hbm>>) dst(%arg13 : memref<64x128xf32, #tpu.memory_space<vmem>>)
        %dma_start3A_202 = arith.constant 0 : i32
        %dma_start3A_203 = tpu.memref_slice %arg9[%add3A_195, %dma_start3A_202] : memref<40x64xi32, #tpu.memory_space<vmem>> -> memref<1x64xi32, #tpu.memory_space<vmem>>
        %dma_start3A_204 = tpu.memref_squeeze %dma_start3A_203 : memref<1x64xi32, #tpu.memory_space<vmem>> -> memref<64xi32, #tpu.memory_space<vmem>>
        %dma_start3A_205 = arith.constant 0 : i32
        %dma_start3A_206 = arith.constant 0 : i32
        %dma_start3A_207 = tpu.memref_slice %arg15[%dma_start3A_205, %dma_start3A_206] : memref<10240x128xf32, #tpu.memory_space<vmem_shared>> -> memref<10240x128xf32, #tpu.memory_space<vmem_shared>>
        tpu.enqueue_indirect_dma source(%arg13 : memref<64x128xf32, #tpu.memory_space<vmem>>) target(%dma_start3A_207 : memref<10240x128xf32, #tpu.memory_space<vmem_shared>>) offsets(%dma_start3A_204 : memref<64xi32, #tpu.memory_space<vmem>>) semaphore(%arg22 : memref<!tpu.dma_semaphore, #tpu.memory_space<semaphore_mem>>) {add = true}
        %mul3A_208 = arith.constant 4 : i32
        %mul3A_209 = arith.muli %scan3A_94, %mul3A_208 : i32
        %add3A_210 = arith.constant 3 : i32
        %add3A_211 = arith.addi %mul3A_209, %add3A_210 : i32
        %dma_wait3A_212 = arith.constant 0 : i32
        %dma_wait3A_213 = tpu.memref_slice %arg8[%add3A_147, %dma_wait3A_212] : memref<40x64xi32, #tpu.memory_space<vmem>> -> memref<1x64xi32, #tpu.memory_space<vmem>>
        %dma_wait3A_214 = tpu.memref_squeeze %dma_wait3A_213 : memref<1x64xi32, #tpu.memory_space<vmem>> -> memref<64xi32, #tpu.memory_space<vmem>>
        %dma_wait3A_215 = arith.constant 0 : i32
        %dma_wait3A_216 = arith.constant 0 : i32
        %dma_wait3A_217 = tpu.memref_slice %arg2[%dma_wait3A_215, %dma_wait3A_216] : memref<10000x128xf32, #tpu.memory_space<hbm>> -> memref<10000x128xf32, #tpu.memory_space<hbm>>
        tpu.wait_indirect_dma semaphore(%arg19 : memref<!tpu.dma_semaphore, #tpu.memory_space<semaphore_mem>>) src(%dma_wait3A_217 : memref<10000x128xf32, #tpu.memory_space<hbm>>) dst(%arg14 : memref<64x128xf32, #tpu.memory_space<vmem>>)
        %dma_start3A_218 = arith.constant 0 : i32
        %dma_start3A_219 = tpu.memref_slice %arg9[%add3A_211, %dma_start3A_218] : memref<40x64xi32, #tpu.memory_space<vmem>> -> memref<1x64xi32, #tpu.memory_space<vmem>>
        %dma_start3A_220 = tpu.memref_squeeze %dma_start3A_219 : memref<1x64xi32, #tpu.memory_space<vmem>> -> memref<64xi32, #tpu.memory_space<vmem>>
        %dma_start3A_221 = arith.constant 0 : i32
        %dma_start3A_222 = arith.constant 0 : i32
        %dma_start3A_223 = tpu.memref_slice %arg15[%dma_start3A_221, %dma_start3A_222] : memref<10240x128xf32, #tpu.memory_space<vmem_shared>> -> memref<10240x128xf32, #tpu.memory_space<vmem_shared>>
        tpu.enqueue_indirect_dma source(%arg14 : memref<64x128xf32, #tpu.memory_space<vmem>>) target(%dma_start3A_223 : memref<10240x128xf32, #tpu.memory_space<vmem_shared>>) offsets(%dma_start3A_220 : memref<64xi32, #tpu.memory_space<vmem>>) semaphore(%arg23 : memref<!tpu.dma_semaphore, #tpu.memory_space<semaphore_mem>>) {add = true}
        %scan3A_224 = arith.constant 0 : i32
        scf.yield %scan3A_224 : i32
      }
      %scan3A_93 = arith.constant 10 : i32
      scf.yield %scan3A_92 : i32
    }
    %scan3A_35 = arith.constant 4 : i32
    %dma_wait3A = arith.constant 0 : i32
    %dma_wait3A_36 = arith.constant 0 : i32
    %dma_wait3A_37 = tpu.memref_slice %arg10[%dma_wait3A, %dma_wait3A_36] : memref<4x64xi32, #tpu.memory_space<vmem>> -> memref<1x64xi32, #tpu.memory_space<vmem>>
    %dma_wait3A_38 = tpu.memref_squeeze %dma_wait3A_37 : memref<1x64xi32, #tpu.memory_space<vmem>> -> memref<64xi32, #tpu.memory_space<vmem>>
    %dma_wait3A_39 = arith.constant 0 : i32
    %dma_wait3A_40 = arith.constant 0 : i32
    %dma_wait3A_41 = tpu.memref_slice %arg15[%dma_wait3A_39, %dma_wait3A_40] : memref<10240x128xf32, #tpu.memory_space<vmem_shared>> -> memref<10240x128xf32, #tpu.memory_space<vmem_shared>>
    tpu.wait_indirect_dma semaphore(%arg20 : memref<!tpu.dma_semaphore, #tpu.memory_space<semaphore_mem>>) src(%arg11 : memref<64x128xf32, #tpu.memory_space<vmem>>) dst(%dma_wait3A_41 : memref<10240x128xf32, #tpu.memory_space<vmem_shared>>)
    %dma_wait3A_42 = arith.constant 1 : i32
    %dma_wait3A_43 = arith.constant 0 : i32
    %dma_wait3A_44 = tpu.memref_slice %arg10[%dma_wait3A_42, %dma_wait3A_43] : memref<4x64xi32, #tpu.memory_space<vmem>> -> memref<1x64xi32, #tpu.memory_space<vmem>>
    %dma_wait3A_45 = tpu.memref_squeeze %dma_wait3A_44 : memref<1x64xi32, #tpu.memory_space<vmem>> -> memref<64xi32, #tpu.memory_space<vmem>>
    %dma_wait3A_46 = arith.constant 0 : i32
    %dma_wait3A_47 = arith.constant 0 : i32
    %dma_wait3A_48 = tpu.memref_slice %arg15[%dma_wait3A_46, %dma_wait3A_47] : memref<10240x128xf32, #tpu.memory_space<vmem_shared>> -> memref<10240x128xf32, #tpu.memory_space<vmem_shared>>
    tpu.wait_indirect_dma semaphore(%arg21 : memref<!tpu.dma_semaphore, #tpu.memory_space<semaphore_mem>>) src(%arg12 : memref<64x128xf32, #tpu.memory_space<vmem>>) dst(%dma_wait3A_48 : memref<10240x128xf32, #tpu.memory_space<vmem_shared>>)
    %dma_wait3A_49 = arith.constant 2 : i32
    %dma_wait3A_50 = arith.constant 0 : i32
    %dma_wait3A_51 = tpu.memref_slice %arg10[%dma_wait3A_49, %dma_wait3A_50] : memref<4x64xi32, #tpu.memory_space<vmem>> -> memref<1x64xi32, #tpu.memory_space<vmem>>
    %dma_wait3A_52 = tpu.memref_squeeze %dma_wait3A_51 : memref<1x64xi32, #tpu.memory_space<vmem>> -> memref<64xi32, #tpu.memory_space<vmem>>
    %dma_wait3A_53 = arith.constant 0 : i32
    %dma_wait3A_54 = arith.constant 0 : i32
    %dma_wait3A_55 = tpu.memref_slice %arg15[%dma_wait3A_53, %dma_wait3A_54] : memref<10240x128xf32, #tpu.memory_space<vmem_shared>> -> memref<10240x128xf32, #tpu.memory_space<vmem_shared>>
    tpu.wait_indirect_dma semaphore(%arg22 : memref<!tpu.dma_semaphore, #tpu.memory_space<semaphore_mem>>) src(%arg13 : memref<64x128xf32, #tpu.memory_space<vmem>>) dst(%dma_wait3A_55 : memref<10240x128xf32, #tpu.memory_space<vmem_shared>>)
    %dma_wait3A_56 = arith.constant 3 : i32
    %dma_wait3A_57 = arith.constant 0 : i32
    %dma_wait3A_58 = tpu.memref_slice %arg10[%dma_wait3A_56, %dma_wait3A_57] : memref<4x64xi32, #tpu.memory_space<vmem>> -> memref<1x64xi32, #tpu.memory_space<vmem>>
    %dma_wait3A_59 = tpu.memref_squeeze %dma_wait3A_58 : memref<1x64xi32, #tpu.memory_space<vmem>> -> memref<64xi32, #tpu.memory_space<vmem>>
    %dma_wait3A_60 = arith.constant 0 : i32
    %dma_wait3A_61 = arith.constant 0 : i32
    %dma_wait3A_62 = tpu.memref_slice %arg15[%dma_wait3A_60, %dma_wait3A_61] : memref<10240x128xf32, #tpu.memory_space<vmem_shared>> -> memref<10240x128xf32, #tpu.memory_space<vmem_shared>>
    tpu.wait_indirect_dma semaphore(%arg23 : memref<!tpu.dma_semaphore, #tpu.memory_space<semaphore_mem>>) src(%arg14 : memref<64x128xf32, #tpu.memory_space<vmem>>) dst(%dma_wait3A_62 : memref<10240x128xf32, #tpu.memory_space<vmem_shared>>)
    %barrier3A_63 = arith.constant 0 : index
    tpu.barrier barrier_id(%barrier3A_63)
    "tpu.region"() ({
      %run_scoped3A = tpu.sem_alloc : memref<!tpu.dma_semaphore, #tpu.memory_space<semaphore_mem>>
      %dma_start3A_64 = arith.constant 0 : i32
      %dma_start3A_65 = tpu.memref_slice %arg7[%arg0, %mul3A_2, %dma_start3A_64] : memref<2x10240x128xf32, #tpu.memory_space<hbm>> -> memref<1x640x128xf32, #tpu.memory_space<hbm>>
      %dma_start3A_66 = tpu.memref_squeeze %dma_start3A_65 : memref<1x640x128xf32, #tpu.memory_space<hbm>> -> memref<640x128xf32, #tpu.memory_space<hbm>>
      %dma_start3A_67 = arith.constant 0 : i32
      %dma_start3A_68 = tpu.memref_slice %arg15[%mul3A_2, %dma_start3A_67] : memref<10240x128xf32, #tpu.memory_space<vmem_shared>> -> memref<640x128xf32, #tpu.memory_space<vmem_shared>>
      tpu.enqueue_dma source(%dma_start3A_68 : memref<640x128xf32, #tpu.memory_space<vmem_shared>>) target(%dma_start3A_66 : memref<640x128xf32, #tpu.memory_space<hbm>>) target_semaphore(%run_scoped3A : memref<!tpu.dma_semaphore, #tpu.memory_space<semaphore_mem>>)
      %dma_wait3A_69 = arith.constant 0 : i32
      %dma_wait3A_70 = tpu.memref_slice %arg7[%arg0, %mul3A_2, %dma_wait3A_69] : memref<2x10240x128xf32, #tpu.memory_space<hbm>> -> memref<1x640x128xf32, #tpu.memory_space<hbm>>
      %dma_wait3A_71 = tpu.memref_squeeze %dma_wait3A_70 : memref<1x640x128xf32, #tpu.memory_space<hbm>> -> memref<640x128xf32, #tpu.memory_space<hbm>>
      %dma_wait3A_72 = arith.constant 0 : i32
      %dma_wait3A_73 = tpu.memref_slice %arg15[%mul3A_2, %dma_wait3A_72] : memref<10240x128xf32, #tpu.memory_space<vmem_shared>> -> memref<640x128xf32, #tpu.memory_space<vmem_shared>>
      tpu.wait_dma2 semaphore(%run_scoped3A : memref<!tpu.dma_semaphore, #tpu.memory_space<semaphore_mem>>) src(%dma_wait3A_73 : memref<640x128xf32, #tpu.memory_space<vmem_shared>>) dst(%dma_wait3A_71 : memref<640x128xf32, #tpu.memory_space<hbm>>)
      tpu.yield
    }) : () -> ()
    return
  }
}

#map = affine_map<(d0, d1) -> (0, 0)>
#map1 = affine_map<(d0, d1) -> (0, 0, 0)>
module attributes {stable_mosaic.version = 14 : i64} {
  func.func @_sc_scatter_body(%arg0: i32, %arg1: i32, %arg2: memref<10000x128xf32, #tpu.memory_space<hbm>>, %arg3: memref<5120x64xi32, #tpu.memory_space<hbm>>, %arg4: memref<5120x64xi32, #tpu.memory_space<hbm>>, %arg5: memref<640x128xf32, #tpu.memory_space<hbm>>, %arg6: memref<4x64xi32, #tpu.memory_space<hbm>>, %arg7: memref<2x10240x128xf32, #tpu.memory_space<hbm>>, %arg8: memref<40x64xi32, #tpu.memory_space<vmem>>, %arg9: memref<40x64xi32, #tpu.memory_space<vmem>>, %arg10: memref<4x64xi32, #tpu.memory_space<vmem>>, %arg11: memref<64x128xf32, #tpu.memory_space<vmem>>, %arg12: memref<64x128xf32, #tpu.memory_space<vmem>>, %arg13: memref<64x128xf32, #tpu.memory_space<vmem>>, %arg14: memref<64x128xf32, #tpu.memory_space<vmem>>, %arg15: memref<10240x128xf32, #tpu.memory_space<vmem_shared>>, %arg16: memref<!tpu.dma_semaphore, #tpu.memory_space<semaphore_mem>>, %arg17: memref<!tpu.dma_semaphore, #tpu.memory_space<semaphore_mem>>, %arg18: memref<!tpu.dma_semaphore, #tpu.memory_space<semaphore_mem>>, %arg19: memref<!tpu.dma_semaphore, #tpu.memory_space<semaphore_mem>>, %arg20: memref<!tpu.dma_semaphore, #tpu.memory_space<semaphore_mem>>, %arg21: memref<!tpu.dma_semaphore, #tpu.memory_space<semaphore_mem>>, %arg22: memref<!tpu.dma_semaphore, #tpu.memory_space<semaphore_mem>>, %arg23: memref<!tpu.dma_semaphore, #tpu.memory_space<semaphore_mem>>) attributes {dimension_semantics = [#tpu.dimension_semantics<core_parallel>, #tpu.dimension_semantics<subcore_parallel>], iteration_bounds = array<i64: 2, 16>, scalar_prefetch = 0 : i64, scratch_operands = 16 : i64, tpu.core_type = #tpu.core_type<sc_vector_subcore>, window_params = [{transform_indices = #map}, {transform_indices = #map}, {transform_indices = #map}, {transform_indices = #map}, {transform_indices = #map}, {transform_indices = #map1}]} {
    %mul3A = arith.constant 16 : i32
    %mul3A_0 = arith.muli %arg0, %mul3A : i32
    %add3A = arith.addi %mul3A_0, %arg1 : i32
    %mul3A_1 = arith.constant 640 : i32
    %mul3A_2 = arith.muli %arg1, %mul3A_1 : i32
    "tpu.region"() ({
      %run_scoped3A = tpu.sem_alloc : memref<!tpu.dma_semaphore, #tpu.memory_space<semaphore_mem>>
      tpu.enqueue_dma source(%arg6 : memref<4x64xi32, #tpu.memory_space<hbm>>) target(%arg10 : memref<4x64xi32, #tpu.memory_space<vmem>>) target_semaphore(%run_scoped3A : memref<!tpu.dma_semaphore, #tpu.memory_space<semaphore_mem>>)
      tpu.wait_dma2 semaphore(%run_scoped3A : memref<!tpu.dma_semaphore, #tpu.memory_space<semaphore_mem>>) src(%arg6 : memref<4x64xi32, #tpu.memory_space<hbm>>) dst(%arg10 : memref<4x64xi32, #tpu.memory_space<vmem>>)
      tpu.yield
    }) : () -> ()
    "tpu.region"() ({
      %run_scoped3A = tpu.sem_alloc : memref<!tpu.dma_semaphore, #tpu.memory_space<semaphore_mem>>
      %dma_start3A_64 = arith.constant 0 : i32
      %dma_start3A_65 = tpu.memref_slice %arg15[%mul3A_2, %dma_start3A_64] : memref<10240x128xf32, #tpu.memory_space<vmem_shared>> -> memref<640x128xf32, #tpu.memory_space<vmem_shared>>
      tpu.enqueue_dma source(%arg5 : memref<640x128xf32, #tpu.memory_space<hbm>>) target(%dma_start3A_65 : memref<640x128xf32, #tpu.memory_space<vmem_shared>>) target_semaphore(%run_scoped3A : memref<!tpu.dma_semaphore, #tpu.memory_space<semaphore_mem>>)
      %dma_wait3A_66 = arith.constant 0 : i32
      %dma_wait3A_67 = tpu.memref_slice %arg15[%mul3A_2, %dma_wait3A_66] : memref<10240x128xf32, #tpu.memory_space<vmem_shared>> -> memref<640x128xf32, #tpu.memory_space<vmem_shared>>
      tpu.wait_dma2 semaphore(%run_scoped3A : memref<!tpu.dma_semaphore, #tpu.memory_space<semaphore_mem>>) src(%arg5 : memref<640x128xf32, #tpu.memory_space<hbm>>) dst(%dma_wait3A_67 : memref<640x128xf32, #tpu.memory_space<vmem_shared>>)
      tpu.yield
    }) : () -> ()
    %barrier3A = arith.constant 0 : index
    tpu.barrier barrier_id(%barrier3A)
    %dma_start3A = arith.constant 0 : i32
    %dma_start3A_3 = arith.constant 0 : i32
    %dma_start3A_4 = tpu.memref_slice %arg10[%dma_start3A, %dma_start3A_3] : memref<4x64xi32, #tpu.memory_space<vmem>> -> memref<1x64xi32, #tpu.memory_space<vmem>>
    %dma_start3A_5 = tpu.memref_squeeze %dma_start3A_4 : memref<1x64xi32, #tpu.memory_space<vmem>> -> memref<64xi32, #tpu.memory_space<vmem>>
    %dma_start3A_6 = arith.constant 0 : i32
    %dma_start3A_7 = arith.constant 0 : i32
    %dma_start3A_8 = tpu.memref_slice %arg15[%dma_start3A_6, %dma_start3A_7] : memref<10240x128xf32, #tpu.memory_space<vmem_shared>> -> memref<10240x128xf32, #tpu.memory_space<vmem_shared>>
    tpu.enqueue_indirect_dma source(%arg11 : memref<64x128xf32, #tpu.memory_space<vmem>>) target(%dma_start3A_8 : memref<10240x128xf32, #tpu.memory_space<vmem_shared>>) offsets(%dma_start3A_5 : memref<64xi32, #tpu.memory_space<vmem>>) semaphore(%arg20 : memref<!tpu.dma_semaphore, #tpu.memory_space<semaphore_mem>>) {add = true}
    %dma_start3A_9 = arith.constant 1 : i32
    %dma_start3A_10 = arith.constant 0 : i32
    %dma_start3A_11 = tpu.memref_slice %arg10[%dma_start3A_9, %dma_start3A_10] : memref<4x64xi32, #tpu.memory_space<vmem>> -> memref<1x64xi32, #tpu.memory_space<vmem>>
    %dma_start3A_12 = tpu.memref_squeeze %dma_start3A_11 : memref<1x64xi32, #tpu.memory_space<vmem>> -> memref<64xi32, #tpu.memory_space<vmem>>
    %dma_start3A_13 = arith.constant 0 : i32
    %dma_start3A_14 = arith.constant 0 : i32
    %dma_start3A_15 = tpu.memref_slice %arg15[%dma_start3A_13, %dma_start3A_14] : memref<10240x128xf32, #tpu.memory_space<vmem_shared>> -> memref<10240x128xf32, #tpu.memory_space<vmem_shared>>
    tpu.enqueue_indirect_dma source(%arg12 : memref<64x128xf32, #tpu.memory_space<vmem>>) target(%dma_start3A_15 : memref<10240x128xf32, #tpu.memory_space<vmem_shared>>) offsets(%dma_start3A_12 : memref<64xi32, #tpu.memory_space<vmem>>) semaphore(%arg21 : memref<!tpu.dma_semaphore, #tpu.memory_space<semaphore_mem>>) {add = true}
    %dma_start3A_16 = arith.constant 2 : i32
    %dma_start3A_17 = arith.constant 0 : i32
    %dma_start3A_18 = tpu.memref_slice %arg10[%dma_start3A_16, %dma_start3A_17] : memref<4x64xi32, #tpu.memory_space<vmem>> -> memref<1x64xi32, #tpu.memory_space<vmem>>
    %dma_start3A_19 = tpu.memref_squeeze %dma_start3A_18 : memref<1x64xi32, #tpu.memory_space<vmem>> -> memref<64xi32, #tpu.memory_space<vmem>>
    %dma_start3A_20 = arith.constant 0 : i32
    %dma_start3A_21 = arith.constant 0 : i32
    %dma_start3A_22 = tpu.memref_slice %arg15[%dma_start3A_20, %dma_start3A_21] : memref<10240x128xf32, #tpu.memory_space<vmem_shared>> -> memref<10240x128xf32, #tpu.memory_space<vmem_shared>>
    tpu.enqueue_indirect_dma source(%arg13 : memref<64x128xf32, #tpu.memory_space<vmem>>) target(%dma_start3A_22 : memref<10240x128xf32, #tpu.memory_space<vmem_shared>>) offsets(%dma_start3A_19 : memref<64xi32, #tpu.memory_space<vmem>>) semaphore(%arg22 : memref<!tpu.dma_semaphore, #tpu.memory_space<semaphore_mem>>) {add = true}
    %dma_start3A_23 = arith.constant 3 : i32
    %dma_start3A_24 = arith.constant 0 : i32
    %dma_start3A_25 = tpu.memref_slice %arg10[%dma_start3A_23, %dma_start3A_24] : memref<4x64xi32, #tpu.memory_space<vmem>> -> memref<1x64xi32, #tpu.memory_space<vmem>>
    %dma_start3A_26 = tpu.memref_squeeze %dma_start3A_25 : memref<1x64xi32, #tpu.memory_space<vmem>> -> memref<64xi32, #tpu.memory_space<vmem>>
    %dma_start3A_27 = arith.constant 0 : i32
    %dma_start3A_28 = arith.constant 0 : i32
    %dma_start3A_29 = tpu.memref_slice %arg15[%dma_start3A_27, %dma_start3A_28] : memref<10240x128xf32, #tpu.memory_space<vmem_shared>> -> memref<10240x128xf32, #tpu.memory_space<vmem_shared>>
    tpu.enqueue_indirect_dma source(%arg14 : memref<64x128xf32, #tpu.memory_space<vmem>>) target(%dma_start3A_29 : memref<10240x128xf32, #tpu.memory_space<vmem_shared>>) offsets(%dma_start3A_26 : memref<64xi32, #tpu.memory_space<vmem>>) semaphore(%arg23 : memref<!tpu.dma_semaphore, #tpu.memory_space<semaphore_mem>>) {add = true}
    %scan3A = arith.constant 0 : i32
    %scan3A_30 = arith.constant 0 : i32
    %scan3A_31 = arith.constant 4 : i32
    %scan3A_32 = arith.addi %scan3A_30, %scan3A_31 : i32
    %scan3A_33 = arith.constant 1 : i32
    %scan3A_34 = scf.for %scan3A_64 = %scan3A_30 to %scan3A_32 step %scan3A_33 iter_args(%scan3A_65 = %scan3A) -> (i32)  : i32 {
      %mul3A_66 = arith.constant 160 : i32
      %mul3A_67 = arith.muli %add3A, %mul3A_66 : i32
      %mul3A_68 = arith.constant 40 : i32
      %mul3A_69 = arith.muli %scan3A_64, %mul3A_68 : i32
      %add3A_70 = arith.addi %mul3A_67, %mul3A_69 : i32
      %dma_start3A_71 = arith.constant 0 : i32
      %dma_start3A_72 = tpu.memref_slice %arg3[%add3A_70, %dma_start3A_71] : memref<5120x64xi32, #tpu.memory_space<hbm>> -> memref<40x64xi32, #tpu.memory_space<hbm>>
      %dma_start3A_73 = arith.constant 0 : i32
      %dma_start3A_74 = tpu.memref_slice %arg3[%add3A_70, %dma_start3A_73] : memref<5120x64xi32, #tpu.memory_space<hbm>> -> memref<40x64xi32, #tpu.memory_space<hbm>>
      tpu.enqueue_dma source(%dma_start3A_74 : memref<40x64xi32, #tpu.memory_space<hbm>>) target(%arg8 : memref<40x64xi32, #tpu.memory_space<vmem>>) target_semaphore(%arg16 : memref<!tpu.dma_semaphore, #tpu.memory_space<semaphore_mem>>)
      %dma_start3A_75 = arith.constant 0 : i32
      %dma_start3A_76 = tpu.memref_slice %arg4[%add3A_70, %dma_start3A_75] : memref<5120x64xi32, #tpu.memory_space<hbm>> -> memref<40x64xi32, #tpu.memory_space<hbm>>
      %dma_start3A_77 = arith.constant 0 : i32
      %dma_start3A_78 = tpu.memref_slice %arg4[%add3A_70, %dma_start3A_77] : memref<5120x64xi32, #tpu.memory_space<hbm>> -> memref<40x64xi32, #tpu.memory_space<hbm>>
      tpu.enqueue_dma source(%dma_start3A_78 : memref<40x64xi32, #tpu.memory_space<hbm>>) target(%arg9 : memref<40x64xi32, #tpu.memory_space<vmem>>) target_semaphore(%arg17 : memref<!tpu.dma_semaphore, #tpu.memory_space<semaphore_mem>>)
      %dma_wait3A_79 = arith.constant 0 : i32
      %dma_wait3A_80 = tpu.memref_slice %arg3[%add3A_70, %dma_wait3A_79] : memref<5120x64xi32, #tpu.memory_space<hbm>> -> memref<40x64xi32, #tpu.memory_space<hbm>>
      %dma_wait3A_81 = arith.constant 0 : i32
      %dma_wait3A_82 = tpu.memref_slice %arg3[%add3A_70, %dma_wait3A_81] : memref<5120x64xi32, #tpu.memory_space<hbm>> -> memref<40x64xi32, #tpu.memory_space<hbm>>
      tpu.wait_dma2 semaphore(%arg16 : memref<!tpu.dma_semaphore, #tpu.memory_space<semaphore_mem>>) src(%dma_wait3A_82 : memref<40x64xi32, #tpu.memory_space<hbm>>) dst(%arg8 : memref<40x64xi32, #tpu.memory_space<vmem>>)
      %dma_wait3A_83 = arith.constant 0 : i32
      %dma_wait3A_84 = tpu.memref_slice %arg4[%add3A_70, %dma_wait3A_83] : memref<5120x64xi32, #tpu.memory_space<hbm>> -> memref<40x64xi32, #tpu.memory_space<hbm>>
      %dma_wait3A_85 = arith.constant 0 : i32
      %dma_wait3A_86 = tpu.memref_slice %arg4[%add3A_70, %dma_wait3A_85] : memref<5120x64xi32, #tpu.memory_space<hbm>> -> memref<40x64xi32, #tpu.memory_space<hbm>>
      tpu.wait_dma2 semaphore(%arg17 : memref<!tpu.dma_semaphore, #tpu.memory_space<semaphore_mem>>) src(%dma_wait3A_86 : memref<40x64xi32, #tpu.memory_space<hbm>>) dst(%arg9 : memref<40x64xi32, #tpu.memory_space<vmem>>)
      %scan3A_87 = arith.constant 0 : i32
      %scan3A_88 = arith.constant 0 : i32
      %scan3A_89 = arith.constant 10 : i32
      %scan3A_90 = arith.addi %scan3A_88, %scan3A_89 : i32
      %scan3A_91 = arith.constant 1 : i32
      %scan3A_92 = scf.for %scan3A_94 = %scan3A_88 to %scan3A_90 step %scan3A_91 iter_args(%scan3A_95 = %scan3A_87) -> (i32)  : i32 {
        %mul3A_96 = arith.constant 4 : i32
        %mul3A_97 = arith.muli %scan3A_94, %mul3A_96 : i32
        %add3A_98 = arith.constant 0 : i32
        %add3A_99 = arith.addi %mul3A_97, %add3A_98 : i32
        %dma_wait3A_100 = arith.constant 0 : i32
        %dma_wait3A_101 = tpu.memref_slice %arg9[%add3A_99, %dma_wait3A_100] : memref<40x64xi32, #tpu.memory_space<vmem>> -> memref<1x64xi32, #tpu.memory_space<vmem>>
        %dma_wait3A_102 = tpu.memref_squeeze %dma_wait3A_101 : memref<1x64xi32, #tpu.memory_space<vmem>> -> memref<64xi32, #tpu.memory_space<vmem>>
        %dma_wait3A_103 = arith.constant 0 : i32
        %dma_wait3A_104 = arith.constant 0 : i32
        %dma_wait3A_105 = tpu.memref_slice %arg15[%dma_wait3A_103, %dma_wait3A_104] : memref<10240x128xf32, #tpu.memory_space<vmem_shared>> -> memref<10240x128xf32, #tpu.memory_space<vmem_shared>>
        tpu.wait_indirect_dma semaphore(%arg20 : memref<!tpu.dma_semaphore, #tpu.memory_space<semaphore_mem>>) src(%arg11 : memref<64x128xf32, #tpu.memory_space<vmem>>) dst(%dma_wait3A_105 : memref<10240x128xf32, #tpu.memory_space<vmem_shared>>)
        %dma_start3A_106 = arith.constant 0 : i32
        %dma_start3A_107 = tpu.memref_slice %arg8[%add3A_99, %dma_start3A_106] : memref<40x64xi32, #tpu.memory_space<vmem>> -> memref<1x64xi32, #tpu.memory_space<vmem>>
        %dma_start3A_108 = tpu.memref_squeeze %dma_start3A_107 : memref<1x64xi32, #tpu.memory_space<vmem>> -> memref<64xi32, #tpu.memory_space<vmem>>
        %dma_start3A_109 = arith.constant 0 : i32
        %dma_start3A_110 = arith.constant 0 : i32
        %dma_start3A_111 = tpu.memref_slice %arg2[%dma_start3A_109, %dma_start3A_110] : memref<10000x128xf32, #tpu.memory_space<hbm>> -> memref<10000x128xf32, #tpu.memory_space<hbm>>
        tpu.enqueue_indirect_dma source(%dma_start3A_111 : memref<10000x128xf32, #tpu.memory_space<hbm>>) target(%arg11 : memref<64x128xf32, #tpu.memory_space<vmem>>) offsets(%dma_start3A_108 : memref<64xi32, #tpu.memory_space<vmem>>) semaphore(%arg16 : memref<!tpu.dma_semaphore, #tpu.memory_space<semaphore_mem>>)
        %mul3A_112 = arith.constant 4 : i32
        %mul3A_113 = arith.muli %scan3A_94, %mul3A_112 : i32
        %add3A_114 = arith.constant 1 : i32
        %add3A_115 = arith.addi %mul3A_113, %add3A_114 : i32
        %dma_wait3A_116 = arith.constant 0 : i32
        %dma_wait3A_117 = tpu.memref_slice %arg9[%add3A_115, %dma_wait3A_116] : memref<40x64xi32, #tpu.memory_space<vmem>> -> memref<1x64xi32, #tpu.memory_space<vmem>>
        %dma_wait3A_118 = tpu.memref_squeeze %dma_wait3A_117 : memref<1x64xi32, #tpu.memory_space<vmem>> -> memref<64xi32, #tpu.memory_space<vmem>>
        %dma_wait3A_119 = arith.constant 0 : i32
        %dma_wait3A_120 = arith.constant 0 : i32
        %dma_wait3A_121 = tpu.memref_slice %arg15[%dma_wait3A_119, %dma_wait3A_120] : memref<10240x128xf32, #tpu.memory_space<vmem_shared>> -> memref<10240x128xf32, #tpu.memory_space<vmem_shared>>
        tpu.wait_indirect_dma semaphore(%arg21 : memref<!tpu.dma_semaphore, #tpu.memory_space<semaphore_mem>>) src(%arg12 : memref<64x128xf32, #tpu.memory_space<vmem>>) dst(%dma_wait3A_121 : memref<10240x128xf32, #tpu.memory_space<vmem_shared>>)
        %dma_start3A_122 = arith.constant 0 : i32
        %dma_start3A_123 = tpu.memref_slice %arg8[%add3A_115, %dma_start3A_122] : memref<40x64xi32, #tpu.memory_space<vmem>> -> memref<1x64xi32, #tpu.memory_space<vmem>>
        %dma_start3A_124 = tpu.memref_squeeze %dma_start3A_123 : memref<1x64xi32, #tpu.memory_space<vmem>> -> memref<64xi32, #tpu.memory_space<vmem>>
        %dma_start3A_125 = arith.constant 0 : i32
        %dma_start3A_126 = arith.constant 0 : i32
        %dma_start3A_127 = tpu.memref_slice %arg2[%dma_start3A_125, %dma_start3A_126] : memref<10000x128xf32, #tpu.memory_space<hbm>> -> memref<10000x128xf32, #tpu.memory_space<hbm>>
        tpu.enqueue_indirect_dma source(%dma_start3A_127 : memref<10000x128xf32, #tpu.memory_space<hbm>>) target(%arg12 : memref<64x128xf32, #tpu.memory_space<vmem>>) offsets(%dma_start3A_124 : memref<64xi32, #tpu.memory_space<vmem>>) semaphore(%arg17 : memref<!tpu.dma_semaphore, #tpu.memory_space<semaphore_mem>>)
        %mul3A_128 = arith.constant 4 : i32
        %mul3A_129 = arith.muli %scan3A_94, %mul3A_128 : i32
        %add3A_130 = arith.constant 2 : i32
        %add3A_131 = arith.addi %mul3A_129, %add3A_130 : i32
        %dma_wait3A_132 = arith.constant 0 : i32
        %dma_wait3A_133 = tpu.memref_slice %arg9[%add3A_131, %dma_wait3A_132] : memref<40x64xi32, #tpu.memory_space<vmem>> -> memref<1x64xi32, #tpu.memory_space<vmem>>
        %dma_wait3A_134 = tpu.memref_squeeze %dma_wait3A_133 : memref<1x64xi32, #tpu.memory_space<vmem>> -> memref<64xi32, #tpu.memory_space<vmem>>
        %dma_wait3A_135 = arith.constant 0 : i32
        %dma_wait3A_136 = arith.constant 0 : i32
        %dma_wait3A_137 = tpu.memref_slice %arg15[%dma_wait3A_135, %dma_wait3A_136] : memref<10240x128xf32, #tpu.memory_space<vmem_shared>> -> memref<10240x128xf32, #tpu.memory_space<vmem_shared>>
        tpu.wait_indirect_dma semaphore(%arg22 : memref<!tpu.dma_semaphore, #tpu.memory_space<semaphore_mem>>) src(%arg13 : memref<64x128xf32, #tpu.memory_space<vmem>>) dst(%dma_wait3A_137 : memref<10240x128xf32, #tpu.memory_space<vmem_shared>>)
        %dma_start3A_138 = arith.constant 0 : i32
        %dma_start3A_139 = tpu.memref_slice %arg8[%add3A_131, %dma_start3A_138] : memref<40x64xi32, #tpu.memory_space<vmem>> -> memref<1x64xi32, #tpu.memory_space<vmem>>
        %dma_start3A_140 = tpu.memref_squeeze %dma_start3A_139 : memref<1x64xi32, #tpu.memory_space<vmem>> -> memref<64xi32, #tpu.memory_space<vmem>>
        %dma_start3A_141 = arith.constant 0 : i32
        %dma_start3A_142 = arith.constant 0 : i32
        %dma_start3A_143 = tpu.memref_slice %arg2[%dma_start3A_141, %dma_start3A_142] : memref<10000x128xf32, #tpu.memory_space<hbm>> -> memref<10000x128xf32, #tpu.memory_space<hbm>>
        tpu.enqueue_indirect_dma source(%dma_start3A_143 : memref<10000x128xf32, #tpu.memory_space<hbm>>) target(%arg13 : memref<64x128xf32, #tpu.memory_space<vmem>>) offsets(%dma_start3A_140 : memref<64xi32, #tpu.memory_space<vmem>>) semaphore(%arg18 : memref<!tpu.dma_semaphore, #tpu.memory_space<semaphore_mem>>)
        %mul3A_144 = arith.constant 4 : i32
        %mul3A_145 = arith.muli %scan3A_94, %mul3A_144 : i32
        %add3A_146 = arith.constant 3 : i32
        %add3A_147 = arith.addi %mul3A_145, %add3A_146 : i32
        %dma_wait3A_148 = arith.constant 0 : i32
        %dma_wait3A_149 = tpu.memref_slice %arg9[%add3A_147, %dma_wait3A_148] : memref<40x64xi32, #tpu.memory_space<vmem>> -> memref<1x64xi32, #tpu.memory_space<vmem>>
        %dma_wait3A_150 = tpu.memref_squeeze %dma_wait3A_149 : memref<1x64xi32, #tpu.memory_space<vmem>> -> memref<64xi32, #tpu.memory_space<vmem>>
        %dma_wait3A_151 = arith.constant 0 : i32
        %dma_wait3A_152 = arith.constant 0 : i32
        %dma_wait3A_153 = tpu.memref_slice %arg15[%dma_wait3A_151, %dma_wait3A_152] : memref<10240x128xf32, #tpu.memory_space<vmem_shared>> -> memref<10240x128xf32, #tpu.memory_space<vmem_shared>>
        tpu.wait_indirect_dma semaphore(%arg23 : memref<!tpu.dma_semaphore, #tpu.memory_space<semaphore_mem>>) src(%arg14 : memref<64x128xf32, #tpu.memory_space<vmem>>) dst(%dma_wait3A_153 : memref<10240x128xf32, #tpu.memory_space<vmem_shared>>)
        %dma_start3A_154 = arith.constant 0 : i32
        %dma_start3A_155 = tpu.memref_slice %arg8[%add3A_147, %dma_start3A_154] : memref<40x64xi32, #tpu.memory_space<vmem>> -> memref<1x64xi32, #tpu.memory_space<vmem>>
        %dma_start3A_156 = tpu.memref_squeeze %dma_start3A_155 : memref<1x64xi32, #tpu.memory_space<vmem>> -> memref<64xi32, #tpu.memory_space<vmem>>
        %dma_start3A_157 = arith.constant 0 : i32
        %dma_start3A_158 = arith.constant 0 : i32
        %dma_start3A_159 = tpu.memref_slice %arg2[%dma_start3A_157, %dma_start3A_158] : memref<10000x128xf32, #tpu.memory_space<hbm>> -> memref<10000x128xf32, #tpu.memory_space<hbm>>
        tpu.enqueue_indirect_dma source(%dma_start3A_159 : memref<10000x128xf32, #tpu.memory_space<hbm>>) target(%arg14 : memref<64x128xf32, #tpu.memory_space<vmem>>) offsets(%dma_start3A_156 : memref<64xi32, #tpu.memory_space<vmem>>) semaphore(%arg19 : memref<!tpu.dma_semaphore, #tpu.memory_space<semaphore_mem>>)
        %mul3A_160 = arith.constant 4 : i32
        %mul3A_161 = arith.muli %scan3A_94, %mul3A_160 : i32
        %add3A_162 = arith.constant 0 : i32
        %add3A_163 = arith.addi %mul3A_161, %add3A_162 : i32
        %dma_wait3A_164 = arith.constant 0 : i32
        %dma_wait3A_165 = tpu.memref_slice %arg8[%add3A_99, %dma_wait3A_164] : memref<40x64xi32, #tpu.memory_space<vmem>> -> memref<1x64xi32, #tpu.memory_space<vmem>>
        %dma_wait3A_166 = tpu.memref_squeeze %dma_wait3A_165 : memref<1x64xi32, #tpu.memory_space<vmem>> -> memref<64xi32, #tpu.memory_space<vmem>>
        %dma_wait3A_167 = arith.constant 0 : i32
        %dma_wait3A_168 = arith.constant 0 : i32
        %dma_wait3A_169 = tpu.memref_slice %arg2[%dma_wait3A_167, %dma_wait3A_168] : memref<10000x128xf32, #tpu.memory_space<hbm>> -> memref<10000x128xf32, #tpu.memory_space<hbm>>
        tpu.wait_indirect_dma semaphore(%arg16 : memref<!tpu.dma_semaphore, #tpu.memory_space<semaphore_mem>>) src(%dma_wait3A_169 : memref<10000x128xf32, #tpu.memory_space<hbm>>) dst(%arg11 : memref<64x128xf32, #tpu.memory_space<vmem>>)
        %dma_start3A_170 = arith.constant 0 : i32
        %dma_start3A_171 = tpu.memref_slice %arg9[%add3A_163, %dma_start3A_170] : memref<40x64xi32, #tpu.memory_space<vmem>> -> memref<1x64xi32, #tpu.memory_space<vmem>>
        %dma_start3A_172 = tpu.memref_squeeze %dma_start3A_171 : memref<1x64xi32, #tpu.memory_space<vmem>> -> memref<64xi32, #tpu.memory_space<vmem>>
        %dma_start3A_173 = arith.constant 0 : i32
        %dma_start3A_174 = arith.constant 0 : i32
        %dma_start3A_175 = tpu.memref_slice %arg15[%dma_start3A_173, %dma_start3A_174] : memref<10240x128xf32, #tpu.memory_space<vmem_shared>> -> memref<10240x128xf32, #tpu.memory_space<vmem_shared>>
        tpu.enqueue_indirect_dma source(%arg11 : memref<64x128xf32, #tpu.memory_space<vmem>>) target(%dma_start3A_175 : memref<10240x128xf32, #tpu.memory_space<vmem_shared>>) offsets(%dma_start3A_172 : memref<64xi32, #tpu.memory_space<vmem>>) semaphore(%arg20 : memref<!tpu.dma_semaphore, #tpu.memory_space<semaphore_mem>>) {add = true}
        %mul3A_176 = arith.constant 4 : i32
        %mul3A_177 = arith.muli %scan3A_94, %mul3A_176 : i32
        %add3A_178 = arith.constant 1 : i32
        %add3A_179 = arith.addi %mul3A_177, %add3A_178 : i32
        %dma_wait3A_180 = arith.constant 0 : i32
        %dma_wait3A_181 = tpu.memref_slice %arg8[%add3A_115, %dma_wait3A_180] : memref<40x64xi32, #tpu.memory_space<vmem>> -> memref<1x64xi32, #tpu.memory_space<vmem>>
        %dma_wait3A_182 = tpu.memref_squeeze %dma_wait3A_181 : memref<1x64xi32, #tpu.memory_space<vmem>> -> memref<64xi32, #tpu.memory_space<vmem>>
        %dma_wait3A_183 = arith.constant 0 : i32
        %dma_wait3A_184 = arith.constant 0 : i32
        %dma_wait3A_185 = tpu.memref_slice %arg2[%dma_wait3A_183, %dma_wait3A_184] : memref<10000x128xf32, #tpu.memory_space<hbm>> -> memref<10000x128xf32, #tpu.memory_space<hbm>>
        tpu.wait_indirect_dma semaphore(%arg17 : memref<!tpu.dma_semaphore, #tpu.memory_space<semaphore_mem>>) src(%dma_wait3A_185 : memref<10000x128xf32, #tpu.memory_space<hbm>>) dst(%arg12 : memref<64x128xf32, #tpu.memory_space<vmem>>)
        %dma_start3A_186 = arith.constant 0 : i32
        %dma_start3A_187 = tpu.memref_slice %arg9[%add3A_179, %dma_start3A_186] : memref<40x64xi32, #tpu.memory_space<vmem>> -> memref<1x64xi32, #tpu.memory_space<vmem>>
        %dma_start3A_188 = tpu.memref_squeeze %dma_start3A_187 : memref<1x64xi32, #tpu.memory_space<vmem>> -> memref<64xi32, #tpu.memory_space<vmem>>
        %dma_start3A_189 = arith.constant 0 : i32
        %dma_start3A_190 = arith.constant 0 : i32
        %dma_start3A_191 = tpu.memref_slice %arg15[%dma_start3A_189, %dma_start3A_190] : memref<10240x128xf32, #tpu.memory_space<vmem_shared>> -> memref<10240x128xf32, #tpu.memory_space<vmem_shared>>
        tpu.enqueue_indirect_dma source(%arg12 : memref<64x128xf32, #tpu.memory_space<vmem>>) target(%dma_start3A_191 : memref<10240x128xf32, #tpu.memory_space<vmem_shared>>) offsets(%dma_start3A_188 : memref<64xi32, #tpu.memory_space<vmem>>) semaphore(%arg21 : memref<!tpu.dma_semaphore, #tpu.memory_space<semaphore_mem>>) {add = true}
        %mul3A_192 = arith.constant 4 : i32
        %mul3A_193 = arith.muli %scan3A_94, %mul3A_192 : i32
        %add3A_194 = arith.constant 2 : i32
        %add3A_195 = arith.addi %mul3A_193, %add3A_194 : i32
        %dma_wait3A_196 = arith.constant 0 : i32
        %dma_wait3A_197 = tpu.memref_slice %arg8[%add3A_131, %dma_wait3A_196] : memref<40x64xi32, #tpu.memory_space<vmem>> -> memref<1x64xi32, #tpu.memory_space<vmem>>
        %dma_wait3A_198 = tpu.memref_squeeze %dma_wait3A_197 : memref<1x64xi32, #tpu.memory_space<vmem>> -> memref<64xi32, #tpu.memory_space<vmem>>
        %dma_wait3A_199 = arith.constant 0 : i32
        %dma_wait3A_200 = arith.constant 0 : i32
        %dma_wait3A_201 = tpu.memref_slice %arg2[%dma_wait3A_199, %dma_wait3A_200] : memref<10000x128xf32, #tpu.memory_space<hbm>> -> memref<10000x128xf32, #tpu.memory_space<hbm>>
        tpu.wait_indirect_dma semaphore(%arg18 : memref<!tpu.dma_semaphore, #tpu.memory_space<semaphore_mem>>) src(%dma_wait3A_201 : memref<10000x128xf32, #tpu.memory_space<hbm>>) dst(%arg13 : memref<64x128xf32, #tpu.memory_space<vmem>>)
        %dma_start3A_202 = arith.constant 0 : i32
        %dma_start3A_203 = tpu.memref_slice %arg9[%add3A_195, %dma_start3A_202] : memref<40x64xi32, #tpu.memory_space<vmem>> -> memref<1x64xi32, #tpu.memory_space<vmem>>
        %dma_start3A_204 = tpu.memref_squeeze %dma_start3A_203 : memref<1x64xi32, #tpu.memory_space<vmem>> -> memref<64xi32, #tpu.memory_space<vmem>>
        %dma_start3A_205 = arith.constant 0 : i32
        %dma_start3A_206 = arith.constant 0 : i32
        %dma_start3A_207 = tpu.memref_slice %arg15[%dma_start3A_205, %dma_start3A_206] : memref<10240x128xf32, #tpu.memory_space<vmem_shared>> -> memref<10240x128xf32, #tpu.memory_space<vmem_shared>>
        tpu.enqueue_indirect_dma source(%arg13 : memref<64x128xf32, #tpu.memory_space<vmem>>) target(%dma_start3A_207 : memref<10240x128xf32, #tpu.memory_space<vmem_shared>>) offsets(%dma_start3A_204 : memref<64xi32, #tpu.memory_space<vmem>>) semaphore(%arg22 : memref<!tpu.dma_semaphore, #tpu.memory_space<semaphore_mem>>) {add = true}
        %mul3A_208 = arith.constant 4 : i32
        %mul3A_209 = arith.muli %scan3A_94, %mul3A_208 : i32
        %add3A_210 = arith.constant 3 : i32
        %add3A_211 = arith.addi %mul3A_209, %add3A_210 : i32
        %dma_wait3A_212 = arith.constant 0 : i32
        %dma_wait3A_213 = tpu.memref_slice %arg8[%add3A_147, %dma_wait3A_212] : memref<40x64xi32, #tpu.memory_space<vmem>> -> memref<1x64xi32, #tpu.memory_space<vmem>>
        %dma_wait3A_214 = tpu.memref_squeeze %dma_wait3A_213 : memref<1x64xi32, #tpu.memory_space<vmem>> -> memref<64xi32, #tpu.memory_space<vmem>>
        %dma_wait3A_215 = arith.constant 0 : i32
        %dma_wait3A_216 = arith.constant 0 : i32
        %dma_wait3A_217 = tpu.memref_slice %arg2[%dma_wait3A_215, %dma_wait3A_216] : memref<10000x128xf32, #tpu.memory_space<hbm>> -> memref<10000x128xf32, #tpu.memory_space<hbm>>
        tpu.wait_indirect_dma semaphore(%arg19 : memref<!tpu.dma_semaphore, #tpu.memory_space<semaphore_mem>>) src(%dma_wait3A_217 : memref<10000x128xf32, #tpu.memory_space<hbm>>) dst(%arg14 : memref<64x128xf32, #tpu.memory_space<vmem>>)
        %dma_start3A_218 = arith.constant 0 : i32
        %dma_start3A_219 = tpu.memref_slice %arg9[%add3A_211, %dma_start3A_218] : memref<40x64xi32, #tpu.memory_space<vmem>> -> memref<1x64xi32, #tpu.memory_space<vmem>>
        %dma_start3A_220 = tpu.memref_squeeze %dma_start3A_219 : memref<1x64xi32, #tpu.memory_space<vmem>> -> memref<64xi32, #tpu.memory_space<vmem>>
        %dma_start3A_221 = arith.constant 0 : i32
        %dma_start3A_222 = arith.constant 0 : i32
        %dma_start3A_223 = tpu.memref_slice %arg15[%dma_start3A_221, %dma_start3A_222] : memref<10240x128xf32, #tpu.memory_space<vmem_shared>> -> memref<10240x128xf32, #tpu.memory_space<vmem_shared>>
        tpu.enqueue_indirect_dma source(%arg14 : memref<64x128xf32, #tpu.memory_space<vmem>>) target(%dma_start3A_223 : memref<10240x128xf32, #tpu.memory_space<vmem_shared>>) offsets(%dma_start3A_220 : memref<64xi32, #tpu.memory_space<vmem>>) semaphore(%arg23 : memref<!tpu.dma_semaphore, #tpu.memory_space<semaphore_mem>>) {add = true}
        %scan3A_224 = arith.constant 0 : i32
        scf.yield %scan3A_224 : i32
      }
      %scan3A_93 = arith.constant 10 : i32
      scf.yield %scan3A_92 : i32
    }
    %scan3A_35 = arith.constant 4 : i32
    %dma_wait3A = arith.constant 0 : i32
    %dma_wait3A_36 = arith.constant 0 : i32
    %dma_wait3A_37 = tpu.memref_slice %arg10[%dma_wait3A, %dma_wait3A_36] : memref<4x64xi32, #tpu.memory_space<vmem>> -> memref<1x64xi32, #tpu.memory_space<vmem>>
    %dma_wait3A_38 = tpu.memref_squeeze %dma_wait3A_37 : memref<1x64xi32, #tpu.memory_space<vmem>> -> memref<64xi32, #tpu.memory_space<vmem>>
    %dma_wait3A_39 = arith.constant 0 : i32
    %dma_wait3A_40 = arith.constant 0 : i32
    %dma_wait3A_41 = tpu.memref_slice %arg15[%dma_wait3A_39, %dma_wait3A_40] : memref<10240x128xf32, #tpu.memory_space<vmem_shared>> -> memref<10240x128xf32, #tpu.memory_space<vmem_shared>>
    tpu.wait_indirect_dma semaphore(%arg20 : memref<!tpu.dma_semaphore, #tpu.memory_space<semaphore_mem>>) src(%arg11 : memref<64x128xf32, #tpu.memory_space<vmem>>) dst(%dma_wait3A_41 : memref<10240x128xf32, #tpu.memory_space<vmem_shared>>)
    %dma_wait3A_42 = arith.constant 1 : i32
    %dma_wait3A_43 = arith.constant 0 : i32
    %dma_wait3A_44 = tpu.memref_slice %arg10[%dma_wait3A_42, %dma_wait3A_43] : memref<4x64xi32, #tpu.memory_space<vmem>> -> memref<1x64xi32, #tpu.memory_space<vmem>>
    %dma_wait3A_45 = tpu.memref_squeeze %dma_wait3A_44 : memref<1x64xi32, #tpu.memory_space<vmem>> -> memref<64xi32, #tpu.memory_space<vmem>>
    %dma_wait3A_46 = arith.constant 0 : i32
    %dma_wait3A_47 = arith.constant 0 : i32
    %dma_wait3A_48 = tpu.memref_slice %arg15[%dma_wait3A_46, %dma_wait3A_47] : memref<10240x128xf32, #tpu.memory_space<vmem_shared>> -> memref<10240x128xf32, #tpu.memory_space<vmem_shared>>
    tpu.wait_indirect_dma semaphore(%arg21 : memref<!tpu.dma_semaphore, #tpu.memory_space<semaphore_mem>>) src(%arg12 : memref<64x128xf32, #tpu.memory_space<vmem>>) dst(%dma_wait3A_48 : memref<10240x128xf32, #tpu.memory_space<vmem_shared>>)
    %dma_wait3A_49 = arith.constant 2 : i32
    %dma_wait3A_50 = arith.constant 0 : i32
    %dma_wait3A_51 = tpu.memref_slice %arg10[%dma_wait3A_49, %dma_wait3A_50] : memref<4x64xi32, #tpu.memory_space<vmem>> -> memref<1x64xi32, #tpu.memory_space<vmem>>
    %dma_wait3A_52 = tpu.memref_squeeze %dma_wait3A_51 : memref<1x64xi32, #tpu.memory_space<vmem>> -> memref<64xi32, #tpu.memory_space<vmem>>
    %dma_wait3A_53 = arith.constant 0 : i32
    %dma_wait3A_54 = arith.constant 0 : i32
    %dma_wait3A_55 = tpu.memref_slice %arg15[%dma_wait3A_53, %dma_wait3A_54] : memref<10240x128xf32, #tpu.memory_space<vmem_shared>> -> memref<10240x128xf32, #tpu.memory_space<vmem_shared>>
    tpu.wait_indirect_dma semaphore(%arg22 : memref<!tpu.dma_semaphore, #tpu.memory_space<semaphore_mem>>) src(%arg13 : memref<64x128xf32, #tpu.memory_space<vmem>>) dst(%dma_wait3A_55 : memref<10240x128xf32, #tpu.memory_space<vmem_shared>>)
    %dma_wait3A_56 = arith.constant 3 : i32
    %dma_wait3A_57 = arith.constant 0 : i32
    %dma_wait3A_58 = tpu.memref_slice %arg10[%dma_wait3A_56, %dma_wait3A_57] : memref<4x64xi32, #tpu.memory_space<vmem>> -> memref<1x64xi32, #tpu.memory_space<vmem>>
    %dma_wait3A_59 = tpu.memref_squeeze %dma_wait3A_58 : memref<1x64xi32, #tpu.memory_space<vmem>> -> memref<64xi32, #tpu.memory_space<vmem>>
    %dma_wait3A_60 = arith.constant 0 : i32
    %dma_wait3A_61 = arith.constant 0 : i32
    %dma_wait3A_62 = tpu.memref_slice %arg15[%dma_wait3A_60, %dma_wait3A_61] : memref<10240x128xf32, #tpu.memory_space<vmem_shared>> -> memref<10240x128xf32, #tpu.memory_space<vmem_shared>>
    tpu.wait_indirect_dma semaphore(%arg23 : memref<!tpu.dma_semaphore, #tpu.memory_space<semaphore_mem>>) src(%arg14 : memref<64x128xf32, #tpu.memory_space<vmem>>) dst(%dma_wait3A_62 : memref<10240x128xf32, #tpu.memory_space<vmem_shared>>)
    %barrier3A_63 = arith.constant 0 : index
    tpu.barrier barrier_id(%barrier3A_63)
    "tpu.region"() ({
      %run_scoped3A = tpu.sem_alloc : memref<!tpu.dma_semaphore, #tpu.memory_space<semaphore_mem>>
      %dma_start3A_64 = arith.constant 0 : i32
      %dma_start3A_65 = tpu.memref_slice %arg7[%arg0, %mul3A_2, %dma_start3A_64] : memref<2x10240x128xf32, #tpu.memory_space<hbm>> -> memref<1x640x128xf32, #tpu.memory_space<hbm>>
      %dma_start3A_66 = tpu.memref_squeeze %dma_start3A_65 : memref<1x640x128xf32, #tpu.memory_space<hbm>> -> memref<640x128xf32, #tpu.memory_space<hbm>>
      %dma_start3A_67 = arith.constant 0 : i32
      %dma_start3A_68 = tpu.memref_slice %arg15[%mul3A_2, %dma_start3A_67] : memref<10240x128xf32, #tpu.memory_space<vmem_shared>> -> memref<640x128xf32, #tpu.memory_space<vmem_shared>>
      tpu.enqueue_dma source(%dma_start3A_68 : memref<640x128xf32, #tpu.memory_space<vmem_shared>>) target(%dma_start3A_66 : memref<640x128xf32, #tpu.memory_space<hbm>>) target_semaphore(%run_scoped3A : memref<!tpu.dma_semaphore, #tpu.memory_space<semaphore_mem>>)
      %dma_wait3A_69 = arith.constant 0 : i32
      %dma_wait3A_70 = tpu.memref_slice %arg7[%arg0, %mul3A_2, %dma_wait3A_69] : memref<2x10240x128xf32, #tpu.memory_space<hbm>> -> memref<1x640x128xf32, #tpu.memory_space<hbm>>
      %dma_wait3A_71 = tpu.memref_squeeze %dma_wait3A_70 : memref<1x640x128xf32, #tpu.memory_space<hbm>> -> memref<640x128xf32, #tpu.memory_space<hbm>>
      %dma_wait3A_72 = arith.constant 0 : i32
      %dma_wait3A_73 = tpu.memref_slice %arg15[%mul3A_2, %dma_wait3A_72] : memref<10240x128xf32, #tpu.memory_space<vmem_shared>> -> memref<640x128xf32, #tpu.memory_space<vmem_shared>>
      tpu.wait_dma2 semaphore(%run_scoped3A : memref<!tpu.dma_semaphore, #tpu.memory_space<semaphore_mem>>) src(%dma_wait3A_73 : memref<640x128xf32, #tpu.memory_space<vmem_shared>>) dst(%dma_wait3A_71 : memref<640x128xf32, #tpu.memory_space<hbm>>)
      tpu.yield
    }) : () -> ()
    return
  }
}

#map = affine_map<(d0, d1) -> (0, 0)>
#map1 = affine_map<(d0, d1) -> (0, 0, 0)>
module attributes {stable_mosaic.version = 14 : i64} {
  func.func @_sc_scatter_body(%arg0: i32, %arg1: i32, %arg2: memref<10000x128xf32, #tpu.memory_space<hbm>>, %arg3: memref<5120x64xi32, #tpu.memory_space<hbm>>, %arg4: memref<5120x64xi32, #tpu.memory_space<hbm>>, %arg5: memref<640x128xf32, #tpu.memory_space<hbm>>, %arg6: memref<4x64xi32, #tpu.memory_space<hbm>>, %arg7: memref<2x10240x128xf32, #tpu.memory_space<hbm>>, %arg8: memref<40x64xi32, #tpu.memory_space<vmem>>, %arg9: memref<40x64xi32, #tpu.memory_space<vmem>>, %arg10: memref<4x64xi32, #tpu.memory_space<vmem>>, %arg11: memref<64x128xf32, #tpu.memory_space<vmem>>, %arg12: memref<64x128xf32, #tpu.memory_space<vmem>>, %arg13: memref<64x128xf32, #tpu.memory_space<vmem>>, %arg14: memref<64x128xf32, #tpu.memory_space<vmem>>, %arg15: memref<10240x128xf32, #tpu.memory_space<vmem_shared>>, %arg16: memref<!tpu.dma_semaphore, #tpu.memory_space<semaphore_mem>>, %arg17: memref<!tpu.dma_semaphore, #tpu.memory_space<semaphore_mem>>, %arg18: memref<!tpu.dma_semaphore, #tpu.memory_space<semaphore_mem>>, %arg19: memref<!tpu.dma_semaphore, #tpu.memory_space<semaphore_mem>>, %arg20: memref<!tpu.dma_semaphore, #tpu.memory_space<semaphore_mem>>, %arg21: memref<!tpu.dma_semaphore, #tpu.memory_space<semaphore_mem>>, %arg22: memref<!tpu.dma_semaphore, #tpu.memory_space<semaphore_mem>>, %arg23: memref<!tpu.dma_semaphore, #tpu.memory_space<semaphore_mem>>) attributes {dimension_semantics = [#tpu.dimension_semantics<core_parallel>, #tpu.dimension_semantics<subcore_parallel>], iteration_bounds = array<i64: 2, 16>, scalar_prefetch = 0 : i64, scratch_operands = 16 : i64, tpu.core_type = #tpu.core_type<sc_vector_subcore>, window_params = [{transform_indices = #map}, {transform_indices = #map}, {transform_indices = #map}, {transform_indices = #map}, {transform_indices = #map}, {transform_indices = #map1}]} {
    %mul3A = arith.constant 16 : i32
    %mul3A_0 = arith.muli %arg0, %mul3A : i32
    %add3A = arith.addi %mul3A_0, %arg1 : i32
    %mul3A_1 = arith.constant 640 : i32
    %mul3A_2 = arith.muli %arg1, %mul3A_1 : i32
    "tpu.region"() ({
      %run_scoped3A = tpu.sem_alloc : memref<!tpu.dma_semaphore, #tpu.memory_space<semaphore_mem>>
      tpu.enqueue_dma source(%arg6 : memref<4x64xi32, #tpu.memory_space<hbm>>) target(%arg10 : memref<4x64xi32, #tpu.memory_space<vmem>>) target_semaphore(%run_scoped3A : memref<!tpu.dma_semaphore, #tpu.memory_space<semaphore_mem>>)
      tpu.wait_dma2 semaphore(%run_scoped3A : memref<!tpu.dma_semaphore, #tpu.memory_space<semaphore_mem>>) src(%arg6 : memref<4x64xi32, #tpu.memory_space<hbm>>) dst(%arg10 : memref<4x64xi32, #tpu.memory_space<vmem>>)
      tpu.yield
    }) : () -> ()
    "tpu.region"() ({
      %run_scoped3A = tpu.sem_alloc : memref<!tpu.dma_semaphore, #tpu.memory_space<semaphore_mem>>
      %dma_start3A_64 = arith.constant 0 : i32
      %dma_start3A_65 = tpu.memref_slice %arg15[%mul3A_2, %dma_start3A_64] : memref<10240x128xf32, #tpu.memory_space<vmem_shared>> -> memref<640x128xf32, #tpu.memory_space<vmem_shared>>
      tpu.enqueue_dma source(%arg5 : memref<640x128xf32, #tpu.memory_space<hbm>>) target(%dma_start3A_65 : memref<640x128xf32, #tpu.memory_space<vmem_shared>>) target_semaphore(%run_scoped3A : memref<!tpu.dma_semaphore, #tpu.memory_space<semaphore_mem>>)
      %dma_wait3A_66 = arith.constant 0 : i32
      %dma_wait3A_67 = tpu.memref_slice %arg15[%mul3A_2, %dma_wait3A_66] : memref<10240x128xf32, #tpu.memory_space<vmem_shared>> -> memref<640x128xf32, #tpu.memory_space<vmem_shared>>
      tpu.wait_dma2 semaphore(%run_scoped3A : memref<!tpu.dma_semaphore, #tpu.memory_space<semaphore_mem>>) src(%arg5 : memref<640x128xf32, #tpu.memory_space<hbm>>) dst(%dma_wait3A_67 : memref<640x128xf32, #tpu.memory_space<vmem_shared>>)
      tpu.yield
    }) : () -> ()
    %barrier3A = arith.constant 0 : index
    tpu.barrier barrier_id(%barrier3A)
    %dma_start3A = arith.constant 0 : i32
    %dma_start3A_3 = arith.constant 0 : i32
    %dma_start3A_4 = tpu.memref_slice %arg10[%dma_start3A, %dma_start3A_3] : memref<4x64xi32, #tpu.memory_space<vmem>> -> memref<1x64xi32, #tpu.memory_space<vmem>>
    %dma_start3A_5 = tpu.memref_squeeze %dma_start3A_4 : memref<1x64xi32, #tpu.memory_space<vmem>> -> memref<64xi32, #tpu.memory_space<vmem>>
    %dma_start3A_6 = arith.constant 0 : i32
    %dma_start3A_7 = arith.constant 0 : i32
    %dma_start3A_8 = tpu.memref_slice %arg15[%dma_start3A_6, %dma_start3A_7] : memref<10240x128xf32, #tpu.memory_space<vmem_shared>> -> memref<10240x128xf32, #tpu.memory_space<vmem_shared>>
    tpu.enqueue_indirect_dma source(%arg11 : memref<64x128xf32, #tpu.memory_space<vmem>>) target(%dma_start3A_8 : memref<10240x128xf32, #tpu.memory_space<vmem_shared>>) offsets(%dma_start3A_5 : memref<64xi32, #tpu.memory_space<vmem>>) semaphore(%arg20 : memref<!tpu.dma_semaphore, #tpu.memory_space<semaphore_mem>>) {add = true}
    %dma_start3A_9 = arith.constant 1 : i32
    %dma_start3A_10 = arith.constant 0 : i32
    %dma_start3A_11 = tpu.memref_slice %arg10[%dma_start3A_9, %dma_start3A_10] : memref<4x64xi32, #tpu.memory_space<vmem>> -> memref<1x64xi32, #tpu.memory_space<vmem>>
    %dma_start3A_12 = tpu.memref_squeeze %dma_start3A_11 : memref<1x64xi32, #tpu.memory_space<vmem>> -> memref<64xi32, #tpu.memory_space<vmem>>
    %dma_start3A_13 = arith.constant 0 : i32
    %dma_start3A_14 = arith.constant 0 : i32
    %dma_start3A_15 = tpu.memref_slice %arg15[%dma_start3A_13, %dma_start3A_14] : memref<10240x128xf32, #tpu.memory_space<vmem_shared>> -> memref<10240x128xf32, #tpu.memory_space<vmem_shared>>
    tpu.enqueue_indirect_dma source(%arg12 : memref<64x128xf32, #tpu.memory_space<vmem>>) target(%dma_start3A_15 : memref<10240x128xf32, #tpu.memory_space<vmem_shared>>) offsets(%dma_start3A_12 : memref<64xi32, #tpu.memory_space<vmem>>) semaphore(%arg21 : memref<!tpu.dma_semaphore, #tpu.memory_space<semaphore_mem>>) {add = true}
    %dma_start3A_16 = arith.constant 2 : i32
    %dma_start3A_17 = arith.constant 0 : i32
    %dma_start3A_18 = tpu.memref_slice %arg10[%dma_start3A_16, %dma_start3A_17] : memref<4x64xi32, #tpu.memory_space<vmem>> -> memref<1x64xi32, #tpu.memory_space<vmem>>
    %dma_start3A_19 = tpu.memref_squeeze %dma_start3A_18 : memref<1x64xi32, #tpu.memory_space<vmem>> -> memref<64xi32, #tpu.memory_space<vmem>>
    %dma_start3A_20 = arith.constant 0 : i32
    %dma_start3A_21 = arith.constant 0 : i32
    %dma_start3A_22 = tpu.memref_slice %arg15[%dma_start3A_20, %dma_start3A_21] : memref<10240x128xf32, #tpu.memory_space<vmem_shared>> -> memref<10240x128xf32, #tpu.memory_space<vmem_shared>>
    tpu.enqueue_indirect_dma source(%arg13 : memref<64x128xf32, #tpu.memory_space<vmem>>) target(%dma_start3A_22 : memref<10240x128xf32, #tpu.memory_space<vmem_shared>>) offsets(%dma_start3A_19 : memref<64xi32, #tpu.memory_space<vmem>>) semaphore(%arg22 : memref<!tpu.dma_semaphore, #tpu.memory_space<semaphore_mem>>) {add = true}
    %dma_start3A_23 = arith.constant 3 : i32
    %dma_start3A_24 = arith.constant 0 : i32
    %dma_start3A_25 = tpu.memref_slice %arg10[%dma_start3A_23, %dma_start3A_24] : memref<4x64xi32, #tpu.memory_space<vmem>> -> memref<1x64xi32, #tpu.memory_space<vmem>>
    %dma_start3A_26 = tpu.memref_squeeze %dma_start3A_25 : memref<1x64xi32, #tpu.memory_space<vmem>> -> memref<64xi32, #tpu.memory_space<vmem>>
    %dma_start3A_27 = arith.constant 0 : i32
    %dma_start3A_28 = arith.constant 0 : i32
    %dma_start3A_29 = tpu.memref_slice %arg15[%dma_start3A_27, %dma_start3A_28] : memref<10240x128xf32, #tpu.memory_space<vmem_shared>> -> memref<10240x128xf32, #tpu.memory_space<vmem_shared>>
    tpu.enqueue_indirect_dma source(%arg14 : memref<64x128xf32, #tpu.memory_space<vmem>>) target(%dma_start3A_29 : memref<10240x128xf32, #tpu.memory_space<vmem_shared>>) offsets(%dma_start3A_26 : memref<64xi32, #tpu.memory_space<vmem>>) semaphore(%arg23 : memref<!tpu.dma_semaphore, #tpu.memory_space<semaphore_mem>>) {add = true}
    %scan3A = arith.constant 0 : i32
    %scan3A_30 = arith.constant 0 : i32
    %scan3A_31 = arith.constant 4 : i32
    %scan3A_32 = arith.addi %scan3A_30, %scan3A_31 : i32
    %scan3A_33 = arith.constant 1 : i32
    %scan3A_34 = scf.for %scan3A_64 = %scan3A_30 to %scan3A_32 step %scan3A_33 iter_args(%scan3A_65 = %scan3A) -> (i32)  : i32 {
      %mul3A_66 = arith.constant 160 : i32
      %mul3A_67 = arith.muli %add3A, %mul3A_66 : i32
      %mul3A_68 = arith.constant 40 : i32
      %mul3A_69 = arith.muli %scan3A_64, %mul3A_68 : i32
      %add3A_70 = arith.addi %mul3A_67, %mul3A_69 : i32
      %dma_start3A_71 = arith.constant 0 : i32
      %dma_start3A_72 = tpu.memref_slice %arg3[%add3A_70, %dma_start3A_71] : memref<5120x64xi32, #tpu.memory_space<hbm>> -> memref<40x64xi32, #tpu.memory_space<hbm>>
      %dma_start3A_73 = arith.constant 0 : i32
      %dma_start3A_74 = tpu.memref_slice %arg3[%add3A_70, %dma_start3A_73] : memref<5120x64xi32, #tpu.memory_space<hbm>> -> memref<40x64xi32, #tpu.memory_space<hbm>>
      tpu.enqueue_dma source(%dma_start3A_74 : memref<40x64xi32, #tpu.memory_space<hbm>>) target(%arg8 : memref<40x64xi32, #tpu.memory_space<vmem>>) target_semaphore(%arg16 : memref<!tpu.dma_semaphore, #tpu.memory_space<semaphore_mem>>)
      %dma_start3A_75 = arith.constant 0 : i32
      %dma_start3A_76 = tpu.memref_slice %arg4[%add3A_70, %dma_start3A_75] : memref<5120x64xi32, #tpu.memory_space<hbm>> -> memref<40x64xi32, #tpu.memory_space<hbm>>
      %dma_start3A_77 = arith.constant 0 : i32
      %dma_start3A_78 = tpu.memref_slice %arg4[%add3A_70, %dma_start3A_77] : memref<5120x64xi32, #tpu.memory_space<hbm>> -> memref<40x64xi32, #tpu.memory_space<hbm>>
      tpu.enqueue_dma source(%dma_start3A_78 : memref<40x64xi32, #tpu.memory_space<hbm>>) target(%arg9 : memref<40x64xi32, #tpu.memory_space<vmem>>) target_semaphore(%arg17 : memref<!tpu.dma_semaphore, #tpu.memory_space<semaphore_mem>>)
      %dma_wait3A_79 = arith.constant 0 : i32
      %dma_wait3A_80 = tpu.memref_slice %arg3[%add3A_70, %dma_wait3A_79] : memref<5120x64xi32, #tpu.memory_space<hbm>> -> memref<40x64xi32, #tpu.memory_space<hbm>>
      %dma_wait3A_81 = arith.constant 0 : i32
      %dma_wait3A_82 = tpu.memref_slice %arg3[%add3A_70, %dma_wait3A_81] : memref<5120x64xi32, #tpu.memory_space<hbm>> -> memref<40x64xi32, #tpu.memory_space<hbm>>
      tpu.wait_dma2 semaphore(%arg16 : memref<!tpu.dma_semaphore, #tpu.memory_space<semaphore_mem>>) src(%dma_wait3A_82 : memref<40x64xi32, #tpu.memory_space<hbm>>) dst(%arg8 : memref<40x64xi32, #tpu.memory_space<vmem>>)
      %dma_wait3A_83 = arith.constant 0 : i32
      %dma_wait3A_84 = tpu.memref_slice %arg4[%add3A_70, %dma_wait3A_83] : memref<5120x64xi32, #tpu.memory_space<hbm>> -> memref<40x64xi32, #tpu.memory_space<hbm>>
      %dma_wait3A_85 = arith.constant 0 : i32
      %dma_wait3A_86 = tpu.memref_slice %arg4[%add3A_70, %dma_wait3A_85] : memref<5120x64xi32, #tpu.memory_space<hbm>> -> memref<40x64xi32, #tpu.memory_space<hbm>>
      tpu.wait_dma2 semaphore(%arg17 : memref<!tpu.dma_semaphore, #tpu.memory_space<semaphore_mem>>) src(%dma_wait3A_86 : memref<40x64xi32, #tpu.memory_space<hbm>>) dst(%arg9 : memref<40x64xi32, #tpu.memory_space<vmem>>)
      %scan3A_87 = arith.constant 0 : i32
      %scan3A_88 = arith.constant 0 : i32
      %scan3A_89 = arith.constant 10 : i32
      %scan3A_90 = arith.addi %scan3A_88, %scan3A_89 : i32
      %scan3A_91 = arith.constant 1 : i32
      %scan3A_92 = scf.for %scan3A_94 = %scan3A_88 to %scan3A_90 step %scan3A_91 iter_args(%scan3A_95 = %scan3A_87) -> (i32)  : i32 {
        %mul3A_96 = arith.constant 4 : i32
        %mul3A_97 = arith.muli %scan3A_94, %mul3A_96 : i32
        %add3A_98 = arith.constant 0 : i32
        %add3A_99 = arith.addi %mul3A_97, %add3A_98 : i32
        %dma_wait3A_100 = arith.constant 0 : i32
        %dma_wait3A_101 = tpu.memref_slice %arg9[%add3A_99, %dma_wait3A_100] : memref<40x64xi32, #tpu.memory_space<vmem>> -> memref<1x64xi32, #tpu.memory_space<vmem>>
        %dma_wait3A_102 = tpu.memref_squeeze %dma_wait3A_101 : memref<1x64xi32, #tpu.memory_space<vmem>> -> memref<64xi32, #tpu.memory_space<vmem>>
        %dma_wait3A_103 = arith.constant 0 : i32
        %dma_wait3A_104 = arith.constant 0 : i32
        %dma_wait3A_105 = tpu.memref_slice %arg15[%dma_wait3A_103, %dma_wait3A_104] : memref<10240x128xf32, #tpu.memory_space<vmem_shared>> -> memref<10240x128xf32, #tpu.memory_space<vmem_shared>>
        tpu.wait_indirect_dma semaphore(%arg20 : memref<!tpu.dma_semaphore, #tpu.memory_space<semaphore_mem>>) src(%arg11 : memref<64x128xf32, #tpu.memory_space<vmem>>) dst(%dma_wait3A_105 : memref<10240x128xf32, #tpu.memory_space<vmem_shared>>)
        %dma_start3A_106 = arith.constant 0 : i32
        %dma_start3A_107 = tpu.memref_slice %arg8[%add3A_99, %dma_start3A_106] : memref<40x64xi32, #tpu.memory_space<vmem>> -> memref<1x64xi32, #tpu.memory_space<vmem>>
        %dma_start3A_108 = tpu.memref_squeeze %dma_start3A_107 : memref<1x64xi32, #tpu.memory_space<vmem>> -> memref<64xi32, #tpu.memory_space<vmem>>
        %dma_start3A_109 = arith.constant 0 : i32
        %dma_start3A_110 = arith.constant 0 : i32
        %dma_start3A_111 = tpu.memref_slice %arg2[%dma_start3A_109, %dma_start3A_110] : memref<10000x128xf32, #tpu.memory_space<hbm>> -> memref<10000x128xf32, #tpu.memory_space<hbm>>
        tpu.enqueue_indirect_dma source(%dma_start3A_111 : memref<10000x128xf32, #tpu.memory_space<hbm>>) target(%arg11 : memref<64x128xf32, #tpu.memory_space<vmem>>) offsets(%dma_start3A_108 : memref<64xi32, #tpu.memory_space<vmem>>) semaphore(%arg16 : memref<!tpu.dma_semaphore, #tpu.memory_space<semaphore_mem>>)
        %mul3A_112 = arith.constant 4 : i32
        %mul3A_113 = arith.muli %scan3A_94, %mul3A_112 : i32
        %add3A_114 = arith.constant 1 : i32
        %add3A_115 = arith.addi %mul3A_113, %add3A_114 : i32
        %dma_wait3A_116 = arith.constant 0 : i32
        %dma_wait3A_117 = tpu.memref_slice %arg9[%add3A_115, %dma_wait3A_116] : memref<40x64xi32, #tpu.memory_space<vmem>> -> memref<1x64xi32, #tpu.memory_space<vmem>>
        %dma_wait3A_118 = tpu.memref_squeeze %dma_wait3A_117 : memref<1x64xi32, #tpu.memory_space<vmem>> -> memref<64xi32, #tpu.memory_space<vmem>>
        %dma_wait3A_119 = arith.constant 0 : i32
        %dma_wait3A_120 = arith.constant 0 : i32
        %dma_wait3A_121 = tpu.memref_slice %arg15[%dma_wait3A_119, %dma_wait3A_120] : memref<10240x128xf32, #tpu.memory_space<vmem_shared>> -> memref<10240x128xf32, #tpu.memory_space<vmem_shared>>
        tpu.wait_indirect_dma semaphore(%arg21 : memref<!tpu.dma_semaphore, #tpu.memory_space<semaphore_mem>>) src(%arg12 : memref<64x128xf32, #tpu.memory_space<vmem>>) dst(%dma_wait3A_121 : memref<10240x128xf32, #tpu.memory_space<vmem_shared>>)
        %dma_start3A_122 = arith.constant 0 : i32
        %dma_start3A_123 = tpu.memref_slice %arg8[%add3A_115, %dma_start3A_122] : memref<40x64xi32, #tpu.memory_space<vmem>> -> memref<1x64xi32, #tpu.memory_space<vmem>>
        %dma_start3A_124 = tpu.memref_squeeze %dma_start3A_123 : memref<1x64xi32, #tpu.memory_space<vmem>> -> memref<64xi32, #tpu.memory_space<vmem>>
        %dma_start3A_125 = arith.constant 0 : i32
        %dma_start3A_126 = arith.constant 0 : i32
        %dma_start3A_127 = tpu.memref_slice %arg2[%dma_start3A_125, %dma_start3A_126] : memref<10000x128xf32, #tpu.memory_space<hbm>> -> memref<10000x128xf32, #tpu.memory_space<hbm>>
        tpu.enqueue_indirect_dma source(%dma_start3A_127 : memref<10000x128xf32, #tpu.memory_space<hbm>>) target(%arg12 : memref<64x128xf32, #tpu.memory_space<vmem>>) offsets(%dma_start3A_124 : memref<64xi32, #tpu.memory_space<vmem>>) semaphore(%arg17 : memref<!tpu.dma_semaphore, #tpu.memory_space<semaphore_mem>>)
        %mul3A_128 = arith.constant 4 : i32
        %mul3A_129 = arith.muli %scan3A_94, %mul3A_128 : i32
        %add3A_130 = arith.constant 2 : i32
        %add3A_131 = arith.addi %mul3A_129, %add3A_130 : i32
        %dma_wait3A_132 = arith.constant 0 : i32
        %dma_wait3A_133 = tpu.memref_slice %arg9[%add3A_131, %dma_wait3A_132] : memref<40x64xi32, #tpu.memory_space<vmem>> -> memref<1x64xi32, #tpu.memory_space<vmem>>
        %dma_wait3A_134 = tpu.memref_squeeze %dma_wait3A_133 : memref<1x64xi32, #tpu.memory_space<vmem>> -> memref<64xi32, #tpu.memory_space<vmem>>
        %dma_wait3A_135 = arith.constant 0 : i32
        %dma_wait3A_136 = arith.constant 0 : i32
        %dma_wait3A_137 = tpu.memref_slice %arg15[%dma_wait3A_135, %dma_wait3A_136] : memref<10240x128xf32, #tpu.memory_space<vmem_shared>> -> memref<10240x128xf32, #tpu.memory_space<vmem_shared>>
        tpu.wait_indirect_dma semaphore(%arg22 : memref<!tpu.dma_semaphore, #tpu.memory_space<semaphore_mem>>) src(%arg13 : memref<64x128xf32, #tpu.memory_space<vmem>>) dst(%dma_wait3A_137 : memref<10240x128xf32, #tpu.memory_space<vmem_shared>>)
        %dma_start3A_138 = arith.constant 0 : i32
        %dma_start3A_139 = tpu.memref_slice %arg8[%add3A_131, %dma_start3A_138] : memref<40x64xi32, #tpu.memory_space<vmem>> -> memref<1x64xi32, #tpu.memory_space<vmem>>
        %dma_start3A_140 = tpu.memref_squeeze %dma_start3A_139 : memref<1x64xi32, #tpu.memory_space<vmem>> -> memref<64xi32, #tpu.memory_space<vmem>>
        %dma_start3A_141 = arith.constant 0 : i32
        %dma_start3A_142 = arith.constant 0 : i32
        %dma_start3A_143 = tpu.memref_slice %arg2[%dma_start3A_141, %dma_start3A_142] : memref<10000x128xf32, #tpu.memory_space<hbm>> -> memref<10000x128xf32, #tpu.memory_space<hbm>>
        tpu.enqueue_indirect_dma source(%dma_start3A_143 : memref<10000x128xf32, #tpu.memory_space<hbm>>) target(%arg13 : memref<64x128xf32, #tpu.memory_space<vmem>>) offsets(%dma_start3A_140 : memref<64xi32, #tpu.memory_space<vmem>>) semaphore(%arg18 : memref<!tpu.dma_semaphore, #tpu.memory_space<semaphore_mem>>)
        %mul3A_144 = arith.constant 4 : i32
        %mul3A_145 = arith.muli %scan3A_94, %mul3A_144 : i32
        %add3A_146 = arith.constant 3 : i32
        %add3A_147 = arith.addi %mul3A_145, %add3A_146 : i32
        %dma_wait3A_148 = arith.constant 0 : i32
        %dma_wait3A_149 = tpu.memref_slice %arg9[%add3A_147, %dma_wait3A_148] : memref<40x64xi32, #tpu.memory_space<vmem>> -> memref<1x64xi32, #tpu.memory_space<vmem>>
        %dma_wait3A_150 = tpu.memref_squeeze %dma_wait3A_149 : memref<1x64xi32, #tpu.memory_space<vmem>> -> memref<64xi32, #tpu.memory_space<vmem>>
        %dma_wait3A_151 = arith.constant 0 : i32
        %dma_wait3A_152 = arith.constant 0 : i32
        %dma_wait3A_153 = tpu.memref_slice %arg15[%dma_wait3A_151, %dma_wait3A_152] : memref<10240x128xf32, #tpu.memory_space<vmem_shared>> -> memref<10240x128xf32, #tpu.memory_space<vmem_shared>>
        tpu.wait_indirect_dma semaphore(%arg23 : memref<!tpu.dma_semaphore, #tpu.memory_space<semaphore_mem>>) src(%arg14 : memref<64x128xf32, #tpu.memory_space<vmem>>) dst(%dma_wait3A_153 : memref<10240x128xf32, #tpu.memory_space<vmem_shared>>)
        %dma_start3A_154 = arith.constant 0 : i32
        %dma_start3A_155 = tpu.memref_slice %arg8[%add3A_147, %dma_start3A_154] : memref<40x64xi32, #tpu.memory_space<vmem>> -> memref<1x64xi32, #tpu.memory_space<vmem>>
        %dma_start3A_156 = tpu.memref_squeeze %dma_start3A_155 : memref<1x64xi32, #tpu.memory_space<vmem>> -> memref<64xi32, #tpu.memory_space<vmem>>
        %dma_start3A_157 = arith.constant 0 : i32
        %dma_start3A_158 = arith.constant 0 : i32
        %dma_start3A_159 = tpu.memref_slice %arg2[%dma_start3A_157, %dma_start3A_158] : memref<10000x128xf32, #tpu.memory_space<hbm>> -> memref<10000x128xf32, #tpu.memory_space<hbm>>
        tpu.enqueue_indirect_dma source(%dma_start3A_159 : memref<10000x128xf32, #tpu.memory_space<hbm>>) target(%arg14 : memref<64x128xf32, #tpu.memory_space<vmem>>) offsets(%dma_start3A_156 : memref<64xi32, #tpu.memory_space<vmem>>) semaphore(%arg19 : memref<!tpu.dma_semaphore, #tpu.memory_space<semaphore_mem>>)
        %mul3A_160 = arith.constant 4 : i32
        %mul3A_161 = arith.muli %scan3A_94, %mul3A_160 : i32
        %add3A_162 = arith.constant 0 : i32
        %add3A_163 = arith.addi %mul3A_161, %add3A_162 : i32
        %dma_wait3A_164 = arith.constant 0 : i32
        %dma_wait3A_165 = tpu.memref_slice %arg8[%add3A_99, %dma_wait3A_164] : memref<40x64xi32, #tpu.memory_space<vmem>> -> memref<1x64xi32, #tpu.memory_space<vmem>>
        %dma_wait3A_166 = tpu.memref_squeeze %dma_wait3A_165 : memref<1x64xi32, #tpu.memory_space<vmem>> -> memref<64xi32, #tpu.memory_space<vmem>>
        %dma_wait3A_167 = arith.constant 0 : i32
        %dma_wait3A_168 = arith.constant 0 : i32
        %dma_wait3A_169 = tpu.memref_slice %arg2[%dma_wait3A_167, %dma_wait3A_168] : memref<10000x128xf32, #tpu.memory_space<hbm>> -> memref<10000x128xf32, #tpu.memory_space<hbm>>
        tpu.wait_indirect_dma semaphore(%arg16 : memref<!tpu.dma_semaphore, #tpu.memory_space<semaphore_mem>>) src(%dma_wait3A_169 : memref<10000x128xf32, #tpu.memory_space<hbm>>) dst(%arg11 : memref<64x128xf32, #tpu.memory_space<vmem>>)
        %dma_start3A_170 = arith.constant 0 : i32
        %dma_start3A_171 = tpu.memref_slice %arg9[%add3A_163, %dma_start3A_170] : memref<40x64xi32, #tpu.memory_space<vmem>> -> memref<1x64xi32, #tpu.memory_space<vmem>>
        %dma_start3A_172 = tpu.memref_squeeze %dma_start3A_171 : memref<1x64xi32, #tpu.memory_space<vmem>> -> memref<64xi32, #tpu.memory_space<vmem>>
        %dma_start3A_173 = arith.constant 0 : i32
        %dma_start3A_174 = arith.constant 0 : i32
        %dma_start3A_175 = tpu.memref_slice %arg15[%dma_start3A_173, %dma_start3A_174] : memref<10240x128xf32, #tpu.memory_space<vmem_shared>> -> memref<10240x128xf32, #tpu.memory_space<vmem_shared>>
        tpu.enqueue_indirect_dma source(%arg11 : memref<64x128xf32, #tpu.memory_space<vmem>>) target(%dma_start3A_175 : memref<10240x128xf32, #tpu.memory_space<vmem_shared>>) offsets(%dma_start3A_172 : memref<64xi32, #tpu.memory_space<vmem>>) semaphore(%arg20 : memref<!tpu.dma_semaphore, #tpu.memory_space<semaphore_mem>>) {add = true}
        %mul3A_176 = arith.constant 4 : i32
        %mul3A_177 = arith.muli %scan3A_94, %mul3A_176 : i32
        %add3A_178 = arith.constant 1 : i32
        %add3A_179 = arith.addi %mul3A_177, %add3A_178 : i32
        %dma_wait3A_180 = arith.constant 0 : i32
        %dma_wait3A_181 = tpu.memref_slice %arg8[%add3A_115, %dma_wait3A_180] : memref<40x64xi32, #tpu.memory_space<vmem>> -> memref<1x64xi32, #tpu.memory_space<vmem>>
        %dma_wait3A_182 = tpu.memref_squeeze %dma_wait3A_181 : memref<1x64xi32, #tpu.memory_space<vmem>> -> memref<64xi32, #tpu.memory_space<vmem>>
        %dma_wait3A_183 = arith.constant 0 : i32
        %dma_wait3A_184 = arith.constant 0 : i32
        %dma_wait3A_185 = tpu.memref_slice %arg2[%dma_wait3A_183, %dma_wait3A_184] : memref<10000x128xf32, #tpu.memory_space<hbm>> -> memref<10000x128xf32, #tpu.memory_space<hbm>>
        tpu.wait_indirect_dma semaphore(%arg17 : memref<!tpu.dma_semaphore, #tpu.memory_space<semaphore_mem>>) src(%dma_wait3A_185 : memref<10000x128xf32, #tpu.memory_space<hbm>>) dst(%arg12 : memref<64x128xf32, #tpu.memory_space<vmem>>)
        %dma_start3A_186 = arith.constant 0 : i32
        %dma_start3A_187 = tpu.memref_slice %arg9[%add3A_179, %dma_start3A_186] : memref<40x64xi32, #tpu.memory_space<vmem>> -> memref<1x64xi32, #tpu.memory_space<vmem>>
        %dma_start3A_188 = tpu.memref_squeeze %dma_start3A_187 : memref<1x64xi32, #tpu.memory_space<vmem>> -> memref<64xi32, #tpu.memory_space<vmem>>
        %dma_start3A_189 = arith.constant 0 : i32
        %dma_start3A_190 = arith.constant 0 : i32
        %dma_start3A_191 = tpu.memref_slice %arg15[%dma_start3A_189, %dma_start3A_190] : memref<10240x128xf32, #tpu.memory_space<vmem_shared>> -> memref<10240x128xf32, #tpu.memory_space<vmem_shared>>
        tpu.enqueue_indirect_dma source(%arg12 : memref<64x128xf32, #tpu.memory_space<vmem>>) target(%dma_start3A_191 : memref<10240x128xf32, #tpu.memory_space<vmem_shared>>) offsets(%dma_start3A_188 : memref<64xi32, #tpu.memory_space<vmem>>) semaphore(%arg21 : memref<!tpu.dma_semaphore, #tpu.memory_space<semaphore_mem>>) {add = true}
        %mul3A_192 = arith.constant 4 : i32
        %mul3A_193 = arith.muli %scan3A_94, %mul3A_192 : i32
        %add3A_194 = arith.constant 2 : i32
        %add3A_195 = arith.addi %mul3A_193, %add3A_194 : i32
        %dma_wait3A_196 = arith.constant 0 : i32
        %dma_wait3A_197 = tpu.memref_slice %arg8[%add3A_131, %dma_wait3A_196] : memref<40x64xi32, #tpu.memory_space<vmem>> -> memref<1x64xi32, #tpu.memory_space<vmem>>
        %dma_wait3A_198 = tpu.memref_squeeze %dma_wait3A_197 : memref<1x64xi32, #tpu.memory_space<vmem>> -> memref<64xi32, #tpu.memory_space<vmem>>
        %dma_wait3A_199 = arith.constant 0 : i32
        %dma_wait3A_200 = arith.constant 0 : i32
        %dma_wait3A_201 = tpu.memref_slice %arg2[%dma_wait3A_199, %dma_wait3A_200] : memref<10000x128xf32, #tpu.memory_space<hbm>> -> memref<10000x128xf32, #tpu.memory_space<hbm>>
        tpu.wait_indirect_dma semaphore(%arg18 : memref<!tpu.dma_semaphore, #tpu.memory_space<semaphore_mem>>) src(%dma_wait3A_201 : memref<10000x128xf32, #tpu.memory_space<hbm>>) dst(%arg13 : memref<64x128xf32, #tpu.memory_space<vmem>>)
        %dma_start3A_202 = arith.constant 0 : i32
        %dma_start3A_203 = tpu.memref_slice %arg9[%add3A_195, %dma_start3A_202] : memref<40x64xi32, #tpu.memory_space<vmem>> -> memref<1x64xi32, #tpu.memory_space<vmem>>
        %dma_start3A_204 = tpu.memref_squeeze %dma_start3A_203 : memref<1x64xi32, #tpu.memory_space<vmem>> -> memref<64xi32, #tpu.memory_space<vmem>>
        %dma_start3A_205 = arith.constant 0 : i32
        %dma_start3A_206 = arith.constant 0 : i32
        %dma_start3A_207 = tpu.memref_slice %arg15[%dma_start3A_205, %dma_start3A_206] : memref<10240x128xf32, #tpu.memory_space<vmem_shared>> -> memref<10240x128xf32, #tpu.memory_space<vmem_shared>>
        tpu.enqueue_indirect_dma source(%arg13 : memref<64x128xf32, #tpu.memory_space<vmem>>) target(%dma_start3A_207 : memref<10240x128xf32, #tpu.memory_space<vmem_shared>>) offsets(%dma_start3A_204 : memref<64xi32, #tpu.memory_space<vmem>>) semaphore(%arg22 : memref<!tpu.dma_semaphore, #tpu.memory_space<semaphore_mem>>) {add = true}
        %mul3A_208 = arith.constant 4 : i32
        %mul3A_209 = arith.muli %scan3A_94, %mul3A_208 : i32
        %add3A_210 = arith.constant 3 : i32
        %add3A_211 = arith.addi %mul3A_209, %add3A_210 : i32
        %dma_wait3A_212 = arith.constant 0 : i32
        %dma_wait3A_213 = tpu.memref_slice %arg8[%add3A_147, %dma_wait3A_212] : memref<40x64xi32, #tpu.memory_space<vmem>> -> memref<1x64xi32, #tpu.memory_space<vmem>>
        %dma_wait3A_214 = tpu.memref_squeeze %dma_wait3A_213 : memref<1x64xi32, #tpu.memory_space<vmem>> -> memref<64xi32, #tpu.memory_space<vmem>>
        %dma_wait3A_215 = arith.constant 0 : i32
        %dma_wait3A_216 = arith.constant 0 : i32
        %dma_wait3A_217 = tpu.memref_slice %arg2[%dma_wait3A_215, %dma_wait3A_216] : memref<10000x128xf32, #tpu.memory_space<hbm>> -> memref<10000x128xf32, #tpu.memory_space<hbm>>
        tpu.wait_indirect_dma semaphore(%arg19 : memref<!tpu.dma_semaphore, #tpu.memory_space<semaphore_mem>>) src(%dma_wait3A_217 : memref<10000x128xf32, #tpu.memory_space<hbm>>) dst(%arg14 : memref<64x128xf32, #tpu.memory_space<vmem>>)
        %dma_start3A_218 = arith.constant 0 : i32
        %dma_start3A_219 = tpu.memref_slice %arg9[%add3A_211, %dma_start3A_218] : memref<40x64xi32, #tpu.memory_space<vmem>> -> memref<1x64xi32, #tpu.memory_space<vmem>>
        %dma_start3A_220 = tpu.memref_squeeze %dma_start3A_219 : memref<1x64xi32, #tpu.memory_space<vmem>> -> memref<64xi32, #tpu.memory_space<vmem>>
        %dma_start3A_221 = arith.constant 0 : i32
        %dma_start3A_222 = arith.constant 0 : i32
        %dma_start3A_223 = tpu.memref_slice %arg15[%dma_start3A_221, %dma_start3A_222] : memref<10240x128xf32, #tpu.memory_space<vmem_shared>> -> memref<10240x128xf32, #tpu.memory_space<vmem_shared>>
        tpu.enqueue_indirect_dma source(%arg14 : memref<64x128xf32, #tpu.memory_space<vmem>>) target(%dma_start3A_223 : memref<10240x128xf32, #tpu.memory_space<vmem_shared>>) offsets(%dma_start3A_220 : memref<64xi32, #tpu.memory_space<vmem>>) semaphore(%arg23 : memref<!tpu.dma_semaphore, #tpu.memory_space<semaphore_mem>>) {add = true}
        %scan3A_224 = arith.constant 0 : i32
        scf.yield %scan3A_224 : i32
      }
      %scan3A_93 = arith.constant 10 : i32
      scf.yield %scan3A_92 : i32
    }
    %scan3A_35 = arith.constant 4 : i32
    %dma_wait3A = arith.constant 0 : i32
    %dma_wait3A_36 = arith.constant 0 : i32
    %dma_wait3A_37 = tpu.memref_slice %arg10[%dma_wait3A, %dma_wait3A_36] : memref<4x64xi32, #tpu.memory_space<vmem>> -> memref<1x64xi32, #tpu.memory_space<vmem>>
    %dma_wait3A_38 = tpu.memref_squeeze %dma_wait3A_37 : memref<1x64xi32, #tpu.memory_space<vmem>> -> memref<64xi32, #tpu.memory_space<vmem>>
    %dma_wait3A_39 = arith.constant 0 : i32
    %dma_wait3A_40 = arith.constant 0 : i32
    %dma_wait3A_41 = tpu.memref_slice %arg15[%dma_wait3A_39, %dma_wait3A_40] : memref<10240x128xf32, #tpu.memory_space<vmem_shared>> -> memref<10240x128xf32, #tpu.memory_space<vmem_shared>>
    tpu.wait_indirect_dma semaphore(%arg20 : memref<!tpu.dma_semaphore, #tpu.memory_space<semaphore_mem>>) src(%arg11 : memref<64x128xf32, #tpu.memory_space<vmem>>) dst(%dma_wait3A_41 : memref<10240x128xf32, #tpu.memory_space<vmem_shared>>)
    %dma_wait3A_42 = arith.constant 1 : i32
    %dma_wait3A_43 = arith.constant 0 : i32
    %dma_wait3A_44 = tpu.memref_slice %arg10[%dma_wait3A_42, %dma_wait3A_43] : memref<4x64xi32, #tpu.memory_space<vmem>> -> memref<1x64xi32, #tpu.memory_space<vmem>>
    %dma_wait3A_45 = tpu.memref_squeeze %dma_wait3A_44 : memref<1x64xi32, #tpu.memory_space<vmem>> -> memref<64xi32, #tpu.memory_space<vmem>>
    %dma_wait3A_46 = arith.constant 0 : i32
    %dma_wait3A_47 = arith.constant 0 : i32
    %dma_wait3A_48 = tpu.memref_slice %arg15[%dma_wait3A_46, %dma_wait3A_47] : memref<10240x128xf32, #tpu.memory_space<vmem_shared>> -> memref<10240x128xf32, #tpu.memory_space<vmem_shared>>
    tpu.wait_indirect_dma semaphore(%arg21 : memref<!tpu.dma_semaphore, #tpu.memory_space<semaphore_mem>>) src(%arg12 : memref<64x128xf32, #tpu.memory_space<vmem>>) dst(%dma_wait3A_48 : memref<10240x128xf32, #tpu.memory_space<vmem_shared>>)
    %dma_wait3A_49 = arith.constant 2 : i32
    %dma_wait3A_50 = arith.constant 0 : i32
    %dma_wait3A_51 = tpu.memref_slice %arg10[%dma_wait3A_49, %dma_wait3A_50] : memref<4x64xi32, #tpu.memory_space<vmem>> -> memref<1x64xi32, #tpu.memory_space<vmem>>
    %dma_wait3A_52 = tpu.memref_squeeze %dma_wait3A_51 : memref<1x64xi32, #tpu.memory_space<vmem>> -> memref<64xi32, #tpu.memory_space<vmem>>
    %dma_wait3A_53 = arith.constant 0 : i32
    %dma_wait3A_54 = arith.constant 0 : i32
    %dma_wait3A_55 = tpu.memref_slice %arg15[%dma_wait3A_53, %dma_wait3A_54] : memref<10240x128xf32, #tpu.memory_space<vmem_shared>> -> memref<10240x128xf32, #tpu.memory_space<vmem_shared>>
    tpu.wait_indirect_dma semaphore(%arg22 : memref<!tpu.dma_semaphore, #tpu.memory_space<semaphore_mem>>) src(%arg13 : memref<64x128xf32, #tpu.memory_space<vmem>>) dst(%dma_wait3A_55 : memref<10240x128xf32, #tpu.memory_space<vmem_shared>>)
    %dma_wait3A_56 = arith.constant 3 : i32
    %dma_wait3A_57 = arith.constant 0 : i32
    %dma_wait3A_58 = tpu.memref_slice %arg10[%dma_wait3A_56, %dma_wait3A_57] : memref<4x64xi32, #tpu.memory_space<vmem>> -> memref<1x64xi32, #tpu.memory_space<vmem>>
    %dma_wait3A_59 = tpu.memref_squeeze %dma_wait3A_58 : memref<1x64xi32, #tpu.memory_space<vmem>> -> memref<64xi32, #tpu.memory_space<vmem>>
    %dma_wait3A_60 = arith.constant 0 : i32
    %dma_wait3A_61 = arith.constant 0 : i32
    %dma_wait3A_62 = tpu.memref_slice %arg15[%dma_wait3A_60, %dma_wait3A_61] : memref<10240x128xf32, #tpu.memory_space<vmem_shared>> -> memref<10240x128xf32, #tpu.memory_space<vmem_shared>>
    tpu.wait_indirect_dma semaphore(%arg23 : memref<!tpu.dma_semaphore, #tpu.memory_space<semaphore_mem>>) src(%arg14 : memref<64x128xf32, #tpu.memory_space<vmem>>) dst(%dma_wait3A_62 : memref<10240x128xf32, #tpu.memory_space<vmem_shared>>)
    %barrier3A_63 = arith.constant 0 : index
    tpu.barrier barrier_id(%barrier3A_63)
    "tpu.region"() ({
      %run_scoped3A = tpu.sem_alloc : memref<!tpu.dma_semaphore, #tpu.memory_space<semaphore_mem>>
      %dma_start3A_64 = arith.constant 0 : i32
      %dma_start3A_65 = tpu.memref_slice %arg7[%arg0, %mul3A_2, %dma_start3A_64] : memref<2x10240x128xf32, #tpu.memory_space<hbm>> -> memref<1x640x128xf32, #tpu.memory_space<hbm>>
      %dma_start3A_66 = tpu.memref_squeeze %dma_start3A_65 : memref<1x640x128xf32, #tpu.memory_space<hbm>> -> memref<640x128xf32, #tpu.memory_space<hbm>>
      %dma_start3A_67 = arith.constant 0 : i32
      %dma_start3A_68 = tpu.memref_slice %arg15[%mul3A_2, %dma_start3A_67] : memref<10240x128xf32, #tpu.memory_space<vmem_shared>> -> memref<640x128xf32, #tpu.memory_space<vmem_shared>>
      tpu.enqueue_dma source(%dma_start3A_68 : memref<640x128xf32, #tpu.memory_space<vmem_shared>>) target(%dma_start3A_66 : memref<640x128xf32, #tpu.memory_space<hbm>>) target_semaphore(%run_scoped3A : memref<!tpu.dma_semaphore, #tpu.memory_space<semaphore_mem>>)
      %dma_wait3A_69 = arith.constant 0 : i32
      %dma_wait3A_70 = tpu.memref_slice %arg7[%arg0, %mul3A_2, %dma_wait3A_69] : memref<2x10240x128xf32, #tpu.memory_space<hbm>> -> memref<1x640x128xf32, #tpu.memory_space<hbm>>
      %dma_wait3A_71 = tpu.memref_squeeze %dma_wait3A_70 : memref<1x640x128xf32, #tpu.memory_space<hbm>> -> memref<640x128xf32, #tpu.memory_space<hbm>>
      %dma_wait3A_72 = arith.constant 0 : i32
      %dma_wait3A_73 = tpu.memref_slice %arg15[%mul3A_2, %dma_wait3A_72] : memref<10240x128xf32, #tpu.memory_space<vmem_shared>> -> memref<640x128xf32, #tpu.memory_space<vmem_shared>>
      tpu.wait_dma2 semaphore(%run_scoped3A : memref<!tpu.dma_semaphore, #tpu.memory_space<semaphore_mem>>) src(%dma_wait3A_73 : memref<640x128xf32, #tpu.memory_space<vmem_shared>>) dst(%dma_wait3A_71 : memref<640x128xf32, #tpu.memory_space<hbm>>)
      tpu.yield
    }) : () -> ()
    return
  }
}

#map = affine_map<(d0, d1) -> (0, 0)>
#map1 = affine_map<(d0, d1) -> (0, 0, 0)>
module attributes {stable_mosaic.version = 14 : i64} {
  func.func @_sc_scatter_body(%arg0: i32, %arg1: i32, %arg2: memref<10000x128xf32, #tpu.memory_space<hbm>>, %arg3: memref<5120x64xi32, #tpu.memory_space<hbm>>, %arg4: memref<5120x64xi32, #tpu.memory_space<hbm>>, %arg5: memref<640x128xf32, #tpu.memory_space<hbm>>, %arg6: memref<4x64xi32, #tpu.memory_space<hbm>>, %arg7: memref<2x10240x128xf32, #tpu.memory_space<hbm>>, %arg8: memref<40x64xi32, #tpu.memory_space<vmem>>, %arg9: memref<40x64xi32, #tpu.memory_space<vmem>>, %arg10: memref<4x64xi32, #tpu.memory_space<vmem>>, %arg11: memref<64x128xf32, #tpu.memory_space<vmem>>, %arg12: memref<64x128xf32, #tpu.memory_space<vmem>>, %arg13: memref<64x128xf32, #tpu.memory_space<vmem>>, %arg14: memref<64x128xf32, #tpu.memory_space<vmem>>, %arg15: memref<10240x128xf32, #tpu.memory_space<vmem_shared>>, %arg16: memref<!tpu.dma_semaphore, #tpu.memory_space<semaphore_mem>>, %arg17: memref<!tpu.dma_semaphore, #tpu.memory_space<semaphore_mem>>, %arg18: memref<!tpu.dma_semaphore, #tpu.memory_space<semaphore_mem>>, %arg19: memref<!tpu.dma_semaphore, #tpu.memory_space<semaphore_mem>>, %arg20: memref<!tpu.dma_semaphore, #tpu.memory_space<semaphore_mem>>, %arg21: memref<!tpu.dma_semaphore, #tpu.memory_space<semaphore_mem>>, %arg22: memref<!tpu.dma_semaphore, #tpu.memory_space<semaphore_mem>>, %arg23: memref<!tpu.dma_semaphore, #tpu.memory_space<semaphore_mem>>) attributes {dimension_semantics = [#tpu.dimension_semantics<core_parallel>, #tpu.dimension_semantics<subcore_parallel>], iteration_bounds = array<i64: 2, 16>, scalar_prefetch = 0 : i64, scratch_operands = 16 : i64, tpu.core_type = #tpu.core_type<sc_vector_subcore>, window_params = [{transform_indices = #map}, {transform_indices = #map}, {transform_indices = #map}, {transform_indices = #map}, {transform_indices = #map}, {transform_indices = #map1}]} {
    %mul3A = arith.constant 16 : i32
    %mul3A_0 = arith.muli %arg0, %mul3A : i32
    %add3A = arith.addi %mul3A_0, %arg1 : i32
    %mul3A_1 = arith.constant 640 : i32
    %mul3A_2 = arith.muli %arg1, %mul3A_1 : i32
    "tpu.region"() ({
      %run_scoped3A = tpu.sem_alloc : memref<!tpu.dma_semaphore, #tpu.memory_space<semaphore_mem>>
      tpu.enqueue_dma source(%arg6 : memref<4x64xi32, #tpu.memory_space<hbm>>) target(%arg10 : memref<4x64xi32, #tpu.memory_space<vmem>>) target_semaphore(%run_scoped3A : memref<!tpu.dma_semaphore, #tpu.memory_space<semaphore_mem>>)
      tpu.wait_dma2 semaphore(%run_scoped3A : memref<!tpu.dma_semaphore, #tpu.memory_space<semaphore_mem>>) src(%arg6 : memref<4x64xi32, #tpu.memory_space<hbm>>) dst(%arg10 : memref<4x64xi32, #tpu.memory_space<vmem>>)
      tpu.yield
    }) : () -> ()
    "tpu.region"() ({
      %run_scoped3A = tpu.sem_alloc : memref<!tpu.dma_semaphore, #tpu.memory_space<semaphore_mem>>
      %dma_start3A_64 = arith.constant 0 : i32
      %dma_start3A_65 = tpu.memref_slice %arg15[%mul3A_2, %dma_start3A_64] : memref<10240x128xf32, #tpu.memory_space<vmem_shared>> -> memref<640x128xf32, #tpu.memory_space<vmem_shared>>
      tpu.enqueue_dma source(%arg5 : memref<640x128xf32, #tpu.memory_space<hbm>>) target(%dma_start3A_65 : memref<640x128xf32, #tpu.memory_space<vmem_shared>>) target_semaphore(%run_scoped3A : memref<!tpu.dma_semaphore, #tpu.memory_space<semaphore_mem>>)
      %dma_wait3A_66 = arith.constant 0 : i32
      %dma_wait3A_67 = tpu.memref_slice %arg15[%mul3A_2, %dma_wait3A_66] : memref<10240x128xf32, #tpu.memory_space<vmem_shared>> -> memref<640x128xf32, #tpu.memory_space<vmem_shared>>
      tpu.wait_dma2 semaphore(%run_scoped3A : memref<!tpu.dma_semaphore, #tpu.memory_space<semaphore_mem>>) src(%arg5 : memref<640x128xf32, #tpu.memory_space<hbm>>) dst(%dma_wait3A_67 : memref<640x128xf32, #tpu.memory_space<vmem_shared>>)
      tpu.yield
    }) : () -> ()
    %barrier3A = arith.constant 0 : index
    tpu.barrier barrier_id(%barrier3A)
    %dma_start3A = arith.constant 0 : i32
    %dma_start3A_3 = arith.constant 0 : i32
    %dma_start3A_4 = tpu.memref_slice %arg10[%dma_start3A, %dma_start3A_3] : memref<4x64xi32, #tpu.memory_space<vmem>> -> memref<1x64xi32, #tpu.memory_space<vmem>>
    %dma_start3A_5 = tpu.memref_squeeze %dma_start3A_4 : memref<1x64xi32, #tpu.memory_space<vmem>> -> memref<64xi32, #tpu.memory_space<vmem>>
    %dma_start3A_6 = arith.constant 0 : i32
    %dma_start3A_7 = arith.constant 0 : i32
    %dma_start3A_8 = tpu.memref_slice %arg15[%dma_start3A_6, %dma_start3A_7] : memref<10240x128xf32, #tpu.memory_space<vmem_shared>> -> memref<10240x128xf32, #tpu.memory_space<vmem_shared>>
    tpu.enqueue_indirect_dma source(%arg11 : memref<64x128xf32, #tpu.memory_space<vmem>>) target(%dma_start3A_8 : memref<10240x128xf32, #tpu.memory_space<vmem_shared>>) offsets(%dma_start3A_5 : memref<64xi32, #tpu.memory_space<vmem>>) semaphore(%arg20 : memref<!tpu.dma_semaphore, #tpu.memory_space<semaphore_mem>>) {add = true}
    %dma_start3A_9 = arith.constant 1 : i32
    %dma_start3A_10 = arith.constant 0 : i32
    %dma_start3A_11 = tpu.memref_slice %arg10[%dma_start3A_9, %dma_start3A_10] : memref<4x64xi32, #tpu.memory_space<vmem>> -> memref<1x64xi32, #tpu.memory_space<vmem>>
    %dma_start3A_12 = tpu.memref_squeeze %dma_start3A_11 : memref<1x64xi32, #tpu.memory_space<vmem>> -> memref<64xi32, #tpu.memory_space<vmem>>
    %dma_start3A_13 = arith.constant 0 : i32
    %dma_start3A_14 = arith.constant 0 : i32
    %dma_start3A_15 = tpu.memref_slice %arg15[%dma_start3A_13, %dma_start3A_14] : memref<10240x128xf32, #tpu.memory_space<vmem_shared>> -> memref<10240x128xf32, #tpu.memory_space<vmem_shared>>
    tpu.enqueue_indirect_dma source(%arg12 : memref<64x128xf32, #tpu.memory_space<vmem>>) target(%dma_start3A_15 : memref<10240x128xf32, #tpu.memory_space<vmem_shared>>) offsets(%dma_start3A_12 : memref<64xi32, #tpu.memory_space<vmem>>) semaphore(%arg21 : memref<!tpu.dma_semaphore, #tpu.memory_space<semaphore_mem>>) {add = true}
    %dma_start3A_16 = arith.constant 2 : i32
    %dma_start3A_17 = arith.constant 0 : i32
    %dma_start3A_18 = tpu.memref_slice %arg10[%dma_start3A_16, %dma_start3A_17] : memref<4x64xi32, #tpu.memory_space<vmem>> -> memref<1x64xi32, #tpu.memory_space<vmem>>
    %dma_start3A_19 = tpu.memref_squeeze %dma_start3A_18 : memref<1x64xi32, #tpu.memory_space<vmem>> -> memref<64xi32, #tpu.memory_space<vmem>>
    %dma_start3A_20 = arith.constant 0 : i32
    %dma_start3A_21 = arith.constant 0 : i32
    %dma_start3A_22 = tpu.memref_slice %arg15[%dma_start3A_20, %dma_start3A_21] : memref<10240x128xf32, #tpu.memory_space<vmem_shared>> -> memref<10240x128xf32, #tpu.memory_space<vmem_shared>>
    tpu.enqueue_indirect_dma source(%arg13 : memref<64x128xf32, #tpu.memory_space<vmem>>) target(%dma_start3A_22 : memref<10240x128xf32, #tpu.memory_space<vmem_shared>>) offsets(%dma_start3A_19 : memref<64xi32, #tpu.memory_space<vmem>>) semaphore(%arg22 : memref<!tpu.dma_semaphore, #tpu.memory_space<semaphore_mem>>) {add = true}
    %dma_start3A_23 = arith.constant 3 : i32
    %dma_start3A_24 = arith.constant 0 : i32
    %dma_start3A_25 = tpu.memref_slice %arg10[%dma_start3A_23, %dma_start3A_24] : memref<4x64xi32, #tpu.memory_space<vmem>> -> memref<1x64xi32, #tpu.memory_space<vmem>>
    %dma_start3A_26 = tpu.memref_squeeze %dma_start3A_25 : memref<1x64xi32, #tpu.memory_space<vmem>> -> memref<64xi32, #tpu.memory_space<vmem>>
    %dma_start3A_27 = arith.constant 0 : i32
    %dma_start3A_28 = arith.constant 0 : i32
    %dma_start3A_29 = tpu.memref_slice %arg15[%dma_start3A_27, %dma_start3A_28] : memref<10240x128xf32, #tpu.memory_space<vmem_shared>> -> memref<10240x128xf32, #tpu.memory_space<vmem_shared>>
    tpu.enqueue_indirect_dma source(%arg14 : memref<64x128xf32, #tpu.memory_space<vmem>>) target(%dma_start3A_29 : memref<10240x128xf32, #tpu.memory_space<vmem_shared>>) offsets(%dma_start3A_26 : memref<64xi32, #tpu.memory_space<vmem>>) semaphore(%arg23 : memref<!tpu.dma_semaphore, #tpu.memory_space<semaphore_mem>>) {add = true}
    %scan3A = arith.constant 0 : i32
    %scan3A_30 = arith.constant 0 : i32
    %scan3A_31 = arith.constant 4 : i32
    %scan3A_32 = arith.addi %scan3A_30, %scan3A_31 : i32
    %scan3A_33 = arith.constant 1 : i32
    %scan3A_34 = scf.for %scan3A_64 = %scan3A_30 to %scan3A_32 step %scan3A_33 iter_args(%scan3A_65 = %scan3A) -> (i32)  : i32 {
      %mul3A_66 = arith.constant 160 : i32
      %mul3A_67 = arith.muli %add3A, %mul3A_66 : i32
      %mul3A_68 = arith.constant 40 : i32
      %mul3A_69 = arith.muli %scan3A_64, %mul3A_68 : i32
      %add3A_70 = arith.addi %mul3A_67, %mul3A_69 : i32
      %dma_start3A_71 = arith.constant 0 : i32
      %dma_start3A_72 = tpu.memref_slice %arg3[%add3A_70, %dma_start3A_71] : memref<5120x64xi32, #tpu.memory_space<hbm>> -> memref<40x64xi32, #tpu.memory_space<hbm>>
      %dma_start3A_73 = arith.constant 0 : i32
      %dma_start3A_74 = tpu.memref_slice %arg3[%add3A_70, %dma_start3A_73] : memref<5120x64xi32, #tpu.memory_space<hbm>> -> memref<40x64xi32, #tpu.memory_space<hbm>>
      tpu.enqueue_dma source(%dma_start3A_74 : memref<40x64xi32, #tpu.memory_space<hbm>>) target(%arg8 : memref<40x64xi32, #tpu.memory_space<vmem>>) target_semaphore(%arg16 : memref<!tpu.dma_semaphore, #tpu.memory_space<semaphore_mem>>)
      %dma_start3A_75 = arith.constant 0 : i32
      %dma_start3A_76 = tpu.memref_slice %arg4[%add3A_70, %dma_start3A_75] : memref<5120x64xi32, #tpu.memory_space<hbm>> -> memref<40x64xi32, #tpu.memory_space<hbm>>
      %dma_start3A_77 = arith.constant 0 : i32
      %dma_start3A_78 = tpu.memref_slice %arg4[%add3A_70, %dma_start3A_77] : memref<5120x64xi32, #tpu.memory_space<hbm>> -> memref<40x64xi32, #tpu.memory_space<hbm>>
      tpu.enqueue_dma source(%dma_start3A_78 : memref<40x64xi32, #tpu.memory_space<hbm>>) target(%arg9 : memref<40x64xi32, #tpu.memory_space<vmem>>) target_semaphore(%arg17 : memref<!tpu.dma_semaphore, #tpu.memory_space<semaphore_mem>>)
      %dma_wait3A_79 = arith.constant 0 : i32
      %dma_wait3A_80 = tpu.memref_slice %arg3[%add3A_70, %dma_wait3A_79] : memref<5120x64xi32, #tpu.memory_space<hbm>> -> memref<40x64xi32, #tpu.memory_space<hbm>>
      %dma_wait3A_81 = arith.constant 0 : i32
      %dma_wait3A_82 = tpu.memref_slice %arg3[%add3A_70, %dma_wait3A_81] : memref<5120x64xi32, #tpu.memory_space<hbm>> -> memref<40x64xi32, #tpu.memory_space<hbm>>
      tpu.wait_dma2 semaphore(%arg16 : memref<!tpu.dma_semaphore, #tpu.memory_space<semaphore_mem>>) src(%dma_wait3A_82 : memref<40x64xi32, #tpu.memory_space<hbm>>) dst(%arg8 : memref<40x64xi32, #tpu.memory_space<vmem>>)
      %dma_wait3A_83 = arith.constant 0 : i32
      %dma_wait3A_84 = tpu.memref_slice %arg4[%add3A_70, %dma_wait3A_83] : memref<5120x64xi32, #tpu.memory_space<hbm>> -> memref<40x64xi32, #tpu.memory_space<hbm>>
      %dma_wait3A_85 = arith.constant 0 : i32
      %dma_wait3A_86 = tpu.memref_slice %arg4[%add3A_70, %dma_wait3A_85] : memref<5120x64xi32, #tpu.memory_space<hbm>> -> memref<40x64xi32, #tpu.memory_space<hbm>>
      tpu.wait_dma2 semaphore(%arg17 : memref<!tpu.dma_semaphore, #tpu.memory_space<semaphore_mem>>) src(%dma_wait3A_86 : memref<40x64xi32, #tpu.memory_space<hbm>>) dst(%arg9 : memref<40x64xi32, #tpu.memory_space<vmem>>)
      %scan3A_87 = arith.constant 0 : i32
      %scan3A_88 = arith.constant 0 : i32
      %scan3A_89 = arith.constant 10 : i32
      %scan3A_90 = arith.addi %scan3A_88, %scan3A_89 : i32
      %scan3A_91 = arith.constant 1 : i32
      %scan3A_92 = scf.for %scan3A_94 = %scan3A_88 to %scan3A_90 step %scan3A_91 iter_args(%scan3A_95 = %scan3A_87) -> (i32)  : i32 {
        %mul3A_96 = arith.constant 4 : i32
        %mul3A_97 = arith.muli %scan3A_94, %mul3A_96 : i32
        %add3A_98 = arith.constant 0 : i32
        %add3A_99 = arith.addi %mul3A_97, %add3A_98 : i32
        %dma_wait3A_100 = arith.constant 0 : i32
        %dma_wait3A_101 = tpu.memref_slice %arg9[%add3A_99, %dma_wait3A_100] : memref<40x64xi32, #tpu.memory_space<vmem>> -> memref<1x64xi32, #tpu.memory_space<vmem>>
        %dma_wait3A_102 = tpu.memref_squeeze %dma_wait3A_101 : memref<1x64xi32, #tpu.memory_space<vmem>> -> memref<64xi32, #tpu.memory_space<vmem>>
        %dma_wait3A_103 = arith.constant 0 : i32
        %dma_wait3A_104 = arith.constant 0 : i32
        %dma_wait3A_105 = tpu.memref_slice %arg15[%dma_wait3A_103, %dma_wait3A_104] : memref<10240x128xf32, #tpu.memory_space<vmem_shared>> -> memref<10240x128xf32, #tpu.memory_space<vmem_shared>>
        tpu.wait_indirect_dma semaphore(%arg20 : memref<!tpu.dma_semaphore, #tpu.memory_space<semaphore_mem>>) src(%arg11 : memref<64x128xf32, #tpu.memory_space<vmem>>) dst(%dma_wait3A_105 : memref<10240x128xf32, #tpu.memory_space<vmem_shared>>)
        %dma_start3A_106 = arith.constant 0 : i32
        %dma_start3A_107 = tpu.memref_slice %arg8[%add3A_99, %dma_start3A_106] : memref<40x64xi32, #tpu.memory_space<vmem>> -> memref<1x64xi32, #tpu.memory_space<vmem>>
        %dma_start3A_108 = tpu.memref_squeeze %dma_start3A_107 : memref<1x64xi32, #tpu.memory_space<vmem>> -> memref<64xi32, #tpu.memory_space<vmem>>
        %dma_start3A_109 = arith.constant 0 : i32
        %dma_start3A_110 = arith.constant 0 : i32
        %dma_start3A_111 = tpu.memref_slice %arg2[%dma_start3A_109, %dma_start3A_110] : memref<10000x128xf32, #tpu.memory_space<hbm>> -> memref<10000x128xf32, #tpu.memory_space<hbm>>
        tpu.enqueue_indirect_dma source(%dma_start3A_111 : memref<10000x128xf32, #tpu.memory_space<hbm>>) target(%arg11 : memref<64x128xf32, #tpu.memory_space<vmem>>) offsets(%dma_start3A_108 : memref<64xi32, #tpu.memory_space<vmem>>) semaphore(%arg16 : memref<!tpu.dma_semaphore, #tpu.memory_space<semaphore_mem>>)
        %mul3A_112 = arith.constant 4 : i32
        %mul3A_113 = arith.muli %scan3A_94, %mul3A_112 : i32
        %add3A_114 = arith.constant 1 : i32
        %add3A_115 = arith.addi %mul3A_113, %add3A_114 : i32
        %dma_wait3A_116 = arith.constant 0 : i32
        %dma_wait3A_117 = tpu.memref_slice %arg9[%add3A_115, %dma_wait3A_116] : memref<40x64xi32, #tpu.memory_space<vmem>> -> memref<1x64xi32, #tpu.memory_space<vmem>>
        %dma_wait3A_118 = tpu.memref_squeeze %dma_wait3A_117 : memref<1x64xi32, #tpu.memory_space<vmem>> -> memref<64xi32, #tpu.memory_space<vmem>>
        %dma_wait3A_119 = arith.constant 0 : i32
        %dma_wait3A_120 = arith.constant 0 : i32
        %dma_wait3A_121 = tpu.memref_slice %arg15[%dma_wait3A_119, %dma_wait3A_120] : memref<10240x128xf32, #tpu.memory_space<vmem_shared>> -> memref<10240x128xf32, #tpu.memory_space<vmem_shared>>
        tpu.wait_indirect_dma semaphore(%arg21 : memref<!tpu.dma_semaphore, #tpu.memory_space<semaphore_mem>>) src(%arg12 : memref<64x128xf32, #tpu.memory_space<vmem>>) dst(%dma_wait3A_121 : memref<10240x128xf32, #tpu.memory_space<vmem_shared>>)
        %dma_start3A_122 = arith.constant 0 : i32
        %dma_start3A_123 = tpu.memref_slice %arg8[%add3A_115, %dma_start3A_122] : memref<40x64xi32, #tpu.memory_space<vmem>> -> memref<1x64xi32, #tpu.memory_space<vmem>>
        %dma_start3A_124 = tpu.memref_squeeze %dma_start3A_123 : memref<1x64xi32, #tpu.memory_space<vmem>> -> memref<64xi32, #tpu.memory_space<vmem>>
        %dma_start3A_125 = arith.constant 0 : i32
        %dma_start3A_126 = arith.constant 0 : i32
        %dma_start3A_127 = tpu.memref_slice %arg2[%dma_start3A_125, %dma_start3A_126] : memref<10000x128xf32, #tpu.memory_space<hbm>> -> memref<10000x128xf32, #tpu.memory_space<hbm>>
        tpu.enqueue_indirect_dma source(%dma_start3A_127 : memref<10000x128xf32, #tpu.memory_space<hbm>>) target(%arg12 : memref<64x128xf32, #tpu.memory_space<vmem>>) offsets(%dma_start3A_124 : memref<64xi32, #tpu.memory_space<vmem>>) semaphore(%arg17 : memref<!tpu.dma_semaphore, #tpu.memory_space<semaphore_mem>>)
        %mul3A_128 = arith.constant 4 : i32
        %mul3A_129 = arith.muli %scan3A_94, %mul3A_128 : i32
        %add3A_130 = arith.constant 2 : i32
        %add3A_131 = arith.addi %mul3A_129, %add3A_130 : i32
        %dma_wait3A_132 = arith.constant 0 : i32
        %dma_wait3A_133 = tpu.memref_slice %arg9[%add3A_131, %dma_wait3A_132] : memref<40x64xi32, #tpu.memory_space<vmem>> -> memref<1x64xi32, #tpu.memory_space<vmem>>
        %dma_wait3A_134 = tpu.memref_squeeze %dma_wait3A_133 : memref<1x64xi32, #tpu.memory_space<vmem>> -> memref<64xi32, #tpu.memory_space<vmem>>
        %dma_wait3A_135 = arith.constant 0 : i32
        %dma_wait3A_136 = arith.constant 0 : i32
        %dma_wait3A_137 = tpu.memref_slice %arg15[%dma_wait3A_135, %dma_wait3A_136] : memref<10240x128xf32, #tpu.memory_space<vmem_shared>> -> memref<10240x128xf32, #tpu.memory_space<vmem_shared>>
        tpu.wait_indirect_dma semaphore(%arg22 : memref<!tpu.dma_semaphore, #tpu.memory_space<semaphore_mem>>) src(%arg13 : memref<64x128xf32, #tpu.memory_space<vmem>>) dst(%dma_wait3A_137 : memref<10240x128xf32, #tpu.memory_space<vmem_shared>>)
        %dma_start3A_138 = arith.constant 0 : i32
        %dma_start3A_139 = tpu.memref_slice %arg8[%add3A_131, %dma_start3A_138] : memref<40x64xi32, #tpu.memory_space<vmem>> -> memref<1x64xi32, #tpu.memory_space<vmem>>
        %dma_start3A_140 = tpu.memref_squeeze %dma_start3A_139 : memref<1x64xi32, #tpu.memory_space<vmem>> -> memref<64xi32, #tpu.memory_space<vmem>>
        %dma_start3A_141 = arith.constant 0 : i32
        %dma_start3A_142 = arith.constant 0 : i32
        %dma_start3A_143 = tpu.memref_slice %arg2[%dma_start3A_141, %dma_start3A_142] : memref<10000x128xf32, #tpu.memory_space<hbm>> -> memref<10000x128xf32, #tpu.memory_space<hbm>>
        tpu.enqueue_indirect_dma source(%dma_start3A_143 : memref<10000x128xf32, #tpu.memory_space<hbm>>) target(%arg13 : memref<64x128xf32, #tpu.memory_space<vmem>>) offsets(%dma_start3A_140 : memref<64xi32, #tpu.memory_space<vmem>>) semaphore(%arg18 : memref<!tpu.dma_semaphore, #tpu.memory_space<semaphore_mem>>)
        %mul3A_144 = arith.constant 4 : i32
        %mul3A_145 = arith.muli %scan3A_94, %mul3A_144 : i32
        %add3A_146 = arith.constant 3 : i32
        %add3A_147 = arith.addi %mul3A_145, %add3A_146 : i32
        %dma_wait3A_148 = arith.constant 0 : i32
        %dma_wait3A_149 = tpu.memref_slice %arg9[%add3A_147, %dma_wait3A_148] : memref<40x64xi32, #tpu.memory_space<vmem>> -> memref<1x64xi32, #tpu.memory_space<vmem>>
        %dma_wait3A_150 = tpu.memref_squeeze %dma_wait3A_149 : memref<1x64xi32, #tpu.memory_space<vmem>> -> memref<64xi32, #tpu.memory_space<vmem>>
        %dma_wait3A_151 = arith.constant 0 : i32
        %dma_wait3A_152 = arith.constant 0 : i32
        %dma_wait3A_153 = tpu.memref_slice %arg15[%dma_wait3A_151, %dma_wait3A_152] : memref<10240x128xf32, #tpu.memory_space<vmem_shared>> -> memref<10240x128xf32, #tpu.memory_space<vmem_shared>>
        tpu.wait_indirect_dma semaphore(%arg23 : memref<!tpu.dma_semaphore, #tpu.memory_space<semaphore_mem>>) src(%arg14 : memref<64x128xf32, #tpu.memory_space<vmem>>) dst(%dma_wait3A_153 : memref<10240x128xf32, #tpu.memory_space<vmem_shared>>)
        %dma_start3A_154 = arith.constant 0 : i32
        %dma_start3A_155 = tpu.memref_slice %arg8[%add3A_147, %dma_start3A_154] : memref<40x64xi32, #tpu.memory_space<vmem>> -> memref<1x64xi32, #tpu.memory_space<vmem>>
        %dma_start3A_156 = tpu.memref_squeeze %dma_start3A_155 : memref<1x64xi32, #tpu.memory_space<vmem>> -> memref<64xi32, #tpu.memory_space<vmem>>
        %dma_start3A_157 = arith.constant 0 : i32
        %dma_start3A_158 = arith.constant 0 : i32
        %dma_start3A_159 = tpu.memref_slice %arg2[%dma_start3A_157, %dma_start3A_158] : memref<10000x128xf32, #tpu.memory_space<hbm>> -> memref<10000x128xf32, #tpu.memory_space<hbm>>
        tpu.enqueue_indirect_dma source(%dma_start3A_159 : memref<10000x128xf32, #tpu.memory_space<hbm>>) target(%arg14 : memref<64x128xf32, #tpu.memory_space<vmem>>) offsets(%dma_start3A_156 : memref<64xi32, #tpu.memory_space<vmem>>) semaphore(%arg19 : memref<!tpu.dma_semaphore, #tpu.memory_space<semaphore_mem>>)
        %mul3A_160 = arith.constant 4 : i32
        %mul3A_161 = arith.muli %scan3A_94, %mul3A_160 : i32
        %add3A_162 = arith.constant 0 : i32
        %add3A_163 = arith.addi %mul3A_161, %add3A_162 : i32
        %dma_wait3A_164 = arith.constant 0 : i32
        %dma_wait3A_165 = tpu.memref_slice %arg8[%add3A_99, %dma_wait3A_164] : memref<40x64xi32, #tpu.memory_space<vmem>> -> memref<1x64xi32, #tpu.memory_space<vmem>>
        %dma_wait3A_166 = tpu.memref_squeeze %dma_wait3A_165 : memref<1x64xi32, #tpu.memory_space<vmem>> -> memref<64xi32, #tpu.memory_space<vmem>>
        %dma_wait3A_167 = arith.constant 0 : i32
        %dma_wait3A_168 = arith.constant 0 : i32
        %dma_wait3A_169 = tpu.memref_slice %arg2[%dma_wait3A_167, %dma_wait3A_168] : memref<10000x128xf32, #tpu.memory_space<hbm>> -> memref<10000x128xf32, #tpu.memory_space<hbm>>
        tpu.wait_indirect_dma semaphore(%arg16 : memref<!tpu.dma_semaphore, #tpu.memory_space<semaphore_mem>>) src(%dma_wait3A_169 : memref<10000x128xf32, #tpu.memory_space<hbm>>) dst(%arg11 : memref<64x128xf32, #tpu.memory_space<vmem>>)
        %dma_start3A_170 = arith.constant 0 : i32
        %dma_start3A_171 = tpu.memref_slice %arg9[%add3A_163, %dma_start3A_170] : memref<40x64xi32, #tpu.memory_space<vmem>> -> memref<1x64xi32, #tpu.memory_space<vmem>>
        %dma_start3A_172 = tpu.memref_squeeze %dma_start3A_171 : memref<1x64xi32, #tpu.memory_space<vmem>> -> memref<64xi32, #tpu.memory_space<vmem>>
        %dma_start3A_173 = arith.constant 0 : i32
        %dma_start3A_174 = arith.constant 0 : i32
        %dma_start3A_175 = tpu.memref_slice %arg15[%dma_start3A_173, %dma_start3A_174] : memref<10240x128xf32, #tpu.memory_space<vmem_shared>> -> memref<10240x128xf32, #tpu.memory_space<vmem_shared>>
        tpu.enqueue_indirect_dma source(%arg11 : memref<64x128xf32, #tpu.memory_space<vmem>>) target(%dma_start3A_175 : memref<10240x128xf32, #tpu.memory_space<vmem_shared>>) offsets(%dma_start3A_172 : memref<64xi32, #tpu.memory_space<vmem>>) semaphore(%arg20 : memref<!tpu.dma_semaphore, #tpu.memory_space<semaphore_mem>>) {add = true}
        %mul3A_176 = arith.constant 4 : i32
        %mul3A_177 = arith.muli %scan3A_94, %mul3A_176 : i32
        %add3A_178 = arith.constant 1 : i32
        %add3A_179 = arith.addi %mul3A_177, %add3A_178 : i32
        %dma_wait3A_180 = arith.constant 0 : i32
        %dma_wait3A_181 = tpu.memref_slice %arg8[%add3A_115, %dma_wait3A_180] : memref<40x64xi32, #tpu.memory_space<vmem>> -> memref<1x64xi32, #tpu.memory_space<vmem>>
        %dma_wait3A_182 = tpu.memref_squeeze %dma_wait3A_181 : memref<1x64xi32, #tpu.memory_space<vmem>> -> memref<64xi32, #tpu.memory_space<vmem>>
        %dma_wait3A_183 = arith.constant 0 : i32
        %dma_wait3A_184 = arith.constant 0 : i32
        %dma_wait3A_185 = tpu.memref_slice %arg2[%dma_wait3A_183, %dma_wait3A_184] : memref<10000x128xf32, #tpu.memory_space<hbm>> -> memref<10000x128xf32, #tpu.memory_space<hbm>>
        tpu.wait_indirect_dma semaphore(%arg17 : memref<!tpu.dma_semaphore, #tpu.memory_space<semaphore_mem>>) src(%dma_wait3A_185 : memref<10000x128xf32, #tpu.memory_space<hbm>>) dst(%arg12 : memref<64x128xf32, #tpu.memory_space<vmem>>)
        %dma_start3A_186 = arith.constant 0 : i32
        %dma_start3A_187 = tpu.memref_slice %arg9[%add3A_179, %dma_start3A_186] : memref<40x64xi32, #tpu.memory_space<vmem>> -> memref<1x64xi32, #tpu.memory_space<vmem>>
        %dma_start3A_188 = tpu.memref_squeeze %dma_start3A_187 : memref<1x64xi32, #tpu.memory_space<vmem>> -> memref<64xi32, #tpu.memory_space<vmem>>
        %dma_start3A_189 = arith.constant 0 : i32
        %dma_start3A_190 = arith.constant 0 : i32
        %dma_start3A_191 = tpu.memref_slice %arg15[%dma_start3A_189, %dma_start3A_190] : memref<10240x128xf32, #tpu.memory_space<vmem_shared>> -> memref<10240x128xf32, #tpu.memory_space<vmem_shared>>
        tpu.enqueue_indirect_dma source(%arg12 : memref<64x128xf32, #tpu.memory_space<vmem>>) target(%dma_start3A_191 : memref<10240x128xf32, #tpu.memory_space<vmem_shared>>) offsets(%dma_start3A_188 : memref<64xi32, #tpu.memory_space<vmem>>) semaphore(%arg21 : memref<!tpu.dma_semaphore, #tpu.memory_space<semaphore_mem>>) {add = true}
        %mul3A_192 = arith.constant 4 : i32
        %mul3A_193 = arith.muli %scan3A_94, %mul3A_192 : i32
        %add3A_194 = arith.constant 2 : i32
        %add3A_195 = arith.addi %mul3A_193, %add3A_194 : i32
        %dma_wait3A_196 = arith.constant 0 : i32
        %dma_wait3A_197 = tpu.memref_slice %arg8[%add3A_131, %dma_wait3A_196] : memref<40x64xi32, #tpu.memory_space<vmem>> -> memref<1x64xi32, #tpu.memory_space<vmem>>
        %dma_wait3A_198 = tpu.memref_squeeze %dma_wait3A_197 : memref<1x64xi32, #tpu.memory_space<vmem>> -> memref<64xi32, #tpu.memory_space<vmem>>
        %dma_wait3A_199 = arith.constant 0 : i32
        %dma_wait3A_200 = arith.constant 0 : i32
        %dma_wait3A_201 = tpu.memref_slice %arg2[%dma_wait3A_199, %dma_wait3A_200] : memref<10000x128xf32, #tpu.memory_space<hbm>> -> memref<10000x128xf32, #tpu.memory_space<hbm>>
        tpu.wait_indirect_dma semaphore(%arg18 : memref<!tpu.dma_semaphore, #tpu.memory_space<semaphore_mem>>) src(%dma_wait3A_201 : memref<10000x128xf32, #tpu.memory_space<hbm>>) dst(%arg13 : memref<64x128xf32, #tpu.memory_space<vmem>>)
        %dma_start3A_202 = arith.constant 0 : i32
        %dma_start3A_203 = tpu.memref_slice %arg9[%add3A_195, %dma_start3A_202] : memref<40x64xi32, #tpu.memory_space<vmem>> -> memref<1x64xi32, #tpu.memory_space<vmem>>
        %dma_start3A_204 = tpu.memref_squeeze %dma_start3A_203 : memref<1x64xi32, #tpu.memory_space<vmem>> -> memref<64xi32, #tpu.memory_space<vmem>>
        %dma_start3A_205 = arith.constant 0 : i32
        %dma_start3A_206 = arith.constant 0 : i32
        %dma_start3A_207 = tpu.memref_slice %arg15[%dma_start3A_205, %dma_start3A_206] : memref<10240x128xf32, #tpu.memory_space<vmem_shared>> -> memref<10240x128xf32, #tpu.memory_space<vmem_shared>>
        tpu.enqueue_indirect_dma source(%arg13 : memref<64x128xf32, #tpu.memory_space<vmem>>) target(%dma_start3A_207 : memref<10240x128xf32, #tpu.memory_space<vmem_shared>>) offsets(%dma_start3A_204 : memref<64xi32, #tpu.memory_space<vmem>>) semaphore(%arg22 : memref<!tpu.dma_semaphore, #tpu.memory_space<semaphore_mem>>) {add = true}
        %mul3A_208 = arith.constant 4 : i32
        %mul3A_209 = arith.muli %scan3A_94, %mul3A_208 : i32
        %add3A_210 = arith.constant 3 : i32
        %add3A_211 = arith.addi %mul3A_209, %add3A_210 : i32
        %dma_wait3A_212 = arith.constant 0 : i32
        %dma_wait3A_213 = tpu.memref_slice %arg8[%add3A_147, %dma_wait3A_212] : memref<40x64xi32, #tpu.memory_space<vmem>> -> memref<1x64xi32, #tpu.memory_space<vmem>>
        %dma_wait3A_214 = tpu.memref_squeeze %dma_wait3A_213 : memref<1x64xi32, #tpu.memory_space<vmem>> -> memref<64xi32, #tpu.memory_space<vmem>>
        %dma_wait3A_215 = arith.constant 0 : i32
        %dma_wait3A_216 = arith.constant 0 : i32
        %dma_wait3A_217 = tpu.memref_slice %arg2[%dma_wait3A_215, %dma_wait3A_216] : memref<10000x128xf32, #tpu.memory_space<hbm>> -> memref<10000x128xf32, #tpu.memory_space<hbm>>
        tpu.wait_indirect_dma semaphore(%arg19 : memref<!tpu.dma_semaphore, #tpu.memory_space<semaphore_mem>>) src(%dma_wait3A_217 : memref<10000x128xf32, #tpu.memory_space<hbm>>) dst(%arg14 : memref<64x128xf32, #tpu.memory_space<vmem>>)
        %dma_start3A_218 = arith.constant 0 : i32
        %dma_start3A_219 = tpu.memref_slice %arg9[%add3A_211, %dma_start3A_218] : memref<40x64xi32, #tpu.memory_space<vmem>> -> memref<1x64xi32, #tpu.memory_space<vmem>>
        %dma_start3A_220 = tpu.memref_squeeze %dma_start3A_219 : memref<1x64xi32, #tpu.memory_space<vmem>> -> memref<64xi32, #tpu.memory_space<vmem>>
        %dma_start3A_221 = arith.constant 0 : i32
        %dma_start3A_222 = arith.constant 0 : i32
        %dma_start3A_223 = tpu.memref_slice %arg15[%dma_start3A_221, %dma_start3A_222] : memref<10240x128xf32, #tpu.memory_space<vmem_shared>> -> memref<10240x128xf32, #tpu.memory_space<vmem_shared>>
        tpu.enqueue_indirect_dma source(%arg14 : memref<64x128xf32, #tpu.memory_space<vmem>>) target(%dma_start3A_223 : memref<10240x128xf32, #tpu.memory_space<vmem_shared>>) offsets(%dma_start3A_220 : memref<64xi32, #tpu.memory_space<vmem>>) semaphore(%arg23 : memref<!tpu.dma_semaphore, #tpu.memory_space<semaphore_mem>>) {add = true}
        %scan3A_224 = arith.constant 0 : i32
        scf.yield %scan3A_224 : i32
      }
      %scan3A_93 = arith.constant 10 : i32
      scf.yield %scan3A_92 : i32
    }
    %scan3A_35 = arith.constant 4 : i32
    %dma_wait3A = arith.constant 0 : i32
    %dma_wait3A_36 = arith.constant 0 : i32
    %dma_wait3A_37 = tpu.memref_slice %arg10[%dma_wait3A, %dma_wait3A_36] : memref<4x64xi32, #tpu.memory_space<vmem>> -> memref<1x64xi32, #tpu.memory_space<vmem>>
    %dma_wait3A_38 = tpu.memref_squeeze %dma_wait3A_37 : memref<1x64xi32, #tpu.memory_space<vmem>> -> memref<64xi32, #tpu.memory_space<vmem>>
    %dma_wait3A_39 = arith.constant 0 : i32
    %dma_wait3A_40 = arith.constant 0 : i32
    %dma_wait3A_41 = tpu.memref_slice %arg15[%dma_wait3A_39, %dma_wait3A_40] : memref<10240x128xf32, #tpu.memory_space<vmem_shared>> -> memref<10240x128xf32, #tpu.memory_space<vmem_shared>>
    tpu.wait_indirect_dma semaphore(%arg20 : memref<!tpu.dma_semaphore, #tpu.memory_space<semaphore_mem>>) src(%arg11 : memref<64x128xf32, #tpu.memory_space<vmem>>) dst(%dma_wait3A_41 : memref<10240x128xf32, #tpu.memory_space<vmem_shared>>)
    %dma_wait3A_42 = arith.constant 1 : i32
    %dma_wait3A_43 = arith.constant 0 : i32
    %dma_wait3A_44 = tpu.memref_slice %arg10[%dma_wait3A_42, %dma_wait3A_43] : memref<4x64xi32, #tpu.memory_space<vmem>> -> memref<1x64xi32, #tpu.memory_space<vmem>>
    %dma_wait3A_45 = tpu.memref_squeeze %dma_wait3A_44 : memref<1x64xi32, #tpu.memory_space<vmem>> -> memref<64xi32, #tpu.memory_space<vmem>>
    %dma_wait3A_46 = arith.constant 0 : i32
    %dma_wait3A_47 = arith.constant 0 : i32
    %dma_wait3A_48 = tpu.memref_slice %arg15[%dma_wait3A_46, %dma_wait3A_47] : memref<10240x128xf32, #tpu.memory_space<vmem_shared>> -> memref<10240x128xf32, #tpu.memory_space<vmem_shared>>
    tpu.wait_indirect_dma semaphore(%arg21 : memref<!tpu.dma_semaphore, #tpu.memory_space<semaphore_mem>>) src(%arg12 : memref<64x128xf32, #tpu.memory_space<vmem>>) dst(%dma_wait3A_48 : memref<10240x128xf32, #tpu.memory_space<vmem_shared>>)
    %dma_wait3A_49 = arith.constant 2 : i32
    %dma_wait3A_50 = arith.constant 0 : i32
    %dma_wait3A_51 = tpu.memref_slice %arg10[%dma_wait3A_49, %dma_wait3A_50] : memref<4x64xi32, #tpu.memory_space<vmem>> -> memref<1x64xi32, #tpu.memory_space<vmem>>
    %dma_wait3A_52 = tpu.memref_squeeze %dma_wait3A_51 : memref<1x64xi32, #tpu.memory_space<vmem>> -> memref<64xi32, #tpu.memory_space<vmem>>
    %dma_wait3A_53 = arith.constant 0 : i32
    %dma_wait3A_54 = arith.constant 0 : i32
    %dma_wait3A_55 = tpu.memref_slice %arg15[%dma_wait3A_53, %dma_wait3A_54] : memref<10240x128xf32, #tpu.memory_space<vmem_shared>> -> memref<10240x128xf32, #tpu.memory_space<vmem_shared>>
    tpu.wait_indirect_dma semaphore(%arg22 : memref<!tpu.dma_semaphore, #tpu.memory_space<semaphore_mem>>) src(%arg13 : memref<64x128xf32, #tpu.memory_space<vmem>>) dst(%dma_wait3A_55 : memref<10240x128xf32, #tpu.memory_space<vmem_shared>>)
    %dma_wait3A_56 = arith.constant 3 : i32
    %dma_wait3A_57 = arith.constant 0 : i32
    %dma_wait3A_58 = tpu.memref_slice %arg10[%dma_wait3A_56, %dma_wait3A_57] : memref<4x64xi32, #tpu.memory_space<vmem>> -> memref<1x64xi32, #tpu.memory_space<vmem>>
    %dma_wait3A_59 = tpu.memref_squeeze %dma_wait3A_58 : memref<1x64xi32, #tpu.memory_space<vmem>> -> memref<64xi32, #tpu.memory_space<vmem>>
    %dma_wait3A_60 = arith.constant 0 : i32
    %dma_wait3A_61 = arith.constant 0 : i32
    %dma_wait3A_62 = tpu.memref_slice %arg15[%dma_wait3A_60, %dma_wait3A_61] : memref<10240x128xf32, #tpu.memory_space<vmem_shared>> -> memref<10240x128xf32, #tpu.memory_space<vmem_shared>>
    tpu.wait_indirect_dma semaphore(%arg23 : memref<!tpu.dma_semaphore, #tpu.memory_space<semaphore_mem>>) src(%arg14 : memref<64x128xf32, #tpu.memory_space<vmem>>) dst(%dma_wait3A_62 : memref<10240x128xf32, #tpu.memory_space<vmem_shared>>)
    %barrier3A_63 = arith.constant 0 : index
    tpu.barrier barrier_id(%barrier3A_63)
    "tpu.region"() ({
      %run_scoped3A = tpu.sem_alloc : memref<!tpu.dma_semaphore, #tpu.memory_space<semaphore_mem>>
      %dma_start3A_64 = arith.constant 0 : i32
      %dma_start3A_65 = tpu.memref_slice %arg7[%arg0, %mul3A_2, %dma_start3A_64] : memref<2x10240x128xf32, #tpu.memory_space<hbm>> -> memref<1x640x128xf32, #tpu.memory_space<hbm>>
      %dma_start3A_66 = tpu.memref_squeeze %dma_start3A_65 : memref<1x640x128xf32, #tpu.memory_space<hbm>> -> memref<640x128xf32, #tpu.memory_space<hbm>>
      %dma_start3A_67 = arith.constant 0 : i32
      %dma_start3A_68 = tpu.memref_slice %arg15[%mul3A_2, %dma_start3A_67] : memref<10240x128xf32, #tpu.memory_space<vmem_shared>> -> memref<640x128xf32, #tpu.memory_space<vmem_shared>>
      tpu.enqueue_dma source(%dma_start3A_68 : memref<640x128xf32, #tpu.memory_space<vmem_shared>>) target(%dma_start3A_66 : memref<640x128xf32, #tpu.memory_space<hbm>>) target_semaphore(%run_scoped3A : memref<!tpu.dma_semaphore, #tpu.memory_space<semaphore_mem>>)
      %dma_wait3A_69 = arith.constant 0 : i32
      %dma_wait3A_70 = tpu.memref_slice %arg7[%arg0, %mul3A_2, %dma_wait3A_69] : memref<2x10240x128xf32, #tpu.memory_space<hbm>> -> memref<1x640x128xf32, #tpu.memory_space<hbm>>
      %dma_wait3A_71 = tpu.memref_squeeze %dma_wait3A_70 : memref<1x640x128xf32, #tpu.memory_space<hbm>> -> memref<640x128xf32, #tpu.memory_space<hbm>>
      %dma_wait3A_72 = arith.constant 0 : i32
      %dma_wait3A_73 = tpu.memref_slice %arg15[%mul3A_2, %dma_wait3A_72] : memref<10240x128xf32, #tpu.memory_space<vmem_shared>> -> memref<640x128xf32, #tpu.memory_space<vmem_shared>>
      tpu.wait_dma2 semaphore(%run_scoped3A : memref<!tpu.dma_semaphore, #tpu.memory_space<semaphore_mem>>) src(%dma_wait3A_73 : memref<640x128xf32, #tpu.memory_space<vmem_shared>>) dst(%dma_wait3A_71 : memref<640x128xf32, #tpu.memory_space<hbm>>)
      tpu.yield
    }) : () -> ()
    return
  }
}

module attributes {stable_mosaic.version = 14 : i64} {
  func.func @_tc1_body(%arg0: i32, %arg1: memref<400x128xf32, #tpu.memory_space<vmem>>, %arg2: memref<400x128xf32, #tpu.memory_space<vmem>>, %arg3: memref<128x128xf32, #tpu.memory_space<vmem>>, %arg4: memref<128x128xf32, #tpu.memory_space<vmem>>, %arg5: memref<1x128xf32, #tpu.memory_space<vmem>>, %arg6: memref<128x128xf32, #tpu.memory_space<vmem>>, %arg7: memref<400x128xf32, #tpu.memory_space<vmem>>, %arg8: memref<400x128xf32, #tpu.memory_space<vmem>>) attributes {dimension_semantics = [#tpu.dimension_semantics<arbitrary>], iteration_bounds = array<i64: 25>, scalar_prefetch = 0 : i64, scratch_operands = 0 : i64, tpu.core_type = #tpu.core_type<tc>, window_params = [{transform_indices = @transform_0, window_bounds = array<i64: 400, 128>}, {transform_indices = @transform_1, window_bounds = array<i64: 400, 128>}, {pipeline_mode = #tpu.pipeline_mode<synchronous>, transform_indices = @transform_2, window_bounds = array<i64: 128, 128>}, {pipeline_mode = #tpu.pipeline_mode<synchronous>, transform_indices = @transform_3, window_bounds = array<i64: 128, 128>}, {pipeline_mode = #tpu.pipeline_mode<synchronous>, transform_indices = @transform_4, window_bounds = array<i64: 1, 128>}, {pipeline_mode = #tpu.pipeline_mode<synchronous>, transform_indices = @transform_5, window_bounds = array<i64: 128, 128>}, {transform_indices = @transform_6, window_bounds = array<i64: 400, 128>}, {transform_indices = @transform_7, window_bounds = array<i64: 400, 128>}]} {
    %get3A = arith.constant 0 : index
    %get3A_0 = arith.constant 0 : index
    %get3A_1 = vector.load %arg2[%get3A, %get3A_0] : memref<400x128xf32, #tpu.memory_space<vmem>>, vector<400x128xf32>
    %get3A_2 = arith.constant 0 : index
    %get3A_3 = arith.constant 0 : index
    %get3A_4 = vector.load %arg3[%get3A_2, %get3A_3] : memref<128x128xf32, #tpu.memory_space<vmem>>, vector<128x128xf32>
    %dot_general3A = arith.constant dense<0.000000e+00> : vector<400x128xf32>
    %dot_general3A_5 = tpu.matmul %get3A_1, %get3A_4, %dot_general3A {dimension_numbers = #tpu.dot_dimension_numbers<[1], [0], [0], [1], [0, 0, 1, 1], [], []>, transpose_lhs_hint = false} : vector<400x128xf32>, vector<128x128xf32>, vector<400x128xf32> -> vector<400x128xf32>
    %swap3A = arith.constant 0 : index
    %swap3A_6 = arith.constant 0 : index
    %swap3A_7 = vector.load %arg7[%swap3A, %swap3A_6] : memref<400x128xf32, #tpu.memory_space<vmem>>, vector<400x128xf32>
    tpu.vector_store %arg7[%swap3A, %swap3A_6], %dot_general3A_5 {strides = array<i32>} : memref<400x128xf32, #tpu.memory_space<vmem>>, vector<400x128xf32>,
    %get3A_8 = arith.constant 0 : index
    %get3A_9 = arith.constant 0 : index
    %get3A_10 = vector.load %arg1[%get3A_8, %get3A_9] : memref<400x128xf32, #tpu.memory_space<vmem>>, vector<400x128xf32>
    %get3A_11 = arith.constant 0 : index
    %get3A_12 = arith.constant 0 : index
    %get3A_13 = vector.load %arg4[%get3A_11, %get3A_12] : memref<128x128xf32, #tpu.memory_space<vmem>>, vector<128x128xf32>
    %dot_general3A_14 = arith.constant dense<0.000000e+00> : vector<400x128xf32>
    %dot_general3A_15 = tpu.matmul %get3A_10, %get3A_13, %dot_general3A_14 {dimension_numbers = #tpu.dot_dimension_numbers<[1], [0], [0], [1], [0, 0, 1, 1], [], []>, transpose_lhs_hint = false} : vector<400x128xf32>, vector<128x128xf32>, vector<400x128xf32> -> vector<400x128xf32>
    %get3A_16 = arith.constant 0 : index
    %get3A_17 = arith.constant 0 : index
    %get3A_18 = vector.load %arg5[%get3A_16, %get3A_17] : memref<1x128xf32, #tpu.memory_space<vmem>>, vector<1x128xf32>
    %add3A = vector.broadcast %get3A_18 : vector<1x128xf32> to vector<400x128xf32>
    %add3A_19 = arith.addf %dot_general3A_15, %add3A : vector<400x128xf32>
    %max3A = arith.constant 0.000000e+00 : f32
    %max3A_20 = vector.broadcast %max3A : f32 to vector<400x128xf32>
    %max3A_21 = arith.maximumf %add3A_19, %max3A_20 : vector<400x128xf32>
    %get3A_22 = arith.constant 0 : index
    %get3A_23 = arith.constant 0 : index
    %get3A_24 = vector.load %arg6[%get3A_22, %get3A_23] : memref<128x128xf32, #tpu.memory_space<vmem>>, vector<128x128xf32>
    %dot_general3A_25 = arith.constant dense<0.000000e+00> : vector<400x128xf32>
    %dot_general3A_26 = tpu.matmul %max3A_21, %get3A_24, %dot_general3A_25 {dimension_numbers = #tpu.dot_dimension_numbers<[1], [0], [0], [1], [0, 0, 1, 1], [], []>, transpose_lhs_hint = false} : vector<400x128xf32>, vector<128x128xf32>, vector<400x128xf32> -> vector<400x128xf32>
    %swap3A_27 = arith.constant 0 : index
    %swap3A_28 = arith.constant 0 : index
    %swap3A_29 = vector.load %arg8[%swap3A_27, %swap3A_28] : memref<400x128xf32, #tpu.memory_space<vmem>>, vector<400x128xf32>
    tpu.vector_store %arg8[%swap3A_27, %swap3A_28], %dot_general3A_26 {strides = array<i32>} : memref<400x128xf32, #tpu.memory_space<vmem>>, vector<400x128xf32>,
    return
  }
  func.func @transform_0(%arg0: i32) -> (i32, i32) {
    %c0_i32 = arith.constant 0 : i32
    %c0_i32_0 = arith.constant 0 : i32
    return %arg0, %c0_i32 : i32, i32
  }
  func.func @transform_1(%arg0: i32) -> (i32, i32) {
    %c0_i32 = arith.constant 0 : i32
    %c0_i32_0 = arith.constant 0 : i32
    return %arg0, %c0_i32 : i32, i32
  }
  func.func @transform_2(%arg0: i32) -> (i32, i32) {
    %c0_i32 = arith.constant 0 : i32
    %c0_i32_0 = arith.constant 0 : i32
    %c0_i32_1 = arith.constant 0 : i32
    return %c0_i32, %c0_i32_0 : i32, i32
  }
  func.func @transform_3(%arg0: i32) -> (i32, i32) {
    %c0_i32 = arith.constant 0 : i32
    %c0_i32_0 = arith.constant 0 : i32
    %c0_i32_1 = arith.constant 0 : i32
    return %c0_i32, %c0_i32_0 : i32, i32
  }
  func.func @transform_4(%arg0: i32) -> (i32, i32) {
    %c0_i32 = arith.constant 0 : i32
    %c0_i32_0 = arith.constant 0 : i32
    %c0_i32_1 = arith.constant 0 : i32
    return %c0_i32, %c0_i32_0 : i32, i32
  }
  func.func @transform_5(%arg0: i32) -> (i32, i32) {
    %c0_i32 = arith.constant 0 : i32
    %c0_i32_0 = arith.constant 0 : i32
    %c0_i32_1 = arith.constant 0 : i32
    return %c0_i32, %c0_i32_0 : i32, i32
  }
  func.func @transform_6(%arg0: i32) -> (i32, i32) {
    %c0_i32 = arith.constant 0 : i32
    %c0_i32_0 = arith.constant 0 : i32
    return %arg0, %c0_i32 : i32, i32
  }
  func.func @transform_7(%arg0: i32) -> (i32, i32) {
    %c0_i32 = arith.constant 0 : i32
    %c0_i32_0 = arith.constant 0 : i32
    return %arg0, %c0_i32 : i32, i32
  }
}

module attributes {stable_mosaic.version = 14 : i64} {
  func.func @_tc2_body(%arg0: i32, %arg1: memref<1x400x128xf32, #tpu.memory_space<vmem>>, %arg2: memref<1x400x128xf32, #tpu.memory_space<vmem>>, %arg3: memref<1x400x128xf32, #tpu.memory_space<vmem>>, %arg4: memref<1x400x128xf32, #tpu.memory_space<vmem>>, %arg5: memref<400x128xf32, #tpu.memory_space<vmem>>, %arg6: memref<400x128xf32, #tpu.memory_space<vmem>>, %arg7: memref<400x128xf32, #tpu.memory_space<vmem>>, %arg8: memref<400x128xf32, #tpu.memory_space<vmem>>) attributes {dimension_semantics = [#tpu.dimension_semantics<arbitrary>], iteration_bounds = array<i64: 25>, scalar_prefetch = 0 : i64, scratch_operands = 0 : i64, tpu.core_type = #tpu.core_type<tc>, window_params = [{transform_indices = @transform_0, window_bounds = array<i64: 1, 400, 128>}, {transform_indices = @transform_1, window_bounds = array<i64: 1, 400, 128>}, {transform_indices = @transform_2, window_bounds = array<i64: 1, 400, 128>}, {transform_indices = @transform_3, window_bounds = array<i64: 1, 400, 128>}, {transform_indices = @transform_4, window_bounds = array<i64: 400, 128>}, {transform_indices = @transform_5, window_bounds = array<i64: 400, 128>}, {transform_indices = @transform_6, window_bounds = array<i64: 400, 128>}, {transform_indices = @transform_7, window_bounds = array<i64: 400, 128>}]} {
    %get3A = arith.constant 0 : index
    %get3A_0 = arith.constant 0 : index
    %get3A_1 = arith.constant 0 : index
    %get3A_2 = vector.load %arg1[%get3A, %get3A_0, %get3A_1] : memref<1x400x128xf32, #tpu.memory_space<vmem>>, vector<1x400x128xf32>
    %get3A_3 = vector.shape_cast %get3A_2 : vector<1x400x128xf32> to vector<400x128xf32>
    %get3A_4 = arith.constant 0 : index
    %get3A_5 = arith.constant 0 : index
    %get3A_6 = arith.constant 0 : index
    %get3A_7 = vector.load %arg2[%get3A_4, %get3A_5, %get3A_6] : memref<1x400x128xf32, #tpu.memory_space<vmem>>, vector<1x400x128xf32>
    %get3A_8 = vector.shape_cast %get3A_7 : vector<1x400x128xf32> to vector<400x128xf32>
    %add3A = arith.addf %get3A_3, %get3A_8 : vector<400x128xf32>
    %swap3A = arith.constant 0 : index
    %swap3A_9 = arith.constant 0 : index
    %swap3A_10 = vector.load %arg6[%swap3A, %swap3A_9] : memref<400x128xf32, #tpu.memory_space<vmem>>, vector<400x128xf32>
    tpu.vector_store %arg6[%swap3A, %swap3A_9], %add3A {strides = array<i32>} : memref<400x128xf32, #tpu.memory_space<vmem>>, vector<400x128xf32>,
    %get3A_11 = arith.constant 0 : index
    %get3A_12 = arith.constant 0 : index
    %get3A_13 = arith.constant 0 : index
    %get3A_14 = vector.load %arg3[%get3A_11, %get3A_12, %get3A_13] : memref<1x400x128xf32, #tpu.memory_space<vmem>>, vector<1x400x128xf32>
    %get3A_15 = vector.shape_cast %get3A_14 : vector<1x400x128xf32> to vector<400x128xf32>
    %slice3A = vector.extract_strided_slice %get3A_15 {offsets = [0, 0], sizes = [400, 1], strides = [1, 1]} : vector<400x128xf32> to vector<400x1xf32>
    %get3A_16 = arith.constant 0 : index
    %get3A_17 = arith.constant 0 : index
    %get3A_18 = arith.constant 0 : index
    %get3A_19 = vector.load %arg4[%get3A_16, %get3A_17, %get3A_18] : memref<1x400x128xf32, #tpu.memory_space<vmem>>, vector<1x400x128xf32>
    %get3A_20 = vector.shape_cast %get3A_19 : vector<1x400x128xf32> to vector<400x128xf32>
    %slice3A_21 = vector.extract_strided_slice %get3A_20 {offsets = [0, 0], sizes = [400, 1], strides = [1, 1]} : vector<400x128xf32> to vector<400x1xf32>
    %add3A_22 = arith.addf %slice3A, %slice3A_21 : vector<400x1xf32>
    %add3A_23 = arith.constant 1.000000e+00 : f32
    %add3A_24 = vector.broadcast %add3A_23 : f32 to vector<400x1xf32>
    %add3A_25 = arith.addf %add3A_22, %add3A_24 : vector<400x1xf32>
    %rsqrt3A = math.rsqrt %add3A_25 : vector<400x1xf32>
    %broadcast_in_dim3A = vector.shape_cast %rsqrt3A : vector<400x1xf32> to vector<400x1xf32>
    %broadcast_in_dim3A_26 = vector.broadcast %broadcast_in_dim3A : vector<400x1xf32> to vector<400x128xf32>
    %swap3A_27 = arith.constant 0 : index
    %swap3A_28 = arith.constant 0 : index
    %swap3A_29 = vector.load %arg8[%swap3A_27, %swap3A_28] : memref<400x128xf32, #tpu.memory_space<vmem>>, vector<400x128xf32>
    tpu.vector_store %arg8[%swap3A_27, %swap3A_28], %broadcast_in_dim3A_26 {strides = array<i32>} : memref<400x128xf32, #tpu.memory_space<vmem>>, vector<400x128xf32>,
    %get3A_30 = arith.constant 0 : index
    %get3A_31 = arith.constant 0 : index
    %get3A_32 = vector.load %arg5[%get3A_30, %get3A_31] : memref<400x128xf32, #tpu.memory_space<vmem>>, vector<400x128xf32>
    %mul3A = vector.broadcast %rsqrt3A : vector<400x1xf32> to vector<400x128xf32>
    %mul3A_33 = arith.mulf %mul3A, %get3A_32 : vector<400x128xf32>
    %swap3A_34 = arith.constant 0 : index
    %swap3A_35 = arith.constant 0 : index
    %swap3A_36 = vector.load %arg7[%swap3A_34, %swap3A_35] : memref<400x128xf32, #tpu.memory_space<vmem>>, vector<400x128xf32>
    tpu.vector_store %arg7[%swap3A_34, %swap3A_35], %mul3A_33 {strides = array<i32>} : memref<400x128xf32, #tpu.memory_space<vmem>>, vector<400x128xf32>,
    return
  }
  func.func @transform_0(%arg0: i32) -> (i32, i32, i32) {
    %c0_i32 = arith.constant 0 : i32
    %c0_i32_0 = arith.constant 0 : i32
    %c0_i32_1 = arith.constant 0 : i32
    return %c0_i32, %arg0, %c0_i32_0 : i32, i32, i32
  }
  func.func @transform_1(%arg0: i32) -> (i32, i32, i32) {
    %c1_i32 = arith.constant 1 : i32
    %c0_i32 = arith.constant 0 : i32
    %c0_i32_0 = arith.constant 0 : i32
    return %c1_i32, %arg0, %c0_i32 : i32, i32, i32
  }
  func.func @transform_2(%arg0: i32) -> (i32, i32, i32) {
    %c0_i32 = arith.constant 0 : i32
    %c0_i32_0 = arith.constant 0 : i32
    %c0_i32_1 = arith.constant 0 : i32
    return %c0_i32, %arg0, %c0_i32_0 : i32, i32, i32
  }
  func.func @transform_3(%arg0: i32) -> (i32, i32, i32) {
    %c1_i32 = arith.constant 1 : i32
    %c0_i32 = arith.constant 0 : i32
    %c0_i32_0 = arith.constant 0 : i32
    return %c1_i32, %arg0, %c0_i32 : i32, i32, i32
  }
  func.func @transform_4(%arg0: i32) -> (i32, i32) {
    %c0_i32 = arith.constant 0 : i32
    %c0_i32_0 = arith.constant 0 : i32
    return %arg0, %c0_i32 : i32, i32
  }
  func.func @transform_5(%arg0: i32) -> (i32, i32) {
    %c0_i32 = arith.constant 0 : i32
    %c0_i32_0 = arith.constant 0 : i32
    return %arg0, %c0_i32 : i32, i32
  }
  func.func @transform_6(%arg0: i32) -> (i32, i32) {
    %c0_i32 = arith.constant 0 : i32
    %c0_i32_0 = arith.constant 0 : i32
    return %arg0, %c0_i32 : i32, i32
  }
  func.func @transform_7(%arg0: i32) -> (i32, i32) {
    %c0_i32 = arith.constant 0 : i32
    %c0_i32_0 = arith.constant 0 : i32
    return %arg0, %c0_i32 : i32, i32
  }
}

module attributes {stable_mosaic.version = 14 : i64} {
  func.func @_tc_mid_body(%arg0: i32, %arg1: memref<1x400x128xf32, #tpu.memory_space<vmem>>, %arg2: memref<1x400x128xf32, #tpu.memory_space<vmem>>, %arg3: memref<400x128xf32, #tpu.memory_space<vmem>>, %arg4: memref<400x128xf32, #tpu.memory_space<vmem>>, %arg5: memref<1x128xf32, #tpu.memory_space<vmem>>, %arg6: memref<1x128xf32, #tpu.memory_space<vmem>>, %arg7: memref<1x128xf32, #tpu.memory_space<vmem>>, %arg8: memref<128x128xf32, #tpu.memory_space<vmem>>, %arg9: memref<400x128xf32, #tpu.memory_space<vmem>>) attributes {dimension_semantics = [#tpu.dimension_semantics<arbitrary>], iteration_bounds = array<i64: 25>, scalar_prefetch = 0 : i64, scratch_operands = 0 : i64, tpu.core_type = #tpu.core_type<tc>, window_params = [{transform_indices = @transform_0, window_bounds = array<i64: 1, 400, 128>}, {transform_indices = @transform_1, window_bounds = array<i64: 1, 400, 128>}, {transform_indices = @transform_2, window_bounds = array<i64: 400, 128>}, {transform_indices = @transform_3, window_bounds = array<i64: 400, 128>}, {pipeline_mode = #tpu.pipeline_mode<synchronous>, transform_indices = @transform_4, window_bounds = array<i64: 1, 128>}, {pipeline_mode = #tpu.pipeline_mode<synchronous>, transform_indices = @transform_5, window_bounds = array<i64: 1, 128>}, {pipeline_mode = #tpu.pipeline_mode<synchronous>, transform_indices = @transform_6, window_bounds = array<i64: 1, 128>}, {pipeline_mode = #tpu.pipeline_mode<synchronous>, transform_indices = @transform_7, window_bounds = array<i64: 128, 128>}, {transform_indices = @transform_8, window_bounds = array<i64: 400, 128>}]} {
    %get3A = arith.constant 0 : index
    %get3A_0 = arith.constant 0 : index
    %get3A_1 = vector.load %arg4[%get3A, %get3A_0] : memref<400x128xf32, #tpu.memory_space<vmem>>, vector<400x128xf32>
    %get3A_2 = arith.constant 0 : index
    %get3A_3 = arith.constant 0 : index
    %get3A_4 = arith.constant 0 : index
    %get3A_5 = vector.load %arg1[%get3A_2, %get3A_3, %get3A_4] : memref<1x400x128xf32, #tpu.memory_space<vmem>>, vector<1x400x128xf32>
    %get3A_6 = vector.shape_cast %get3A_5 : vector<1x400x128xf32> to vector<400x128xf32>
    %get3A_7 = arith.constant 0 : index
    %get3A_8 = arith.constant 0 : index
    %get3A_9 = arith.constant 0 : index
    %get3A_10 = vector.load %arg2[%get3A_7, %get3A_8, %get3A_9] : memref<1x400x128xf32, #tpu.memory_space<vmem>>, vector<1x400x128xf32>
    %get3A_11 = vector.shape_cast %get3A_10 : vector<1x400x128xf32> to vector<400x128xf32>
    %add3A = arith.addf %get3A_6, %get3A_11 : vector<400x128xf32>
    %get3A_12 = arith.constant 0 : index
    %get3A_13 = arith.constant 0 : index
    %get3A_14 = vector.load %arg3[%get3A_12, %get3A_13] : memref<400x128xf32, #tpu.memory_space<vmem>>, vector<400x128xf32>
    %add3A_15 = arith.addf %add3A, %get3A_14 : vector<400x128xf32>
    %mul3A = arith.mulf %get3A_1, %add3A_15 : vector<400x128xf32>
    %get3A_16 = arith.constant 0 : index
    %get3A_17 = arith.constant 0 : index
    %get3A_18 = vector.load %arg5[%get3A_16, %get3A_17] : memref<1x128xf32, #tpu.memory_space<vmem>>, vector<1x128xf32>
    %add3A_19 = vector.broadcast %get3A_18 : vector<1x128xf32> to vector<400x128xf32>
    %add3A_20 = arith.addf %mul3A, %add3A_19 : vector<400x128xf32>
    %reduce_sum3A = arith.constant dense<0.000000e+00> : vector<400xf32>
    %reduce_sum3A_21 = vector.multi_reduction <add>, %add3A_20, %reduce_sum3A [1] : vector<400x128xf32> to vector<400xf32>
    %broadcast_in_dim3A = vector.shape_cast %reduce_sum3A_21 : vector<400xf32> to vector<400x1xf32>
    %div3A = arith.constant 1.280000e+02 : f32
    %div3A_22 = vector.broadcast %div3A : f32 to vector<400x1xf32>
    %div3A_23 = arith.divf %broadcast_in_dim3A, %div3A_22 : vector<400x1xf32>
    %sub3A = vector.broadcast %div3A_23 : vector<400x1xf32> to vector<400x128xf32>
    %sub3A_24 = arith.subf %add3A_20, %sub3A : vector<400x128xf32>
    %integer_pow3A = arith.mulf %sub3A_24, %sub3A_24 : vector<400x128xf32>
    %reduce_sum3A_25 = arith.constant dense<0.000000e+00> : vector<400xf32>
    %reduce_sum3A_26 = vector.multi_reduction <add>, %integer_pow3A, %reduce_sum3A_25 [1] : vector<400x128xf32> to vector<400xf32>
    %broadcast_in_dim3A_27 = vector.shape_cast %reduce_sum3A_26 : vector<400xf32> to vector<400x1xf32>
    %div3A_28 = arith.constant 1.280000e+02 : f32
    %div3A_29 = vector.broadcast %div3A_28 : f32 to vector<400x1xf32>
    %div3A_30 = arith.divf %broadcast_in_dim3A_27, %div3A_29 : vector<400x1xf32>
    %sub3A_31 = vector.broadcast %div3A_23 : vector<400x1xf32> to vector<400x128xf32>
    %sub3A_32 = arith.subf %add3A_20, %sub3A_31 : vector<400x128xf32>
    %add3A_33 = arith.constant 9.99999974E-6 : f32
    %add3A_34 = vector.broadcast %add3A_33 : f32 to vector<400x1xf32>
    %add3A_35 = arith.addf %div3A_30, %add3A_34 : vector<400x1xf32>
    %rsqrt3A = math.rsqrt %add3A_35 : vector<400x1xf32>
    %mul3A_36 = vector.broadcast %rsqrt3A : vector<400x1xf32> to vector<400x128xf32>
    %mul3A_37 = arith.mulf %sub3A_32, %mul3A_36 : vector<400x128xf32>
    %get3A_38 = arith.constant 0 : index
    %get3A_39 = arith.constant 0 : index
    %get3A_40 = vector.load %arg6[%get3A_38, %get3A_39] : memref<1x128xf32, #tpu.memory_space<vmem>>, vector<1x128xf32>
    %mul3A_41 = vector.broadcast %get3A_40 : vector<1x128xf32> to vector<400x128xf32>
    %mul3A_42 = arith.mulf %mul3A_37, %mul3A_41 : vector<400x128xf32>
    %get3A_43 = arith.constant 0 : index
    %get3A_44 = arith.constant 0 : index
    %get3A_45 = vector.load %arg7[%get3A_43, %get3A_44] : memref<1x128xf32, #tpu.memory_space<vmem>>, vector<1x128xf32>
    %add3A_46 = vector.broadcast %get3A_45 : vector<1x128xf32> to vector<400x128xf32>
    %add3A_47 = arith.addf %mul3A_42, %add3A_46 : vector<400x128xf32>
    %max3A = arith.constant 0.000000e+00 : f32
    %max3A_48 = vector.broadcast %max3A : f32 to vector<400x128xf32>
    %max3A_49 = arith.maximumf %add3A_47, %max3A_48 : vector<400x128xf32>
    %get3A_50 = arith.constant 0 : index
    %get3A_51 = arith.constant 0 : index
    %get3A_52 = vector.load %arg4[%get3A_50, %get3A_51] : memref<400x128xf32, #tpu.memory_space<vmem>>, vector<400x128xf32>
    %get3A_53 = arith.constant 0 : index
    %get3A_54 = arith.constant 0 : index
    %get3A_55 = vector.load %arg8[%get3A_53, %get3A_54] : memref<128x128xf32, #tpu.memory_space<vmem>>, vector<128x128xf32>
    %dot_general3A = arith.constant dense<0.000000e+00> : vector<400x128xf32>
    %dot_general3A_56 = tpu.matmul %max3A_49, %get3A_55, %dot_general3A {dimension_numbers = #tpu.dot_dimension_numbers<[1], [0], [0], [1], [0, 0, 1, 1], [], []>, transpose_lhs_hint = false} : vector<400x128xf32>, vector<128x128xf32>, vector<400x128xf32> -> vector<400x128xf32>
    %mul3A_57 = arith.mulf %get3A_52, %dot_general3A_56 : vector<400x128xf32>
    %swap3A = arith.constant 0 : index
    %swap3A_58 = arith.constant 0 : index
    %swap3A_59 = vector.load %arg9[%swap3A, %swap3A_58] : memref<400x128xf32, #tpu.memory_space<vmem>>, vector<400x128xf32>
    tpu.vector_store %arg9[%swap3A, %swap3A_58], %mul3A_57 {strides = array<i32>} : memref<400x128xf32, #tpu.memory_space<vmem>>, vector<400x128xf32>,
    return
  }
  func.func @transform_0(%arg0: i32) -> (i32, i32, i32) {
    %c0_i32 = arith.constant 0 : i32
    %c0_i32_0 = arith.constant 0 : i32
    %c0_i32_1 = arith.constant 0 : i32
    return %c0_i32, %arg0, %c0_i32_0 : i32, i32, i32
  }
  func.func @transform_1(%arg0: i32) -> (i32, i32, i32) {
    %c1_i32 = arith.constant 1 : i32
    %c0_i32 = arith.constant 0 : i32
    %c0_i32_0 = arith.constant 0 : i32
    return %c1_i32, %arg0, %c0_i32 : i32, i32, i32
  }
  func.func @transform_2(%arg0: i32) -> (i32, i32) {
    %c0_i32 = arith.constant 0 : i32
    %c0_i32_0 = arith.constant 0 : i32
    return %arg0, %c0_i32 : i32, i32
  }
  func.func @transform_3(%arg0: i32) -> (i32, i32) {
    %c0_i32 = arith.constant 0 : i32
    %c0_i32_0 = arith.constant 0 : i32
    return %arg0, %c0_i32 : i32, i32
  }
  func.func @transform_4(%arg0: i32) -> (i32, i32) {
    %c0_i32 = arith.constant 0 : i32
    %c0_i32_0 = arith.constant 0 : i32
    %c0_i32_1 = arith.constant 0 : i32
    return %c0_i32, %c0_i32_0 : i32, i32
  }
  func.func @transform_5(%arg0: i32) -> (i32, i32) {
    %c0_i32 = arith.constant 0 : i32
    %c0_i32_0 = arith.constant 0 : i32
    %c0_i32_1 = arith.constant 0 : i32
    return %c0_i32, %c0_i32_0 : i32, i32
  }
  func.func @transform_6(%arg0: i32) -> (i32, i32) {
    %c0_i32 = arith.constant 0 : i32
    %c0_i32_0 = arith.constant 0 : i32
    %c0_i32_1 = arith.constant 0 : i32
    return %c0_i32, %c0_i32_0 : i32, i32
  }
  func.func @transform_7(%arg0: i32) -> (i32, i32) {
    %c0_i32 = arith.constant 0 : i32
    %c0_i32_0 = arith.constant 0 : i32
    %c0_i32_1 = arith.constant 0 : i32
    return %c0_i32, %c0_i32_0 : i32, i32
  }
  func.func @transform_8(%arg0: i32) -> (i32, i32) {
    %c0_i32 = arith.constant 0 : i32
    %c0_i32_0 = arith.constant 0 : i32
    return %arg0, %c0_i32 : i32, i32
  }
}

module attributes {stable_mosaic.version = 14 : i64} {
  func.func @_tc_fin_body(%arg0: i32, %arg1: memref<1x400x128xf32, #tpu.memory_space<vmem>>, %arg2: memref<1x400x128xf32, #tpu.memory_space<vmem>>, %arg3: memref<400x128xf32, #tpu.memory_space<vmem>>, %arg4: memref<400x128xf32, #tpu.memory_space<vmem>>, %arg5: memref<1x128xf32, #tpu.memory_space<vmem>>, %arg6: memref<1x128xf32, #tpu.memory_space<vmem>>, %arg7: memref<1x128xf32, #tpu.memory_space<vmem>>, %arg8: memref<128x128xf32, #tpu.memory_space<vmem>>, %arg9: memref<1x128xf32, #tpu.memory_space<vmem>>, %arg10: memref<400x128xf32, #tpu.memory_space<vmem>>) attributes {dimension_semantics = [#tpu.dimension_semantics<arbitrary>], iteration_bounds = array<i64: 25>, scalar_prefetch = 0 : i64, scratch_operands = 0 : i64, tpu.core_type = #tpu.core_type<tc>, window_params = [{transform_indices = @transform_0, window_bounds = array<i64: 1, 400, 128>}, {transform_indices = @transform_1, window_bounds = array<i64: 1, 400, 128>}, {transform_indices = @transform_2, window_bounds = array<i64: 400, 128>}, {transform_indices = @transform_3, window_bounds = array<i64: 400, 128>}, {pipeline_mode = #tpu.pipeline_mode<synchronous>, transform_indices = @transform_4, window_bounds = array<i64: 1, 128>}, {pipeline_mode = #tpu.pipeline_mode<synchronous>, transform_indices = @transform_5, window_bounds = array<i64: 1, 128>}, {pipeline_mode = #tpu.pipeline_mode<synchronous>, transform_indices = @transform_6, window_bounds = array<i64: 1, 128>}, {pipeline_mode = #tpu.pipeline_mode<synchronous>, transform_indices = @transform_7, window_bounds = array<i64: 128, 128>}, {pipeline_mode = #tpu.pipeline_mode<synchronous>, transform_indices = @transform_8, window_bounds = array<i64: 1, 128>}, {transform_indices = @transform_9, window_bounds = array<i64: 400, 128>}]} {
    %get3A = arith.constant 0 : index
    %get3A_0 = arith.constant 0 : index
    %get3A_1 = vector.load %arg4[%get3A, %get3A_0] : memref<400x128xf32, #tpu.memory_space<vmem>>, vector<400x128xf32>
    %get3A_2 = arith.constant 0 : index
    %get3A_3 = arith.constant 0 : index
    %get3A_4 = arith.constant 0 : index
    %get3A_5 = vector.load %arg1[%get3A_2, %get3A_3, %get3A_4] : memref<1x400x128xf32, #tpu.memory_space<vmem>>, vector<1x400x128xf32>
    %get3A_6 = vector.shape_cast %get3A_5 : vector<1x400x128xf32> to vector<400x128xf32>
    %get3A_7 = arith.constant 0 : index
    %get3A_8 = arith.constant 0 : index
    %get3A_9 = arith.constant 0 : index
    %get3A_10 = vector.load %arg2[%get3A_7, %get3A_8, %get3A_9] : memref<1x400x128xf32, #tpu.memory_space<vmem>>, vector<1x400x128xf32>
    %get3A_11 = vector.shape_cast %get3A_10 : vector<1x400x128xf32> to vector<400x128xf32>
    %add3A = arith.addf %get3A_6, %get3A_11 : vector<400x128xf32>
    %get3A_12 = arith.constant 0 : index
    %get3A_13 = arith.constant 0 : index
    %get3A_14 = vector.load %arg3[%get3A_12, %get3A_13] : memref<400x128xf32, #tpu.memory_space<vmem>>, vector<400x128xf32>
    %add3A_15 = arith.addf %add3A, %get3A_14 : vector<400x128xf32>
    %mul3A = arith.mulf %get3A_1, %add3A_15 : vector<400x128xf32>
    %get3A_16 = arith.constant 0 : index
    %get3A_17 = arith.constant 0 : index
    %get3A_18 = vector.load %arg5[%get3A_16, %get3A_17] : memref<1x128xf32, #tpu.memory_space<vmem>>, vector<1x128xf32>
    %add3A_19 = vector.broadcast %get3A_18 : vector<1x128xf32> to vector<400x128xf32>
    %add3A_20 = arith.addf %mul3A, %add3A_19 : vector<400x128xf32>
    %reduce_sum3A = arith.constant dense<0.000000e+00> : vector<400xf32>
    %reduce_sum3A_21 = vector.multi_reduction <add>, %add3A_20, %reduce_sum3A [1] : vector<400x128xf32> to vector<400xf32>
    %broadcast_in_dim3A = vector.shape_cast %reduce_sum3A_21 : vector<400xf32> to vector<400x1xf32>
    %div3A = arith.constant 1.280000e+02 : f32
    %div3A_22 = vector.broadcast %div3A : f32 to vector<400x1xf32>
    %div3A_23 = arith.divf %broadcast_in_dim3A, %div3A_22 : vector<400x1xf32>
    %sub3A = vector.broadcast %div3A_23 : vector<400x1xf32> to vector<400x128xf32>
    %sub3A_24 = arith.subf %add3A_20, %sub3A : vector<400x128xf32>
    %integer_pow3A = arith.mulf %sub3A_24, %sub3A_24 : vector<400x128xf32>
    %reduce_sum3A_25 = arith.constant dense<0.000000e+00> : vector<400xf32>
    %reduce_sum3A_26 = vector.multi_reduction <add>, %integer_pow3A, %reduce_sum3A_25 [1] : vector<400x128xf32> to vector<400xf32>
    %broadcast_in_dim3A_27 = vector.shape_cast %reduce_sum3A_26 : vector<400xf32> to vector<400x1xf32>
    %div3A_28 = arith.constant 1.280000e+02 : f32
    %div3A_29 = vector.broadcast %div3A_28 : f32 to vector<400x1xf32>
    %div3A_30 = arith.divf %broadcast_in_dim3A_27, %div3A_29 : vector<400x1xf32>
    %sub3A_31 = vector.broadcast %div3A_23 : vector<400x1xf32> to vector<400x128xf32>
    %sub3A_32 = arith.subf %add3A_20, %sub3A_31 : vector<400x128xf32>
    %add3A_33 = arith.constant 9.99999974E-6 : f32
    %add3A_34 = vector.broadcast %add3A_33 : f32 to vector<400x1xf32>
    %add3A_35 = arith.addf %div3A_30, %add3A_34 : vector<400x1xf32>
    %rsqrt3A = math.rsqrt %add3A_35 : vector<400x1xf32>
    %mul3A_36 = vector.broadcast %rsqrt3A : vector<400x1xf32> to vector<400x128xf32>
    %mul3A_37 = arith.mulf %sub3A_32, %mul3A_36 : vector<400x128xf32>
    %get3A_38 = arith.constant 0 : index
    %get3A_39 = arith.constant 0 : index
    %get3A_40 = vector.load %arg6[%get3A_38, %get3A_39] : memref<1x128xf32, #tpu.memory_space<vmem>>, vector<1x128xf32>
    %mul3A_41 = vector.broadcast %get3A_40 : vector<1x128xf32> to vector<400x128xf32>
    %mul3A_42 = arith.mulf %mul3A_37, %mul3A_41 : vector<400x128xf32>
    %get3A_43 = arith.constant 0 : index
    %get3A_44 = arith.constant 0 : index
    %get3A_45 = vector.load %arg7[%get3A_43, %get3A_44] : memref<1x128xf32, #tpu.memory_space<vmem>>, vector<1x128xf32>
    %add3A_46 = vector.broadcast %get3A_45 : vector<1x128xf32> to vector<400x128xf32>
    %add3A_47 = arith.addf %mul3A_42, %add3A_46 : vector<400x128xf32>
    %max3A = arith.constant 0.000000e+00 : f32
    %max3A_48 = vector.broadcast %max3A : f32 to vector<400x128xf32>
    %max3A_49 = arith.maximumf %add3A_47, %max3A_48 : vector<400x128xf32>
    %get3A_50 = arith.constant 0 : index
    %get3A_51 = arith.constant 0 : index
    %get3A_52 = vector.load %arg8[%get3A_50, %get3A_51] : memref<128x128xf32, #tpu.memory_space<vmem>>, vector<128x128xf32>
    %dot_general3A = arith.constant dense<0.000000e+00> : vector<400x128xf32>
    %dot_general3A_53 = tpu.matmul %max3A_49, %get3A_52, %dot_general3A {dimension_numbers = #tpu.dot_dimension_numbers<[1], [0], [0], [1], [0, 0, 1, 1], [], []>, transpose_lhs_hint = false} : vector<400x128xf32>, vector<128x128xf32>, vector<400x128xf32> -> vector<400x128xf32>
    %get3A_54 = arith.constant 0 : index
    %get3A_55 = arith.constant 0 : index
    %get3A_56 = vector.load %arg9[%get3A_54, %get3A_55] : memref<1x128xf32, #tpu.memory_space<vmem>>, vector<1x128xf32>
    %add3A_57 = vector.broadcast %get3A_56 : vector<1x128xf32> to vector<400x128xf32>
    %add3A_58 = arith.addf %dot_general3A_53, %add3A_57 : vector<400x128xf32>
    %swap3A = arith.constant 0 : index
    %swap3A_59 = arith.constant 0 : index
    %swap3A_60 = vector.load %arg10[%swap3A, %swap3A_59] : memref<400x128xf32, #tpu.memory_space<vmem>>, vector<400x128xf32>
    tpu.vector_store %arg10[%swap3A, %swap3A_59], %add3A_58 {strides = array<i32>} : memref<400x128xf32, #tpu.memory_space<vmem>>, vector<400x128xf32>,
    return
  }
  func.func @transform_0(%arg0: i32) -> (i32, i32, i32) {
    %c0_i32 = arith.constant 0 : i32
    %c0_i32_0 = arith.constant 0 : i32
    %c0_i32_1 = arith.constant 0 : i32
    return %c0_i32, %arg0, %c0_i32_0 : i32, i32, i32
  }
  func.func @transform_1(%arg0: i32) -> (i32, i32, i32) {
    %c1_i32 = arith.constant 1 : i32
    %c0_i32 = arith.constant 0 : i32
    %c0_i32_0 = arith.constant 0 : i32
    return %c1_i32, %arg0, %c0_i32 : i32, i32, i32
  }
  func.func @transform_2(%arg0: i32) -> (i32, i32) {
    %c0_i32 = arith.constant 0 : i32
    %c0_i32_0 = arith.constant 0 : i32
    return %arg0, %c0_i32 : i32, i32
  }
  func.func @transform_3(%arg0: i32) -> (i32, i32) {
    %c0_i32 = arith.constant 0 : i32
    %c0_i32_0 = arith.constant 0 : i32
    return %arg0, %c0_i32 : i32, i32
  }
  func.func @transform_4(%arg0: i32) -> (i32, i32) {
    %c0_i32 = arith.constant 0 : i32
    %c0_i32_0 = arith.constant 0 : i32
    %c0_i32_1 = arith.constant 0 : i32
    return %c0_i32, %c0_i32_0 : i32, i32
  }
  func.func @transform_5(%arg0: i32) -> (i32, i32) {
    %c0_i32 = arith.constant 0 : i32
    %c0_i32_0 = arith.constant 0 : i32
    %c0_i32_1 = arith.constant 0 : i32
    return %c0_i32, %c0_i32_0 : i32, i32
  }
  func.func @transform_6(%arg0: i32) -> (i32, i32) {
    %c0_i32 = arith.constant 0 : i32
    %c0_i32_0 = arith.constant 0 : i32
    %c0_i32_1 = arith.constant 0 : i32
    return %c0_i32, %c0_i32_0 : i32, i32
  }
  func.func @transform_7(%arg0: i32) -> (i32, i32) {
    %c0_i32 = arith.constant 0 : i32
    %c0_i32_0 = arith.constant 0 : i32
    %c0_i32_1 = arith.constant 0 : i32
    return %c0_i32, %c0_i32_0 : i32, i32
  }
  func.func @transform_8(%arg0: i32) -> (i32, i32) {
    %c0_i32 = arith.constant 0 : i32
    %c0_i32_0 = arith.constant 0 : i32
    %c0_i32_1 = arith.constant 0 : i32
    return %c0_i32, %c0_i32_0 : i32, i32
  }
  func.func @transform_9(%arg0: i32) -> (i32, i32) {
    %c0_i32 = arith.constant 0 : i32
    %c0_i32_0 = arith.constant 0 : i32
    return %arg0, %c0_i32 : i32, i32
  }
}

</mosaic_0001>

<sc_bundles>
// kernel: kernel.12.cloned.1.call-start
scs
__scs_entry_jumppad:
0x0: {  	(pc) =	sbr.rel $0x88, $3  }
0x1: {  	(tag) =	ssettag $0x0;
	lr =	simm.s32 $0x1  }
0x2: {  	[smem:$0x3F8D] =	sst lr;
	_ =	strace $0xD0000000  }
0x3: {  	_ = 	snop  }
0x4: {  	_ = 	snop  }
0x5: {  	_ = 	snop  }
0x6: {  	_ = 	snop  }
0x7: {  	_ = 	snop  }
__scs_overlays_trampoline_lowered:
0x8: {  	[smem:$0x3F9C] =	sst s0  }
0x9: {  	[smem:$0x3F9D] =	sst s1  }
0xa: {  	[smem:$0x3F9E] =	sst s2  }
0xb: {  	[smem:$0x3F9F] =	sst s3  }
0xc: {  	[smem:$0x3FA0] =	sst s4  }
0xd: {  	[smem:$0x3FA1] =	sst s5  }
0xe: {  	[smem:$0x3FA2] =	sst s6  }
0xf: {  	[smem:$0x3FA3] =	sst s7  }
0x10: {  	[smem:$0x3FA4] =	sst s8  }
0x11: {  	[smem:$0x3FA5] =	sst s9;
	s0 =	simm.s32 @!p0 $0x0  }
0x12: {  	s1 =	sld [smem:$0x3F8B];
	s0 =	simm.s32 @p0 $0x1  }
0x13: {  	[smem:$0x3FA6] =	sst s0;
	s0 =	simm.s32 @!p1 $0x0  }
0x14: {  	s2 =	sld [smem:$0x3F8A];
	s0 =	simm.s32 @p1 $0x1  }
0x15: {  	[smem:$0x3FA7] =	sst s0;
	s0 =	simm.s32 @!p2 $0x0  }
0x16: {  	s3 =	sld [smem:$0x3FDB];
	s0 =	simm.s32 @p2 $0x1  }
0x17: {  	s4 =	simm.s32 $0x1BF5;
	[smem:$0x3FA9] =	sst s0  }
0x18: {  	s0 =	sld [smem:$0x3F8C];
	_ =	swait.ge [sflag:s4], $0x0  }
0x19: {  	s7 =	sld [smem:$0x3F8D]  }
0x1a: {  	s8 =	sadd.s32 $0xFFFFE003, lr  }
0x1b: {  	s9 =	sadd.s32 $0xFFFFFEF7, lr;
	s5 =	simm.s32 $0xFFFFFFFF;
	p2 =	slt.u32 s8, $0xFFFFF086  }
0x1c: {  	p1 =	slt.u32 s9, $0xF7A;
	s5 =	simm.s32 @!p2 $0x0  }
0x1d: {  	s5 =	simm.s32 @p1 $0x1;
	p0 =	seq.s32 s7, s2  }
0x1e: {  	s7 =	smul.u32 @!p0 $0xF7A, s2;
	p2 =	seq.s32 @!p0 s5, $0x0  }
0x1f: {  	s9 =	smul.u32 $0xF7A, s1;
	s8 =	simm.s32 @!p0 $0x1BF5;
	p2 =	por !p2, p0  }
0x20: {  	[sflag:s8] =	ssyncset.s32 @!p0 $0xFFFFF086;
	s6 =	sadd.s32 @!p0 s3, s7;
	s7 =	simm.s32 @!p0 $0x108  }
0x21: {  	s3 =	sadd.s32 s3, s9;
	s6 =	sadd.s32 @!p0 $0x88, s6;
	s7 =	simm.s32 @p2 $0x1082  }
0x22: {  	[simem:s7], [sflag:s8] =	dma.local @!p0 [hbm:s6], $0xF7A  }
0x23: {  	s9 =	sor.u32 $0xD0000000, s2;
	s6 =	simm.s32 $0x108;
	_ =	swait.ge @!p0 [sflag:s8], $0x0  }
0x24: {  	s3 =	sadd.s32 $0x88, s3;
	s6 =	simm.s32 @!p1 $0x1082;
	[sflag:s4] =	ssyncset.s32 $0xFFFFF086  }
0x25: {  	[simem:s6], [sflag:s4] =	dma.local [hbm:s3], $0xF7A  }
0x26: {  	[smem:$0x3F8D] =	sst s1;
	(tag) =	ssettag s2;
	_ =	strace s9  }
0x27: {  	s1 =	sld [smem:$0x3F9D]  }
0x28: {  	s2 =	sld [smem:$0x3F9E]  }
0x29: {  	s4 =	sld [smem:$0x3FA0]  }
0x2a: {  	p0 =	seq.s32 s5, $0x0;
	s5 =	sld [smem:$0x3FA1]  }
0x2b: {  	s6 =	sld [smem:$0x3FA2]  }
0x2c: {  	s7 =	sld [smem:$0x3FA3]  }
0x2d: {  	s3 =	simm.s32 $0x108;
	s8 =	sld [smem:$0x3FA4]  }
0x2e: {  	s3 =	simm.s32 @!p0 $0x1082;
	s9 =	sld [smem:$0x3FA5]  }
0x2f: {  	lr =	sadd.s32 s0, s3;
	s0 =	sld [smem:$0x3F9C]  }
0x30: {  	s3 =	sld [smem:$0x3F9F]  }
0x31: {  	[smem:$0x3FA8] =	sst s10  }
0x32: {  	s10 =	sld [smem:$0x3FA6];
	_ =	sdelay $0x3  }
0x33: {  	p0 =	seq.s32 s10, $0x1;
	s10 =	sld [smem:$0x3FA8];
	_ =	sdelay $0x3  }
0x34: {  	[smem:$0x3FA8] =	sst s10  }
0x35: {  	s10 =	sld [smem:$0x3FA7];
	_ =	sdelay $0x3  }
0x36: {  	p1 =	seq.s32 s10, $0x1;
	s10 =	sld [smem:$0x3FA8];
	_ =	sdelay $0x3  }
0x37: {  	[smem:$0x3FA8] =	sst s10  }
0x38: {  	s10 =	sld [smem:$0x3FA9]  }
0x39: {  	_ = 	snop;
	(pc) =	sbr.ind lr, $3  }
0x3a: {  	_ = 	snop  }
0x3b: {  	_ = 	snop  }
0x3c: {  	p2 =	seq.s32 s10, $0x1;
	s10 =	sld [smem:$0x3FA8]  }
0x3d: {  	_ =	shalt  }
0x3e: {  	_ =	shalt  }
0x3f: {  	_ =	shalt  }
0x40: {  	_ =	shalt  }
0x41: {  	_ =	shalt  }
0x42: {  	_ =	shalt  }
0x43: {  	_ =	shalt  }
0x44: {  	_ =	shalt  }
0x45: {  	_ =	shalt  }
0x46: {  	_ =	shalt  }
0x47: {  	_ =	shalt  }
0x48: {  	_ =	shalt  }
0x49: {  	_ =	shalt  }
0x4a: {  	_ =	shalt  }
0x4b: {  	_ =	shalt  }
0x4c: {  	_ =	shalt  }
0x4d: {  	_ =	shalt  }
0x4e: {  	_ =	shalt  }
0x4f: {  	_ =	shalt  }
0x50: {  	_ =	shalt  }
0x51: {  	_ =	shalt  }
0x52: {  	_ =	shalt  }
0x53: {  	_ =	shalt  }
0x54: {  	_ =	shalt  }
0x55: {  	_ =	shalt  }
0x56: {  	_ =	shalt  }
0x57: {  	_ =	shalt  }
0x58: {  	_ =	shalt  }
0x59: {  	_ =	shalt  }
0x5a: {  	_ =	shalt  }
0x5b: {  	_ =	shalt  }
0x5c: {  	_ =	shalt  }
0x5d: {  	_ =	shalt  }
0x5e: {  	_ =	shalt  }
0x5f: {  	_ =	shalt  }
0x60: {  	_ =	shalt  }
0x61: {  	_ =	shalt  }
0x62: {  	_ =	shalt  }
0x63: {  	_ =	shalt  }
0x64: {  	_ =	shalt  }
0x65: {  	_ =	shalt  }
0x66: {  	_ =	shalt  }
0x67: {  	_ =	shalt  }
0x68: {  	_ =	shalt  }
0x69: {  	_ =	shalt  }
0x6a: {  	_ =	shalt  }
0x6b: {  	_ =	shalt  }
0x6c: {  	_ =	shalt  }
0x6d: {  	_ =	shalt  }
0x6e: {  	_ =	shalt  }
0x6f: {  	_ =	shalt  }
0x70: {  	_ =	shalt  }
0x71: {  	_ =	shalt  }
0x72: {  	_ =	shalt  }
0x73: {  	_ =	shalt  }
0x74: {  	_ =	shalt  }
0x75: {  	_ =	shalt  }
0x76: {  	_ =	shalt  }
0x77: {  	_ =	shalt  }
0x78: {  	_ =	shalt  }
0x79: {  	_ =	shalt  }
0x7a: {  	_ =	shalt  }
0x7b: {  	_ =	shalt  }
0x7c: {  	_ =	shalt  }
0x7d: {  	_ =	shalt  }
0x7e: {  	_ =	shalt  }
0x7f: {  	_ =	shalt  }
0x80: {  	_ =	shalt  }
0x81: {  	_ =	shalt  }
0x82: {  	_ =	shalt  }
0x83: {  	_ =	shalt  }
0x84: {  	_ =	shalt  }
0x85: {  	_ =	shalt  }
0x86: {  	_ =	shalt  }
0x87: {  	_ =	shalt  }
.Lfunc_end0:
.L_simem_size_0:
called_computation_lowered:
.L_overlay_start_0:
0x88: {  	s2 =	sld [smem:$0x3FD9]  }
0x89: {  	s3 =	sld [smem:$0x3FFE];
	_ =	sdelay $0x1  }
0x8a: {  	s1 =	srdreg.scid  }
0x8b: {  	s0 =	sand.u32 $0x1, s1  }
0x8c: {  	s15 =	sshll.u32 s0, $0xA;
	s2 =	sadd.s32 s3, s2  }
0x8d: {  	s2 =	sadd.s32 s2, s15  }
0x8e: {  	[smem:$0x3FB4] =	sst s2  }
0x8f: {  	_ = 	snop  }
0x90: {  	s2 =	sld [smem:$0x3FD0];
	_ =	sdelay $0x2  }
0x91: {  	s16 =	simm.s32 $0xB;
	s4 =	simm.s32 $0x10  }
0x92: {  	[smem:s4], [sflag:s16] =	dma.local [hbm:s2], $0x1  }
0x93: {  	_ =	swait.eq [sflag:s16], $0x1  }
0x94: {  	[sflag:s16] =	ssyncset.done $0x0  }
0x95: {  	[sflag:s16] =	ssyncadd.s32 $0xFFFFFFFF  }
0x96: {  	s17 =	sld [smem:$0x11];
	(tm) =	ssettm $0x1  }
0x97: {  	s18 =	sld [smem:$0x3FFB];
	_ =	sdelay $0x3  }
0x98: {  	_ =	strace s18  }
0x99: {  	s2 =	sld [smem:$0x3FFC];
	_ =	sdelay $0x3  }
0x9a: {  	_ =	strace s2  }
0x9b: {  	s2 =	sld [smem:$0x3FFD];
	_ =	sdelay $0x3  }
0x9c: {  	_ =	strace s2  }
0x9d: {  	_ =	strace $0x8FFFFFFF  }
0x9e: {  	s19 =	sld [smem:$0x3FDB];
	_ =	sdelay $0x1  }
0x9f: {  	s20 =	simm.s32 $_scs_section_size  }
0xa0: {  	s5 =	simm.s32 $_size__tile_overlayer_lowered;
	s6 =	simm.s32 $_tile_overlayer_lowered  }
0xa1: {  	s7 =	simm.s32 $0x1BFF;
	s21 =	sshll.u32 s6, $0x1;
	s4 =	sadd.s32 s20, s19  }
0xa2: {  	s22 =	simm.s32 $0x0;
	s5 =	sshll.u32 s5, $0x1;
	s6 =	sadd.s32 s21, s4  }
0xa3: {  	[timem:s22], [sflag:s7] =	dma.local [hbm:s6], s5  }
0xa4: {  	_ =	swait.ge [sflag:s7], s5  }
0xa5: {  	s5 =	ssub.s32 $0x0, s5;
	[sflag:s7] =	ssyncset.done $0x0  }
0xa6: {  	[sflag:s7] =	ssyncadd.s32 s5;
	_ =	sdelay $0x1  }
0xa7: {  	s23 =	simm.s32 $0x1B8B  }
0xa8: {  	_ =	swait.ge [sflag:s23], $0x1  }
0xa9: {  	[sflag:s23] =	ssyncset.done $0x0  }
0xaa: {  	[sflag:s23] =	ssyncadd.s32 $0xFFFFFFFF  }
0xab: {  	s5 =	sld [smem:$0x0]  }
0xac: {  	s6 =	sand.u32 $0xFFFFFFFE, s1  }
0xad: {  	p0 =	sne.s32 s1, s6  }
0xae: {  	s6 =	sshll.u32 @p0 s6, $0xE  }
0xaf: {  	s6 =	sadd.s32 @p0 $0x11B8D, s6;
	s7 =	sshll.u32 @p0 s5, $0x11  }
0xb0: {  	s6 =	sor.u32 @p0 s7, s6  }
0xb1: {  	[sflag:s6] =	ssyncadd.remote.s32 @p0 $0x1;
	_ =	sdelay $0x1  }
0xb2: {  	s6 =	simm.s32 @p0 $0x1B8D  }
0xb3: {  	_ =	swait.eq @p0 [sflag:s6], $0x1  }
0xb4: {  	[sflag:s6] =	ssyncadd.s32 @p0 $0xFFFFFFFF  }
0xb5: {  	s7 =	sshll.u32 @!p0 s1, $0xE  }
0xb6: {  	s7 =	sor.u32 @!p0 $0x4000, s7;
	s6 =	simm.s32 @!p0 $0x1B8D  }
0xb7: {  	s5 =	sshll.u32 @!p0 s5, $0x11;
	s7 =	sadd.s32 @!p0 $0x11B8D, s7;
	_ =	swait.eq @!p0 [sflag:s6], $0x1  }
0xb8: {  	s5 =	sor.u32 @!p0 s5, s7;
	[sflag:s6] =	ssyncadd.s32 @!p0 $0xFFFFFFFF  }
0xb9: {  	s25 =	simm.s32 $0x1B8E;
	s24 =	sld [smem:$0x3FFE];
	[sflag:s5] =	ssyncadd.remote.s32 @!p0 $0x1  }
0xba: {  	s26 =	simm.s32 $execute0_lowered;
	[smem:$0x3FD2] =	sst s25  }
0xbb: {  	s6 =	sshll.u32 s26, $0x1;
	_ =	strace $0x80000049;
	[dreg:$0x1] =	wrdreg $0xFFFFFFFF  }
0xbc: {  	s28 =	simm.s32 $_size_execute0_lowered;
	s4 =	sadd.s32 s4, s6;
	[dreg:$0x0] =	wrdreg $0x0  }
0xbd: {  	s6 =	sshll.u32 s28, $0x1;
	[dreg:$0x2] =	wrdreg s4  }
0xbe: {  	[dreg:$0x3] =	wrdreg s6  }
0xbf: {  	[dreg:$0x4] =	wrdreg $0xC0  }
0xc0: {  	_ =	task [dreg:s22], $0x5FFFF  }
0xc1: {  	[dreg:$0x1] =	wrdreg $0xFFFFFFFF  }
0xc2: {  	[dreg:$0x0] =	wrdreg $0x60  }
0xc3: {  	[dreg:$0x2] =	wrdreg s24  }
0xc4: {  	[dreg:$0x3] =	wrdreg s17  }
0xc5: {  	[dreg:$0x4] =	wrdreg $0x34000  }
0xc6: {  	[dreg:$0x5] =	wrdreg $0x9  }
0xc7: {  	_ =	task.clear_ibuf [dreg:s22], $0x6FFFF;
	_ =	strace $0x90000049  }
0xc8: {  	s29 =	simm.s32 $0x9;
	_ =	strace $0x8000004B  }
0xc9: {  	_ =	swait.ge [sflag:s29], $0x1  }
0xca: {  	[sflag:s29] =	ssyncadd.s32 $0xFFFFFFFF  }
0xcb: {  	_ =	strace $0x9000004B  }
0xcc: {  	_ =	sfence  }
0xcd: {  	s30 =	sld [smem:$0x0];
	_ =	sdelay $0x2  }
0xce: {  	s31 =	sshll.u32 s1, $0xD;
	s1 =	sshrl.u32 s1, $0x2  }
0xcf: {  	s4 =	sand.u32 $0x4000, s31;
	s1 =	sadd.s32 s1, s30  }
0xd0: {  	s0 =	sor.u32 s4, s0;
	s1 =	sshll.u32 s1, $0x11  }
0xd1: {  	s0 =	sor.u32 s1, s0  }
0xd2: {  	s0 =	sadd.s32 $0x8F2B, s0  }
0xd3: {  	[sflag:s0] =	ssyncadd.remote.s32 $0x1  }
0xd4: {  	_ =	sfence.sel $0xFFFF  }
0xd5: {  	[dreg:$0x0] =	wrdreg $0xFFFFFFFF;
	(pc) =	sbr.abs _section_cstart, $3  }
0xd6: {  	[dreg:$0x1] =	wrdreg $0xFFFFFFFF  }
0xd7: {  	_ =	task.clear_ibuf [dreg:s22], $0x2FFFF;
	_ =	strace $0x9FFFFFFF  }
0xd8: {  	(tm) =	ssettm $0x7FFFFFFF  }
0xd9: {  	_ =	shalt  }
tec
execute0_lowered:
.L_overlay_start_1:
0x0: {  	(tag) =	ssettag $0x1  }
0x1: {  	s0 =	rddreg [dreg:$0x0]  }
0x2: {  	s3 =	rddreg [dreg:$0x2];
	s4 =	simm.s32 $0x0  }
0x3: {  	s1 =	srdreg.scid;
	[smem:$0x7FF] =	sst s4;
	s22 =	sadd.s32 $0x2DC00, s0  }
0x4: {  	s23 =	simm.s32 $0x80;
	_ =	strace $0x8000004A;
	[dreg:$0x19] =	wrdreg s22  }
0x5: {  	s8 =	stileid.u32;
	s24 =	simm.s32 $0x100;
	[dreg:$0x5] =	wrdreg s23  }
0x6: {  	s25 =	simm.s32 $0x180;
	s9 =	simm.s32 $0x280;
	[dreg:$0x6] =	wrdreg s24  }
0x7: {  	s10 =	simm.s32 $0x300;
	s12 =	simm.s32 $0x380;
	[dreg:$0x7] =	wrdreg s25  }
0x8: {  	s13 =	simm.s32 $0x400;
	s15 =	simm.s32 $0x480;
	[dreg:$0x9] =	wrdreg s9  }
0x9: {  	s16 =	simm.s32 $0x500;
	s17 =	simm.s32 $0x580;
	[dreg:$0xa] =	wrdreg s10  }
0xa: {  	s18 =	simm.s32 $0x600;
	s19 =	simm.s32 $0x680;
	[dreg:$0xb] =	wrdreg s12  }
0xb: {  	s20 =	simm.s32 $0x700;
	s21 =	simm.s32 $0x780;
	[dreg:$0xc] =	wrdreg s13  }
0xc: {  	s28 =	simm.s32 $0xF80;
	s29 =	simm.s32 $0x1000;
	[dreg:$0xd] =	wrdreg s15  }
0xd: {  	s30 =	simm.s32 $0x1080;
	s6 =	smul.u32 $0xA00, s8;
	[dreg:$0xe] =	wrdreg s16  }
0xe: {  	s1 =	sand.u32 $0x1, s1;
	s7 =	smul.u32 $0x14000, s8;
	[dreg:$0xf] =	wrdreg s17  }
0xf: {  	s31 =	simm.s32 $0x1100;
	s2 =	smul.u32 $0xA000, s1;
	[dreg:$0x10] =	wrdreg s18  }
0x10: {  	s14 =	sshll.u32 s8, $0x6;
	s5 =	smul.u32 $0x140000, s1;
	[dreg:$0x11] =	wrdreg s19  }
0x11: {  	s1 =	ssub.s32 $0x2, s1;
	s10 =	simm.s32 $0x5;
	[dreg:$0x12] =	wrdreg s20  }
0x12: {  	s12 =	simm.s32 $0x40;
	[dreg:$0x13] =	wrdreg s21;
	s22 =	simm.s32 $0x800  }
0x13: {  	s13 =	simm.s32 $0x1;
	s23 =	simm.s32 $0x880;
	s24 =	simm.s32 $0x900  }
0x14: {  	s15 =	simm.s32 $0x3;
	s25 =	simm.s32 $0x980;
	s16 =	simm.s32 $0x4  }
0x15: {  	s18 =	simm.s32 $0xB00;
	s19 =	simm.s32 $0xB80;
	[dreg:$0x14] =	wrdreg s22  }
0x16: {  	s20 =	simm.s32 $0xC00;
	s21 =	simm.s32 $0xC80;
	[dreg:$0x15] =	wrdreg s23  }
0x17: {  	s17 =	simm.s32 $0x0;
	s26 =	sshrl.u32 s1, $0x1;
	[dreg:$0x16] =	wrdreg s24  }
0x18: {  	[dreg:$0x17] =	wrdreg s25;
	s22 =	simm.s32 $0xD00;
	s23 =	simm.s32 $0xD80  }
0x19: {  	s24 =	simm.s32 $0xE00;
	s25 =	simm.s32 $0xE80;
	s2 =	sadd.s32 s2, s0  }
0x1a: {  	s5 =	sadd.s32 s7, s5;
	s7 =	smul.u32 $0x50000, s8;
	s1 =	ssub.s32 s1, s26  }
0x1b: {  	s8 =	sor.u32 $0x1C05, s14;
	s14 =	simm.s32 $0x2;
	s26 =	simm.s32 $0xA00  }
0x1c: {  	s2 =	sadd.s32 s6, s2;
	s5 =	sshrl.u32 s5, $0x3;
	[dreg:$0x18] =	wrdreg s26  }
0x1d: {  	s6 =	simm.s32 $0x200;
	s1 =	smax.u32 s1, $0x1;
	[dreg:$0x1a] =	wrdreg s8  }
0x1e: {  	s26 =	simm.s32 $0xF00;
	s2 =	sadd.s32 $0x19C00, s2;
	[dreg:$0x8] =	wrdreg s6  }
0x1f: {  	s0 =	sadd.s32 s5, s0;
	s11 =	sshrl.u32 s7, $0x2;
	[dreg:$0x1c] =	wrdreg s1  }
0x20: {  	s1 =	simm.s32 $0x1200;
	s7 =	simm.s32 $0x1380;
	[dreg:$0x4] =	wrdreg s2  }
0x21: {  	s5 =	sadd.s32 s11, s3;
	s0 =	sadd.s32 $0x80400, s0;
	s11 =	simm.s32 $0x1400  }
0x22: {  	s2 =	simm.s32 $0x1280;
	[dreg:$0x1b] =	wrdreg s0;
	s9 =	sshrl.u32 s5, $0x3  }
0x23: {  	s0 =	simm.s32 $0x1180;
	s5 =	simm.s32 $0x1300;
	[dreg:$0x1d] =	wrdreg s9  }
.LBB2_1:
0x24: {  	[dreg:$0x1e] =	wrdreg s17  }
0x25: {  	s6 =	rddreg [dreg:$0x19]  }
0x26: {  	[spmem:s9], [sflag:s8] =	dma.local [hbm:s6], $0x2800  }
0x27: {  	_ =	swait.ge [sflag:s10], $0x2800  }
0x28: {  	[sflag:s10] =	ssyncset.done $0x0  }
0x29: {  	[sflag:s10] =	ssyncadd.s32 $0xFFFFD800  }
0x2a: {  	s9 =	rddreg [dreg:$0x1]  }
0x2b: {  	[tilespmem:s11], [sflag:$0x5] =	stream.linear.gather [hbm4b:s9+s4], $0x2000, $0x38;
	[tilespmem:$0x17400] =	vst v63  }
0x2c: {  	_ =	swait.ge [sflag:s10], $0x2000  }
0x2d: {  	[sflag:s10] =	ssyncset.done $0x0  }
0x2e: {  	[sflag:s10] =	ssyncadd.s32 $0xFFFFE000  }
0x2f: {  	[bflag:$0x0] =	sbarrier.arrive $0xFFFF  }
0x30: {  	s17 =	rddreg [dreg:$0x4]  }
0x31: {  	s6 =	sadd.s32 $0x0, s17  }
0x32: {  	[tilespmem:s4], [sflag:$0x5] =	stream.linear.gather [hbm4b:s6+s4], $0x1400, $0x38;
	[tilespmem:$0x17400] =	vst v63  }
0x33: {  	_ =	swait.ge [sflag:s10], $0x1400  }
0x34: {  	[sflag:s10] =	ssyncset.done $0x0  }
0x35: {  	[sflag:s10] =	ssyncadd.s32 $0xFFFFEC00  }
0x36: {  	[spmem:s3] =	stream.indirect.scatter.add.f32 [tilespmem:s11], [sflag:$0x1], $0x80, s4, s12, $0xb8;
	[tilespmem:$0x17400] =	vst v63  }
0x37: {  	s8 =	rddreg [dreg:$0x5]  }
0x38: {  	[spmem:s3] =	stream.indirect.scatter.add.f32 [tilespmem:s11], [sflag:$0x2], $0x80, s8, s12, $0xb8;
	[tilespmem:$0x17400] =	vst v63  }
0x39: {  	s9 =	rddreg [dreg:$0x6]  }
0x3a: {  	[spmem:s3] =	stream.indirect.scatter.add.f32 [tilespmem:s11], [sflag:$0x3], $0x80, s9, s12, $0xb8;
	[tilespmem:$0x17400] =	vst v63  }
0x3b: {  	s17 =	rddreg [dreg:$0x7]  }
0x3c: {  	[spmem:s3] =	stream.indirect.scatter.add.f32 [tilespmem:s11], [sflag:$0x4], $0x80, s17, s12, $0xb8;
	[tilespmem:$0x17400] =	vst v63  }
0x3d: {  	_ =	swait.ge [sflag:s13], $0x2000  }
0x3e: {  	[sflag:s13] =	ssyncset.done $0x0  }
0x3f: {  	[sflag:s13] =	ssyncadd.s32 $0xFFFFE000  }
0x40: {  	_ =	swait.ge [sflag:s14], $0x2000  }
0x41: {  	[sflag:s14] =	ssyncset.done $0x0  }
0x42: {  	[sflag:s14] =	ssyncadd.s32 $0xFFFFE000  }
0x43: {  	_ =	swait.ge [sflag:s15], $0x2000  }
0x44: {  	[sflag:s15] =	ssyncset.done $0x0  }
0x45: {  	[sflag:s15] =	ssyncadd.s32 $0xFFFFE000  }
0x46: {  	_ =	swait.ge [sflag:s16], $0x2000  }
0x47: {  	[sflag:s16] =	ssyncset.done $0x0  }
0x48: {  	s9 =	rddreg [dreg:$0x8];
	[sflag:s16] =	ssyncadd.s32 $0xFFFFE000  }
0x49: {  	[spmem:s3] =	stream.indirect.scatter.add.f32 [tilespmem:s11], [sflag:$0x1], $0x80, s9, s12, $0xb8;
	[tilespmem:$0x17400] =	vst v63  }
0x4a: {  	s17 =	rddreg [dreg:$0x9]  }
0x4b: {  	[spmem:s3] =	stream.indirect.scatter.add.f32 [tilespmem:s11], [sflag:$0x2], $0x80, s17, s12, $0xb8;
	[tilespmem:$0x17400] =	vst v63  }
0x4c: {  	s9 =	rddreg [dreg:$0xa]  }
0x4d: {  	[spmem:s3] =	stream.indirect.scatter.add.f32 [tilespmem:s11], [sflag:$0x3], $0x80, s9, s12, $0xb8;
	[tilespmem:$0x17400] =	vst v63  }
0x4e: {  	s17 =	rddreg [dreg:$0xb]  }
0x4f: {  	[spmem:s3] =	stream.indirect.scatter.add.f32 [tilespmem:s11], [sflag:$0x4], $0x80, s17, s12, $0xb8;
	[tilespmem:$0x17400] =	vst v63  }
0x50: {  	_ =	swait.ge [sflag:s13], $0x2000  }
0x51: {  	[sflag:s13] =	ssyncset.done $0x0  }
0x52: {  	[sflag:s13] =	ssyncadd.s32 $0xFFFFE000  }
0x53: {  	_ =	swait.ge [sflag:s14], $0x2000  }
0x54: {  	[sflag:s14] =	ssyncset.done $0x0  }
0x55: {  	[sflag:s14] =	ssyncadd.s32 $0xFFFFE000  }
0x56: {  	_ =	swait.ge [sflag:s15], $0x2000  }
0x57: {  	[sflag:s15] =	ssyncset.done $0x0  }
0x58: {  	[sflag:s15] =	ssyncadd.s32 $0xFFFFE000  }
0x59: {  	_ =	swait.ge [sflag:s16], $0x2000  }
0x5a: {  	[sflag:s16] =	ssyncset.done $0x0  }
0x5b: {  	s9 =	rddreg [dreg:$0xc];
	[sflag:s16] =	ssyncadd.s32 $0xFFFFE000  }
0x5c: {  	[spmem:s3] =	stream.indirect.scatter.add.f32 [tilespmem:s11], [sflag:$0x1], $0x80, s9, s12, $0xb8;
	[tilespmem:$0x17400] =	vst v63  }
0x5d: {  	s17 =	rddreg [dreg:$0xd]  }
0x5e: {  	[spmem:s3] =	stream.indirect.scatter.add.f32 [tilespmem:s11], [sflag:$0x2], $0x80, s17, s12, $0xb8;
	[tilespmem:$0x17400] =	vst v63  }
0x5f: {  	s9 =	rddreg [dreg:$0xe]  }
0x60: {  	[spmem:s3] =	stream.indirect.scatter.add.f32 [tilespmem:s11], [sflag:$0x3], $0x80, s9, s12, $0xb8;
	[tilespmem:$0x17400] =	vst v63  }
0x61: {  	s17 =	rddreg [dreg:$0xf]  }
0x62: {  	[spmem:s3] =	stream.indirect.scatter.add.f32 [tilespmem:s11], [sflag:$0x4], $0x80, s17, s12, $0xb8;
	[tilespmem:$0x17400] =	vst v63  }
0x63: {  	_ =	swait.ge [sflag:s13], $0x2000  }
0x64: {  	[sflag:s13] =	ssyncset.done $0x0  }
0x65: {  	[sflag:s13] =	ssyncadd.s32 $0xFFFFE000  }
0x66: {  	_ =	swait.ge [sflag:s14], $0x2000  }
0x67: {  	[sflag:s14] =	ssyncset.done $0x0  }
0x68: {  	[sflag:s14] =	ssyncadd.s32 $0xFFFFE000  }
0x69: {  	_ =	swait.ge [sflag:s15], $0x2000  }
0x6a: {  	[sflag:s15] =	ssyncset.done $0x0  }
0x6b: {  	[sflag:s15] =	ssyncadd.s32 $0xFFFFE000  }
0x6c: {  	_ =	swait.ge [sflag:s16], $0x2000  }
0x6d: {  	[sflag:s16] =	ssyncset.done $0x0  }
0x6e: {  	s9 =	rddreg [dreg:$0x10];
	[sflag:s16] =	ssyncadd.s32 $0xFFFFE000  }
0x6f: {  	[spmem:s3] =	stream.indirect.scatter.add.f32 [tilespmem:s11], [sflag:$0x1], $0x80, s9, s12, $0xb8;
	[tilespmem:$0x17400] =	vst v63  }
0x70: {  	s17 =	rddreg [dreg:$0x11]  }
0x71: {  	[spmem:s3] =	stream.indirect.scatter.add.f32 [tilespmem:s11], [sflag:$0x2], $0x80, s17, s12, $0xb8;
	[tilespmem:$0x17400] =	vst v63  }
0x72: {  	s9 =	rddreg [dreg:$0x12]  }
0x73: {  	[spmem:s3] =	stream.indirect.scatter.add.f32 [tilespmem:s11], [sflag:$0x3], $0x80, s9, s12, $0xb8;
	[tilespmem:$0x17400] =	vst v63  }
0x74: {  	s17 =	rddreg [dreg:$0x13]  }
0x75: {  	[spmem:s3] =	stream.indirect.scatter.add.f32 [tilespmem:s11], [sflag:$0x4], $0x80, s17, s12, $0xb8;
	[tilespmem:$0x17400] =	vst v63  }
0x76: {  	_ =	swait.ge [sflag:s13], $0x2000  }
0x77: {  	[sflag:s13] =	ssyncset.done $0x0  }
0x78: {  	[sflag:s13] =	ssyncadd.s32 $0xFFFFE000  }
0x79: {  	_ =	swait.ge [sflag:s14], $0x2000  }
0x7a: {  	[sflag:s14] =	ssyncset.done $0x0  }
0x7b: {  	[sflag:s14] =	ssyncadd.s32 $0xFFFFE000  }
0x7c: {  	_ =	swait.ge [sflag:s15], $0x2000  }
0x7d: {  	[sflag:s15] =	ssyncset.done $0x0  }
0x7e: {  	[sflag:s15] =	ssyncadd.s32 $0xFFFFE000  }
0x7f: {  	_ =	swait.ge [sflag:s16], $0x2000  }
0x80: {  	[sflag:s16] =	ssyncset.done $0x0  }
0x81: {  	s9 =	rddreg [dreg:$0x14];
	[sflag:s16] =	ssyncadd.s32 $0xFFFFE000  }
0x82: {  	[spmem:s3] =	stream.indirect.scatter.add.f32 [tilespmem:s11], [sflag:$0x1], $0x80, s9, s12, $0xb8;
	[tilespmem:$0x17400] =	vst v63  }
0x83: {  	s17 =	rddreg [dreg:$0x15]  }
0x84: {  	[spmem:s3] =	stream.indirect.scatter.add.f32 [tilespmem:s11], [sflag:$0x2], $0x80, s17, s12, $0xb8;
	[tilespmem:$0x17400] =	vst v63  }
0x85: {  	s9 =	rddreg [dreg:$0x16]  }
0x86: {  	[spmem:s3] =	stream.indirect.scatter.add.f32 [tilespmem:s11], [sflag:$0x3], $0x80, s9, s12, $0xb8;
	[tilespmem:$0x17400] =	vst v63  }
0x87: {  	s17 =	rddreg [dreg:$0x17]  }
0x88: {  	[spmem:s3] =	stream.indirect.scatter.add.f32 [tilespmem:s11], [sflag:$0x4], $0x80, s17, s12, $0xb8;
	[tilespmem:$0x17400] =	vst v63  }
0x89: {  	_ =	swait.ge [sflag:s13], $0x2000  }
0x8a: {  	[sflag:s13] =	ssyncset.done $0x0  }
0x8b: {  	[sflag:s13] =	ssyncadd.s32 $0xFFFFE000  }
0x8c: {  	_ =	swait.ge [sflag:s14], $0x2000  }
0x8d: {  	[sflag:s14] =	ssyncset.done $0x0  }
0x8e: {  	[sflag:s14] =	ssyncadd.s32 $0xFFFFE000  }
0x8f: {  	_ =	swait.ge [sflag:s15], $0x2000  }
0x90: {  	[sflag:s15] =	ssyncset.done $0x0  }
0x91: {  	[sflag:s15] =	ssyncadd.s32 $0xFFFFE000  }
0x92: {  	_ =	swait.ge [sflag:s16], $0x2000  }
0x93: {  	[sflag:s16] =	ssyncset.done $0x0  }
0x94: {  	s9 =	rddreg [dreg:$0x18];
	[sflag:s16] =	ssyncadd.s32 $0xFFFFE000  }
0x95: {  	[spmem:s3] =	stream.indirect.scatter.add.f32 [tilespmem:s11], [sflag:$0x1], $0x80, s9, s12, $0xb8;
	[tilespmem:$0x17400] =	vst v63  }
0x96: {  	s17 =	simm.s32 $0xA80  }
0x97: {  	[spmem:s3] =	stream.indirect.scatter.add.f32 [tilespmem:s11], [sflag:$0x2], $0x80, s17, s12, $0xb8;
	[tilespmem:$0x17400] =	vst v63  }
0x98: {  	_ = 	snop  }
0x99: {  	[spmem:s3] =	stream.indirect.scatter.add.f32 [tilespmem:s11], [sflag:$0x3], $0x80, s18, s12, $0xb8;
	[tilespmem:$0x17400] =	vst v63  }
0x9a: {  	_ = 	snop  }
0x9b: {  	[spmem:s3] =	stream.indirect.scatter.add.f32 [tilespmem:s11], [sflag:$0x4], $0x80, s19, s12, $0xb8;
	[tilespmem:$0x17400] =	vst v63  }
0x9c: {  	_ =	swait.ge [sflag:s13], $0x2000  }
0x9d: {  	[sflag:s13] =	ssyncset.done $0x0  }
0x9e: {  	[sflag:s13] =	ssyncadd.s32 $0xFFFFE000  }
0x9f: {  	_ =	swait.ge [sflag:s14], $0x2000  }
0xa0: {  	[sflag:s14] =	ssyncset.done $0x0  }
0xa1: {  	[sflag:s14] =	ssyncadd.s32 $0xFFFFE000  }
0xa2: {  	_ =	swait.ge [sflag:s15], $0x2000  }
0xa3: {  	[sflag:s15] =	ssyncset.done $0x0  }
0xa4: {  	[sflag:s15] =	ssyncadd.s32 $0xFFFFE000  }
0xa5: {  	_ =	swait.ge [sflag:s16], $0x2000  }
0xa6: {  	[sflag:s16] =	ssyncset.done $0x0  }
0xa7: {  	[sflag:s16] =	ssyncadd.s32 $0xFFFFE000  }
0xa8: {  	[spmem:s3] =	stream.indirect.scatter.add.f32 [tilespmem:s11], [sflag:$0x1], $0x80, s20, s12, $0xb8;
	[tilespmem:$0x17400] =	vst v63  }
0xa9: {  	_ = 	snop  }
0xaa: {  	[spmem:s3] =	stream.indirect.scatter.add.f32 [tilespmem:s11], [sflag:$0x2], $0x80, s21, s12, $0xb8;
	[tilespmem:$0x17400] =	vst v63  }
0xab: {  	_ = 	snop  }
0xac: {  	[spmem:s3] =	stream.indirect.scatter.add.f32 [tilespmem:s11], [sflag:$0x3], $0x80, s22, s12, $0xb8;
	[tilespmem:$0x17400] =	vst v63  }
0xad: {  	_ = 	snop  }
0xae: {  	[spmem:s3] =	stream.indirect.scatter.add.f32 [tilespmem:s11], [sflag:$0x4], $0x80, s23, s12, $0xb8;
	[tilespmem:$0x17400] =	vst v63  }
0xaf: {  	_ =	swait.ge [sflag:s13], $0x2000  }
0xb0: {  	[sflag:s13] =	ssyncset.done $0x0  }
0xb1: {  	[sflag:s13] =	ssyncadd.s32 $0xFFFFE000  }
0xb2: {  	_ =	swait.ge [sflag:s14], $0x2000  }
0xb3: {  	[sflag:s14] =	ssyncset.done $0x0  }
0xb4: {  	[sflag:s14] =	ssyncadd.s32 $0xFFFFE000  }
0xb5: {  	_ =	swait.ge [sflag:s15], $0x2000  }
0xb6: {  	[sflag:s15] =	ssyncset.done $0x0  }
0xb7: {  	[sflag:s15] =	ssyncadd.s32 $0xFFFFE000  }
0xb8: {  	_ =	swait.ge [sflag:s16], $0x2000  }
0xb9: {  	[sflag:s16] =	ssyncset.done $0x0  }
0xba: {  	[sflag:s16] =	ssyncadd.s32 $0xFFFFE000  }
0xbb: {  	[spmem:s3] =	stream.indirect.scatter.add.f32 [tilespmem:s11], [sflag:$0x1], $0x80, s24, s12, $0xb8;
	[tilespmem:$0x17400] =	vst v63  }
0xbc: {  	_ = 	snop  }
0xbd: {  	[spmem:s3] =	stream.indirect.scatter.add.f32 [tilespmem:s11], [sflag:$0x2], $0x80, s25, s12, $0xb8;
	[tilespmem:$0x17400] =	vst v63  }
0xbe: {  	_ = 	snop  }
0xbf: {  	[spmem:s3] =	stream.indirect.scatter.add.f32 [tilespmem:s11], [sflag:$0x3], $0x80, s26, s12, $0xb8;
	[tilespmem:$0x17400] =	vst v63  }
0xc0: {  	_ = 	snop  }
0xc1: {  	[spmem:s3] =	stream.indirect.scatter.add.f32 [tilespmem:s11], [sflag:$0x4], $0x80, s28, s12, $0xb8;
	[tilespmem:$0x17400] =	vst v63  }
0xc2: {  	_ =	swait.ge [sflag:s13], $0x2000  }
0xc3: {  	[sflag:s13] =	ssyncset.done $0x0  }
0xc4: {  	[sflag:s13] =	ssyncadd.s32 $0xFFFFE000  }
0xc5: {  	_ =	swait.ge [sflag:s14], $0x2000  }
0xc6: {  	[sflag:s14] =	ssyncset.done $0x0  }
0xc7: {  	[sflag:s14] =	ssyncadd.s32 $0xFFFFE000  }
0xc8: {  	_ =	swait.ge [sflag:s15], $0x2000  }
0xc9: {  	[sflag:s15] =	ssyncset.done $0x0  }
0xca: {  	[sflag:s15] =	ssyncadd.s32 $0xFFFFE000  }
0xcb: {  	_ =	swait.ge [sflag:s16], $0x2000  }
0xcc: {  	[sflag:s16] =	ssyncset.done $0x0  }
0xcd: {  	[sflag:s16] =	ssyncadd.s32 $0xFFFFE000  }
0xce: {  	[spmem:s3] =	stream.indirect.scatter.add.f32 [tilespmem:s11], [sflag:$0x1], $0x80, s29, s12, $0xb8;
	[tilespmem:$0x17400] =	vst v63  }
0xcf: {  	_ = 	snop  }
0xd0: {  	[spmem:s3] =	stream.indirect.scatter.add.f32 [tilespmem:s11], [sflag:$0x2], $0x80, s30, s12, $0xb8;
	[tilespmem:$0x17400] =	vst v63  }
0xd1: {  	_ = 	snop  }
0xd2: {  	[spmem:s3] =	stream.indirect.scatter.add.f32 [tilespmem:s11], [sflag:$0x3], $0x80, s31, s12, $0xb8;
	[tilespmem:$0x17400] =	vst v63  }
0xd3: {  	_ = 	snop  }
0xd4: {  	[spmem:s3] =	stream.indirect.scatter.add.f32 [tilespmem:s11], [sflag:$0x4], $0x80, s0, s12, $0xb8;
	[tilespmem:$0x17400] =	vst v63  }
0xd5: {  	_ =	swait.ge [sflag:s13], $0x2000  }
0xd6: {  	[sflag:s13] =	ssyncset.done $0x0  }
0xd7: {  	[sflag:s13] =	ssyncadd.s32 $0xFFFFE000  }
0xd8: {  	_ =	swait.ge [sflag:s14], $0x2000  }
0xd9: {  	[sflag:s14] =	ssyncset.done $0x0  }
0xda: {  	[sflag:s14] =	ssyncadd.s32 $0xFFFFE000  }
0xdb: {  	_ =	swait.ge [sflag:s15], $0x2000  }
0xdc: {  	[sflag:s15] =	ssyncset.done $0x0  }
0xdd: {  	[sflag:s15] =	ssyncadd.s32 $0xFFFFE000  }
0xde: {  	_ =	swait.ge [sflag:s16], $0x2000  }
0xdf: {  	[sflag:s16] =	ssyncset.done $0x0  }
0xe0: {  	[sflag:s16] =	ssyncadd.s32 $0xFFFFE000  }
0xe1: {  	[spmem:s3] =	stream.indirect.scatter.add.f32 [tilespmem:s11], [sflag:$0x1], $0x80, s1, s12, $0xb8;
	[tilespmem:$0x17400] =	vst v63  }
0xe2: {  	_ = 	snop  }
0xe3: {  	[spmem:s3] =	stream.indirect.scatter.add.f32 [tilespmem:s11], [sflag:$0x2], $0x80, s2, s12, $0xb8;
	[tilespmem:$0x17400] =	vst v63  }
0xe4: {  	_ = 	snop  }
0xe5: {  	[spmem:s3] =	stream.indirect.scatter.add.f32 [tilespmem:s11], [sflag:$0x3], $0x80, s5, s12, $0xb8;
	[tilespmem:$0x17400] =	vst v63  }
0xe6: {  	_ = 	snop  }
0xe7: {  	[spmem:s3] =	stream.indirect.scatter.add.f32 [tilespmem:s11], [sflag:$0x4], $0x80, s7, s12, $0xb8;
	[tilespmem:$0x17400] =	vst v63  }
0xe8: {  	_ =	swait.ge [sflag:s13], $0x2000  }
0xe9: {  	[sflag:s13] =	ssyncset.done $0x0  }
0xea: {  	[sflag:s13] =	ssyncadd.s32 $0xFFFFE000  }
0xeb: {  	_ =	swait.ge [sflag:s14], $0x2000  }
0xec: {  	[sflag:s14] =	ssyncset.done $0x0  }
0xed: {  	[sflag:s14] =	ssyncadd.s32 $0xFFFFE000  }
0xee: {  	_ =	swait.ge [sflag:s15], $0x2000  }
0xef: {  	[sflag:s15] =	ssyncset.done $0x0  }
0xf0: {  	[sflag:s15] =	ssyncadd.s32 $0xFFFFE000  }
0xf1: {  	s6 =	simm.s32 $0x280;
	_ =	swait.ge [sflag:s16], $0x2000  }
0xf2: {  	s9 =	simm.s32 $0x500;
	s8 =	rddreg [dreg:$0x4];
	[sflag:s16] =	ssyncset.done $0x0  }
.LBB2_2:
0xf3: {  	[sflag:s16] =	ssyncadd.s32 $0xFFFFE000;
	s8 =	sadd.s32 s6, s8  }
0xf4: {  	[tilespmem:s4], [sflag:$0x5] =	stream.linear.gather [hbm4b:s8+s4], $0x1400, $0x38;
	[tilespmem:$0x17400] =	vst v63  }
0xf5: {  	_ =	swait.ge [sflag:s10], $0x1400  }
0xf6: {  	[sflag:s10] =	ssyncset.done $0x0  }
0xf7: {  	[sflag:s10] =	ssyncadd.s32 $0xFFFFEC00  }
0xf8: {  	[spmem:s3] =	stream.indirect.scatter.add.f32 [tilespmem:s11], [sflag:$0x1], $0x80, s4, s12, $0xb8;
	[tilespmem:$0x17400] =	vst v63  }
0xf9: {  	s17 =	smov.u32 s9;
	s8 =	rddreg [dreg:$0x5]  }
0xfa: {  	[spmem:s3] =	stream.indirect.scatter.add.f32 [tilespmem:s11], [sflag:$0x2], $0x80, s8, s12, $0xb8;
	[tilespmem:$0x17400] =	vst v63  }
0xfb: {  	s6 =	smov.u32 s17;
	s17 =	rddreg [dreg:$0x6]  }
0xfc: {  	[spmem:s3] =	stream.indirect.scatter.add.f32 [tilespmem:s11], [sflag:$0x3], $0x80, s17, s12, $0xb8;
	[tilespmem:$0x17400] =	vst v63  }
0xfd: {  	s8 =	rddreg [dreg:$0x7]  }
0xfe: {  	[spmem:s3] =	stream.indirect.scatter.add.f32 [tilespmem:s11], [sflag:$0x4], $0x80, s8, s12, $0xb8;
	[tilespmem:$0x17400] =	vst v63  }
0xff: {  	_ =	swait.ge [sflag:s13], $0x2000  }
0x100: {  	[sflag:s13] =	ssyncset.done $0x0  }
0x101: {  	[sflag:s13] =	ssyncadd.s32 $0xFFFFE000  }
0x102: {  	_ =	swait.ge [sflag:s14], $0x2000  }
0x103: {  	[sflag:s14] =	ssyncset.done $0x0  }
0x104: {  	[sflag:s14] =	ssyncadd.s32 $0xFFFFE000  }
0x105: {  	_ =	swait.ge [sflag:s15], $0x2000  }
0x106: {  	[sflag:s15] =	ssyncset.done $0x0  }
0x107: {  	[sflag:s15] =	ssyncadd.s32 $0xFFFFE000  }
0x108: {  	_ =	swait.ge [sflag:s16], $0x2000  }
0x109: {  	[sflag:s16] =	ssyncset.done $0x0  }
0x10a: {  	s8 =	rddreg [dreg:$0x8];
	[sflag:s16] =	ssyncadd.s32 $0xFFFFE000  }
0x10b: {  	[spmem:s3] =	stream.indirect.scatter.add.f32 [tilespmem:s11], [sflag:$0x1], $0x80, s8, s12, $0xb8;
	[tilespmem:$0x17400] =	vst v63  }
0x10c: {  	s17 =	rddreg [dreg:$0x9]  }
0x10d: {  	[spmem:s3] =	stream.indirect.scatter.add.f32 [tilespmem:s11], [sflag:$0x2], $0x80, s17, s12, $0xb8;
	[tilespmem:$0x17400] =	vst v63  }
0x10e: {  	s8 =	rddreg [dreg:$0xa]  }
0x10f: {  	[spmem:s3] =	stream.indirect.scatter.add.f32 [tilespmem:s11], [sflag:$0x3], $0x80, s8, s12, $0xb8;
	[tilespmem:$0x17400] =	vst v63  }
0x110: {  	s17 =	rddreg [dreg:$0xb]  }
0x111: {  	[spmem:s3] =	stream.indirect.scatter.add.f32 [tilespmem:s11], [sflag:$0x4], $0x80, s17, s12, $0xb8;
	[tilespmem:$0x17400] =	vst v63  }
0x112: {  	_ =	swait.ge [sflag:s13], $0x2000  }
0x113: {  	[sflag:s13] =	ssyncset.done $0x0  }
0x114: {  	[sflag:s13] =	ssyncadd.s32 $0xFFFFE000  }
0x115: {  	_ =	swait.ge [sflag:s14], $0x2000  }
0x116: {  	[sflag:s14] =	ssyncset.done $0x0  }
0x117: {  	[sflag:s14] =	ssyncadd.s32 $0xFFFFE000  }
0x118: {  	_ =	swait.ge [sflag:s15], $0x2000  }
0x119: {  	[sflag:s15] =	ssyncset.done $0x0  }
0x11a: {  	[sflag:s15] =	ssyncadd.s32 $0xFFFFE000  }
0x11b: {  	_ =	swait.ge [sflag:s16], $0x2000  }
0x11c: {  	[sflag:s16] =	ssyncset.done $0x0  }
0x11d: {  	s8 =	rddreg [dreg:$0xc];
	[sflag:s16] =	ssyncadd.s32 $0xFFFFE000  }
0x11e: {  	[spmem:s3] =	stream.indirect.scatter.add.f32 [tilespmem:s11], [sflag:$0x1], $0x80, s8, s12, $0xb8;
	[tilespmem:$0x17400] =	vst v63  }
0x11f: {  	s17 =	rddreg [dreg:$0xd]  }
0x120: {  	[spmem:s3] =	stream.indirect.scatter.add.f32 [tilespmem:s11], [sflag:$0x2], $0x80, s17, s12, $0xb8;
	[tilespmem:$0x17400] =	vst v63  }
0x121: {  	s8 =	rddreg [dreg:$0xe]  }
0x122: {  	[spmem:s3] =	stream.indirect.scatter.add.f32 [tilespmem:s11], [sflag:$0x3], $0x80, s8, s12, $0xb8;
	[tilespmem:$0x17400] =	vst v63  }
0x123: {  	s17 =	rddreg [dreg:$0xf]  }
0x124: {  	[spmem:s3] =	stream.indirect.scatter.add.f32 [tilespmem:s11], [sflag:$0x4], $0x80, s17, s12, $0xb8;
	[tilespmem:$0x17400] =	vst v63  }
0x125: {  	_ =	swait.ge [sflag:s13], $0x2000  }
0x126: {  	[sflag:s13] =	ssyncset.done $0x0  }
0x127: {  	[sflag:s13] =	ssyncadd.s32 $0xFFFFE000  }
0x128: {  	_ =	swait.ge [sflag:s14], $0x2000  }
0x129: {  	[sflag:s14] =	ssyncset.done $0x0  }
0x12a: {  	[sflag:s14] =	ssyncadd.s32 $0xFFFFE000  }
0x12b: {  	_ =	swait.ge [sflag:s15], $0x2000  }
0x12c: {  	[sflag:s15] =	ssyncset.done $0x0  }
0x12d: {  	[sflag:s15] =	ssyncadd.s32 $0xFFFFE000  }
0x12e: {  	_ =	swait.ge [sflag:s16], $0x2000  }
0x12f: {  	[sflag:s16] =	ssyncset.done $0x0  }
0x130: {  	s8 =	rddreg [dreg:$0x10];
	[sflag:s16] =	ssyncadd.s32 $0xFFFFE000  }
0x131: {  	[spmem:s3] =	stream.indirect.scatter.add.f32 [tilespmem:s11], [sflag:$0x1], $0x80, s8, s12, $0xb8;
	[tilespmem:$0x17400] =	vst v63  }
0x132: {  	s17 =	rddreg [dreg:$0x11]  }
0x133: {  	[spmem:s3] =	stream.indirect.scatter.add.f32 [tilespmem:s11], [sflag:$0x2], $0x80, s17, s12, $0xb8;
	[tilespmem:$0x17400] =	vst v63  }
0x134: {  	s8 =	rddreg [dreg:$0x12]  }
0x135: {  	[spmem:s3] =	stream.indirect.scatter.add.f32 [tilespmem:s11], [sflag:$0x3], $0x80, s8, s12, $0xb8;
	[tilespmem:$0x17400] =	vst v63  }
0x136: {  	s17 =	rddreg [dreg:$0x13]  }
0x137: {  	[spmem:s3] =	stream.indirect.scatter.add.f32 [tilespmem:s11], [sflag:$0x4], $0x80, s17, s12, $0xb8;
	[tilespmem:$0x17400] =	vst v63  }
0x138: {  	_ =	swait.ge [sflag:s13], $0x2000  }
0x139: {  	[sflag:s13] =	ssyncset.done $0x0  }
0x13a: {  	[sflag:s13] =	ssyncadd.s32 $0xFFFFE000  }
0x13b: {  	_ =	swait.ge [sflag:s14], $0x2000  }
0x13c: {  	[sflag:s14] =	ssyncset.done $0x0  }
0x13d: {  	[sflag:s14] =	ssyncadd.s32 $0xFFFFE000  }
0x13e: {  	_ =	swait.ge [sflag:s15], $0x2000  }
0x13f: {  	[sflag:s15] =	ssyncset.done $0x0  }
0x140: {  	[sflag:s15] =	ssyncadd.s32 $0xFFFFE000  }
0x141: {  	_ =	swait.ge [sflag:s16], $0x2000  }
0x142: {  	[sflag:s16] =	ssyncset.done $0x0  }
0x143: {  	s8 =	rddreg [dreg:$0x14];
	[sflag:s16] =	ssyncadd.s32 $0xFFFFE000  }
0x144: {  	[spmem:s3] =	stream.indirect.scatter.add.f32 [tilespmem:s11], [sflag:$0x1], $0x80, s8, s12, $0xb8;
	[tilespmem:$0x17400] =	vst v63  }
0x145: {  	s17 =	rddreg [dreg:$0x15]  }
0x146: {  	[spmem:s3] =	stream.indirect.scatter.add.f32 [tilespmem:s11], [sflag:$0x2], $0x80, s17, s12, $0xb8;
	[tilespmem:$0x17400] =	vst v63  }
0x147: {  	s8 =	rddreg [dreg:$0x16]  }
0x148: {  	[spmem:s3] =	stream.indirect.scatter.add.f32 [tilespmem:s11], [sflag:$0x3], $0x80, s8, s12, $0xb8;
	[tilespmem:$0x17400] =	vst v63  }
0x149: {  	s17 =	rddreg [dreg:$0x17]  }
0x14a: {  	[spmem:s3] =	stream.indirect.scatter.add.f32 [tilespmem:s11], [sflag:$0x4], $0x80, s17, s12, $0xb8;
	[tilespmem:$0x17400] =	vst v63  }
0x14b: {  	_ =	swait.ge [sflag:s13], $0x2000  }
0x14c: {  	[sflag:s13] =	ssyncset.done $0x0  }
0x14d: {  	[sflag:s13] =	ssyncadd.s32 $0xFFFFE000  }
0x14e: {  	_ =	swait.ge [sflag:s14], $0x2000  }
0x14f: {  	[sflag:s14] =	ssyncset.done $0x0  }
0x150: {  	[sflag:s14] =	ssyncadd.s32 $0xFFFFE000  }
0x151: {  	_ =	swait.ge [sflag:s15], $0x2000  }
0x152: {  	[sflag:s15] =	ssyncset.done $0x0  }
0x153: {  	[sflag:s15] =	ssyncadd.s32 $0xFFFFE000  }
0x154: {  	_ =	swait.ge [sflag:s16], $0x2000  }
0x155: {  	[sflag:s16] =	ssyncset.done $0x0  }
0x156: {  	s17 =	rddreg [dreg:$0x18];
	[sflag:s16] =	ssyncadd.s32 $0xFFFFE000  }
0x157: {  	[spmem:s3] =	stream.indirect.scatter.add.f32 [tilespmem:s11], [sflag:$0x1], $0x80, s17, s12, $0xb8;
	[tilespmem:$0x17400] =	vst v63  }
0x158: {  	s17 =	simm.s32 $0xA80  }
0x159: {  	[spmem:s3] =	stream.indirect.scatter.add.f32 [tilespmem:s11], [sflag:$0x2], $0x80, s17, s12, $0xb8;
	[tilespmem:$0x17400] =	vst v63  }
0x15a: {  	_ = 	snop  }
0x15b: {  	[spmem:s3] =	stream.indirect.scatter.add.f32 [tilespmem:s11], [sflag:$0x3], $0x80, s18, s12, $0xb8;
	[tilespmem:$0x17400] =	vst v63  }
0x15c: {  	_ = 	snop  }
0x15d: {  	[spmem:s3] =	stream.indirect.scatter.add.f32 [tilespmem:s11], [sflag:$0x4], $0x80, s19, s12, $0xb8;
	[tilespmem:$0x17400] =	vst v63  }
0x15e: {  	_ =	swait.ge [sflag:s13], $0x2000  }
0x15f: {  	[sflag:s13] =	ssyncset.done $0x0  }
0x160: {  	[sflag:s13] =	ssyncadd.s32 $0xFFFFE000  }
0x161: {  	_ =	swait.ge [sflag:s14], $0x2000  }
0x162: {  	[sflag:s14] =	ssyncset.done $0x0  }
0x163: {  	[sflag:s14] =	ssyncadd.s32 $0xFFFFE000  }
0x164: {  	_ =	swait.ge [sflag:s15], $0x2000  }
0x165: {  	[sflag:s15] =	ssyncset.done $0x0  }
0x166: {  	[sflag:s15] =	ssyncadd.s32 $0xFFFFE000  }
0x167: {  	_ =	swait.ge [sflag:s16], $0x2000  }
0x168: {  	[sflag:s16] =	ssyncset.done $0x0  }
0x169: {  	[sflag:s16] =	ssyncadd.s32 $0xFFFFE000  }
0x16a: {  	[spmem:s3] =	stream.indirect.scatter.add.f32 [tilespmem:s11], [sflag:$0x1], $0x80, s20, s12, $0xb8;
	[tilespmem:$0x17400] =	vst v63  }
0x16b: {  	_ = 	snop  }
0x16c: {  	[spmem:s3] =	stream.indirect.scatter.add.f32 [tilespmem:s11], [sflag:$0x2], $0x80, s21, s12, $0xb8;
	[tilespmem:$0x17400] =	vst v63  }
0x16d: {  	_ = 	snop  }
0x16e: {  	[spmem:s3] =	stream.indirect.scatter.add.f32 [tilespmem:s11], [sflag:$0x3], $0x80, s22, s12, $0xb8;
	[tilespmem:$0x17400] =	vst v63  }
0x16f: {  	_ = 	snop  }
0x170: {  	[spmem:s3] =	stream.indirect.scatter.add.f32 [tilespmem:s11], [sflag:$0x4], $0x80, s23, s12, $0xb8;
	[tilespmem:$0x17400] =	vst v63  }
0x171: {  	_ =	swait.ge [sflag:s13], $0x2000  }
0x172: {  	[sflag:s13] =	ssyncset.done $0x0  }
0x173: {  	[sflag:s13] =	ssyncadd.s32 $0xFFFFE000  }
0x174: {  	_ =	swait.ge [sflag:s14], $0x2000  }
0x175: {  	[sflag:s14] =	ssyncset.done $0x0  }
0x176: {  	[sflag:s14] =	ssyncadd.s32 $0xFFFFE000  }
0x177: {  	_ =	swait.ge [sflag:s15], $0x2000  }
0x178: {  	[sflag:s15] =	ssyncset.done $0x0  }
0x179: {  	[sflag:s15] =	ssyncadd.s32 $0xFFFFE000  }
0x17a: {  	_ =	swait.ge [sflag:s16], $0x2000  }
0x17b: {  	[sflag:s16] =	ssyncset.done $0x0  }
0x17c: {  	[sflag:s16] =	ssyncadd.s32 $0xFFFFE000  }
0x17d: {  	[spmem:s3] =	stream.indirect.scatter.add.f32 [tilespmem:s11], [sflag:$0x1], $0x80, s24, s12, $0xb8;
	[tilespmem:$0x17400] =	vst v63  }
0x17e: {  	_ = 	snop  }
0x17f: {  	[spmem:s3] =	stream.indirect.scatter.add.f32 [tilespmem:s11], [sflag:$0x2], $0x80, s25, s12, $0xb8;
	[tilespmem:$0x17400] =	vst v63  }
0x180: {  	_ = 	snop  }
0x181: {  	[spmem:s3] =	stream.indirect.scatter.add.f32 [tilespmem:s11], [sflag:$0x3], $0x80, s26, s12, $0xb8;
	[tilespmem:$0x17400] =	vst v63  }
0x182: {  	_ = 	snop  }
0x183: {  	[spmem:s3] =	stream.indirect.scatter.add.f32 [tilespmem:s11], [sflag:$0x4], $0x80, s28, s12, $0xb8;
	[tilespmem:$0x17400] =	vst v63  }
0x184: {  	_ =	swait.ge [sflag:s13], $0x2000  }
0x185: {  	[sflag:s13] =	ssyncset.done $0x0  }
0x186: {  	[sflag:s13] =	ssyncadd.s32 $0xFFFFE000  }
0x187: {  	_ =	swait.ge [sflag:s14], $0x2000  }
0x188: {  	[sflag:s14] =	ssyncset.done $0x0  }
0x189: {  	[sflag:s14] =	ssyncadd.s32 $0xFFFFE000  }
0x18a: {  	_ =	swait.ge [sflag:s15], $0x2000  }
0x18b: {  	[sflag:s15] =	ssyncset.done $0x0  }
0x18c: {  	[sflag:s15] =	ssyncadd.s32 $0xFFFFE000  }
0x18d: {  	_ =	swait.ge [sflag:s16], $0x2000  }
0x18e: {  	[sflag:s16] =	ssyncset.done $0x0  }
0x18f: {  	[sflag:s16] =	ssyncadd.s32 $0xFFFFE000  }
0x190: {  	[spmem:s3] =	stream.indirect.scatter.add.f32 [tilespmem:s11], [sflag:$0x1], $0x80, s29, s12, $0xb8;
	[tilespmem:$0x17400] =	vst v63  }
0x191: {  	_ = 	snop  }
0x192: {  	[spmem:s3] =	stream.indirect.scatter.add.f32 [tilespmem:s11], [sflag:$0x2], $0x80, s30, s12, $0xb8;
	[tilespmem:$0x17400] =	vst v63  }
0x193: {  	_ = 	snop  }
0x194: {  	[spmem:s3] =	stream.indirect.scatter.add.f32 [tilespmem:s11], [sflag:$0x3], $0x80, s31, s12, $0xb8;
	[tilespmem:$0x17400] =	vst v63  }
0x195: {  	_ = 	snop  }
0x196: {  	[spmem:s3] =	stream.indirect.scatter.add.f32 [tilespmem:s11], [sflag:$0x4], $0x80, s0, s12, $0xb8;
	[tilespmem:$0x17400] =	vst v63  }
0x197: {  	_ =	swait.ge [sflag:s13], $0x2000  }
0x198: {  	[sflag:s13] =	ssyncset.done $0x0  }
0x199: {  	[sflag:s13] =	ssyncadd.s32 $0xFFFFE000  }
0x19a: {  	_ =	swait.ge [sflag:s14], $0x2000  }
0x19b: {  	[sflag:s14] =	ssyncset.done $0x0  }
0x19c: {  	[sflag:s14] =	ssyncadd.s32 $0xFFFFE000  }
0x19d: {  	_ =	swait.ge [sflag:s15], $0x2000  }
0x19e: {  	[sflag:s15] =	ssyncset.done $0x0  }
0x19f: {  	[sflag:s15] =	ssyncadd.s32 $0xFFFFE000  }
0x1a0: {  	_ =	swait.ge [sflag:s16], $0x2000  }
0x1a1: {  	[sflag:s16] =	ssyncset.done $0x0  }
0x1a2: {  	[sflag:s16] =	ssyncadd.s32 $0xFFFFE000  }
0x1a3: {  	[spmem:s3] =	stream.indirect.scatter.add.f32 [tilespmem:s11], [sflag:$0x1], $0x80, s1, s12, $0xb8;
	[tilespmem:$0x17400] =	vst v63  }
0x1a4: {  	_ = 	snop  }
0x1a5: {  	[spmem:s3] =	stream.indirect.scatter.add.f32 [tilespmem:s11], [sflag:$0x2], $0x80, s2, s12, $0xb8;
	[tilespmem:$0x17400] =	vst v63  }
0x1a6: {  	_ = 	snop  }
0x1a7: {  	[spmem:s3] =	stream.indirect.scatter.add.f32 [tilespmem:s11], [sflag:$0x3], $0x80, s5, s12, $0xb8;
	[tilespmem:$0x17400] =	vst v63  }
0x1a8: {  	_ = 	snop  }
0x1a9: {  	[spmem:s3] =	stream.indirect.scatter.add.f32 [tilespmem:s11], [sflag:$0x4], $0x80, s7, s12, $0xb8;
	[tilespmem:$0x17400] =	vst v63  }
0x1aa: {  	_ =	swait.ge [sflag:s13], $0x2000  }
0x1ab: {  	[sflag:s13] =	ssyncset.done $0x0  }
0x1ac: {  	[sflag:s13] =	ssyncadd.s32 $0xFFFFE000  }
0x1ad: {  	_ =	swait.ge [sflag:s14], $0x2000  }
0x1ae: {  	[sflag:s14] =	ssyncset.done $0x0  }
0x1af: {  	p0 =	sne.s32 s9, $0x780;
	[sflag:s14] =	ssyncadd.s32 $0xFFFFE000  }
.Ltmp0:
0x1b0: {  	_ =	swait.ge [sflag:s15], $0x2000;
	(pc) =	sbr.rel @p0 .LBB2_2-.Ltmp0, $4  }
0x1b1: {  	[sflag:s15] =	ssyncset.done $0x0  }
0x1b2: {  	[sflag:s15] =	ssyncadd.s32 $0xFFFFE000  }
0x1b3: {  	_ =	swait.ge [sflag:s16], $0x2000  }
0x1b4: {  	s9 =	sadd.s32 $0x280, s9;
	s8 =	rddreg [dreg:$0x4];
	[sflag:s16] =	ssyncset.done $0x0  }
0x1b5: {  	[sflag:s16] =	ssyncadd.s32 $0xFFFFE000;
	s6 =	sadd.s32 s6, s8  }
0x1b6: {  	[tilespmem:s4], [sflag:$0x5] =	stream.linear.gather [hbm4b:s6+s4], $0x1400, $0x38;
	[tilespmem:$0x17400] =	vst v63  }
0x1b7: {  	_ =	swait.ge [sflag:s10], $0x1400  }
0x1b8: {  	[sflag:s10] =	ssyncset.done $0x0  }
0x1b9: {  	[sflag:s10] =	ssyncadd.s32 $0xFFFFEC00  }
0x1ba: {  	[spmem:s3] =	stream.indirect.scatter.add.f32 [tilespmem:s11], [sflag:$0x1], $0x80, s4, s12, $0xb8;
	[tilespmem:$0x17400] =	vst v63  }
0x1bb: {  	s8 =	rddreg [dreg:$0x5]  }
0x1bc: {  	[spmem:s3] =	stream.indirect.scatter.add.f32 [tilespmem:s11], [sflag:$0x2], $0x80, s8, s12, $0xb8;
	[tilespmem:$0x17400] =	vst v63  }
0x1bd: {  	s9 =	rddreg [dreg:$0x6]  }
0x1be: {  	[spmem:s3] =	stream.indirect.scatter.add.f32 [tilespmem:s11], [sflag:$0x3], $0x80, s9, s12, $0xb8;
	[tilespmem:$0x17400] =	vst v63  }
0x1bf: {  	s17 =	rddreg [dreg:$0x7]  }
0x1c0: {  	[spmem:s3] =	stream.indirect.scatter.add.f32 [tilespmem:s11], [sflag:$0x4], $0x80, s17, s12, $0xb8;
	[tilespmem:$0x17400] =	vst v63  }
0x1c1: {  	_ =	swait.ge [sflag:s13], $0x2000  }
0x1c2: {  	[sflag:s13] =	ssyncset.done $0x0  }
0x1c3: {  	[sflag:s13] =	ssyncadd.s32 $0xFFFFE000  }
0x1c4: {  	_ =	swait.ge [sflag:s14], $0x2000  }
0x1c5: {  	[sflag:s14] =	ssyncset.done $0x0  }
0x1c6: {  	[sflag:s14] =	ssyncadd.s32 $0xFFFFE000  }
0x1c7: {  	_ =	swait.ge [sflag:s15], $0x2000  }
0x1c8: {  	[sflag:s15] =	ssyncset.done $0x0  }
0x1c9: {  	[sflag:s15] =	ssyncadd.s32 $0xFFFFE000  }
0x1ca: {  	_ =	swait.ge [sflag:s16], $0x2000  }
0x1cb: {  	[sflag:s16] =	ssyncset.done $0x0  }
0x1cc: {  	s9 =	rddreg [dreg:$0x8];
	[sflag:s16] =	ssyncadd.s32 $0xFFFFE000  }
0x1cd: {  	[spmem:s3] =	stream.indirect.scatter.add.f32 [tilespmem:s11], [sflag:$0x1], $0x80, s9, s12, $0xb8;
	[tilespmem:$0x17400] =	vst v63  }
0x1ce: {  	s17 =	rddreg [dreg:$0x9]  }
0x1cf: {  	[spmem:s3] =	stream.indirect.scatter.add.f32 [tilespmem:s11], [sflag:$0x2], $0x80, s17, s12, $0xb8;
	[tilespmem:$0x17400] =	vst v63  }
0x1d0: {  	s9 =	rddreg [dreg:$0xa]  }
0x1d1: {  	[spmem:s3] =	stream.indirect.scatter.add.f32 [tilespmem:s11], [sflag:$0x3], $0x80, s9, s12, $0xb8;
	[tilespmem:$0x17400] =	vst v63  }
0x1d2: {  	s17 =	rddreg [dreg:$0xb]  }
0x1d3: {  	[spmem:s3] =	stream.indirect.scatter.add.f32 [tilespmem:s11], [sflag:$0x4], $0x80, s17, s12, $0xb8;
	[tilespmem:$0x17400] =	vst v63  }
0x1d4: {  	_ =	swait.ge [sflag:s13], $0x2000  }
0x1d5: {  	[sflag:s13] =	ssyncset.done $0x0  }
0x1d6: {  	[sflag:s13] =	ssyncadd.s32 $0xFFFFE000  }
0x1d7: {  	_ =	swait.ge [sflag:s14], $0x2000  }
0x1d8: {  	[sflag:s14] =	ssyncset.done $0x0  }
0x1d9: {  	[sflag:s14] =	ssyncadd.s32 $0xFFFFE000  }
0x1da: {  	_ =	swait.ge [sflag:s15], $0x2000  }
0x1db: {  	[sflag:s15] =	ssyncset.done $0x0  }
0x1dc: {  	[sflag:s15] =	ssyncadd.s32 $0xFFFFE000  }
0x1dd: {  	_ =	swait.ge [sflag:s16], $0x2000  }
0x1de: {  	[sflag:s16] =	ssyncset.done $0x0  }
0x1df: {  	s9 =	rddreg [dreg:$0xc];
	[sflag:s16] =	ssyncadd.s32 $0xFFFFE000  }
0x1e0: {  	[spmem:s3] =	stream.indirect.scatter.add.f32 [tilespmem:s11], [sflag:$0x1], $0x80, s9, s12, $0xb8;
	[tilespmem:$0x17400] =	vst v63  }
0x1e1: {  	s17 =	rddreg [dreg:$0xd]  }
0x1e2: {  	[spmem:s3] =	stream.indirect.scatter.add.f32 [tilespmem:s11], [sflag:$0x2], $0x80, s17, s12, $0xb8;
	[tilespmem:$0x17400] =	vst v63  }
0x1e3: {  	s9 =	rddreg [dreg:$0xe]  }
0x1e4: {  	[spmem:s3] =	stream.indirect.scatter.add.f32 [tilespmem:s11], [sflag:$0x3], $0x80, s9, s12, $0xb8;
	[tilespmem:$0x17400] =	vst v63  }
0x1e5: {  	s17 =	rddreg [dreg:$0xf]  }
0x1e6: {  	[spmem:s3] =	stream.indirect.scatter.add.f32 [tilespmem:s11], [sflag:$0x4], $0x80, s17, s12, $0xb8;
	[tilespmem:$0x17400] =	vst v63  }
0x1e7: {  	_ =	swait.ge [sflag:s13], $0x2000  }
0x1e8: {  	[sflag:s13] =	ssyncset.done $0x0  }
0x1e9: {  	[sflag:s13] =	ssyncadd.s32 $0xFFFFE000  }
0x1ea: {  	_ =	swait.ge [sflag:s14], $0x2000  }
0x1eb: {  	[sflag:s14] =	ssyncset.done $0x0  }
0x1ec: {  	[sflag:s14] =	ssyncadd.s32 $0xFFFFE000  }
0x1ed: {  	_ =	swait.ge [sflag:s15], $0x2000  }
0x1ee: {  	[sflag:s15] =	ssyncset.done $0x0  }
0x1ef: {  	[sflag:s15] =	ssyncadd.s32 $0xFFFFE000  }
0x1f0: {  	_ =	swait.ge [sflag:s16], $0x2000  }
0x1f1: {  	[sflag:s16] =	ssyncset.done $0x0  }
0x1f2: {  	s9 =	rddreg [dreg:$0x10];
	[sflag:s16] =	ssyncadd.s32 $0xFFFFE000  }
0x1f3: {  	[spmem:s3] =	stream.indirect.scatter.add.f32 [tilespmem:s11], [sflag:$0x1], $0x80, s9, s12, $0xb8;
	[tilespmem:$0x17400] =	vst v63  }
0x1f4: {  	s17 =	rddreg [dreg:$0x11]  }
0x1f5: {  	[spmem:s3] =	stream.indirect.scatter.add.f32 [tilespmem:s11], [sflag:$0x2], $0x80, s17, s12, $0xb8;
	[tilespmem:$0x17400] =	vst v63  }
0x1f6: {  	s9 =	rddreg [dreg:$0x12]  }
0x1f7: {  	[spmem:s3] =	stream.indirect.scatter.add.f32 [tilespmem:s11], [sflag:$0x3], $0x80, s9, s12, $0xb8;
	[tilespmem:$0x17400] =	vst v63  }
0x1f8: {  	s17 =	rddreg [dreg:$0x13]  }
0x1f9: {  	[spmem:s3] =	stream.indirect.scatter.add.f32 [tilespmem:s11], [sflag:$0x4], $0x80, s17, s12, $0xb8;
	[tilespmem:$0x17400] =	vst v63  }
0x1fa: {  	_ =	swait.ge [sflag:s13], $0x2000  }
0x1fb: {  	[sflag:s13] =	ssyncset.done $0x0  }
0x1fc: {  	[sflag:s13] =	ssyncadd.s32 $0xFFFFE000  }
0x1fd: {  	_ =	swait.ge [sflag:s14], $0x2000  }
0x1fe: {  	[sflag:s14] =	ssyncset.done $0x0  }
0x1ff: {  	[sflag:s14] =	ssyncadd.s32 $0xFFFFE000  }
0x200: {  	_ =	swait.ge [sflag:s15], $0x2000  }
0x201: {  	[sflag:s15] =	ssyncset.done $0x0  }
0x202: {  	[sflag:s15] =	ssyncadd.s32 $0xFFFFE000  }
0x203: {  	_ =	swait.ge [sflag:s16], $0x2000  }
0x204: {  	[sflag:s16] =	ssyncset.done $0x0  }
0x205: {  	s9 =	rddreg [dreg:$0x14];
	[sflag:s16] =	ssyncadd.s32 $0xFFFFE000  }
0x206: {  	[spmem:s3] =	stream.indirect.scatter.add.f32 [tilespmem:s11], [sflag:$0x1], $0x80, s9, s12, $0xb8;
	[tilespmem:$0x17400] =	vst v63  }
0x207: {  	s17 =	rddreg [dreg:$0x15]  }
0x208: {  	[spmem:s3] =	stream.indirect.scatter.add.f32 [tilespmem:s11], [sflag:$0x2], $0x80, s17, s12, $0xb8;
	[tilespmem:$0x17400] =	vst v63  }
0x209: {  	s9 =	rddreg [dreg:$0x16]  }
0x20a: {  	[spmem:s3] =	stream.indirect.scatter.add.f32 [tilespmem:s11], [sflag:$0x3], $0x80, s9, s12, $0xb8;
	[tilespmem:$0x17400] =	vst v63  }
0x20b: {  	s17 =	rddreg [dreg:$0x17]  }
0x20c: {  	[spmem:s3] =	stream.indirect.scatter.add.f32 [tilespmem:s11], [sflag:$0x4], $0x80, s17, s12, $0xb8;
	[tilespmem:$0x17400] =	vst v63  }
0x20d: {  	_ =	swait.ge [sflag:s13], $0x2000  }
0x20e: {  	[sflag:s13] =	ssyncset.done $0x0  }
0x20f: {  	[sflag:s13] =	ssyncadd.s32 $0xFFFFE000  }
0x210: {  	_ =	swait.ge [sflag:s14], $0x2000  }
0x211: {  	[sflag:s14] =	ssyncset.done $0x0  }
0x212: {  	[sflag:s14] =	ssyncadd.s32 $0xFFFFE000  }
0x213: {  	_ =	swait.ge [sflag:s15], $0x2000  }
0x214: {  	[sflag:s15] =	ssyncset.done $0x0  }
0x215: {  	[sflag:s15] =	ssyncadd.s32 $0xFFFFE000  }
0x216: {  	_ =	swait.ge [sflag:s16], $0x2000  }
0x217: {  	[sflag:s16] =	ssyncset.done $0x0  }
0x218: {  	s8 =	rddreg [dreg:$0x18];
	[sflag:s16] =	ssyncadd.s32 $0xFFFFE000  }
0x219: {  	[spmem:s3] =	stream.indirect.scatter.add.f32 [tilespmem:s11], [sflag:$0x1], $0x80, s8, s12, $0xb8;
	[tilespmem:$0x17400] =	vst v63  }
0x21a: {  	s9 =	simm.s32 $0xA80  }
0x21b: {  	[spmem:s3] =	stream.indirect.scatter.add.f32 [tilespmem:s11], [sflag:$0x2], $0x80, s9, s12, $0xb8;
	[tilespmem:$0x17400] =	vst v63  }
0x21c: {  	_ = 	snop  }
0x21d: {  	[spmem:s3] =	stream.indirect.scatter.add.f32 [tilespmem:s11], [sflag:$0x3], $0x80, s18, s12, $0xb8;
	[tilespmem:$0x17400] =	vst v63  }
0x21e: {  	_ = 	snop  }
0x21f: {  	[spmem:s3] =	stream.indirect.scatter.add.f32 [tilespmem:s11], [sflag:$0x4], $0x80, s19, s12, $0xb8;
	[tilespmem:$0x17400] =	vst v63  }
0x220: {  	_ =	swait.ge [sflag:s13], $0x2000  }
0x221: {  	[sflag:s13] =	ssyncset.done $0x0  }
0x222: {  	[sflag:s13] =	ssyncadd.s32 $0xFFFFE000  }
0x223: {  	_ =	swait.ge [sflag:s14], $0x2000  }
0x224: {  	[sflag:s14] =	ssyncset.done $0x0  }
0x225: {  	[sflag:s14] =	ssyncadd.s32 $0xFFFFE000  }
0x226: {  	_ =	swait.ge [sflag:s15], $0x2000  }
0x227: {  	[sflag:s15] =	ssyncset.done $0x0  }
0x228: {  	[sflag:s15] =	ssyncadd.s32 $0xFFFFE000  }
0x229: {  	_ =	swait.ge [sflag:s16], $0x2000  }
0x22a: {  	[sflag:s16] =	ssyncset.done $0x0  }
0x22b: {  	[sflag:s16] =	ssyncadd.s32 $0xFFFFE000  }
0x22c: {  	[spmem:s3] =	stream.indirect.scatter.add.f32 [tilespmem:s11], [sflag:$0x1], $0x80, s20, s12, $0xb8;
	[tilespmem:$0x17400] =	vst v63  }
0x22d: {  	_ = 	snop  }
0x22e: {  	[spmem:s3] =	stream.indirect.scatter.add.f32 [tilespmem:s11], [sflag:$0x2], $0x80, s21, s12, $0xb8;
	[tilespmem:$0x17400] =	vst v63  }
0x22f: {  	_ = 	snop  }
0x230: {  	[spmem:s3] =	stream.indirect.scatter.add.f32 [tilespmem:s11], [sflag:$0x3], $0x80, s22, s12, $0xb8;
	[tilespmem:$0x17400] =	vst v63  }
0x231: {  	_ = 	snop  }
0x232: {  	[spmem:s3] =	stream.indirect.scatter.add.f32 [tilespmem:s11], [sflag:$0x4], $0x80, s23, s12, $0xb8;
	[tilespmem:$0x17400] =	vst v63  }
0x233: {  	_ =	swait.ge [sflag:s13], $0x2000  }
0x234: {  	[sflag:s13] =	ssyncset.done $0x0  }
0x235: {  	[sflag:s13] =	ssyncadd.s32 $0xFFFFE000  }
0x236: {  	_ =	swait.ge [sflag:s14], $0x2000  }
0x237: {  	[sflag:s14] =	ssyncset.done $0x0  }
0x238: {  	[sflag:s14] =	ssyncadd.s32 $0xFFFFE000  }
0x239: {  	_ =	swait.ge [sflag:s15], $0x2000  }
0x23a: {  	[sflag:s15] =	ssyncset.done $0x0  }
0x23b: {  	[sflag:s15] =	ssyncadd.s32 $0xFFFFE000  }
0x23c: {  	_ =	swait.ge [sflag:s16], $0x2000  }
0x23d: {  	[sflag:s16] =	ssyncset.done $0x0  }
0x23e: {  	[sflag:s16] =	ssyncadd.s32 $0xFFFFE000  }
0x23f: {  	[spmem:s3] =	stream.indirect.scatter.add.f32 [tilespmem:s11], [sflag:$0x1], $0x80, s24, s12, $0xb8;
	[tilespmem:$0x17400] =	vst v63  }
0x240: {  	_ = 	snop  }
0x241: {  	[spmem:s3] =	stream.indirect.scatter.add.f32 [tilespmem:s11], [sflag:$0x2], $0x80, s25, s12, $0xb8;
	[tilespmem:$0x17400] =	vst v63  }
0x242: {  	_ = 	snop  }
0x243: {  	[spmem:s3] =	stream.indirect.scatter.add.f32 [tilespmem:s11], [sflag:$0x3], $0x80, s26, s12, $0xb8;
	[tilespmem:$0x17400] =	vst v63  }
0x244: {  	_ = 	snop  }
0x245: {  	[spmem:s3] =	stream.indirect.scatter.add.f32 [tilespmem:s11], [sflag:$0x4], $0x80, s28, s12, $0xb8;
	[tilespmem:$0x17400] =	vst v63  }
0x246: {  	_ =	swait.ge [sflag:s13], $0x2000  }
0x247: {  	[sflag:s13] =	ssyncset.done $0x0  }
0x248: {  	[sflag:s13] =	ssyncadd.s32 $0xFFFFE000  }
0x249: {  	_ =	swait.ge [sflag:s14], $0x2000  }
0x24a: {  	[sflag:s14] =	ssyncset.done $0x0  }
0x24b: {  	[sflag:s14] =	ssyncadd.s32 $0xFFFFE000  }
0x24c: {  	_ =	swait.ge [sflag:s15], $0x2000  }
0x24d: {  	[sflag:s15] =	ssyncset.done $0x0  }
0x24e: {  	[sflag:s15] =	ssyncadd.s32 $0xFFFFE000  }
0x24f: {  	_ =	swait.ge [sflag:s16], $0x2000  }
0x250: {  	[sflag:s16] =	ssyncset.done $0x0  }
0x251: {  	[sflag:s16] =	ssyncadd.s32 $0xFFFFE000  }
0x252: {  	[spmem:s3] =	stream.indirect.scatter.add.f32 [tilespmem:s11], [sflag:$0x1], $0x80, s29, s12, $0xb8;
	[tilespmem:$0x17400] =	vst v63  }
0x253: {  	_ = 	snop  }
0x254: {  	[spmem:s3] =	stream.indirect.scatter.add.f32 [tilespmem:s11], [sflag:$0x2], $0x80, s30, s12, $0xb8;
	[tilespmem:$0x17400] =	vst v63  }
0x255: {  	_ = 	snop  }
0x256: {  	[spmem:s3] =	stream.indirect.scatter.add.f32 [tilespmem:s11], [sflag:$0x3], $0x80, s31, s12, $0xb8;
	[tilespmem:$0x17400] =	vst v63  }
0x257: {  	_ = 	snop  }
0x258: {  	[spmem:s3] =	stream.indirect.scatter.add.f32 [tilespmem:s11], [sflag:$0x4], $0x80, s0, s12, $0xb8;
	[tilespmem:$0x17400] =	vst v63  }
0x259: {  	_ =	swait.ge [sflag:s13], $0x2000  }
0x25a: {  	[sflag:s13] =	ssyncset.done $0x0  }
0x25b: {  	[sflag:s13] =	ssyncadd.s32 $0xFFFFE000  }
0x25c: {  	_ =	swait.ge [sflag:s14], $0x2000  }
0x25d: {  	[sflag:s14] =	ssyncset.done $0x0  }
0x25e: {  	[sflag:s14] =	ssyncadd.s32 $0xFFFFE000  }
0x25f: {  	_ =	swait.ge [sflag:s15], $0x2000  }
0x260: {  	[sflag:s15] =	ssyncset.done $0x0  }
0x261: {  	[sflag:s15] =	ssyncadd.s32 $0xFFFFE000  }
0x262: {  	_ =	swait.ge [sflag:s16], $0x2000  }
0x263: {  	[sflag:s16] =	ssyncset.done $0x0  }
0x264: {  	[sflag:s16] =	ssyncadd.s32 $0xFFFFE000  }
0x265: {  	[spmem:s3] =	stream.indirect.scatter.add.f32 [tilespmem:s11], [sflag:$0x1], $0x80, s1, s12, $0xb8;
	[tilespmem:$0x17400] =	vst v63  }
0x266: {  	_ = 	snop  }
0x267: {  	[spmem:s3] =	stream.indirect.scatter.add.f32 [tilespmem:s11], [sflag:$0x2], $0x80, s2, s12, $0xb8;
	[tilespmem:$0x17400] =	vst v63  }
0x268: {  	_ = 	snop  }
0x269: {  	[spmem:s3] =	stream.indirect.scatter.add.f32 [tilespmem:s11], [sflag:$0x3], $0x80, s5, s12, $0xb8;
	[tilespmem:$0x17400] =	vst v63  }
0x26a: {  	_ = 	snop  }
0x26b: {  	[spmem:s3] =	stream.indirect.scatter.add.f32 [tilespmem:s11], [sflag:$0x4], $0x80, s7, s12, $0xb8;
	[tilespmem:$0x17400] =	vst v63  }
0x26c: {  	_ =	swait.ge [sflag:s13], $0x2000  }
0x26d: {  	[sflag:s13] =	ssyncset.done $0x0  }
0x26e: {  	[sflag:s13] =	ssyncadd.s32 $0xFFFFE000  }
0x26f: {  	_ =	swait.ge [sflag:s14], $0x2000  }
0x270: {  	[sflag:s14] =	ssyncset.done $0x0  }
0x271: {  	[sflag:s14] =	ssyncadd.s32 $0xFFFFE000  }
0x272: {  	_ =	swait.ge [sflag:s15], $0x2000  }
0x273: {  	[sflag:s15] =	ssyncset.done $0x0  }
0x274: {  	[sflag:s15] =	ssyncadd.s32 $0xFFFFE000  }
0x275: {  	_ =	swait.ge [sflag:s16], $0x2000  }
0x276: {  	[sflag:s16] =	ssyncset.done $0x0  }
0x277: {  	[sflag:s16] =	ssyncadd.s32 $0xFFFFE000  }
0x278: {  	[bflag:$0x0] =	sbarrier.arrive $0xFFFF  }
0x279: {  	s8 =	rddreg [dreg:$0x1a]  }
0x27a: {  	s17 =	rddreg [dreg:$0x1b]  }
0x27b: {  	s9 =	rddreg [dreg:$0x1d]  }
0x27c: {  	[hbm:s17], [sflag:s8] =	dma.local [spmem:s9], $0x2800  }
0x27d: {  	_ =	swait.ge [sflag:s10], $0x2800  }
0x27e: {  	s17 =	rddreg [dreg:$0x1e]  }
0x27f: {  	s6 =	rddreg [dreg:$0x1c];
	s17 =	sadd.s32 $0x1, s17  }
0x280: {  	p0 =	sne.s32 s17, s6  }
.Ltmp1:
0x281: {  	_ = 	snop;
	(pc) =	sbr.rel @p0 .LBB2_1-.Ltmp1, $3  }
0x282: {  	_ =	sdelay $0x1  }
0x283: {  	[sflag:s10] =	ssyncset.done $0x0  }
0x284: {  	[sflag:s10] =	ssyncadd.s32 $0xFFFFD800  }
0x285: {  	_ =	sfence.sel $0x180000  }
0x286: {  	[bflag:$0x0] =	sbarrier.arrive $0xFFFF  }
0x287: {  	_ =	strace $0x9000004A  }
0x288: {  	s0 =	stileid.u32;
	[bflag:$0x2] =	sbarrier.arrive $0xFFFF  }
0x289: {  	p0 =	sne.s32 s0, $0x0;
	s0 =	rddreg [dreg:$0x3]  }
0x28a: {  	s0 =	sadd.s32 @!p0 $0x100000, s0  }
0x28b: {  	[sflag:s0] =	ssyncadd.tile.s32 @!p0 $0x1;
	_ =	shalt  }
.Lfunc_end2:
_tile_overlayer_lowered:
.L_overlay_start_2:
0x28c: {  	(tag) =	ssettag $0x2  }
0x28d: {  	s0 =	rddreg [dreg:$0x0];
	s2 =	stileid.u32  }
0x28e: {  	s1 =	rddreg [dreg:$0x1];
	p0 =	sne.s32 s2, $0x0  }
0x28f: {  	s3 =	rddreg [dreg:$0x2];
	[bflag:$0x3] =	sbarrier.arrive $0xFFFF;
	s2 =	simm.s32 @!p0 $0x1C05  }
0x290: {  	[timem:s3], [sflag:s2] =	dma.local @!p0 [hbm:s0], s1  }
0x291: {  	s0 =	simm.s32 @!p0 $0x5  }
0x292: {  	_ =	swait.ge @!p0 [sflag:s0], s1  }
0x293: {  	s1 =	ssub.s32 @!p0 $0x0, s1;
	[sflag:s0] =	ssyncset.done @!p0 $0x0  }
0x294: {  	[sflag:s0] =	ssyncadd.s32 @!p0 s1  }
0x295: {  	[bflag:$0x3] =	sbarrier.arrive $0xFFFF  }
0x296: {  	_ =	shalt  }

// kernel: kernel.15.cloned.1.call-start
scs
__scs_entry_jumppad:
0x0: {  	(pc) =	sbr.rel $0x88, $3  }
0x1: {  	(tag) =	ssettag $0x0;
	lr =	simm.s32 $0x1  }
0x2: {  	[smem:$0x3F8D] =	sst lr;
	_ =	strace $0xD0000000  }
0x3: {  	_ = 	snop  }
0x4: {  	_ = 	snop  }
0x5: {  	_ = 	snop  }
0x6: {  	_ = 	snop  }
0x7: {  	_ = 	snop  }
__scs_overlays_trampoline_lowered:
0x8: {  	[smem:$0x3F9C] =	sst s0  }
0x9: {  	[smem:$0x3F9D] =	sst s1  }
0xa: {  	[smem:$0x3F9E] =	sst s2  }
0xb: {  	[smem:$0x3F9F] =	sst s3  }
0xc: {  	[smem:$0x3FA0] =	sst s4  }
0xd: {  	[smem:$0x3FA1] =	sst s5  }
0xe: {  	[smem:$0x3FA2] =	sst s6  }
0xf: {  	[smem:$0x3FA3] =	sst s7  }
0x10: {  	[smem:$0x3FA4] =	sst s8  }
0x11: {  	[smem:$0x3FA5] =	sst s9;
	s0 =	simm.s32 @!p0 $0x0  }
0x12: {  	s1 =	sld [smem:$0x3F8B];
	s0 =	simm.s32 @p0 $0x1  }
0x13: {  	[smem:$0x3FA6] =	sst s0;
	s0 =	simm.s32 @!p1 $0x0  }
0x14: {  	s2 =	sld [smem:$0x3F8A];
	s0 =	simm.s32 @p1 $0x1  }
0x15: {  	[smem:$0x3FA7] =	sst s0;
	s0 =	simm.s32 @!p2 $0x0  }
0x16: {  	s3 =	sld [smem:$0x3FDB];
	s0 =	simm.s32 @p2 $0x1  }
0x17: {  	s4 =	simm.s32 $0x1BF5;
	[smem:$0x3FA9] =	sst s0  }
0x18: {  	s0 =	sld [smem:$0x3F8C];
	_ =	swait.ge [sflag:s4], $0x0  }
0x19: {  	s7 =	sld [smem:$0x3F8D]  }
0x1a: {  	s8 =	sadd.s32 $0xFFFFE003, lr  }
0x1b: {  	s9 =	sadd.s32 $0xFFFFFEF7, lr;
	s5 =	simm.s32 $0xFFFFFFFF;
	p2 =	slt.u32 s8, $0xFFFFF086  }
0x1c: {  	p1 =	slt.u32 s9, $0xF7A;
	s5 =	simm.s32 @!p2 $0x0  }
0x1d: {  	s5 =	simm.s32 @p1 $0x1;
	p0 =	seq.s32 s7, s2  }
0x1e: {  	s7 =	smul.u32 @!p0 $0xF7A, s2;
	p2 =	seq.s32 @!p0 s5, $0x0  }
0x1f: {  	s9 =	smul.u32 $0xF7A, s1;
	s8 =	simm.s32 @!p0 $0x1BF5;
	p2 =	por !p2, p0  }
0x20: {  	[sflag:s8] =	ssyncset.s32 @!p0 $0xFFFFF086;
	s6 =	sadd.s32 @!p0 s3, s7;
	s7 =	simm.s32 @!p0 $0x108  }
0x21: {  	s3 =	sadd.s32 s3, s9;
	s6 =	sadd.s32 @!p0 $0x88, s6;
	s7 =	simm.s32 @p2 $0x1082  }
0x22: {  	[simem:s7], [sflag:s8] =	dma.local @!p0 [hbm:s6], $0xF7A  }
0x23: {  	s9 =	sor.u32 $0xD0000000, s2;
	s6 =	simm.s32 $0x108;
	_ =	swait.ge @!p0 [sflag:s8], $0x0  }
0x24: {  	s3 =	sadd.s32 $0x88, s3;
	s6 =	simm.s32 @!p1 $0x1082;
	[sflag:s4] =	ssyncset.s32 $0xFFFFF086  }
0x25: {  	[simem:s6], [sflag:s4] =	dma.local [hbm:s3], $0xF7A  }
0x26: {  	[smem:$0x3F8D] =	sst s1;
	(tag) =	ssettag s2;
	_ =	strace s9  }
0x27: {  	s1 =	sld [smem:$0x3F9D]  }
0x28: {  	s2 =	sld [smem:$0x3F9E]  }
0x29: {  	s4 =	sld [smem:$0x3FA0]  }
0x2a: {  	p0 =	seq.s32 s5, $0x0;
	s5 =	sld [smem:$0x3FA1]  }
0x2b: {  	s6 =	sld [smem:$0x3FA2]  }
0x2c: {  	s7 =	sld [smem:$0x3FA3]  }
0x2d: {  	s3 =	simm.s32 $0x108;
	s8 =	sld [smem:$0x3FA4]  }
0x2e: {  	s3 =	simm.s32 @!p0 $0x1082;
	s9 =	sld [smem:$0x3FA5]  }
0x2f: {  	lr =	sadd.s32 s0, s3;
	s0 =	sld [smem:$0x3F9C]  }
0x30: {  	s3 =	sld [smem:$0x3F9F]  }
0x31: {  	[smem:$0x3FA8] =	sst s10  }
0x32: {  	s10 =	sld [smem:$0x3FA6];
	_ =	sdelay $0x3  }
0x33: {  	p0 =	seq.s32 s10, $0x1;
	s10 =	sld [smem:$0x3FA8];
	_ =	sdelay $0x3  }
0x34: {  	[smem:$0x3FA8] =	sst s10  }
0x35: {  	s10 =	sld [smem:$0x3FA7];
	_ =	sdelay $0x3  }
0x36: {  	p1 =	seq.s32 s10, $0x1;
	s10 =	sld [smem:$0x3FA8];
	_ =	sdelay $0x3  }
0x37: {  	[smem:$0x3FA8] =	sst s10  }
0x38: {  	s10 =	sld [smem:$0x3FA9]  }
0x39: {  	_ = 	snop;
	(pc) =	sbr.ind lr, $3  }
0x3a: {  	_ = 	snop  }
0x3b: {  	_ = 	snop  }
0x3c: {  	p2 =	seq.s32 s10, $0x1;
	s10 =	sld [smem:$0x3FA8]  }
0x3d: {  	_ =	shalt  }
0x3e: {  	_ =	shalt  }
0x3f: {  	_ =	shalt  }
0x40: {  	_ =	shalt  }
0x41: {  	_ =	shalt  }
0x42: {  	_ =	shalt  }
0x43: {  	_ =	shalt  }
0x44: {  	_ =	shalt  }
0x45: {  	_ =	shalt  }
0x46: {  	_ =	shalt  }
0x47: {  	_ =	shalt  }
0x48: {  	_ =	shalt  }
0x49: {  	_ =	shalt  }
0x4a: {  	_ =	shalt  }
0x4b: {  	_ =	shalt  }
0x4c: {  	_ =	shalt  }
0x4d: {  	_ =	shalt  }
0x4e: {  	_ =	shalt  }
0x4f: {  	_ =	shalt  }
0x50: {  	_ =	shalt  }
0x51: {  	_ =	shalt  }
0x52: {  	_ =	shalt  }
0x53: {  	_ =	shalt  }
0x54: {  	_ =	shalt  }
0x55: {  	_ =	shalt  }
0x56: {  	_ =	shalt  }
0x57: {  	_ =	shalt  }
0x58: {  	_ =	shalt  }
0x59: {  	_ =	shalt  }
0x5a: {  	_ =	shalt  }
0x5b: {  	_ =	shalt  }
0x5c: {  	_ =	shalt  }
0x5d: {  	_ =	shalt  }
0x5e: {  	_ =	shalt  }
0x5f: {  	_ =	shalt  }
0x60: {  	_ =	shalt  }
0x61: {  	_ =	shalt  }
0x62: {  	_ =	shalt  }
0x63: {  	_ =	shalt  }
0x64: {  	_ =	shalt  }
0x65: {  	_ =	shalt  }
0x66: {  	_ =	shalt  }
0x67: {  	_ =	shalt  }
0x68: {  	_ =	shalt  }
0x69: {  	_ =	shalt  }
0x6a: {  	_ =	shalt  }
0x6b: {  	_ =	shalt  }
0x6c: {  	_ =	shalt  }
0x6d: {  	_ =	shalt  }
0x6e: {  	_ =	shalt  }
0x6f: {  	_ =	shalt  }
0x70: {  	_ =	shalt  }
0x71: {  	_ =	shalt  }
0x72: {  	_ =	shalt  }
0x73: {  	_ =	shalt  }
0x74: {  	_ =	shalt  }
0x75: {  	_ =	shalt  }
0x76: {  	_ =	shalt  }
0x77: {  	_ =	shalt  }
0x78: {  	_ =	shalt  }
0x79: {  	_ =	shalt  }
0x7a: {  	_ =	shalt  }
0x7b: {  	_ =	shalt  }
0x7c: {  	_ =	shalt  }
0x7d: {  	_ =	shalt  }
0x7e: {  	_ =	shalt  }
0x7f: {  	_ =	shalt  }
0x80: {  	_ =	shalt  }
0x81: {  	_ =	shalt  }
0x82: {  	_ =	shalt  }
0x83: {  	_ =	shalt  }
0x84: {  	_ =	shalt  }
0x85: {  	_ =	shalt  }
0x86: {  	_ =	shalt  }
0x87: {  	_ =	shalt  }
.Lfunc_end0:
.L_simem_size_0:
called_computation.1_lowered:
.L_overlay_start_0:
0x88: {  	s2 =	sld [smem:$0x3FD9]  }
0x89: {  	s3 =	sld [smem:$0x3FFE];
	_ =	sdelay $0x1  }
0x8a: {  	s1 =	srdreg.scid  }
0x8b: {  	s0 =	sand.u32 $0x1, s1  }
0x8c: {  	s14 =	sshll.u32 s0, $0xA;
	s2 =	sadd.s32 s3, s2  }
0x8d: {  	s2 =	sadd.s32 s2, s14  }
0x8e: {  	[smem:$0x3FB4] =	sst s2  }
0x8f: {  	_ = 	snop  }
0x90: {  	s2 =	sld [smem:$0x3FD0];
	_ =	sdelay $0x2  }
0x91: {  	s15 =	simm.s32 $0xB;
	s4 =	simm.s32 $0x10  }
0x92: {  	[smem:s4], [sflag:s15] =	dma.local [hbm:s2], $0x1  }
0x93: {  	_ =	swait.eq [sflag:s15], $0x1  }
0x94: {  	[sflag:s15] =	ssyncset.done $0x0  }
0x95: {  	[sflag:s15] =	ssyncadd.s32 $0xFFFFFFFF  }
0x96: {  	s16 =	sld [smem:$0x10];
	(tm) =	ssettm $0x1  }
0x97: {  	s17 =	sld [smem:$0x3FFB];
	_ =	sdelay $0x3  }
0x98: {  	_ =	strace s17  }
0x99: {  	s3 =	sld [smem:$0x3FFC];
	_ =	sdelay $0x3  }
0x9a: {  	_ =	strace s3  }
0x9b: {  	s3 =	sld [smem:$0x3FFD];
	_ =	sdelay $0x3  }
0x9c: {  	_ =	strace s3  }
0x9d: {  	_ =	strace $0x8FFFFFFF  }
0x9e: {  	s18 =	sld [smem:$0x3FDB];
	_ =	sdelay $0x1  }
0x9f: {  	s19 =	simm.s32 $_scs_section_size  }
0xa0: {  	s5 =	simm.s32 $_size__tile_overlayer_lowered;
	s6 =	simm.s32 $_tile_overlayer_lowered  }
0xa1: {  	s22 =	simm.s32 $0x1BFF;
	s21 =	sshll.u32 s6, $0x1;
	s3 =	sadd.s32 s19, s18  }
0xa2: {  	s7 =	simm.s32 $0x0;
	s20 =	sshll.u32 s5, $0x1;
	s5 =	sadd.s32 s21, s3  }
0xa3: {  	[timem:s7], [sflag:s22] =	dma.local [hbm:s5], s20  }
0xa4: {  	_ =	swait.ge [sflag:s22], s20  }
0xa5: {  	s4 =	ssub.s32 $0x0, s20;
	[sflag:s22] =	ssyncset.done $0x0  }
0xa6: {  	[sflag:s22] =	ssyncadd.s32 s4;
	_ =	sdelay $0x1  }
0xa7: {  	s23 =	simm.s32 $0x1B8B  }
0xa8: {  	_ =	swait.ge [sflag:s23], $0x1  }
0xa9: {  	[sflag:s23] =	ssyncset.done $0x0  }
0xaa: {  	s25 =	simm.s32 $0x1B8E;
	s24 =	sld [smem:$0x3FFE];
	[sflag:s23] =	ssyncadd.s32 $0xFFFFFFFF  }
0xab: {  	s26 =	simm.s32 $execute0_lowered;
	[smem:$0x3FD2] =	sst s25  }
0xac: {  	s5 =	sshll.u32 s26, $0x1;
	_ =	strace $0x80000046;
	[dreg:$0x1] =	wrdreg $0xFFFFFFFF  }
0xad: {  	s28 =	simm.s32 $_size_execute0_lowered;
	s3 =	sadd.s32 s3, s5;
	[dreg:$0x0] =	wrdreg $0x0  }
0xae: {  	s5 =	sshll.u32 s28, $0x1;
	[dreg:$0x2] =	wrdreg s3  }
0xaf: {  	[dreg:$0x3] =	wrdreg s5  }
0xb0: {  	[dreg:$0x4] =	wrdreg $0xC0  }
0xb1: {  	_ =	task [dreg:s7], $0x5FFFF  }
0xb2: {  	[dreg:$0x1] =	wrdreg $0xFFFFFFFF  }
0xb3: {  	[dreg:$0x0] =	wrdreg $0x60  }
0xb4: {  	[dreg:$0x2] =	wrdreg s16  }
0xb5: {  	[dreg:$0x3] =	wrdreg s24  }
0xb6: {  	[dreg:$0x4] =	wrdreg $0xAA000  }
0xb7: {  	[dreg:$0x5] =	wrdreg $0xA  }
0xb8: {  	_ =	task.clear_ibuf [dreg:s7], $0x6FFFF;
	_ =	strace $0x90000046  }
0xb9: {  	s29 =	simm.s32 $0xA;
	_ =	strace $0x80000048  }
0xba: {  	_ =	swait.ge [sflag:s29], $0x1  }
0xbb: {  	[sflag:s29] =	ssyncadd.s32 $0xFFFFFFFF  }
0xbc: {  	_ =	strace $0x90000048  }
0xbd: {  	_ =	sfence  }
0xbe: {  	s30 =	sld [smem:$0x0];
	_ =	sdelay $0x2  }
0xbf: {  	s31 =	sshll.u32 s1, $0xD;
	s1 =	sshrl.u32 s1, $0x2  }
0xc0: {  	s3 =	sand.u32 $0x4000, s31;
	s1 =	sadd.s32 s1, s30  }
0xc1: {  	s0 =	sor.u32 s3, s0;
	s1 =	sshll.u32 s1, $0x11  }
0xc2: {  	s0 =	sor.u32 s1, s0  }
0xc3: {  	s0 =	sadd.s32 $0x8F2B, s0  }
0xc4: {  	[sflag:s0] =	ssyncadd.remote.s32 $0x1  }
0xc5: {  	_ =	sfence.sel $0xFFFF  }
0xc6: {  	[dreg:$0x0] =	wrdreg $0xFFFFFFFF;
	(pc) =	sbr.abs _section_cstart, $3  }
0xc7: {  	[dreg:$0x1] =	wrdreg $0xFFFFFFFF  }
0xc8: {  	_ =	task.clear_ibuf [dreg:s7], $0x2FFFF;
	_ =	strace $0x9FFFFFFF  }
0xc9: {  	(tm) =	ssettm $0x7FFFFFFF  }
tec
execute0_lowered:
.L_overlay_start_1:
0x0: {  	(tag) =	ssettag $0x1  }
0x1: {  	s1 =	rddreg [dreg:$0x0]  }
0x2: {  	s0 =	rddreg [dreg:$0x1]  }
0x3: {  	s2 =	rddreg [dreg:$0x2];
	s3 =	srdreg.scid;
	s5 =	simm.s32 $0x0  }
0x4: {  	s7 =	stileid.u32;
	s12 =	simm.s32 $0x2800;
	s13 =	simm.s32 $0x9  }
0x5: {  	s16 =	simm.s32 $0x40;
	s17 =	simm.s32 $0x2A00;
	s19 =	simm.s32 $0x4A00  }
0x6: {  	s21 =	simm.s32 $0x6A00;
	s28 =	simm.s32 $0x5;
	s29 =	simm.s32 $0x6  }
0x7: {  	s30 =	simm.s32 $0x7;
	s31 =	simm.s32 $0x8;
	s3 =	sand.u32 $0x1, s3  }
0x8: {  	[smem:$0x7FF] =	sst s5;
	s9 =	smul.u32 $0x14000, s7;
	s5 =	sadd.s32 $0x5C00, s0  }
0x9: {  	s6 =	sadd.s32 $0x19C00, s0;
	s8 =	sadd.s32 $0x2DC00, s0;
	s10 =	smul.u32 $0x50000, s7  }
0xa: {  	s26 =	sshll.u32 s7, $0x6;
	s4 =	smul.u32 $0x140000, s3;
	_ =	strace $0x80000047  }
0xb: {  	[dreg:$0x4] =	wrdreg s8;
	s8 =	sadd.s32 $0x5A00, s0;
	s23 =	ssub.s32 $0x2, s3  }
0xc: {  	s3 =	sshll.u32 s3, $0x4;
	s14 =	sor.u32 $0x1C09, s26;
	s26 =	simm.s32 $0x2  }
0xd: {  	s24 =	sshrl.u32 s23, $0x1;
	s3 =	sor.u32 s7, s3;
	s25 =	sshrl.u32 s10, $0x2  }
0xe: {  	s4 =	sadd.s32 s9, s4;
	s15 =	sadd.s32 s25, s2;
	s9 =	smul.u32 $0xA0, s3  }
0xf: {  	s25 =	simm.s32 $0x1;
	s3 =	simm.s32 $0x4;
	s4 =	sshrl.u32 s4, $0x3  }
0x10: {  	s15 =	sshrl.u32 s15, $0x3;
	s0 =	sadd.s32 s4, s0;
	s4 =	ssub.s32 s23, s24  }
0x11: {  	s23 =	simm.s32 $0x8A00;
	s24 =	simm.s32 $0x1400;
	s10 =	sadd.s32 $0x30400, s0  }
0x12: {  	s11 =	smax.u32 s4, $0x1;
	s0 =	simm.s32 $0x3;
	s4 =	simm.s32 $0x0  }
.LBB2_1:
0x13: {  	s7 =	simm.s32 $0x0  }
0x14: {  	[tilespmem:s12], [sflag:$0x9] =	stream.linear.gather [hbm4b:s8+s7], $0x200, $0x38;
	[tilespmem:$0x1EA00] =	vst v63  }
0x15: {  	_ =	swait.ge [sflag:s13], $0x200  }
0x16: {  	[sflag:s13] =	ssyncset.done $0x0  }
0x17: {  	s22 =	rddreg [dreg:$0x4];
	[sflag:s13] =	ssyncadd.s32 $0xFFFFFE00  }
0x18: {  	[spmem:s15], [sflag:s14] =	dma.local [hbm:s22], $0x2800  }
0x19: {  	_ =	swait.ge [sflag:s13], $0x2800  }
0x1a: {  	[sflag:s13] =	ssyncset.done $0x0  }
0x1b: {  	[sflag:s13] =	ssyncadd.s32 $0xFFFFD800  }
0x1c: {  	[bflag:$0x0] =	sbarrier.arrive $0xFFFF  }
0x1d: {  	[spmem:s2] =	stream.indirect.scatter.add.f32 [tilespmem:s17], [sflag:$0x5], $0x80, s12, s16, $0xb8;
	[tilespmem:$0x1EA00] =	vst v63  }
0x1e: {  	s18 =	simm.s32 $0x2880  }
0x1f: {  	[spmem:s2] =	stream.indirect.scatter.add.f32 [tilespmem:s19], [sflag:$0x6], $0x80, s18, s16, $0xb8;
	[tilespmem:$0x1EA00] =	vst v63  }
0x20: {  	s20 =	simm.s32 $0x2900  }
0x21: {  	[spmem:s2] =	stream.indirect.scatter.add.f32 [tilespmem:s21], [sflag:$0x7], $0x80, s20, s16, $0xb8;
	[tilespmem:$0x1EA00] =	vst v63  }
0x22: {  	s22 =	simm.s32 $0x2980;
	s18 =	simm.s32 $0x0  }
0x23: {  	[spmem:s2] =	stream.indirect.scatter.add.f32 [tilespmem:s23], [sflag:$0x8], $0x80, s22, s16, $0xb8;
	[tilespmem:$0x1EA00] =	vst v63  }
.LBB2_2:
0x24: {  	s20 =	smul.u32 $0x28, s18;
	_ =	sdelay $0x1  }
0x25: {  	s20 =	sadd.s32 s9, s20  }
0x26: {  	s20 =	sshll.u32 s20, $0x4  }
0x27: {  	s7 =	simm.s32 $0x0;
	s22 =	sadd.s32 s5, s20  }
0x28: {  	[tilespmem:s7], [sflag:$0x1] =	stream.linear.gather [hbm4b:s22+s7], $0x1400, $0x38;
	[tilespmem:$0x1EA00] =	vst v63  }
0x29: {  	s20 =	sadd.s32 s6, s20  }
0x2a: {  	[tilespmem:s24], [sflag:$0x2] =	stream.linear.gather [hbm4b:s20+s7], $0x1400, $0x38;
	[tilespmem:$0x1EA00] =	vst v63  }
0x2b: {  	_ =	swait.ge [sflag:s25], $0x1400  }
0x2c: {  	[sflag:s25] =	ssyncset.done $0x0  }
0x2d: {  	[sflag:s25] =	ssyncadd.s32 $0xFFFFEC00  }
0x2e: {  	_ =	swait.ge [sflag:s26], $0x1400  }
0x2f: {  	[sflag:s26] =	ssyncset.done $0x0  }
0x30: {  	[sflag:s26] =	ssyncadd.s32 $0xFFFFEC00  }
0x31: {  	_ =	swait.ge [sflag:s28], $0x2000  }
0x32: {  	[sflag:s28] =	ssyncset.done $0x0  }
0x33: {  	s22 =	simm.s32 $0x0;
	[sflag:s28] =	ssyncadd.s32 $0xFFFFE000  }
0x34: {  	[tilespmem:s17], [sflag:$0x1] =	stream.indirect.gather [hbm4b:s1+s16], $0x80, s22, s16, $0xb8;
	[tilespmem:$0x1EA00] =	vst v63  }
0x35: {  	_ =	swait.ge [sflag:s29], $0x2000  }
0x36: {  	[sflag:s29] =	ssyncset.done $0x0  }
0x37: {  	s20 =	simm.s32 $0x80;
	[sflag:s29] =	ssyncadd.s32 $0xFFFFE000  }
0x38: {  	[tilespmem:s19], [sflag:$0x2] =	stream.indirect.gather [hbm4b:s1+s16], $0x80, s20, s16, $0xb8;
	[tilespmem:$0x1EA00] =	vst v63  }
0x39: {  	_ =	swait.ge [sflag:s30], $0x2000  }
0x3a: {  	[sflag:s30] =	ssyncset.done $0x0  }
0x3b: {  	s22 =	simm.s32 $0x100;
	[sflag:s30] =	ssyncadd.s32 $0xFFFFE000  }
0x3c: {  	[tilespmem:s21], [sflag:$0x3] =	stream.indirect.gather [hbm4b:s1+s16], $0x80, s22, s16, $0xb8;
	[tilespmem:$0x1EA00] =	vst v63  }
0x3d: {  	_ =	swait.ge [sflag:s31], $0x2000  }
0x3e: {  	[sflag:s31] =	ssyncset.done $0x0  }
0x3f: {  	s20 =	simm.s32 $0x180;
	[sflag:s31] =	ssyncadd.s32 $0xFFFFE000  }
0x40: {  	[tilespmem:s23], [sflag:$0x4] =	stream.indirect.gather [hbm4b:s1+s16], $0x80, s20, s16, $0xb8;
	[tilespmem:$0x1EA00] =	vst v63  }
0x41: {  	_ =	swait.ge [sflag:s25], $0x2000  }
0x42: {  	[sflag:s25] =	ssyncset.done $0x0  }
0x43: {  	s22 =	simm.s32 $0x1400;
	[sflag:s25] =	ssyncadd.s32 $0xFFFFE000  }
0x44: {  	[spmem:s2] =	stream.indirect.scatter.add.f32 [tilespmem:s17], [sflag:$0x5], $0x80, s22, s16, $0xb8;
	[tilespmem:$0x1EA00] =	vst v63  }
0x45: {  	_ =	swait.ge [sflag:s26], $0x2000  }
0x46: {  	[sflag:s26] =	ssyncset.done $0x0  }
0x47: {  	s20 =	simm.s32 $0x1480;
	[sflag:s26] =	ssyncadd.s32 $0xFFFFE000  }
0x48: {  	[spmem:s2] =	stream.indirect.scatter.add.f32 [tilespmem:s19], [sflag:$0x6], $0x80, s20, s16, $0xb8;
	[tilespmem:$0x1EA00] =	vst v63  }
0x49: {  	_ =	swait.ge [sflag:s0], $0x2000  }
0x4a: {  	[sflag:s0] =	ssyncset.done $0x0  }
0x4b: {  	s22 =	simm.s32 $0x1500;
	[sflag:s0] =	ssyncadd.s32 $0xFFFFE000  }
0x4c: {  	[spmem:s2] =	stream.indirect.scatter.add.f32 [tilespmem:s21], [sflag:$0x7], $0x80, s22, s16, $0xb8;
	[tilespmem:$0x1EA00] =	vst v63  }
0x4d: {  	_ =	swait.ge [sflag:s3], $0x2000  }
0x4e: {  	[sflag:s3] =	ssyncset.done $0x0  }
0x4f: {  	s20 =	simm.s32 $0x800;
	s22 =	simm.s32 $0x1580;
	[sflag:s3] =	ssyncadd.s32 $0xFFFFE000  }
.LBB2_3:
0x50: {  	[spmem:s2] =	stream.indirect.scatter.add.f32 [tilespmem:s23], [sflag:$0x8], $0x80, s22, s16, $0xb8;
	[tilespmem:$0x1EA00] =	vst v63  }
0x51: {  	s7 =	smov.u32 s20  }
0x52: {  	p0 =	sne.s32 s20, $0x4800;
	s20 =	sadd.s32 $0x800, s20;
	_ =	swait.ge [sflag:s28], $0x2000  }
0x53: {  	[sflag:s28] =	ssyncset.done $0x0  }
0x54: {  	s22 =	sshra.s32 s7, $0x2;
	[sflag:s28] =	ssyncadd.s32 $0xFFFFE000  }
0x55: {  	[tilespmem:s17], [sflag:$0x1] =	stream.indirect.gather [hbm4b:s1+s16], $0x80, s22, s16, $0xb8;
	[tilespmem:$0x1EA00] =	vst v63  }
0x56: {  	_ =	swait.ge [sflag:s29], $0x2000  }
0x57: {  	[sflag:s29] =	ssyncset.done $0x0  }
0x58: {  	s7 =	sadd.s32 $0x80, s22;
	[sflag:s29] =	ssyncadd.s32 $0xFFFFE000  }
0x59: {  	[tilespmem:s19], [sflag:$0x2] =	stream.indirect.gather [hbm4b:s1+s16], $0x80, s7, s16, $0xb8;
	[tilespmem:$0x1EA00] =	vst v63  }
0x5a: {  	_ =	swait.ge [sflag:s30], $0x2000  }
0x5b: {  	[sflag:s30] =	ssyncset.done $0x0  }
0x5c: {  	s7 =	sadd.s32 $0x100, s22;
	[sflag:s30] =	ssyncadd.s32 $0xFFFFE000  }
0x5d: {  	[tilespmem:s21], [sflag:$0x3] =	stream.indirect.gather [hbm4b:s1+s16], $0x80, s7, s16, $0xb8;
	[tilespmem:$0x1EA00] =	vst v63  }
0x5e: {  	_ =	swait.ge [sflag:s31], $0x2000  }
0x5f: {  	[sflag:s31] =	ssyncset.done $0x0  }
0x60: {  	s7 =	sadd.s32 $0x180, s22;
	[sflag:s31] =	ssyncadd.s32 $0xFFFFE000  }
0x61: {  	[tilespmem:s23], [sflag:$0x4] =	stream.indirect.gather [hbm4b:s1+s16], $0x80, s7, s16, $0xb8;
	[tilespmem:$0x1EA00] =	vst v63  }
0x62: {  	_ =	swait.ge [sflag:s25], $0x2000  }
0x63: {  	[sflag:s25] =	ssyncset.done $0x0  }
0x64: {  	s7 =	sadd.s32 $0x1400, s22;
	[sflag:s25] =	ssyncadd.s32 $0xFFFFE000  }
0x65: {  	[spmem:s2] =	stream.indirect.scatter.add.f32 [tilespmem:s17], [sflag:$0x5], $0x80, s7, s16, $0xb8;
	[tilespmem:$0x1EA00] =	vst v63  }
0x66: {  	_ =	swait.ge [sflag:s26], $0x2000  }
0x67: {  	[sflag:s26] =	ssyncset.done $0x0  }
0x68: {  	s7 =	sadd.s32 $0x1480, s22;
	[sflag:s26] =	ssyncadd.s32 $0xFFFFE000  }
0x69: {  	[spmem:s2] =	stream.indirect.scatter.add.f32 [tilespmem:s19], [sflag:$0x6], $0x80, s7, s16, $0xb8;
	[tilespmem:$0x1EA00] =	vst v63  }
0x6a: {  	_ =	swait.ge [sflag:s0], $0x2000  }
0x6b: {  	[sflag:s0] =	ssyncset.done $0x0  }
.Ltmp0:
0x6c: {  	s7 =	sadd.s32 $0x1500, s22;
	[sflag:s0] =	ssyncadd.s32 $0xFFFFE000;
	(pc) =	sbr.rel @p0 .LBB2_3-.Ltmp0, $4  }
0x6d: {  	[spmem:s2] =	stream.indirect.scatter.add.f32 [tilespmem:s21], [sflag:$0x7], $0x80, s7, s16, $0xb8;
	[tilespmem:$0x1EA00] =	vst v63  }
0x6e: {  	_ =	swait.ge [sflag:s3], $0x2000  }
0x6f: {  	[sflag:s3] =	ssyncset.done $0x0  }
0x70: {  	s22 =	sadd.s32 $0x1580, s22;
	[sflag:s3] =	ssyncadd.s32 $0xFFFFE000  }
0x71: {  	s18 =	sadd.s32 $0x1, s18  }
0x72: {  	p0 =	sne.s32 s18, $0x4  }
.Ltmp1:
0x73: {  	_ = 	snop;
	(pc) =	sbr.rel @p0 .LBB2_2-.Ltmp1, $2  }
0x74: {  	_ =	sdelay $0x2  }
0x75: {  	[spmem:s2] =	stream.indirect.scatter.add.f32 [tilespmem:s23], [sflag:$0x8], $0x80, s22, s16, $0xb8;
	[tilespmem:$0x1EA00] =	vst v63  }
0x76: {  	_ =	swait.ge [sflag:s28], $0x2000  }
0x77: {  	[sflag:s28] =	ssyncset.done $0x0  }
0x78: {  	[sflag:s28] =	ssyncadd.s32 $0xFFFFE000  }
0x79: {  	_ =	swait.ge [sflag:s29], $0x2000  }
0x7a: {  	[sflag:s29] =	ssyncset.done $0x0  }
0x7b: {  	[sflag:s29] =	ssyncadd.s32 $0xFFFFE000  }
0x7c: {  	_ =	swait.ge [sflag:s30], $0x2000  }
0x7d: {  	[sflag:s30] =	ssyncset.done $0x0  }
0x7e: {  	[sflag:s30] =	ssyncadd.s32 $0xFFFFE000  }
0x7f: {  	_ =	swait.ge [sflag:s31], $0x2000  }
0x80: {  	s4 =	sadd.s32 $0x1, s4;
	[sflag:s31] =	ssyncset.done $0x0  }
0x81: {  	p0 =	sne.s32 s4, s11;
	[sflag:s31] =	ssyncadd.s32 $0xFFFFE000  }
.Ltmp2:
0x82: {  	[bflag:$0x0] =	sbarrier.arrive $0xFFFF;
	(pc) =	sbr.rel @p0 .LBB2_1-.Ltmp2, $4  }
0x83: {  	[hbm:s10], [sflag:s14] =	dma.local [spmem:s15], $0x2800  }
0x84: {  	_ =	swait.ge [sflag:s13], $0x2800  }
0x85: {  	[sflag:s13] =	ssyncset.done $0x0  }
0x86: {  	[sflag:s13] =	ssyncadd.s32 $0xFFFFD800  }
0x87: {  	_ =	sfence.sel $0x180000  }
0x88: {  	[bflag:$0x0] =	sbarrier.arrive $0xFFFF  }
0x89: {  	_ =	strace $0x90000047  }
0x8a: {  	s0 =	stileid.u32;
	[bflag:$0x2] =	sbarrier.arrive $0xFFFF  }
0x8b: {  	p0 =	sne.s32 s0, $0x0;
	s0 =	rddreg [dreg:$0x3]  }
0x8c: {  	s0 =	sadd.s32 @!p0 $0x100000, s0  }
0x8d: {  	[sflag:s0] =	ssyncadd.tile.s32 @!p0 $0x1;
	_ =	shalt  }
.Lfunc_end2:
_tile_overlayer_lowered:
.L_overlay_start_2:
0x8e: {  	(tag) =	ssettag $0x2  }
0x8f: {  	s0 =	rddreg [dreg:$0x0];
	s2 =	stileid.u32  }
0x90: {  	s1 =	rddreg [dreg:$0x1];
	p0 =	sne.s32 s2, $0x0  }
0x91: {  	s3 =	rddreg [dreg:$0x2];
	[bflag:$0x3] =	sbarrier.arrive $0xFFFF;
	s2 =	simm.s32 @!p0 $0x1C09  }
0x92: {  	[timem:s3], [sflag:s2] =	dma.local @!p0 [hbm:s0], s1  }
0x93: {  	s0 =	simm.s32 @!p0 $0x9  }
0x94: {  	_ =	swait.ge @!p0 [sflag:s0], s1  }
0x95: {  	s1 =	ssub.s32 @!p0 $0x0, s1;
	[sflag:s0] =	ssyncset.done @!p0 $0x0  }
0x96: {  	[sflag:s0] =	ssyncadd.s32 @!p0 s1  }
0x97: {  	[bflag:$0x3] =	sbarrier.arrive $0xFFFF  }
0x98: {  	_ =	shalt  }

// kernel: kernel.18.cloned.1.call-start
scs
__scs_entry_jumppad:
0x0: {  	(pc) =	sbr.rel $0x88, $3  }
0x1: {  	(tag) =	ssettag $0x0;
	lr =	simm.s32 $0x1  }
0x2: {  	[smem:$0x3F8D] =	sst lr;
	_ =	strace $0xD0000000  }
0x3: {  	_ = 	snop  }
0x4: {  	_ = 	snop  }
0x5: {  	_ = 	snop  }
0x6: {  	_ = 	snop  }
0x7: {  	_ = 	snop  }
__scs_overlays_trampoline_lowered:
0x8: {  	[smem:$0x3F9C] =	sst s0  }
0x9: {  	[smem:$0x3F9D] =	sst s1  }
0xa: {  	[smem:$0x3F9E] =	sst s2  }
0xb: {  	[smem:$0x3F9F] =	sst s3  }
0xc: {  	[smem:$0x3FA0] =	sst s4  }
0xd: {  	[smem:$0x3FA1] =	sst s5  }
0xe: {  	[smem:$0x3FA2] =	sst s6  }
0xf: {  	[smem:$0x3FA3] =	sst s7  }
0x10: {  	[smem:$0x3FA4] =	sst s8  }
0x11: {  	[smem:$0x3FA5] =	sst s9;
	s0 =	simm.s32 @!p0 $0x0  }
0x12: {  	s1 =	sld [smem:$0x3F8B];
	s0 =	simm.s32 @p0 $0x1  }
0x13: {  	[smem:$0x3FA6] =	sst s0;
	s0 =	simm.s32 @!p1 $0x0  }
0x14: {  	s2 =	sld [smem:$0x3F8A];
	s0 =	simm.s32 @p1 $0x1  }
0x15: {  	[smem:$0x3FA7] =	sst s0;
	s0 =	simm.s32 @!p2 $0x0  }
0x16: {  	s3 =	sld [smem:$0x3FDB];
	s0 =	simm.s32 @p2 $0x1  }
0x17: {  	s4 =	simm.s32 $0x1BF5;
	[smem:$0x3FA9] =	sst s0  }
0x18: {  	s0 =	sld [smem:$0x3F8C];
	_ =	swait.ge [sflag:s4], $0x0  }
0x19: {  	s7 =	sld [smem:$0x3F8D]  }
0x1a: {  	s8 =	sadd.s32 $0xFFFFE003, lr  }
0x1b: {  	s9 =	sadd.s32 $0xFFFFFEF7, lr;
	s5 =	simm.s32 $0xFFFFFFFF;
	p2 =	slt.u32 s8, $0xFFFFF086  }
0x1c: {  	p1 =	slt.u32 s9, $0xF7A;
	s5 =	simm.s32 @!p2 $0x0  }
0x1d: {  	s5 =	simm.s32 @p1 $0x1;
	p0 =	seq.s32 s7, s2  }
0x1e: {  	s7 =	smul.u32 @!p0 $0xF7A, s2;
	p2 =	seq.s32 @!p0 s5, $0x0  }
0x1f: {  	s9 =	smul.u32 $0xF7A, s1;
	s8 =	simm.s32 @!p0 $0x1BF5;
	p2 =	por !p2, p0  }
0x20: {  	[sflag:s8] =	ssyncset.s32 @!p0 $0xFFFFF086;
	s6 =	sadd.s32 @!p0 s3, s7;
	s7 =	simm.s32 @!p0 $0x108  }
0x21: {  	s3 =	sadd.s32 s3, s9;
	s6 =	sadd.s32 @!p0 $0x88, s6;
	s7 =	simm.s32 @p2 $0x1082  }
0x22: {  	[simem:s7], [sflag:s8] =	dma.local @!p0 [hbm:s6], $0xF7A  }
0x23: {  	s9 =	sor.u32 $0xD0000000, s2;
	s6 =	simm.s32 $0x108;
	_ =	swait.ge @!p0 [sflag:s8], $0x0  }
0x24: {  	s3 =	sadd.s32 $0x88, s3;
	s6 =	simm.s32 @!p1 $0x1082;
	[sflag:s4] =	ssyncset.s32 $0xFFFFF086  }
0x25: {  	[simem:s6], [sflag:s4] =	dma.local [hbm:s3], $0xF7A  }
0x26: {  	[smem:$0x3F8D] =	sst s1;
	(tag) =	ssettag s2;
	_ =	strace s9  }
0x27: {  	s1 =	sld [smem:$0x3F9D]  }
0x28: {  	s2 =	sld [smem:$0x3F9E]  }
0x29: {  	s4 =	sld [smem:$0x3FA0]  }
0x2a: {  	p0 =	seq.s32 s5, $0x0;
	s5 =	sld [smem:$0x3FA1]  }
0x2b: {  	s6 =	sld [smem:$0x3FA2]  }
0x2c: {  	s7 =	sld [smem:$0x3FA3]  }
0x2d: {  	s3 =	simm.s32 $0x108;
	s8 =	sld [smem:$0x3FA4]  }
0x2e: {  	s3 =	simm.s32 @!p0 $0x1082;
	s9 =	sld [smem:$0x3FA5]  }
0x2f: {  	lr =	sadd.s32 s0, s3;
	s0 =	sld [smem:$0x3F9C]  }
0x30: {  	s3 =	sld [smem:$0x3F9F]  }
0x31: {  	[smem:$0x3FA8] =	sst s10  }
0x32: {  	s10 =	sld [smem:$0x3FA6];
	_ =	sdelay $0x3  }
0x33: {  	p0 =	seq.s32 s10, $0x1;
	s10 =	sld [smem:$0x3FA8];
	_ =	sdelay $0x3  }
0x34: {  	[smem:$0x3FA8] =	sst s10  }
0x35: {  	s10 =	sld [smem:$0x3FA7];
	_ =	sdelay $0x3  }
0x36: {  	p1 =	seq.s32 s10, $0x1;
	s10 =	sld [smem:$0x3FA8];
	_ =	sdelay $0x3  }
0x37: {  	[smem:$0x3FA8] =	sst s10  }
0x38: {  	s10 =	sld [smem:$0x3FA9]  }
0x39: {  	_ = 	snop;
	(pc) =	sbr.ind lr, $3  }
0x3a: {  	_ = 	snop  }
0x3b: {  	_ = 	snop  }
0x3c: {  	p2 =	seq.s32 s10, $0x1;
	s10 =	sld [smem:$0x3FA8]  }
0x3d: {  	_ =	shalt  }
0x3e: {  	_ =	shalt  }
0x3f: {  	_ =	shalt  }
0x40: {  	_ =	shalt  }
0x41: {  	_ =	shalt  }
0x42: {  	_ =	shalt  }
0x43: {  	_ =	shalt  }
0x44: {  	_ =	shalt  }
0x45: {  	_ =	shalt  }
0x46: {  	_ =	shalt  }
0x47: {  	_ =	shalt  }
0x48: {  	_ =	shalt  }
0x49: {  	_ =	shalt  }
0x4a: {  	_ =	shalt  }
0x4b: {  	_ =	shalt  }
0x4c: {  	_ =	shalt  }
0x4d: {  	_ =	shalt  }
0x4e: {  	_ =	shalt  }
0x4f: {  	_ =	shalt  }
0x50: {  	_ =	shalt  }
0x51: {  	_ =	shalt  }
0x52: {  	_ =	shalt  }
0x53: {  	_ =	shalt  }
0x54: {  	_ =	shalt  }
0x55: {  	_ =	shalt  }
0x56: {  	_ =	shalt  }
0x57: {  	_ =	shalt  }
0x58: {  	_ =	shalt  }
0x59: {  	_ =	shalt  }
0x5a: {  	_ =	shalt  }
0x5b: {  	_ =	shalt  }
0x5c: {  	_ =	shalt  }
0x5d: {  	_ =	shalt  }
0x5e: {  	_ =	shalt  }
0x5f: {  	_ =	shalt  }
0x60: {  	_ =	shalt  }
0x61: {  	_ =	shalt  }
0x62: {  	_ =	shalt  }
0x63: {  	_ =	shalt  }
0x64: {  	_ =	shalt  }
0x65: {  	_ =	shalt  }
0x66: {  	_ =	shalt  }
0x67: {  	_ =	shalt  }
0x68: {  	_ =	shalt  }
0x69: {  	_ =	shalt  }
0x6a: {  	_ =	shalt  }
0x6b: {  	_ =	shalt  }
0x6c: {  	_ =	shalt  }
0x6d: {  	_ =	shalt  }
0x6e: {  	_ =	shalt  }
0x6f: {  	_ =	shalt  }
0x70: {  	_ =	shalt  }
0x71: {  	_ =	shalt  }
0x72: {  	_ =	shalt  }
0x73: {  	_ =	shalt  }
0x74: {  	_ =	shalt  }
0x75: {  	_ =	shalt  }
0x76: {  	_ =	shalt  }
0x77: {  	_ =	shalt  }
0x78: {  	_ =	shalt  }
0x79: {  	_ =	shalt  }
0x7a: {  	_ =	shalt  }
0x7b: {  	_ =	shalt  }
0x7c: {  	_ =	shalt  }
0x7d: {  	_ =	shalt  }
0x7e: {  	_ =	shalt  }
0x7f: {  	_ =	shalt  }
0x80: {  	_ =	shalt  }
0x81: {  	_ =	shalt  }
0x82: {  	_ =	shalt  }
0x83: {  	_ =	shalt  }
0x84: {  	_ =	shalt  }
0x85: {  	_ =	shalt  }
0x86: {  	_ =	shalt  }
0x87: {  	_ =	shalt  }
.Lfunc_end0:
.L_simem_size_0:
called_computation.2_lowered:
.L_overlay_start_0:
0x88: {  	s2 =	sld [smem:$0x3FD9]  }
0x89: {  	s3 =	sld [smem:$0x3FFE];
	_ =	sdelay $0x1  }
0x8a: {  	s1 =	srdreg.scid  }
0x8b: {  	s0 =	sand.u32 $0x1, s1  }
0x8c: {  	s14 =	sshll.u32 s0, $0xA;
	s2 =	sadd.s32 s3, s2  }
0x8d: {  	s2 =	sadd.s32 s2, s14  }
0x8e: {  	[smem:$0x3FB4] =	sst s2  }
0x8f: {  	_ = 	snop  }
0x90: {  	s2 =	sld [smem:$0x3FD0];
	_ =	sdelay $0x2  }
0x91: {  	s15 =	simm.s32 $0xB;
	s4 =	simm.s32 $0x10  }
0x92: {  	[smem:s4], [sflag:s15] =	dma.local [hbm:s2], $0x1  }
0x93: {  	_ =	swait.eq [sflag:s15], $0x1  }
0x94: {  	[sflag:s15] =	ssyncset.done $0x0  }
0x95: {  	[sflag:s15] =	ssyncadd.s32 $0xFFFFFFFF  }
0x96: {  	s16 =	sld [smem:$0x10];
	(tm) =	ssettm $0x1  }
0x97: {  	s17 =	sld [smem:$0x3FFB];
	_ =	sdelay $0x3  }
0x98: {  	_ =	strace s17  }
0x99: {  	s3 =	sld [smem:$0x3FFC];
	_ =	sdelay $0x3  }
0x9a: {  	_ =	strace s3  }
0x9b: {  	s3 =	sld [smem:$0x3FFD];
	_ =	sdelay $0x3  }
0x9c: {  	_ =	strace s3  }
0x9d: {  	_ =	strace $0x8FFFFFFF  }
0x9e: {  	s18 =	sld [smem:$0x3FDB];
	_ =	sdelay $0x1  }
0x9f: {  	s19 =	simm.s32 $_scs_section_size  }
0xa0: {  	s5 =	simm.s32 $_size__tile_overlayer_lowered;
	s6 =	simm.s32 $_tile_overlayer_lowered  }
0xa1: {  	s22 =	simm.s32 $0x1BFF;
	s21 =	sshll.u32 s6, $0x1;
	s3 =	sadd.s32 s19, s18  }
0xa2: {  	s7 =	simm.s32 $0x0;
	s20 =	sshll.u32 s5, $0x1;
	s5 =	sadd.s32 s21, s3  }
0xa3: {  	[timem:s7], [sflag:s22] =	dma.local [hbm:s5], s20  }
0xa4: {  	_ =	swait.ge [sflag:s22], s20  }
0xa5: {  	s4 =	ssub.s32 $0x0, s20;
	[sflag:s22] =	ssyncset.done $0x0  }
0xa6: {  	[sflag:s22] =	ssyncadd.s32 s4;
	_ =	sdelay $0x1  }
0xa7: {  	s23 =	simm.s32 $0x1B8B  }
0xa8: {  	_ =	swait.ge [sflag:s23], $0x1  }
0xa9: {  	[sflag:s23] =	ssyncset.done $0x0  }
0xaa: {  	s25 =	simm.s32 $0x1B8E;
	s24 =	sld [smem:$0x3FFE];
	[sflag:s23] =	ssyncadd.s32 $0xFFFFFFFF  }
0xab: {  	s26 =	simm.s32 $execute0_lowered;
	[smem:$0x3FD2] =	sst s25  }
0xac: {  	s5 =	sshll.u32 s26, $0x1;
	_ =	strace $0x8000004C;
	[dreg:$0x1] =	wrdreg $0xFFFFFFFF  }
0xad: {  	s28 =	simm.s32 $_size_execute0_lowered;
	s3 =	sadd.s32 s3, s5;
	[dreg:$0x0] =	wrdreg $0x0  }
0xae: {  	s5 =	sshll.u32 s28, $0x1;
	[dreg:$0x2] =	wrdreg s3  }
0xaf: {  	[dreg:$0x3] =	wrdreg s5  }
0xb0: {  	[dreg:$0x4] =	wrdreg $0xC0  }
0xb1: {  	_ =	task [dreg:s7], $0x5FFFF  }
0xb2: {  	[dreg:$0x1] =	wrdreg $0xFFFFFFFF  }
0xb3: {  	[dreg:$0x0] =	wrdreg $0x60  }
0xb4: {  	[dreg:$0x2] =	wrdreg s16  }
0xb5: {  	[dreg:$0x3] =	wrdreg s24  }
0xb6: {  	[dreg:$0x4] =	wrdreg $0xAA000  }
0xb7: {  	[dreg:$0x5] =	wrdreg $0x9  }
0xb8: {  	_ =	task.clear_ibuf [dreg:s7], $0x6FFFF;
	_ =	strace $0x9000004C  }
0xb9: {  	s29 =	simm.s32 $0x9;
	_ =	strace $0x8000004E  }
0xba: {  	_ =	swait.ge [sflag:s29], $0x1  }
0xbb: {  	[sflag:s29] =	ssyncadd.s32 $0xFFFFFFFF  }
0xbc: {  	_ =	strace $0x9000004E  }
0xbd: {  	_ =	sfence  }
0xbe: {  	s30 =	sld [smem:$0x0];
	_ =	sdelay $0x2  }
0xbf: {  	s31 =	sshll.u32 s1, $0xD;
	s1 =	sshrl.u32 s1, $0x2  }
0xc0: {  	s3 =	sand.u32 $0x4000, s31;
	s1 =	sadd.s32 s1, s30  }
0xc1: {  	s0 =	sor.u32 s3, s0;
	s1 =	sshll.u32 s1, $0x11  }
0xc2: {  	s0 =	sor.u32 s1, s0  }
0xc3: {  	s0 =	sadd.s32 $0x8F2B, s0  }
0xc4: {  	[sflag:s0] =	ssyncadd.remote.s32 $0x1  }
0xc5: {  	_ =	sfence.sel $0xFFFF  }
0xc6: {  	[dreg:$0x0] =	wrdreg $0xFFFFFFFF;
	(pc) =	sbr.abs _section_cstart, $3  }
0xc7: {  	[dreg:$0x1] =	wrdreg $0xFFFFFFFF  }
0xc8: {  	_ =	task.clear_ibuf [dreg:s7], $0x2FFFF;
	_ =	strace $0x9FFFFFFF  }
0xc9: {  	(tm) =	ssettm $0x7FFFFFFF  }
tec
execute0_lowered:
.L_overlay_start_1:
0x0: {  	(tag) =	ssettag $0x1  }
0x1: {  	s1 =	rddreg [dreg:$0x0]  }
0x2: {  	s0 =	rddreg [dreg:$0x1]  }
0x3: {  	s2 =	rddreg [dreg:$0x2];
	s3 =	srdreg.scid;
	s5 =	simm.s32 $0x0  }
0x4: {  	s7 =	stileid.u32;
	s12 =	simm.s32 $0x2800;
	s13 =	simm.s32 $0x9  }
0x5: {  	s16 =	simm.s32 $0x40;
	s17 =	simm.s32 $0x2A00;
	s19 =	simm.s32 $0x4A00  }
0x6: {  	s21 =	simm.s32 $0x6A00;
	s28 =	simm.s32 $0x5;
	s29 =	simm.s32 $0x6  }
0x7: {  	s30 =	simm.s32 $0x7;
	s31 =	simm.s32 $0x8;
	s3 =	sand.u32 $0x1, s3  }
0x8: {  	[smem:$0x7FF] =	sst s5;
	s9 =	smul.u32 $0x14000, s7;
	s5 =	sadd.s32 $0x5C00, s0  }
0x9: {  	s6 =	sadd.s32 $0x19C00, s0;
	s8 =	sadd.s32 $0x2DC00, s0;
	s10 =	smul.u32 $0x50000, s7  }
0xa: {  	s26 =	sshll.u32 s7, $0x6;
	s4 =	smul.u32 $0x140000, s3;
	_ =	strace $0x8000004D  }
0xb: {  	[dreg:$0x4] =	wrdreg s8;
	s8 =	sadd.s32 $0x5A00, s0;
	s23 =	ssub.s32 $0x2, s3  }
0xc: {  	s3 =	sshll.u32 s3, $0x4;
	s14 =	sor.u32 $0x1C09, s26;
	s26 =	simm.s32 $0x2  }
0xd: {  	s24 =	sshrl.u32 s23, $0x1;
	s3 =	sor.u32 s7, s3;
	s25 =	sshrl.u32 s10, $0x2  }
0xe: {  	s4 =	sadd.s32 s9, s4;
	s15 =	sadd.s32 s25, s2;
	s9 =	smul.u32 $0xA0, s3  }
0xf: {  	s25 =	simm.s32 $0x1;
	s3 =	simm.s32 $0x4;
	s4 =	sshrl.u32 s4, $0x3  }
0x10: {  	s15 =	sshrl.u32 s15, $0x3;
	s0 =	sadd.s32 s4, s0;
	s4 =	ssub.s32 s23, s24  }
0x11: {  	s23 =	simm.s32 $0x8A00;
	s24 =	simm.s32 $0x1400;
	s10 =	sadd.s32 $0x30400, s0  }
0x12: {  	s11 =	smax.u32 s4, $0x1;
	s0 =	simm.s32 $0x3;
	s4 =	simm.s32 $0x0  }
.LBB2_1:
0x13: {  	s7 =	simm.s32 $0x0  }
0x14: {  	[tilespmem:s12], [sflag:$0x9] =	stream.linear.gather [hbm4b:s8+s7], $0x200, $0x38;
	[tilespmem:$0x1EA00] =	vst v63  }
0x15: {  	_ =	swait.ge [sflag:s13], $0x200  }
0x16: {  	[sflag:s13] =	ssyncset.done $0x0  }
0x17: {  	s22 =	rddreg [dreg:$0x4];
	[sflag:s13] =	ssyncadd.s32 $0xFFFFFE00  }
0x18: {  	[spmem:s15], [sflag:s14] =	dma.local [hbm:s22], $0x2800  }
0x19: {  	_ =	swait.ge [sflag:s13], $0x2800  }
0x1a: {  	[sflag:s13] =	ssyncset.done $0x0  }
0x1b: {  	[sflag:s13] =	ssyncadd.s32 $0xFFFFD800  }
0x1c: {  	[bflag:$0x0] =	sbarrier.arrive $0xFFFF  }
0x1d: {  	[spmem:s2] =	stream.indirect.scatter.add.f32 [tilespmem:s17], [sflag:$0x5], $0x80, s12, s16, $0xb8;
	[tilespmem:$0x1EA00] =	vst v63  }
0x1e: {  	s18 =	simm.s32 $0x2880  }
0x1f: {  	[spmem:s2] =	stream.indirect.scatter.add.f32 [tilespmem:s19], [sflag:$0x6], $0x80, s18, s16, $0xb8;
	[tilespmem:$0x1EA00] =	vst v63  }
0x20: {  	s20 =	simm.s32 $0x2900  }
0x21: {  	[spmem:s2] =	stream.indirect.scatter.add.f32 [tilespmem:s21], [sflag:$0x7], $0x80, s20, s16, $0xb8;
	[tilespmem:$0x1EA00] =	vst v63  }
0x22: {  	s22 =	simm.s32 $0x2980;
	s18 =	simm.s32 $0x0  }
0x23: {  	[spmem:s2] =	stream.indirect.scatter.add.f32 [tilespmem:s23], [sflag:$0x8], $0x80, s22, s16, $0xb8;
	[tilespmem:$0x1EA00] =	vst v63  }
.LBB2_2:
0x24: {  	s20 =	smul.u32 $0x28, s18;
	_ =	sdelay $0x1  }
0x25: {  	s20 =	sadd.s32 s9, s20  }
0x26: {  	s20 =	sshll.u32 s20, $0x4  }
0x27: {  	s7 =	simm.s32 $0x0;
	s22 =	sadd.s32 s5, s20  }
0x28: {  	[tilespmem:s7], [sflag:$0x1] =	stream.linear.gather [hbm4b:s22+s7], $0x1400, $0x38;
	[tilespmem:$0x1EA00] =	vst v63  }
0x29: {  	s20 =	sadd.s32 s6, s20  }
0x2a: {  	[tilespmem:s24], [sflag:$0x2] =	stream.linear.gather [hbm4b:s20+s7], $0x1400, $0x38;
	[tilespmem:$0x1EA00] =	vst v63  }
0x2b: {  	_ =	swait.ge [sflag:s25], $0x1400  }
0x2c: {  	[sflag:s25] =	ssyncset.done $0x0  }
0x2d: {  	[sflag:s25] =	ssyncadd.s32 $0xFFFFEC00  }
0x2e: {  	_ =	swait.ge [sflag:s26], $0x1400  }
0x2f: {  	[sflag:s26] =	ssyncset.done $0x0  }
0x30: {  	[sflag:s26] =	ssyncadd.s32 $0xFFFFEC00  }
0x31: {  	_ =	swait.ge [sflag:s28], $0x2000  }
0x32: {  	[sflag:s28] =	ssyncset.done $0x0  }
0x33: {  	s22 =	simm.s32 $0x0;
	[sflag:s28] =	ssyncadd.s32 $0xFFFFE000  }
0x34: {  	[tilespmem:s17], [sflag:$0x1] =	stream.indirect.gather [hbm4b:s1+s16], $0x80, s22, s16, $0xb8;
	[tilespmem:$0x1EA00] =	vst v63  }
0x35: {  	_ =	swait.ge [sflag:s29], $0x2000  }
0x36: {  	[sflag:s29] =	ssyncset.done $0x0  }
0x37: {  	s20 =	simm.s32 $0x80;
	[sflag:s29] =	ssyncadd.s32 $0xFFFFE000  }
0x38: {  	[tilespmem:s19], [sflag:$0x2] =	stream.indirect.gather [hbm4b:s1+s16], $0x80, s20, s16, $0xb8;
	[tilespmem:$0x1EA00] =	vst v63  }
0x39: {  	_ =	swait.ge [sflag:s30], $0x2000  }
0x3a: {  	[sflag:s30] =	ssyncset.done $0x0  }
0x3b: {  	s22 =	simm.s32 $0x100;
	[sflag:s30] =	ssyncadd.s32 $0xFFFFE000  }
0x3c: {  	[tilespmem:s21], [sflag:$0x3] =	stream.indirect.gather [hbm4b:s1+s16], $0x80, s22, s16, $0xb8;
	[tilespmem:$0x1EA00] =	vst v63  }
0x3d: {  	_ =	swait.ge [sflag:s31], $0x2000  }
0x3e: {  	[sflag:s31] =	ssyncset.done $0x0  }
0x3f: {  	s20 =	simm.s32 $0x180;
	[sflag:s31] =	ssyncadd.s32 $0xFFFFE000  }
0x40: {  	[tilespmem:s23], [sflag:$0x4] =	stream.indirect.gather [hbm4b:s1+s16], $0x80, s20, s16, $0xb8;
	[tilespmem:$0x1EA00] =	vst v63  }
0x41: {  	_ =	swait.ge [sflag:s25], $0x2000  }
0x42: {  	[sflag:s25] =	ssyncset.done $0x0  }
0x43: {  	s22 =	simm.s32 $0x1400;
	[sflag:s25] =	ssyncadd.s32 $0xFFFFE000  }
0x44: {  	[spmem:s2] =	stream.indirect.scatter.add.f32 [tilespmem:s17], [sflag:$0x5], $0x80, s22, s16, $0xb8;
	[tilespmem:$0x1EA00] =	vst v63  }
0x45: {  	_ =	swait.ge [sflag:s26], $0x2000  }
0x46: {  	[sflag:s26] =	ssyncset.done $0x0  }
0x47: {  	s20 =	simm.s32 $0x1480;
	[sflag:s26] =	ssyncadd.s32 $0xFFFFE000  }
0x48: {  	[spmem:s2] =	stream.indirect.scatter.add.f32 [tilespmem:s19], [sflag:$0x6], $0x80, s20, s16, $0xb8;
	[tilespmem:$0x1EA00] =	vst v63  }
0x49: {  	_ =	swait.ge [sflag:s0], $0x2000  }
0x4a: {  	[sflag:s0] =	ssyncset.done $0x0  }
0x4b: {  	s22 =	simm.s32 $0x1500;
	[sflag:s0] =	ssyncadd.s32 $0xFFFFE000  }
0x4c: {  	[spmem:s2] =	stream.indirect.scatter.add.f32 [tilespmem:s21], [sflag:$0x7], $0x80, s22, s16, $0xb8;
	[tilespmem:$0x1EA00] =	vst v63  }
0x4d: {  	_ =	swait.ge [sflag:s3], $0x2000  }
0x4e: {  	[sflag:s3] =	ssyncset.done $0x0  }
0x4f: {  	s20 =	simm.s32 $0x800;
	s22 =	simm.s32 $0x1580;
	[sflag:s3] =	ssyncadd.s32 $0xFFFFE000  }
.LBB2_3:
0x50: {  	[spmem:s2] =	stream.indirect.scatter.add.f32 [tilespmem:s23], [sflag:$0x8], $0x80, s22, s16, $0xb8;
	[tilespmem:$0x1EA00] =	vst v63  }
0x51: {  	s7 =	smov.u32 s20  }
0x52: {  	p0 =	sne.s32 s20, $0x4800;
	s20 =	sadd.s32 $0x800, s20;
	_ =	swait.ge [sflag:s28], $0x2000  }
0x53: {  	[sflag:s28] =	ssyncset.done $0x0  }
0x54: {  	s22 =	sshra.s32 s7, $0x2;
	[sflag:s28] =	ssyncadd.s32 $0xFFFFE000  }
0x55: {  	[tilespmem:s17], [sflag:$0x1] =	stream.indirect.gather [hbm4b:s1+s16], $0x80, s22, s16, $0xb8;
	[tilespmem:$0x1EA00] =	vst v63  }
0x56: {  	_ =	swait.ge [sflag:s29], $0x2000  }
0x57: {  	[sflag:s29] =	ssyncset.done $0x0  }
0x58: {  	s7 =	sadd.s32 $0x80, s22;
	[sflag:s29] =	ssyncadd.s32 $0xFFFFE000  }
0x59: {  	[tilespmem:s19], [sflag:$0x2] =	stream.indirect.gather [hbm4b:s1+s16], $0x80, s7, s16, $0xb8;
	[tilespmem:$0x1EA00] =	vst v63  }
0x5a: {  	_ =	swait.ge [sflag:s30], $0x2000  }
0x5b: {  	[sflag:s30] =	ssyncset.done $0x0  }
0x5c: {  	s7 =	sadd.s32 $0x100, s22;
	[sflag:s30] =	ssyncadd.s32 $0xFFFFE000  }
0x5d: {  	[tilespmem:s21], [sflag:$0x3] =	stream.indirect.gather [hbm4b:s1+s16], $0x80, s7, s16, $0xb8;
	[tilespmem:$0x1EA00] =	vst v63  }
0x5e: {  	_ =	swait.ge [sflag:s31], $0x2000  }
0x5f: {  	[sflag:s31] =	ssyncset.done $0x0  }
0x60: {  	s7 =	sadd.s32 $0x180, s22;
	[sflag:s31] =	ssyncadd.s32 $0xFFFFE000  }
0x61: {  	[tilespmem:s23], [sflag:$0x4] =	stream.indirect.gather [hbm4b:s1+s16], $0x80, s7, s16, $0xb8;
	[tilespmem:$0x1EA00] =	vst v63  }
0x62: {  	_ =	swait.ge [sflag:s25], $0x2000  }
0x63: {  	[sflag:s25] =	ssyncset.done $0x0  }
0x64: {  	s7 =	sadd.s32 $0x1400, s22;
	[sflag:s25] =	ssyncadd.s32 $0xFFFFE000  }
0x65: {  	[spmem:s2] =	stream.indirect.scatter.add.f32 [tilespmem:s17], [sflag:$0x5], $0x80, s7, s16, $0xb8;
	[tilespmem:$0x1EA00] =	vst v63  }
0x66: {  	_ =	swait.ge [sflag:s26], $0x2000  }
0x67: {  	[sflag:s26] =	ssyncset.done $0x0  }
0x68: {  	s7 =	sadd.s32 $0x1480, s22;
	[sflag:s26] =	ssyncadd.s32 $0xFFFFE000  }
0x69: {  	[spmem:s2] =	stream.indirect.scatter.add.f32 [tilespmem:s19], [sflag:$0x6], $0x80, s7, s16, $0xb8;
	[tilespmem:$0x1EA00] =	vst v63  }
0x6a: {  	_ =	swait.ge [sflag:s0], $0x2000  }
0x6b: {  	[sflag:s0] =	ssyncset.done $0x0  }
.Ltmp0:
0x6c: {  	s7 =	sadd.s32 $0x1500, s22;
	[sflag:s0] =	ssyncadd.s32 $0xFFFFE000;
	(pc) =	sbr.rel @p0 .LBB2_3-.Ltmp0, $4  }
0x6d: {  	[spmem:s2] =	stream.indirect.scatter.add.f32 [tilespmem:s21], [sflag:$0x7], $0x80, s7, s16, $0xb8;
	[tilespmem:$0x1EA00] =	vst v63  }
0x6e: {  	_ =	swait.ge [sflag:s3], $0x2000  }
0x6f: {  	[sflag:s3] =	ssyncset.done $0x0  }
0x70: {  	s22 =	sadd.s32 $0x1580, s22;
	[sflag:s3] =	ssyncadd.s32 $0xFFFFE000  }
0x71: {  	s18 =	sadd.s32 $0x1, s18  }
0x72: {  	p0 =	sne.s32 s18, $0x4  }
.Ltmp1:
0x73: {  	_ = 	snop;
	(pc) =	sbr.rel @p0 .LBB2_2-.Ltmp1, $2  }
0x74: {  	_ =	sdelay $0x2  }
0x75: {  	[spmem:s2] =	stream.indirect.scatter.add.f32 [tilespmem:s23], [sflag:$0x8], $0x80, s22, s16, $0xb8;
	[tilespmem:$0x1EA00] =	vst v63  }
0x76: {  	_ =	swait.ge [sflag:s28], $0x2000  }
0x77: {  	[sflag:s28] =	ssyncset.done $0x0  }
0x78: {  	[sflag:s28] =	ssyncadd.s32 $0xFFFFE000  }
0x79: {  	_ =	swait.ge [sflag:s29], $0x2000  }
0x7a: {  	[sflag:s29] =	ssyncset.done $0x0  }
0x7b: {  	[sflag:s29] =	ssyncadd.s32 $0xFFFFE000  }
0x7c: {  	_ =	swait.ge [sflag:s30], $0x2000  }
0x7d: {  	[sflag:s30] =	ssyncset.done $0x0  }
0x7e: {  	[sflag:s30] =	ssyncadd.s32 $0xFFFFE000  }
0x7f: {  	_ =	swait.ge [sflag:s31], $0x2000  }
0x80: {  	s4 =	sadd.s32 $0x1, s4;
	[sflag:s31] =	ssyncset.done $0x0  }
0x81: {  	p0 =	sne.s32 s4, s11;
	[sflag:s31] =	ssyncadd.s32 $0xFFFFE000  }
.Ltmp2:
0x82: {  	[bflag:$0x0] =	sbarrier.arrive $0xFFFF;
	(pc) =	sbr.rel @p0 .LBB2_1-.Ltmp2, $4  }
0x83: {  	[hbm:s10], [sflag:s14] =	dma.local [spmem:s15], $0x2800  }
0x84: {  	_ =	swait.ge [sflag:s13], $0x2800  }
0x85: {  	[sflag:s13] =	ssyncset.done $0x0  }
0x86: {  	[sflag:s13] =	ssyncadd.s32 $0xFFFFD800  }
0x87: {  	_ =	sfence.sel $0x180000  }
0x88: {  	[bflag:$0x0] =	sbarrier.arrive $0xFFFF  }
0x89: {  	_ =	strace $0x9000004D  }
0x8a: {  	s0 =	stileid.u32;
	[bflag:$0x2] =	sbarrier.arrive $0xFFFF  }
0x8b: {  	p0 =	sne.s32 s0, $0x0;
	s0 =	rddreg [dreg:$0x3]  }
0x8c: {  	s0 =	sadd.s32 @!p0 $0x100000, s0  }
0x8d: {  	[sflag:s0] =	ssyncadd.tile.s32 @!p0 $0x1;
	_ =	shalt  }
.Lfunc_end2:
_tile_overlayer_lowered:
.L_overlay_start_2:
0x8e: {  	(tag) =	ssettag $0x2  }
0x8f: {  	s0 =	rddreg [dreg:$0x0];
	s2 =	stileid.u32  }
0x90: {  	s1 =	rddreg [dreg:$0x1];
	p0 =	sne.s32 s2, $0x0  }
0x91: {  	s3 =	rddreg [dreg:$0x2];
	[bflag:$0x3] =	sbarrier.arrive $0xFFFF;
	s2 =	simm.s32 @!p0 $0x1C09  }
0x92: {  	[timem:s3], [sflag:s2] =	dma.local @!p0 [hbm:s0], s1  }
0x93: {  	s0 =	simm.s32 @!p0 $0x9  }
0x94: {  	_ =	swait.ge @!p0 [sflag:s0], s1  }
0x95: {  	s1 =	ssub.s32 @!p0 $0x0, s1;
	[sflag:s0] =	ssyncset.done @!p0 $0x0  }
0x96: {  	[sflag:s0] =	ssyncadd.s32 @!p0 s1  }
0x97: {  	[bflag:$0x3] =	sbarrier.arrive $0xFFFF  }
0x98: {  	_ =	shalt  }

// kernel: kernel.21.cloned.1.call-start
scs
__scs_entry_jumppad:
0x0: {  	(pc) =	sbr.rel $0x88, $3  }
0x1: {  	(tag) =	ssettag $0x0;
	lr =	simm.s32 $0x1  }
0x2: {  	[smem:$0x3F8D] =	sst lr;
	_ =	strace $0xD0000000  }
0x3: {  	_ = 	snop  }
0x4: {  	_ = 	snop  }
0x5: {  	_ = 	snop  }
0x6: {  	_ = 	snop  }
0x7: {  	_ = 	snop  }
__scs_overlays_trampoline_lowered:
0x8: {  	[smem:$0x3F9C] =	sst s0  }
0x9: {  	[smem:$0x3F9D] =	sst s1  }
0xa: {  	[smem:$0x3F9E] =	sst s2  }
0xb: {  	[smem:$0x3F9F] =	sst s3  }
0xc: {  	[smem:$0x3FA0] =	sst s4  }
0xd: {  	[smem:$0x3FA1] =	sst s5  }
0xe: {  	[smem:$0x3FA2] =	sst s6  }
0xf: {  	[smem:$0x3FA3] =	sst s7  }
0x10: {  	[smem:$0x3FA4] =	sst s8  }
0x11: {  	[smem:$0x3FA5] =	sst s9;
	s0 =	simm.s32 @!p0 $0x0  }
0x12: {  	s1 =	sld [smem:$0x3F8B];
	s0 =	simm.s32 @p0 $0x1  }
0x13: {  	[smem:$0x3FA6] =	sst s0;
	s0 =	simm.s32 @!p1 $0x0  }
0x14: {  	s2 =	sld [smem:$0x3F8A];
	s0 =	simm.s32 @p1 $0x1  }
0x15: {  	[smem:$0x3FA7] =	sst s0;
	s0 =	simm.s32 @!p2 $0x0  }
0x16: {  	s3 =	sld [smem:$0x3FDB];
	s0 =	simm.s32 @p2 $0x1  }
0x17: {  	s4 =	simm.s32 $0x1BF5;
	[smem:$0x3FA9] =	sst s0  }
0x18: {  	s0 =	sld [smem:$0x3F8C];
	_ =	swait.ge [sflag:s4], $0x0  }
0x19: {  	s7 =	sld [smem:$0x3F8D]  }
0x1a: {  	s8 =	sadd.s32 $0xFFFFE003, lr  }
0x1b: {  	s9 =	sadd.s32 $0xFFFFFEF7, lr;
	s5 =	simm.s32 $0xFFFFFFFF;
	p2 =	slt.u32 s8, $0xFFFFF086  }
0x1c: {  	p1 =	slt.u32 s9, $0xF7A;
	s5 =	simm.s32 @!p2 $0x0  }
0x1d: {  	s5 =	simm.s32 @p1 $0x1;
	p0 =	seq.s32 s7, s2  }
0x1e: {  	s7 =	smul.u32 @!p0 $0xF7A, s2;
	p2 =	seq.s32 @!p0 s5, $0x0  }
0x1f: {  	s9 =	smul.u32 $0xF7A, s1;
	s8 =	simm.s32 @!p0 $0x1BF5;
	p2 =	por !p2, p0  }
0x20: {  	[sflag:s8] =	ssyncset.s32 @!p0 $0xFFFFF086;
	s6 =	sadd.s32 @!p0 s3, s7;
	s7 =	simm.s32 @!p0 $0x108  }
0x21: {  	s3 =	sadd.s32 s3, s9;
	s6 =	sadd.s32 @!p0 $0x88, s6;
	s7 =	simm.s32 @p2 $0x1082  }
0x22: {  	[simem:s7], [sflag:s8] =	dma.local @!p0 [hbm:s6], $0xF7A  }
0x23: {  	s9 =	sor.u32 $0xD0000000, s2;
	s6 =	simm.s32 $0x108;
	_ =	swait.ge @!p0 [sflag:s8], $0x0  }
0x24: {  	s3 =	sadd.s32 $0x88, s3;
	s6 =	simm.s32 @!p1 $0x1082;
	[sflag:s4] =	ssyncset.s32 $0xFFFFF086  }
0x25: {  	[simem:s6], [sflag:s4] =	dma.local [hbm:s3], $0xF7A  }
0x26: {  	[smem:$0x3F8D] =	sst s1;
	(tag) =	ssettag s2;
	_ =	strace s9  }
0x27: {  	s1 =	sld [smem:$0x3F9D]  }
0x28: {  	s2 =	sld [smem:$0x3F9E]  }
0x29: {  	s4 =	sld [smem:$0x3FA0]  }
0x2a: {  	p0 =	seq.s32 s5, $0x0;
	s5 =	sld [smem:$0x3FA1]  }
0x2b: {  	s6 =	sld [smem:$0x3FA2]  }
0x2c: {  	s7 =	sld [smem:$0x3FA3]  }
0x2d: {  	s3 =	simm.s32 $0x108;
	s8 =	sld [smem:$0x3FA4]  }
0x2e: {  	s3 =	simm.s32 @!p0 $0x1082;
	s9 =	sld [smem:$0x3FA5]  }
0x2f: {  	lr =	sadd.s32 s0, s3;
	s0 =	sld [smem:$0x3F9C]  }
0x30: {  	s3 =	sld [smem:$0x3F9F]  }
0x31: {  	[smem:$0x3FA8] =	sst s10  }
0x32: {  	s10 =	sld [smem:$0x3FA6];
	_ =	sdelay $0x3  }
0x33: {  	p0 =	seq.s32 s10, $0x1;
	s10 =	sld [smem:$0x3FA8];
	_ =	sdelay $0x3  }
0x34: {  	[smem:$0x3FA8] =	sst s10  }
0x35: {  	s10 =	sld [smem:$0x3FA7];
	_ =	sdelay $0x3  }
0x36: {  	p1 =	seq.s32 s10, $0x1;
	s10 =	sld [smem:$0x3FA8];
	_ =	sdelay $0x3  }
0x37: {  	[smem:$0x3FA8] =	sst s10  }
0x38: {  	s10 =	sld [smem:$0x3FA9]  }
0x39: {  	_ = 	snop;
	(pc) =	sbr.ind lr, $3  }
0x3a: {  	_ = 	snop  }
0x3b: {  	_ = 	snop  }
0x3c: {  	p2 =	seq.s32 s10, $0x1;
	s10 =	sld [smem:$0x3FA8]  }
0x3d: {  	_ =	shalt  }
0x3e: {  	_ =	shalt  }
0x3f: {  	_ =	shalt  }
0x40: {  	_ =	shalt  }
0x41: {  	_ =	shalt  }
0x42: {  	_ =	shalt  }
0x43: {  	_ =	shalt  }
0x44: {  	_ =	shalt  }
0x45: {  	_ =	shalt  }
0x46: {  	_ =	shalt  }
0x47: {  	_ =	shalt  }
0x48: {  	_ =	shalt  }
0x49: {  	_ =	shalt  }
0x4a: {  	_ =	shalt  }
0x4b: {  	_ =	shalt  }
0x4c: {  	_ =	shalt  }
0x4d: {  	_ =	shalt  }
0x4e: {  	_ =	shalt  }
0x4f: {  	_ =	shalt  }
0x50: {  	_ =	shalt  }
0x51: {  	_ =	shalt  }
0x52: {  	_ =	shalt  }
0x53: {  	_ =	shalt  }
0x54: {  	_ =	shalt  }
0x55: {  	_ =	shalt  }
0x56: {  	_ =	shalt  }
0x57: {  	_ =	shalt  }
0x58: {  	_ =	shalt  }
0x59: {  	_ =	shalt  }
0x5a: {  	_ =	shalt  }
0x5b: {  	_ =	shalt  }
0x5c: {  	_ =	shalt  }
0x5d: {  	_ =	shalt  }
0x5e: {  	_ =	shalt  }
0x5f: {  	_ =	shalt  }
0x60: {  	_ =	shalt  }
0x61: {  	_ =	shalt  }
0x62: {  	_ =	shalt  }
0x63: {  	_ =	shalt  }
0x64: {  	_ =	shalt  }
0x65: {  	_ =	shalt  }
0x66: {  	_ =	shalt  }
0x67: {  	_ =	shalt  }
0x68: {  	_ =	shalt  }
0x69: {  	_ =	shalt  }
0x6a: {  	_ =	shalt  }
0x6b: {  	_ =	shalt  }
0x6c: {  	_ =	shalt  }
0x6d: {  	_ =	shalt  }
0x6e: {  	_ =	shalt  }
0x6f: {  	_ =	shalt  }
0x70: {  	_ =	shalt  }
0x71: {  	_ =	shalt  }
0x72: {  	_ =	shalt  }
0x73: {  	_ =	shalt  }
0x74: {  	_ =	shalt  }
0x75: {  	_ =	shalt  }
0x76: {  	_ =	shalt  }
0x77: {  	_ =	shalt  }
0x78: {  	_ =	shalt  }
0x79: {  	_ =	shalt  }
0x7a: {  	_ =	shalt  }
0x7b: {  	_ =	shalt  }
0x7c: {  	_ =	shalt  }
0x7d: {  	_ =	shalt  }
0x7e: {  	_ =	shalt  }
0x7f: {  	_ =	shalt  }
0x80: {  	_ =	shalt  }
0x81: {  	_ =	shalt  }
0x82: {  	_ =	shalt  }
0x83: {  	_ =	shalt  }
0x84: {  	_ =	shalt  }
0x85: {  	_ =	shalt  }
0x86: {  	_ =	shalt  }
0x87: {  	_ =	shalt  }
.Lfunc_end0:
.L_simem_size_0:
called_computation.3_lowered:
.L_overlay_start_0:
0x88: {  	s2 =	sld [smem:$0x3FD9]  }
0x89: {  	s3 =	sld [smem:$0x3FFE];
	_ =	sdelay $0x1  }
0x8a: {  	s1 =	srdreg.scid  }
0x8b: {  	s0 =	sand.u32 $0x1, s1  }
0x8c: {  	s14 =	sshll.u32 s0, $0xA;
	s2 =	sadd.s32 s3, s2  }
0x8d: {  	s2 =	sadd.s32 s2, s14  }
0x8e: {  	[smem:$0x3FB4] =	sst s2  }
0x8f: {  	_ = 	snop  }
0x90: {  	s2 =	sld [smem:$0x3FD0];
	_ =	sdelay $0x2  }
0x91: {  	s15 =	simm.s32 $0xB;
	s4 =	simm.s32 $0x10  }
0x92: {  	[smem:s4], [sflag:s15] =	dma.local [hbm:s2], $0x1  }
0x93: {  	_ =	swait.eq [sflag:s15], $0x1  }
0x94: {  	[sflag:s15] =	ssyncset.done $0x0  }
0x95: {  	[sflag:s15] =	ssyncadd.s32 $0xFFFFFFFF  }
0x96: {  	s16 =	sld [smem:$0x10];
	(tm) =	ssettm $0x1  }
0x97: {  	s17 =	sld [smem:$0x3FFB];
	_ =	sdelay $0x3  }
0x98: {  	_ =	strace s17  }
0x99: {  	s3 =	sld [smem:$0x3FFC];
	_ =	sdelay $0x3  }
0x9a: {  	_ =	strace s3  }
0x9b: {  	s3 =	sld [smem:$0x3FFD];
	_ =	sdelay $0x3  }
0x9c: {  	_ =	strace s3  }
0x9d: {  	_ =	strace $0x8FFFFFFF  }
0x9e: {  	s18 =	sld [smem:$0x3FDB];
	_ =	sdelay $0x1  }
0x9f: {  	s19 =	simm.s32 $_scs_section_size  }
0xa0: {  	s5 =	simm.s32 $_size__tile_overlayer_lowered;
	s6 =	simm.s32 $_tile_overlayer_lowered  }
0xa1: {  	s22 =	simm.s32 $0x1BFF;
	s21 =	sshll.u32 s6, $0x1;
	s3 =	sadd.s32 s19, s18  }
0xa2: {  	s7 =	simm.s32 $0x0;
	s20 =	sshll.u32 s5, $0x1;
	s5 =	sadd.s32 s21, s3  }
0xa3: {  	[timem:s7], [sflag:s22] =	dma.local [hbm:s5], s20  }
0xa4: {  	_ =	swait.ge [sflag:s22], s20  }
0xa5: {  	s4 =	ssub.s32 $0x0, s20;
	[sflag:s22] =	ssyncset.done $0x0  }
0xa6: {  	[sflag:s22] =	ssyncadd.s32 s4;
	_ =	sdelay $0x1  }
0xa7: {  	s23 =	simm.s32 $0x1B8B  }
0xa8: {  	_ =	swait.ge [sflag:s23], $0x1  }
0xa9: {  	[sflag:s23] =	ssyncset.done $0x0  }
0xaa: {  	s25 =	simm.s32 $0x1B8E;
	s24 =	sld [smem:$0x3FFE];
	[sflag:s23] =	ssyncadd.s32 $0xFFFFFFFF  }
0xab: {  	s26 =	simm.s32 $execute0_lowered;
	[smem:$0x3FD2] =	sst s25  }
0xac: {  	s5 =	sshll.u32 s26, $0x1;
	_ =	strace $0x8000004F;
	[dreg:$0x1] =	wrdreg $0xFFFFFFFF  }
0xad: {  	s28 =	simm.s32 $_size_execute0_lowered;
	s3 =	sadd.s32 s3, s5;
	[dreg:$0x0] =	wrdreg $0x0  }
0xae: {  	s5 =	sshll.u32 s28, $0x1;
	[dreg:$0x2] =	wrdreg s3  }
0xaf: {  	[dreg:$0x3] =	wrdreg s5  }
0xb0: {  	[dreg:$0x4] =	wrdreg $0xC0  }
0xb1: {  	_ =	task [dreg:s7], $0x5FFFF  }
0xb2: {  	[dreg:$0x1] =	wrdreg $0xFFFFFFFF  }
0xb3: {  	[dreg:$0x0] =	wrdreg $0x60  }
0xb4: {  	[dreg:$0x2] =	wrdreg s16  }
0xb5: {  	[dreg:$0x3] =	wrdreg s24  }
0xb6: {  	[dreg:$0x4] =	wrdreg $0xAA000  }
0xb7: {  	[dreg:$0x5] =	wrdreg $0x9  }
0xb8: {  	_ =	task.clear_ibuf [dreg:s7], $0x6FFFF;
	_ =	strace $0x9000004F  }
0xb9: {  	s29 =	simm.s32 $0x9;
	_ =	strace $0x80000051  }
0xba: {  	_ =	swait.ge [sflag:s29], $0x1  }
0xbb: {  	[sflag:s29] =	ssyncadd.s32 $0xFFFFFFFF  }
0xbc: {  	_ =	strace $0x90000051  }
0xbd: {  	_ =	sfence  }
0xbe: {  	s30 =	sld [smem:$0x0];
	_ =	sdelay $0x2  }
0xbf: {  	s31 =	sshll.u32 s1, $0xD;
	s1 =	sshrl.u32 s1, $0x2  }
0xc0: {  	s3 =	sand.u32 $0x4000, s31;
	s1 =	sadd.s32 s1, s30  }
0xc1: {  	s0 =	sor.u32 s3, s0;
	s1 =	sshll.u32 s1, $0x11  }
0xc2: {  	s0 =	sor.u32 s1, s0  }
0xc3: {  	s0 =	sadd.s32 $0x8F2B, s0  }
0xc4: {  	[sflag:s0] =	ssyncadd.remote.s32 $0x1  }
0xc5: {  	_ =	sfence.sel $0xFFFF  }
0xc6: {  	[dreg:$0x0] =	wrdreg $0xFFFFFFFF;
	(pc) =	sbr.abs _section_cstart, $3  }
0xc7: {  	[dreg:$0x1] =	wrdreg $0xFFFFFFFF  }
0xc8: {  	_ =	task.clear_ibuf [dreg:s7], $0x2FFFF;
	_ =	strace $0x9FFFFFFF  }
0xc9: {  	(tm) =	ssettm $0x7FFFFFFF  }
tec
execute0_lowered:
.L_overlay_start_1:
0x0: {  	(tag) =	ssettag $0x1  }
0x1: {  	s1 =	rddreg [dreg:$0x0]  }
0x2: {  	s0 =	rddreg [dreg:$0x1]  }
0x3: {  	s2 =	rddreg [dreg:$0x2];
	s3 =	srdreg.scid;
	s5 =	simm.s32 $0x0  }
0x4: {  	s7 =	stileid.u32;
	s12 =	simm.s32 $0x2800;
	s13 =	simm.s32 $0x9  }
0x5: {  	s16 =	simm.s32 $0x40;
	s17 =	simm.s32 $0x2A00;
	s19 =	simm.s32 $0x4A00  }
0x6: {  	s21 =	simm.s32 $0x6A00;
	s28 =	simm.s32 $0x5;
	s29 =	simm.s32 $0x6  }
0x7: {  	s30 =	simm.s32 $0x7;
	s31 =	simm.s32 $0x8;
	s3 =	sand.u32 $0x1, s3  }
0x8: {  	[smem:$0x7FF] =	sst s5;
	s9 =	smul.u32 $0x14000, s7;
	s5 =	sadd.s32 $0x5C00, s0  }
0x9: {  	s6 =	sadd.s32 $0x19C00, s0;
	s8 =	sadd.s32 $0x2DC00, s0;
	s10 =	smul.u32 $0x50000, s7  }
0xa: {  	s26 =	sshll.u32 s7, $0x6;
	s4 =	smul.u32 $0x140000, s3;
	_ =	strace $0x80000050  }
0xb: {  	[dreg:$0x4] =	wrdreg s8;
	s8 =	sadd.s32 $0x5A00, s0;
	s23 =	ssub.s32 $0x2, s3  }
0xc: {  	s3 =	sshll.u32 s3, $0x4;
	s14 =	sor.u32 $0x1C09, s26;
	s26 =	simm.s32 $0x2  }
0xd: {  	s24 =	sshrl.u32 s23, $0x1;
	s3 =	sor.u32 s7, s3;
	s25 =	sshrl.u32 s10, $0x2  }
0xe: {  	s4 =	sadd.s32 s9, s4;
	s15 =	sadd.s32 s25, s2;
	s9 =	smul.u32 $0xA0, s3  }
0xf: {  	s25 =	simm.s32 $0x1;
	s3 =	simm.s32 $0x4;
	s4 =	sshrl.u32 s4, $0x3  }
0x10: {  	s15 =	sshrl.u32 s15, $0x3;
	s0 =	sadd.s32 s4, s0;
	s4 =	ssub.s32 s23, s24  }
0x11: {  	s23 =	simm.s32 $0x8A00;
	s24 =	simm.s32 $0x1400;
	s10 =	sadd.s32 $0x30400, s0  }
0x12: {  	s11 =	smax.u32 s4, $0x1;
	s0 =	simm.s32 $0x3;
	s4 =	simm.s32 $0x0  }
.LBB2_1:
0x13: {  	s7 =	simm.s32 $0x0  }
0x14: {  	[tilespmem:s12], [sflag:$0x9] =	stream.linear.gather [hbm4b:s8+s7], $0x200, $0x38;
	[tilespmem:$0x1EA00] =	vst v63  }
0x15: {  	_ =	swait.ge [sflag:s13], $0x200  }
0x16: {  	[sflag:s13] =	ssyncset.done $0x0  }
0x17: {  	s22 =	rddreg [dreg:$0x4];
	[sflag:s13] =	ssyncadd.s32 $0xFFFFFE00  }
0x18: {  	[spmem:s15], [sflag:s14] =	dma.local [hbm:s22], $0x2800  }
0x19: {  	_ =	swait.ge [sflag:s13], $0x2800  }
0x1a: {  	[sflag:s13] =	ssyncset.done $0x0  }
0x1b: {  	[sflag:s13] =	ssyncadd.s32 $0xFFFFD800  }
0x1c: {  	[bflag:$0x0] =	sbarrier.arrive $0xFFFF  }
0x1d: {  	[spmem:s2] =	stream.indirect.scatter.add.f32 [tilespmem:s17], [sflag:$0x5], $0x80, s12, s16, $0xb8;
	[tilespmem:$0x1EA00] =	vst v63  }
0x1e: {  	s18 =	simm.s32 $0x2880  }
0x1f: {  	[spmem:s2] =	stream.indirect.scatter.add.f32 [tilespmem:s19], [sflag:$0x6], $0x80, s18, s16, $0xb8;
	[tilespmem:$0x1EA00] =	vst v63  }
0x20: {  	s20 =	simm.s32 $0x2900  }
0x21: {  	[spmem:s2] =	stream.indirect.scatter.add.f32 [tilespmem:s21], [sflag:$0x7], $0x80, s20, s16, $0xb8;
	[tilespmem:$0x1EA00] =	vst v63  }
0x22: {  	s22 =	simm.s32 $0x2980;
	s18 =	simm.s32 $0x0  }
0x23: {  	[spmem:s2] =	stream.indirect.scatter.add.f32 [tilespmem:s23], [sflag:$0x8], $0x80, s22, s16, $0xb8;
	[tilespmem:$0x1EA00] =	vst v63  }
.LBB2_2:
0x24: {  	s20 =	smul.u32 $0x28, s18;
	_ =	sdelay $0x1  }
0x25: {  	s20 =	sadd.s32 s9, s20  }
0x26: {  	s20 =	sshll.u32 s20, $0x4  }
0x27: {  	s7 =	simm.s32 $0x0;
	s22 =	sadd.s32 s5, s20  }
0x28: {  	[tilespmem:s7], [sflag:$0x1] =	stream.linear.gather [hbm4b:s22+s7], $0x1400, $0x38;
	[tilespmem:$0x1EA00] =	vst v63  }
0x29: {  	s20 =	sadd.s32 s6, s20  }
0x2a: {  	[tilespmem:s24], [sflag:$0x2] =	stream.linear.gather [hbm4b:s20+s7], $0x1400, $0x38;
	[tilespmem:$0x1EA00] =	vst v63  }
0x2b: {  	_ =	swait.ge [sflag:s25], $0x1400  }
0x2c: {  	[sflag:s25] =	ssyncset.done $0x0  }
0x2d: {  	[sflag:s25] =	ssyncadd.s32 $0xFFFFEC00  }
0x2e: {  	_ =	swait.ge [sflag:s26], $0x1400  }
0x2f: {  	[sflag:s26] =	ssyncset.done $0x0  }
0x30: {  	[sflag:s26] =	ssyncadd.s32 $0xFFFFEC00  }
0x31: {  	_ =	swait.ge [sflag:s28], $0x2000  }
0x32: {  	[sflag:s28] =	ssyncset.done $0x0  }
0x33: {  	s22 =	simm.s32 $0x0;
	[sflag:s28] =	ssyncadd.s32 $0xFFFFE000  }
0x34: {  	[tilespmem:s17], [sflag:$0x1] =	stream.indirect.gather [hbm4b:s1+s16], $0x80, s22, s16, $0xb8;
	[tilespmem:$0x1EA00] =	vst v63  }
0x35: {  	_ =	swait.ge [sflag:s29], $0x2000  }
0x36: {  	[sflag:s29] =	ssyncset.done $0x0  }
0x37: {  	s20 =	simm.s32 $0x80;
	[sflag:s29] =	ssyncadd.s32 $0xFFFFE000  }
0x38: {  	[tilespmem:s19], [sflag:$0x2] =	stream.indirect.gather [hbm4b:s1+s16], $0x80, s20, s16, $0xb8;
	[tilespmem:$0x1EA00] =	vst v63  }
0x39: {  	_ =	swait.ge [sflag:s30], $0x2000  }
0x3a: {  	[sflag:s30] =	ssyncset.done $0x0  }
0x3b: {  	s22 =	simm.s32 $0x100;
	[sflag:s30] =	ssyncadd.s32 $0xFFFFE000  }
0x3c: {  	[tilespmem:s21], [sflag:$0x3] =	stream.indirect.gather [hbm4b:s1+s16], $0x80, s22, s16, $0xb8;
	[tilespmem:$0x1EA00] =	vst v63  }
0x3d: {  	_ =	swait.ge [sflag:s31], $0x2000  }
0x3e: {  	[sflag:s31] =	ssyncset.done $0x0  }
0x3f: {  	s20 =	simm.s32 $0x180;
	[sflag:s31] =	ssyncadd.s32 $0xFFFFE000  }
0x40: {  	[tilespmem:s23], [sflag:$0x4] =	stream.indirect.gather [hbm4b:s1+s16], $0x80, s20, s16, $0xb8;
	[tilespmem:$0x1EA00] =	vst v63  }
0x41: {  	_ =	swait.ge [sflag:s25], $0x2000  }
0x42: {  	[sflag:s25] =	ssyncset.done $0x0  }
0x43: {  	s22 =	simm.s32 $0x1400;
	[sflag:s25] =	ssyncadd.s32 $0xFFFFE000  }
0x44: {  	[spmem:s2] =	stream.indirect.scatter.add.f32 [tilespmem:s17], [sflag:$0x5], $0x80, s22, s16, $0xb8;
	[tilespmem:$0x1EA00] =	vst v63  }
0x45: {  	_ =	swait.ge [sflag:s26], $0x2000  }
0x46: {  	[sflag:s26] =	ssyncset.done $0x0  }
0x47: {  	s20 =	simm.s32 $0x1480;
	[sflag:s26] =	ssyncadd.s32 $0xFFFFE000  }
0x48: {  	[spmem:s2] =	stream.indirect.scatter.add.f32 [tilespmem:s19], [sflag:$0x6], $0x80, s20, s16, $0xb8;
	[tilespmem:$0x1EA00] =	vst v63  }
0x49: {  	_ =	swait.ge [sflag:s0], $0x2000  }
0x4a: {  	[sflag:s0] =	ssyncset.done $0x0  }
0x4b: {  	s22 =	simm.s32 $0x1500;
	[sflag:s0] =	ssyncadd.s32 $0xFFFFE000  }
0x4c: {  	[spmem:s2] =	stream.indirect.scatter.add.f32 [tilespmem:s21], [sflag:$0x7], $0x80, s22, s16, $0xb8;
	[tilespmem:$0x1EA00] =	vst v63  }
0x4d: {  	_ =	swait.ge [sflag:s3], $0x2000  }
0x4e: {  	[sflag:s3] =	ssyncset.done $0x0  }
0x4f: {  	s20 =	simm.s32 $0x800;
	s22 =	simm.s32 $0x1580;
	[sflag:s3] =	ssyncadd.s32 $0xFFFFE000  }
.LBB2_3:
0x50: {  	[spmem:s2] =	stream.indirect.scatter.add.f32 [tilespmem:s23], [sflag:$0x8], $0x80, s22, s16, $0xb8;
	[tilespmem:$0x1EA00] =	vst v63  }
0x51: {  	s7 =	smov.u32 s20  }
0x52: {  	p0 =	sne.s32 s20, $0x4800;
	s20 =	sadd.s32 $0x800, s20;
	_ =	swait.ge [sflag:s28], $0x2000  }
0x53: {  	[sflag:s28] =	ssyncset.done $0x0  }
0x54: {  	s22 =	sshra.s32 s7, $0x2;
	[sflag:s28] =	ssyncadd.s32 $0xFFFFE000  }
0x55: {  	[tilespmem:s17], [sflag:$0x1] =	stream.indirect.gather [hbm4b:s1+s16], $0x80, s22, s16, $0xb8;
	[tilespmem:$0x1EA00] =	vst v63  }
0x56: {  	_ =	swait.ge [sflag:s29], $0x2000  }
0x57: {  	[sflag:s29] =	ssyncset.done $0x0  }
0x58: {  	s7 =	sadd.s32 $0x80, s22;
	[sflag:s29] =	ssyncadd.s32 $0xFFFFE000  }
0x59: {  	[tilespmem:s19], [sflag:$0x2] =	stream.indirect.gather [hbm4b:s1+s16], $0x80, s7, s16, $0xb8;
	[tilespmem:$0x1EA00] =	vst v63  }
0x5a: {  	_ =	swait.ge [sflag:s30], $0x2000  }
0x5b: {  	[sflag:s30] =	ssyncset.done $0x0  }
0x5c: {  	s7 =	sadd.s32 $0x100, s22;
	[sflag:s30] =	ssyncadd.s32 $0xFFFFE000  }
0x5d: {  	[tilespmem:s21], [sflag:$0x3] =	stream.indirect.gather [hbm4b:s1+s16], $0x80, s7, s16, $0xb8;
	[tilespmem:$0x1EA00] =	vst v63  }
0x5e: {  	_ =	swait.ge [sflag:s31], $0x2000  }
0x5f: {  	[sflag:s31] =	ssyncset.done $0x0  }
0x60: {  	s7 =	sadd.s32 $0x180, s22;
	[sflag:s31] =	ssyncadd.s32 $0xFFFFE000  }
0x61: {  	[tilespmem:s23], [sflag:$0x4] =	stream.indirect.gather [hbm4b:s1+s16], $0x80, s7, s16, $0xb8;
	[tilespmem:$0x1EA00] =	vst v63  }
0x62: {  	_ =	swait.ge [sflag:s25], $0x2000  }
0x63: {  	[sflag:s25] =	ssyncset.done $0x0  }
0x64: {  	s7 =	sadd.s32 $0x1400, s22;
	[sflag:s25] =	ssyncadd.s32 $0xFFFFE000  }
0x65: {  	[spmem:s2] =	stream.indirect.scatter.add.f32 [tilespmem:s17], [sflag:$0x5], $0x80, s7, s16, $0xb8;
	[tilespmem:$0x1EA00] =	vst v63  }
0x66: {  	_ =	swait.ge [sflag:s26], $0x2000  }
0x67: {  	[sflag:s26] =	ssyncset.done $0x0  }
0x68: {  	s7 =	sadd.s32 $0x1480, s22;
	[sflag:s26] =	ssyncadd.s32 $0xFFFFE000  }
0x69: {  	[spmem:s2] =	stream.indirect.scatter.add.f32 [tilespmem:s19], [sflag:$0x6], $0x80, s7, s16, $0xb8;
	[tilespmem:$0x1EA00] =	vst v63  }
0x6a: {  	_ =	swait.ge [sflag:s0], $0x2000  }
0x6b: {  	[sflag:s0] =	ssyncset.done $0x0  }
.Ltmp0:
0x6c: {  	s7 =	sadd.s32 $0x1500, s22;
	[sflag:s0] =	ssyncadd.s32 $0xFFFFE000;
	(pc) =	sbr.rel @p0 .LBB2_3-.Ltmp0, $4  }
0x6d: {  	[spmem:s2] =	stream.indirect.scatter.add.f32 [tilespmem:s21], [sflag:$0x7], $0x80, s7, s16, $0xb8;
	[tilespmem:$0x1EA00] =	vst v63  }
0x6e: {  	_ =	swait.ge [sflag:s3], $0x2000  }
0x6f: {  	[sflag:s3] =	ssyncset.done $0x0  }
0x70: {  	s22 =	sadd.s32 $0x1580, s22;
	[sflag:s3] =	ssyncadd.s32 $0xFFFFE000  }
0x71: {  	s18 =	sadd.s32 $0x1, s18  }
0x72: {  	p0 =	sne.s32 s18, $0x4  }
.Ltmp1:
0x73: {  	_ = 	snop;
	(pc) =	sbr.rel @p0 .LBB2_2-.Ltmp1, $2  }
0x74: {  	_ =	sdelay $0x2  }
0x75: {  	[spmem:s2] =	stream.indirect.scatter.add.f32 [tilespmem:s23], [sflag:$0x8], $0x80, s22, s16, $0xb8;
	[tilespmem:$0x1EA00] =	vst v63  }
0x76: {  	_ =	swait.ge [sflag:s28], $0x2000  }
0x77: {  	[sflag:s28] =	ssyncset.done $0x0  }
0x78: {  	[sflag:s28] =	ssyncadd.s32 $0xFFFFE000  }
0x79: {  	_ =	swait.ge [sflag:s29], $0x2000  }
0x7a: {  	[sflag:s29] =	ssyncset.done $0x0  }
0x7b: {  	[sflag:s29] =	ssyncadd.s32 $0xFFFFE000  }
0x7c: {  	_ =	swait.ge [sflag:s30], $0x2000  }
0x7d: {  	[sflag:s30] =	ssyncset.done $0x0  }
0x7e: {  	[sflag:s30] =	ssyncadd.s32 $0xFFFFE000  }
0x7f: {  	_ =	swait.ge [sflag:s31], $0x2000  }
0x80: {  	s4 =	sadd.s32 $0x1, s4;
	[sflag:s31] =	ssyncset.done $0x0  }
0x81: {  	p0 =	sne.s32 s4, s11;
	[sflag:s31] =	ssyncadd.s32 $0xFFFFE000  }
.Ltmp2:
0x82: {  	[bflag:$0x0] =	sbarrier.arrive $0xFFFF;
	(pc) =	sbr.rel @p0 .LBB2_1-.Ltmp2, $4  }
0x83: {  	[hbm:s10], [sflag:s14] =	dma.local [spmem:s15], $0x2800  }
0x84: {  	_ =	swait.ge [sflag:s13], $0x2800  }
0x85: {  	[sflag:s13] =	ssyncset.done $0x0  }
0x86: {  	[sflag:s13] =	ssyncadd.s32 $0xFFFFD800  }
0x87: {  	_ =	sfence.sel $0x180000  }
0x88: {  	[bflag:$0x0] =	sbarrier.arrive $0xFFFF  }
0x89: {  	_ =	strace $0x90000050  }
0x8a: {  	s0 =	stileid.u32;
	[bflag:$0x2] =	sbarrier.arrive $0xFFFF  }
0x8b: {  	p0 =	sne.s32 s0, $0x0;
	s0 =	rddreg [dreg:$0x3]  }
0x8c: {  	s0 =	sadd.s32 @!p0 $0x100000, s0  }
0x8d: {  	[sflag:s0] =	ssyncadd.tile.s32 @!p0 $0x1;
	_ =	shalt  }
.Lfunc_end2:
_tile_overlayer_lowered:
.L_overlay_start_2:
0x8e: {  	(tag) =	ssettag $0x2  }
0x8f: {  	s0 =	rddreg [dreg:$0x0];
	s2 =	stileid.u32  }
0x90: {  	s1 =	rddreg [dreg:$0x1];
	p0 =	sne.s32 s2, $0x0  }
0x91: {  	s3 =	rddreg [dreg:$0x2];
	[bflag:$0x3] =	sbarrier.arrive $0xFFFF;
	s2 =	simm.s32 @!p0 $0x1C09  }
0x92: {  	[timem:s3], [sflag:s2] =	dma.local @!p0 [hbm:s0], s1  }
0x93: {  	s0 =	simm.s32 @!p0 $0x9  }
0x94: {  	_ =	swait.ge @!p0 [sflag:s0], s1  }
0x95: {  	s1 =	ssub.s32 @!p0 $0x0, s1;
	[sflag:s0] =	ssyncset.done @!p0 $0x0  }
0x96: {  	[sflag:s0] =	ssyncadd.s32 @!p0 s1  }
0x97: {  	[bflag:$0x3] =	sbarrier.arrive $0xFFFF  }
0x98: {  	_ =	shalt  }

// kernel: kernel.24.cloned.1.call-start
scs
__scs_entry_jumppad:
0x0: {  	(pc) =	sbr.rel $0x88, $3  }
0x1: {  	(tag) =	ssettag $0x0;
	lr =	simm.s32 $0x1  }
0x2: {  	[smem:$0x3F8D] =	sst lr;
	_ =	strace $0xD0000000  }
0x3: {  	_ = 	snop  }
0x4: {  	_ = 	snop  }
0x5: {  	_ = 	snop  }
0x6: {  	_ = 	snop  }
0x7: {  	_ = 	snop  }
__scs_overlays_trampoline_lowered:
0x8: {  	[smem:$0x3F9C] =	sst s0  }
0x9: {  	[smem:$0x3F9D] =	sst s1  }
0xa: {  	[smem:$0x3F9E] =	sst s2  }
0xb: {  	[smem:$0x3F9F] =	sst s3  }
0xc: {  	[smem:$0x3FA0] =	sst s4  }
0xd: {  	[smem:$0x3FA1] =	sst s5  }
0xe: {  	[smem:$0x3FA2] =	sst s6  }
0xf: {  	[smem:$0x3FA3] =	sst s7  }
0x10: {  	[smem:$0x3FA4] =	sst s8  }
0x11: {  	[smem:$0x3FA5] =	sst s9;
	s0 =	simm.s32 @!p0 $0x0  }
0x12: {  	s1 =	sld [smem:$0x3F8B];
	s0 =	simm.s32 @p0 $0x1  }
0x13: {  	[smem:$0x3FA6] =	sst s0;
	s0 =	simm.s32 @!p1 $0x0  }
0x14: {  	s2 =	sld [smem:$0x3F8A];
	s0 =	simm.s32 @p1 $0x1  }
0x15: {  	[smem:$0x3FA7] =	sst s0;
	s0 =	simm.s32 @!p2 $0x0  }
0x16: {  	s3 =	sld [smem:$0x3FDB];
	s0 =	simm.s32 @p2 $0x1  }
0x17: {  	s4 =	simm.s32 $0x1BF5;
	[smem:$0x3FA9] =	sst s0  }
0x18: {  	s0 =	sld [smem:$0x3F8C];
	_ =	swait.ge [sflag:s4], $0x0  }
0x19: {  	s7 =	sld [smem:$0x3F8D]  }
0x1a: {  	s8 =	sadd.s32 $0xFFFFE003, lr  }
0x1b: {  	s9 =	sadd.s32 $0xFFFFFEF7, lr;
	s5 =	simm.s32 $0xFFFFFFFF;
	p2 =	slt.u32 s8, $0xFFFFF086  }
0x1c: {  	p1 =	slt.u32 s9, $0xF7A;
	s5 =	simm.s32 @!p2 $0x0  }
0x1d: {  	s5 =	simm.s32 @p1 $0x1;
	p0 =	seq.s32 s7, s2  }
0x1e: {  	s7 =	smul.u32 @!p0 $0xF7A, s2;
	p2 =	seq.s32 @!p0 s5, $0x0  }
0x1f: {  	s9 =	smul.u32 $0xF7A, s1;
	s8 =	simm.s32 @!p0 $0x1BF5;
	p2 =	por !p2, p0  }
0x20: {  	[sflag:s8] =	ssyncset.s32 @!p0 $0xFFFFF086;
	s6 =	sadd.s32 @!p0 s3, s7;
	s7 =	simm.s32 @!p0 $0x108  }
0x21: {  	s3 =	sadd.s32 s3, s9;
	s6 =	sadd.s32 @!p0 $0x88, s6;
	s7 =	simm.s32 @p2 $0x1082  }
0x22: {  	[simem:s7], [sflag:s8] =	dma.local @!p0 [hbm:s6], $0xF7A  }
0x23: {  	s9 =	sor.u32 $0xD0000000, s2;
	s6 =	simm.s32 $0x108;
	_ =	swait.ge @!p0 [sflag:s8], $0x0  }
0x24: {  	s3 =	sadd.s32 $0x88, s3;
	s6 =	simm.s32 @!p1 $0x1082;
	[sflag:s4] =	ssyncset.s32 $0xFFFFF086  }
0x25: {  	[simem:s6], [sflag:s4] =	dma.local [hbm:s3], $0xF7A  }
0x26: {  	[smem:$0x3F8D] =	sst s1;
	(tag) =	ssettag s2;
	_ =	strace s9  }
0x27: {  	s1 =	sld [smem:$0x3F9D]  }
0x28: {  	s2 =	sld [smem:$0x3F9E]  }
0x29: {  	s4 =	sld [smem:$0x3FA0]  }
0x2a: {  	p0 =	seq.s32 s5, $0x0;
	s5 =	sld [smem:$0x3FA1]  }
0x2b: {  	s6 =	sld [smem:$0x3FA2]  }
0x2c: {  	s7 =	sld [smem:$0x3FA3]  }
0x2d: {  	s3 =	simm.s32 $0x108;
	s8 =	sld [smem:$0x3FA4]  }
0x2e: {  	s3 =	simm.s32 @!p0 $0x1082;
	s9 =	sld [smem:$0x3FA5]  }
0x2f: {  	lr =	sadd.s32 s0, s3;
	s0 =	sld [smem:$0x3F9C]  }
0x30: {  	s3 =	sld [smem:$0x3F9F]  }
0x31: {  	[smem:$0x3FA8] =	sst s10  }
0x32: {  	s10 =	sld [smem:$0x3FA6];
	_ =	sdelay $0x3  }
0x33: {  	p0 =	seq.s32 s10, $0x1;
	s10 =	sld [smem:$0x3FA8];
	_ =	sdelay $0x3  }
0x34: {  	[smem:$0x3FA8] =	sst s10  }
0x35: {  	s10 =	sld [smem:$0x3FA7];
	_ =	sdelay $0x3  }
0x36: {  	p1 =	seq.s32 s10, $0x1;
	s10 =	sld [smem:$0x3FA8];
	_ =	sdelay $0x3  }
0x37: {  	[smem:$0x3FA8] =	sst s10  }
0x38: {  	s10 =	sld [smem:$0x3FA9]  }
0x39: {  	_ = 	snop;
	(pc) =	sbr.ind lr, $3  }
0x3a: {  	_ = 	snop  }
0x3b: {  	_ = 	snop  }
0x3c: {  	p2 =	seq.s32 s10, $0x1;
	s10 =	sld [smem:$0x3FA8]  }
0x3d: {  	_ =	shalt  }
0x3e: {  	_ =	shalt  }
0x3f: {  	_ =	shalt  }
0x40: {  	_ =	shalt  }
0x41: {  	_ =	shalt  }
0x42: {  	_ =	shalt  }
0x43: {  	_ =	shalt  }
0x44: {  	_ =	shalt  }
0x45: {  	_ =	shalt  }
0x46: {  	_ =	shalt  }
0x47: {  	_ =	shalt  }
0x48: {  	_ =	shalt  }
0x49: {  	_ =	shalt  }
0x4a: {  	_ =	shalt  }
0x4b: {  	_ =	shalt  }
0x4c: {  	_ =	shalt  }
0x4d: {  	_ =	shalt  }
0x4e: {  	_ =	shalt  }
0x4f: {  	_ =	shalt  }
0x50: {  	_ =	shalt  }
0x51: {  	_ =	shalt  }
0x52: {  	_ =	shalt  }
0x53: {  	_ =	shalt  }
0x54: {  	_ =	shalt  }
0x55: {  	_ =	shalt  }
0x56: {  	_ =	shalt  }
0x57: {  	_ =	shalt  }
0x58: {  	_ =	shalt  }
0x59: {  	_ =	shalt  }
0x5a: {  	_ =	shalt  }
0x5b: {  	_ =	shalt  }
0x5c: {  	_ =	shalt  }
0x5d: {  	_ =	shalt  }
0x5e: {  	_ =	shalt  }
0x5f: {  	_ =	shalt  }
0x60: {  	_ =	shalt  }
0x61: {  	_ =	shalt  }
0x62: {  	_ =	shalt  }
0x63: {  	_ =	shalt  }
0x64: {  	_ =	shalt  }
0x65: {  	_ =	shalt  }
0x66: {  	_ =	shalt  }
0x67: {  	_ =	shalt  }
0x68: {  	_ =	shalt  }
0x69: {  	_ =	shalt  }
0x6a: {  	_ =	shalt  }
0x6b: {  	_ =	shalt  }
0x6c: {  	_ =	shalt  }
0x6d: {  	_ =	shalt  }
0x6e: {  	_ =	shalt  }
0x6f: {  	_ =	shalt  }
0x70: {  	_ =	shalt  }
0x71: {  	_ =	shalt  }
0x72: {  	_ =	shalt  }
0x73: {  	_ =	shalt  }
0x74: {  	_ =	shalt  }
0x75: {  	_ =	shalt  }
0x76: {  	_ =	shalt  }
0x77: {  	_ =	shalt  }
0x78: {  	_ =	shalt  }
0x79: {  	_ =	shalt  }
0x7a: {  	_ =	shalt  }
0x7b: {  	_ =	shalt  }
0x7c: {  	_ =	shalt  }
0x7d: {  	_ =	shalt  }
0x7e: {  	_ =	shalt  }
0x7f: {  	_ =	shalt  }
0x80: {  	_ =	shalt  }
0x81: {  	_ =	shalt  }
0x82: {  	_ =	shalt  }
0x83: {  	_ =	shalt  }
0x84: {  	_ =	shalt  }
0x85: {  	_ =	shalt  }
0x86: {  	_ =	shalt  }
0x87: {  	_ =	shalt  }
.Lfunc_end0:
.L_simem_size_0:
called_computation.4_lowered:
.L_overlay_start_0:
0x88: {  	s2 =	sld [smem:$0x3FD9]  }
0x89: {  	s3 =	sld [smem:$0x3FFE];
	_ =	sdelay $0x1  }
0x8a: {  	s1 =	srdreg.scid  }
0x8b: {  	s0 =	sand.u32 $0x1, s1  }
0x8c: {  	s14 =	sshll.u32 s0, $0xA;
	s2 =	sadd.s32 s3, s2  }
0x8d: {  	s2 =	sadd.s32 s2, s14  }
0x8e: {  	[smem:$0x3FB4] =	sst s2  }
0x8f: {  	_ = 	snop  }
0x90: {  	s2 =	sld [smem:$0x3FD0];
	_ =	sdelay $0x2  }
0x91: {  	s15 =	simm.s32 $0xB;
	s4 =	simm.s32 $0x10  }
0x92: {  	[smem:s4], [sflag:s15] =	dma.local [hbm:s2], $0x1  }
0x93: {  	_ =	swait.eq [sflag:s15], $0x1  }
0x94: {  	[sflag:s15] =	ssyncset.done $0x0  }
0x95: {  	[sflag:s15] =	ssyncadd.s32 $0xFFFFFFFF  }
0x96: {  	s16 =	sld [smem:$0x10];
	(tm) =	ssettm $0x1  }
0x97: {  	s17 =	sld [smem:$0x3FFB];
	_ =	sdelay $0x3  }
0x98: {  	_ =	strace s17  }
0x99: {  	s3 =	sld [smem:$0x3FFC];
	_ =	sdelay $0x3  }
0x9a: {  	_ =	strace s3  }
0x9b: {  	s3 =	sld [smem:$0x3FFD];
	_ =	sdelay $0x3  }
0x9c: {  	_ =	strace s3  }
0x9d: {  	_ =	strace $0x8FFFFFFF  }
0x9e: {  	s18 =	sld [smem:$0x3FDB];
	_ =	sdelay $0x1  }
0x9f: {  	s19 =	simm.s32 $_scs_section_size  }
0xa0: {  	s5 =	simm.s32 $_size__tile_overlayer_lowered;
	s6 =	simm.s32 $_tile_overlayer_lowered  }
0xa1: {  	s22 =	simm.s32 $0x1BFF;
	s21 =	sshll.u32 s6, $0x1;
	s3 =	sadd.s32 s19, s18  }
0xa2: {  	s7 =	simm.s32 $0x0;
	s20 =	sshll.u32 s5, $0x1;
	s5 =	sadd.s32 s21, s3  }
0xa3: {  	[timem:s7], [sflag:s22] =	dma.local [hbm:s5], s20  }
0xa4: {  	_ =	swait.ge [sflag:s22], s20  }
0xa5: {  	s4 =	ssub.s32 $0x0, s20;
	[sflag:s22] =	ssyncset.done $0x0  }
0xa6: {  	[sflag:s22] =	ssyncadd.s32 s4;
	_ =	sdelay $0x1  }
0xa7: {  	s23 =	simm.s32 $0x1B8B  }
0xa8: {  	_ =	swait.ge [sflag:s23], $0x1  }
0xa9: {  	[sflag:s23] =	ssyncset.done $0x0  }
0xaa: {  	s25 =	simm.s32 $0x1B8E;
	s24 =	sld [smem:$0x3FFE];
	[sflag:s23] =	ssyncadd.s32 $0xFFFFFFFF  }
0xab: {  	s26 =	simm.s32 $execute0_lowered;
	[smem:$0x3FD2] =	sst s25  }
0xac: {  	s5 =	sshll.u32 s26, $0x1;
	_ =	strace $0x80000052;
	[dreg:$0x1] =	wrdreg $0xFFFFFFFF  }
0xad: {  	s28 =	simm.s32 $_size_execute0_lowered;
	s3 =	sadd.s32 s3, s5;
	[dreg:$0x0] =	wrdreg $0x0  }
0xae: {  	s5 =	sshll.u32 s28, $0x1;
	[dreg:$0x2] =	wrdreg s3  }
0xaf: {  	[dreg:$0x3] =	wrdreg s5  }
0xb0: {  	[dreg:$0x4] =	wrdreg $0xC0  }
0xb1: {  	_ =	task [dreg:s7], $0x5FFFF  }
0xb2: {  	[dreg:$0x1] =	wrdreg $0xFFFFFFFF  }
0xb3: {  	[dreg:$0x0] =	wrdreg $0x60  }
0xb4: {  	[dreg:$0x2] =	wrdreg s16  }
0xb5: {  	[dreg:$0x3] =	wrdreg s24  }
0xb6: {  	[dreg:$0x4] =	wrdreg $0xAA000  }
0xb7: {  	[dreg:$0x5] =	wrdreg $0x9  }
0xb8: {  	_ =	task.clear_ibuf [dreg:s7], $0x6FFFF;
	_ =	strace $0x90000052  }
0xb9: {  	s29 =	simm.s32 $0x9;
	_ =	strace $0x80000054  }
0xba: {  	_ =	swait.ge [sflag:s29], $0x1  }
0xbb: {  	[sflag:s29] =	ssyncadd.s32 $0xFFFFFFFF  }
0xbc: {  	_ =	strace $0x90000054  }
0xbd: {  	_ =	sfence  }
0xbe: {  	s30 =	sld [smem:$0x0];
	_ =	sdelay $0x2  }
0xbf: {  	s31 =	sshll.u32 s1, $0xD;
	s1 =	sshrl.u32 s1, $0x2  }
0xc0: {  	s3 =	sand.u32 $0x4000, s31;
	s1 =	sadd.s32 s1, s30  }
0xc1: {  	s0 =	sor.u32 s3, s0;
	s1 =	sshll.u32 s1, $0x11  }
0xc2: {  	s0 =	sor.u32 s1, s0  }
0xc3: {  	s0 =	sadd.s32 $0x8F2B, s0  }
0xc4: {  	[sflag:s0] =	ssyncadd.remote.s32 $0x1  }
0xc5: {  	_ =	sfence.sel $0xFFFF  }
0xc6: {  	[dreg:$0x0] =	wrdreg $0xFFFFFFFF;
	(pc) =	sbr.abs _section_cstart, $3  }
0xc7: {  	[dreg:$0x1] =	wrdreg $0xFFFFFFFF  }
0xc8: {  	_ =	task.clear_ibuf [dreg:s7], $0x2FFFF;
	_ =	strace $0x9FFFFFFF  }
0xc9: {  	(tm) =	ssettm $0x7FFFFFFF  }
tec
execute0_lowered:
.L_overlay_start_1:
0x0: {  	(tag) =	ssettag $0x1  }
0x1: {  	s1 =	rddreg [dreg:$0x0]  }
0x2: {  	s0 =	rddreg [dreg:$0x1]  }
0x3: {  	s2 =	rddreg [dreg:$0x2];
	s3 =	srdreg.scid;
	s5 =	simm.s32 $0x0  }
0x4: {  	s7 =	stileid.u32;
	s12 =	simm.s32 $0x2800;
	s13 =	simm.s32 $0x9  }
0x5: {  	s16 =	simm.s32 $0x40;
	s17 =	simm.s32 $0x2A00;
	s19 =	simm.s32 $0x4A00  }
0x6: {  	s21 =	simm.s32 $0x6A00;
	s28 =	simm.s32 $0x5;
	s29 =	simm.s32 $0x6  }
0x7: {  	s30 =	simm.s32 $0x7;
	s31 =	simm.s32 $0x8;
	s3 =	sand.u32 $0x1, s3  }
0x8: {  	[smem:$0x7FF] =	sst s5;
	s9 =	smul.u32 $0x14000, s7;
	s5 =	sadd.s32 $0x5C00, s0  }
0x9: {  	s6 =	sadd.s32 $0x19C00, s0;
	s8 =	sadd.s32 $0x2DC00, s0;
	s10 =	smul.u32 $0x50000, s7  }
0xa: {  	s26 =	sshll.u32 s7, $0x6;
	s4 =	smul.u32 $0x140000, s3;
	_ =	strace $0x80000053  }
0xb: {  	[dreg:$0x4] =	wrdreg s8;
	s8 =	sadd.s32 $0x5A00, s0;
	s23 =	ssub.s32 $0x2, s3  }
0xc: {  	s3 =	sshll.u32 s3, $0x4;
	s14 =	sor.u32 $0x1C09, s26;
	s26 =	simm.s32 $0x2  }
0xd: {  	s24 =	sshrl.u32 s23, $0x1;
	s3 =	sor.u32 s7, s3;
	s25 =	sshrl.u32 s10, $0x2  }
0xe: {  	s4 =	sadd.s32 s9, s4;
	s15 =	sadd.s32 s25, s2;
	s9 =	smul.u32 $0xA0, s3  }
0xf: {  	s25 =	simm.s32 $0x1;
	s3 =	simm.s32 $0x4;
	s4 =	sshrl.u32 s4, $0x3  }
0x10: {  	s15 =	sshrl.u32 s15, $0x3;
	s0 =	sadd.s32 s4, s0;
	s4 =	ssub.s32 s23, s24  }
0x11: {  	s23 =	simm.s32 $0x8A00;
	s24 =	simm.s32 $0x1400;
	s10 =	sadd.s32 $0x30400, s0  }
0x12: {  	s11 =	smax.u32 s4, $0x1;
	s0 =	simm.s32 $0x3;
	s4 =	simm.s32 $0x0  }
.LBB2_1:
0x13: {  	s7 =	simm.s32 $0x0  }
0x14: {  	[tilespmem:s12], [sflag:$0x9] =	stream.linear.gather [hbm4b:s8+s7], $0x200, $0x38;
	[tilespmem:$0x1EA00] =	vst v63  }
0x15: {  	_ =	swait.ge [sflag:s13], $0x200  }
0x16: {  	[sflag:s13] =	ssyncset.done $0x0  }
0x17: {  	s22 =	rddreg [dreg:$0x4];
	[sflag:s13] =	ssyncadd.s32 $0xFFFFFE00  }
0x18: {  	[spmem:s15], [sflag:s14] =	dma.local [hbm:s22], $0x2800  }
0x19: {  	_ =	swait.ge [sflag:s13], $0x2800  }
0x1a: {  	[sflag:s13] =	ssyncset.done $0x0  }
0x1b: {  	[sflag:s13] =	ssyncadd.s32 $0xFFFFD800  }
0x1c: {  	[bflag:$0x0] =	sbarrier.arrive $0xFFFF  }
0x1d: {  	[spmem:s2] =	stream.indirect.scatter.add.f32 [tilespmem:s17], [sflag:$0x5], $0x80, s12, s16, $0xb8;
	[tilespmem:$0x1EA00] =	vst v63  }
0x1e: {  	s18 =	simm.s32 $0x2880  }
0x1f: {  	[spmem:s2] =	stream.indirect.scatter.add.f32 [tilespmem:s19], [sflag:$0x6], $0x80, s18, s16, $0xb8;
	[tilespmem:$0x1EA00] =	vst v63  }
0x20: {  	s20 =	simm.s32 $0x2900  }
0x21: {  	[spmem:s2] =	stream.indirect.scatter.add.f32 [tilespmem:s21], [sflag:$0x7], $0x80, s20, s16, $0xb8;
	[tilespmem:$0x1EA00] =	vst v63  }
0x22: {  	s22 =	simm.s32 $0x2980;
	s18 =	simm.s32 $0x0  }
0x23: {  	[spmem:s2] =	stream.indirect.scatter.add.f32 [tilespmem:s23], [sflag:$0x8], $0x80, s22, s16, $0xb8;
	[tilespmem:$0x1EA00] =	vst v63  }
.LBB2_2:
0x24: {  	s20 =	smul.u32 $0x28, s18;
	_ =	sdelay $0x1  }
0x25: {  	s20 =	sadd.s32 s9, s20  }
0x26: {  	s20 =	sshll.u32 s20, $0x4  }
0x27: {  	s7 =	simm.s32 $0x0;
	s22 =	sadd.s32 s5, s20  }
0x28: {  	[tilespmem:s7], [sflag:$0x1] =	stream.linear.gather [hbm4b:s22+s7], $0x1400, $0x38;
	[tilespmem:$0x1EA00] =	vst v63  }
0x29: {  	s20 =	sadd.s32 s6, s20  }
0x2a: {  	[tilespmem:s24], [sflag:$0x2] =	stream.linear.gather [hbm4b:s20+s7], $0x1400, $0x38;
	[tilespmem:$0x1EA00] =	vst v63  }
0x2b: {  	_ =	swait.ge [sflag:s25], $0x1400  }
0x2c: {  	[sflag:s25] =	ssyncset.done $0x0  }
0x2d: {  	[sflag:s25] =	ssyncadd.s32 $0xFFFFEC00  }
0x2e: {  	_ =	swait.ge [sflag:s26], $0x1400  }
0x2f: {  	[sflag:s26] =	ssyncset.done $0x0  }
0x30: {  	[sflag:s26] =	ssyncadd.s32 $0xFFFFEC00  }
0x31: {  	_ =	swait.ge [sflag:s28], $0x2000  }
0x32: {  	[sflag:s28] =	ssyncset.done $0x0  }
0x33: {  	s22 =	simm.s32 $0x0;
	[sflag:s28] =	ssyncadd.s32 $0xFFFFE000  }
0x34: {  	[tilespmem:s17], [sflag:$0x1] =	stream.indirect.gather [hbm4b:s1+s16], $0x80, s22, s16, $0xb8;
	[tilespmem:$0x1EA00] =	vst v63  }
0x35: {  	_ =	swait.ge [sflag:s29], $0x2000  }
0x36: {  	[sflag:s29] =	ssyncset.done $0x0  }
0x37: {  	s20 =	simm.s32 $0x80;
	[sflag:s29] =	ssyncadd.s32 $0xFFFFE000  }
0x38: {  	[tilespmem:s19], [sflag:$0x2] =	stream.indirect.gather [hbm4b:s1+s16], $0x80, s20, s16, $0xb8;
	[tilespmem:$0x1EA00] =	vst v63  }
0x39: {  	_ =	swait.ge [sflag:s30], $0x2000  }
0x3a: {  	[sflag:s30] =	ssyncset.done $0x0  }
0x3b: {  	s22 =	simm.s32 $0x100;
	[sflag:s30] =	ssyncadd.s32 $0xFFFFE000  }
0x3c: {  	[tilespmem:s21], [sflag:$0x3] =	stream.indirect.gather [hbm4b:s1+s16], $0x80, s22, s16, $0xb8;
	[tilespmem:$0x1EA00] =	vst v63  }
0x3d: {  	_ =	swait.ge [sflag:s31], $0x2000  }
0x3e: {  	[sflag:s31] =	ssyncset.done $0x0  }
0x3f: {  	s20 =	simm.s32 $0x180;
	[sflag:s31] =	ssyncadd.s32 $0xFFFFE000  }
0x40: {  	[tilespmem:s23], [sflag:$0x4] =	stream.indirect.gather [hbm4b:s1+s16], $0x80, s20, s16, $0xb8;
	[tilespmem:$0x1EA00] =	vst v63  }
0x41: {  	_ =	swait.ge [sflag:s25], $0x2000  }
0x42: {  	[sflag:s25] =	ssyncset.done $0x0  }
0x43: {  	s22 =	simm.s32 $0x1400;
	[sflag:s25] =	ssyncadd.s32 $0xFFFFE000  }
0x44: {  	[spmem:s2] =	stream.indirect.scatter.add.f32 [tilespmem:s17], [sflag:$0x5], $0x80, s22, s16, $0xb8;
	[tilespmem:$0x1EA00] =	vst v63  }
0x45: {  	_ =	swait.ge [sflag:s26], $0x2000  }
0x46: {  	[sflag:s26] =	ssyncset.done $0x0  }
0x47: {  	s20 =	simm.s32 $0x1480;
	[sflag:s26] =	ssyncadd.s32 $0xFFFFE000  }
0x48: {  	[spmem:s2] =	stream.indirect.scatter.add.f32 [tilespmem:s19], [sflag:$0x6], $0x80, s20, s16, $0xb8;
	[tilespmem:$0x1EA00] =	vst v63  }
0x49: {  	_ =	swait.ge [sflag:s0], $0x2000  }
0x4a: {  	[sflag:s0] =	ssyncset.done $0x0  }
0x4b: {  	s22 =	simm.s32 $0x1500;
	[sflag:s0] =	ssyncadd.s32 $0xFFFFE000  }
0x4c: {  	[spmem:s2] =	stream.indirect.scatter.add.f32 [tilespmem:s21], [sflag:$0x7], $0x80, s22, s16, $0xb8;
	[tilespmem:$0x1EA00] =	vst v63  }
0x4d: {  	_ =	swait.ge [sflag:s3], $0x2000  }
0x4e: {  	[sflag:s3] =	ssyncset.done $0x0  }
0x4f: {  	s20 =	simm.s32 $0x800;
	s22 =	simm.s32 $0x1580;
	[sflag:s3] =	ssyncadd.s32 $0xFFFFE000  }
.LBB2_3:
0x50: {  	[spmem:s2] =	stream.indirect.scatter.add.f32 [tilespmem:s23], [sflag:$0x8], $0x80, s22, s16, $0xb8;
	[tilespmem:$0x1EA00] =	vst v63  }
0x51: {  	s7 =	smov.u32 s20  }
0x52: {  	p0 =	sne.s32 s20, $0x4800;
	s20 =	sadd.s32 $0x800, s20;
	_ =	swait.ge [sflag:s28], $0x2000  }
0x53: {  	[sflag:s28] =	ssyncset.done $0x0  }
0x54: {  	s22 =	sshra.s32 s7, $0x2;
	[sflag:s28] =	ssyncadd.s32 $0xFFFFE000  }
0x55: {  	[tilespmem:s17], [sflag:$0x1] =	stream.indirect.gather [hbm4b:s1+s16], $0x80, s22, s16, $0xb8;
	[tilespmem:$0x1EA00] =	vst v63  }
0x56: {  	_ =	swait.ge [sflag:s29], $0x2000  }
0x57: {  	[sflag:s29] =	ssyncset.done $0x0  }
0x58: {  	s7 =	sadd.s32 $0x80, s22;
	[sflag:s29] =	ssyncadd.s32 $0xFFFFE000  }
0x59: {  	[tilespmem:s19], [sflag:$0x2] =	stream.indirect.gather [hbm4b:s1+s16], $0x80, s7, s16, $0xb8;
	[tilespmem:$0x1EA00] =	vst v63  }
0x5a: {  	_ =	swait.ge [sflag:s30], $0x2000  }
0x5b: {  	[sflag:s30] =	ssyncset.done $0x0  }
0x5c: {  	s7 =	sadd.s32 $0x100, s22;
	[sflag:s30] =	ssyncadd.s32 $0xFFFFE000  }
0x5d: {  	[tilespmem:s21], [sflag:$0x3] =	stream.indirect.gather [hbm4b:s1+s16], $0x80, s7, s16, $0xb8;
	[tilespmem:$0x1EA00] =	vst v63  }
0x5e: {  	_ =	swait.ge [sflag:s31], $0x2000  }
0x5f: {  	[sflag:s31] =	ssyncset.done $0x0  }
0x60: {  	s7 =	sadd.s32 $0x180, s22;
	[sflag:s31] =	ssyncadd.s32 $0xFFFFE000  }
0x61: {  	[tilespmem:s23], [sflag:$0x4] =	stream.indirect.gather [hbm4b:s1+s16], $0x80, s7, s16, $0xb8;
	[tilespmem:$0x1EA00] =	vst v63  }
0x62: {  	_ =	swait.ge [sflag:s25], $0x2000  }
0x63: {  	[sflag:s25] =	ssyncset.done $0x0  }
0x64: {  	s7 =	sadd.s32 $0x1400, s22;
	[sflag:s25] =	ssyncadd.s32 $0xFFFFE000  }
0x65: {  	[spmem:s2] =	stream.indirect.scatter.add.f32 [tilespmem:s17], [sflag:$0x5], $0x80, s7, s16, $0xb8;
	[tilespmem:$0x1EA00] =	vst v63  }
0x66: {  	_ =	swait.ge [sflag:s26], $0x2000  }
0x67: {  	[sflag:s26] =	ssyncset.done $0x0  }
0x68: {  	s7 =	sadd.s32 $0x1480, s22;
	[sflag:s26] =	ssyncadd.s32 $0xFFFFE000  }
0x69: {  	[spmem:s2] =	stream.indirect.scatter.add.f32 [tilespmem:s19], [sflag:$0x6], $0x80, s7, s16, $0xb8;
	[tilespmem:$0x1EA00] =	vst v63  }
0x6a: {  	_ =	swait.ge [sflag:s0], $0x2000  }
0x6b: {  	[sflag:s0] =	ssyncset.done $0x0  }
.Ltmp0:
0x6c: {  	s7 =	sadd.s32 $0x1500, s22;
	[sflag:s0] =	ssyncadd.s32 $0xFFFFE000;
	(pc) =	sbr.rel @p0 .LBB2_3-.Ltmp0, $4  }
0x6d: {  	[spmem:s2] =	stream.indirect.scatter.add.f32 [tilespmem:s21], [sflag:$0x7], $0x80, s7, s16, $0xb8;
	[tilespmem:$0x1EA00] =	vst v63  }
0x6e: {  	_ =	swait.ge [sflag:s3], $0x2000  }
0x6f: {  	[sflag:s3] =	ssyncset.done $0x0  }
0x70: {  	s22 =	sadd.s32 $0x1580, s22;
	[sflag:s3] =	ssyncadd.s32 $0xFFFFE000  }
0x71: {  	s18 =	sadd.s32 $0x1, s18  }
0x72: {  	p0 =	sne.s32 s18, $0x4  }
.Ltmp1:
0x73: {  	_ = 	snop;
	(pc) =	sbr.rel @p0 .LBB2_2-.Ltmp1, $2  }
0x74: {  	_ =	sdelay $0x2  }
0x75: {  	[spmem:s2] =	stream.indirect.scatter.add.f32 [tilespmem:s23], [sflag:$0x8], $0x80, s22, s16, $0xb8;
	[tilespmem:$0x1EA00] =	vst v63  }
0x76: {  	_ =	swait.ge [sflag:s28], $0x2000  }
0x77: {  	[sflag:s28] =	ssyncset.done $0x0  }
0x78: {  	[sflag:s28] =	ssyncadd.s32 $0xFFFFE000  }
0x79: {  	_ =	swait.ge [sflag:s29], $0x2000  }
0x7a: {  	[sflag:s29] =	ssyncset.done $0x0  }
0x7b: {  	[sflag:s29] =	ssyncadd.s32 $0xFFFFE000  }
0x7c: {  	_ =	swait.ge [sflag:s30], $0x2000  }
0x7d: {  	[sflag:s30] =	ssyncset.done $0x0  }
0x7e: {  	[sflag:s30] =	ssyncadd.s32 $0xFFFFE000  }
0x7f: {  	_ =	swait.ge [sflag:s31], $0x2000  }
0x80: {  	s4 =	sadd.s32 $0x1, s4;
	[sflag:s31] =	ssyncset.done $0x0  }
0x81: {  	p0 =	sne.s32 s4, s11;
	[sflag:s31] =	ssyncadd.s32 $0xFFFFE000  }
.Ltmp2:
0x82: {  	[bflag:$0x0] =	sbarrier.arrive $0xFFFF;
	(pc) =	sbr.rel @p0 .LBB2_1-.Ltmp2, $4  }
0x83: {  	[hbm:s10], [sflag:s14] =	dma.local [spmem:s15], $0x2800  }
0x84: {  	_ =	swait.ge [sflag:s13], $0x2800  }
0x85: {  	[sflag:s13] =	ssyncset.done $0x0  }
0x86: {  	[sflag:s13] =	ssyncadd.s32 $0xFFFFD800  }
0x87: {  	_ =	sfence.sel $0x180000  }
0x88: {  	[bflag:$0x0] =	sbarrier.arrive $0xFFFF  }
0x89: {  	_ =	strace $0x90000053  }
0x8a: {  	s0 =	stileid.u32;
	[bflag:$0x2] =	sbarrier.arrive $0xFFFF  }
0x8b: {  	p0 =	sne.s32 s0, $0x0;
	s0 =	rddreg [dreg:$0x3]  }
0x8c: {  	s0 =	sadd.s32 @!p0 $0x100000, s0  }
0x8d: {  	[sflag:s0] =	ssyncadd.tile.s32 @!p0 $0x1;
	_ =	shalt  }
.Lfunc_end2:
_tile_overlayer_lowered:
.L_overlay_start_2:
0x8e: {  	(tag) =	ssettag $0x2  }
0x8f: {  	s0 =	rddreg [dreg:$0x0];
	s2 =	stileid.u32  }
0x90: {  	s1 =	rddreg [dreg:$0x1];
	p0 =	sne.s32 s2, $0x0  }
0x91: {  	s3 =	rddreg [dreg:$0x2];
	[bflag:$0x3] =	sbarrier.arrive $0xFFFF;
	s2 =	simm.s32 @!p0 $0x1C09  }
0x92: {  	[timem:s3], [sflag:s2] =	dma.local @!p0 [hbm:s0], s1  }
0x93: {  	s0 =	simm.s32 @!p0 $0x9  }
0x94: {  	_ =	swait.ge @!p0 [sflag:s0], s1  }
0x95: {  	s1 =	ssub.s32 @!p0 $0x0, s1;
	[sflag:s0] =	ssyncset.done @!p0 $0x0  }
0x96: {  	[sflag:s0] =	ssyncadd.s32 @!p0 s1  }
0x97: {  	[bflag:$0x3] =	sbarrier.arrive $0xFFFF  }
0x98: {  	_ =	shalt  }

</sc_bundles>
